<compile_context>
chip_gen: v7x
topology: tpu7x:2x2x1
jax: 0.10.2.dev20260603
libtpu: 0.0.44.dev20260713+nightly
codegen_flags: <defaults>
</compile_context>

<pallas_src>
import functools

import jax
import jax.numpy as jnp
from jax import lax
from jax.experimental import pallas as pl
from jax.experimental.pallas import tpu as pltpu
from jax.experimental.pallas import tpu_sc as plsc

N = 10000
NP = 10240
E = 160000
D_HID = 256
DH = 128
BN_EPS = 1e-5

NC, NS = 2, 16
LANES = 128
DEG_CH = 40
PROP_CH = 80
ROWS_PER_TILE = NP // NS
INIT_CH = ROWS_PER_TILE // LANES
IB = 40

BR = 1000



def _sc_degree(dst_idx):
    mesh = plsc.VectorSubcoreMesh(core_axis_name="c", subcore_axis_name="s")

    @functools.partial(
        pl.kernel,
        out_type=jax.ShapeDtypeStruct((NC, NP), jnp.float32),
        mesh=mesh,
        scratch_types=[
            pltpu.VMEM((DEG_CH, LANES), jnp.int32),
            pltpu.VMEM((LANES,), jnp.float32),
            pltpu.VMEM((ROWS_PER_TILE,), jnp.float32),
            pltpu.VMEM_SHARED((NP,), jnp.float32),
        ],
    )
    def deg_kernel(dst_hbm, out_hbm, idx_v, ones_v, stage_v, acc_sh):
        c = lax.axis_index("c")
        s = lax.axis_index("s")
        for k in range(LANES // 16):
            ones_v[pl.ds(k * 16, 16)] = jnp.full((16,), 1.0, jnp.float32)
        for k in range(ROWS_PER_TILE // 16):
            stage_v[pl.ds(k * 16, 16)] = jnp.zeros((16,), jnp.float32)
        pltpu.sync_copy(dst_hbm.at[c].at[s], idx_v)
        pltpu.sync_copy(stage_v, acc_sh.at[pl.ds(s * ROWS_PER_TILE, ROWS_PER_TILE)])
        plsc.subcore_barrier()

        def body(j, carry):
            pltpu.sync_copy(ones_v, acc_sh.at[idx_v.at[j]], add=True)
            return carry

        lax.fori_loop(0, DEG_CH, body, 0)
        plsc.subcore_barrier()
        pltpu.sync_copy(acc_sh.at[pl.ds(s * ROWS_PER_TILE, ROWS_PER_TILE)], stage_v)
        pltpu.sync_copy(stage_v, out_hbm.at[c].at[pl.ds(s * ROWS_PER_TILE, ROWS_PER_TILE)])

    return deg_kernel(dst_idx)


def _sc_propagate(u, src_idx, dst_idx):
    mesh = plsc.VectorSubcoreMesh(core_axis_name="c", subcore_axis_name="s")

    @functools.partial(
        pl.kernel,
        out_type=jax.ShapeDtypeStruct((NC * NP, DH), jnp.float32),
        mesh=mesh,
        scratch_types=[
            pltpu.VMEM((IB, LANES), jnp.int32),
            pltpu.VMEM((IB, LANES), jnp.int32),
            pltpu.VMEM((LANES, DH), jnp.float32),
            pltpu.VMEM((LANES, DH), jnp.float32),
            pltpu.VMEM_SHARED((NP, DH), jnp.float32),
            pltpu.SemaphoreType.DMA,
            pltpu.SemaphoreType.DMA,
        ],
    )
    def prop_kernel(u_hbm, src_hbm, dst_hbm, out_hbm, src_v, dst_v,
                    ebuf0, ebuf1, acc_sh, sem0, sem1):
        c = lax.axis_index("c")
        s = lax.axis_index("s")
        row0 = s * ROWS_PER_TILE
        for k in range(INIT_CH):
            pltpu.sync_copy(u_hbm.at[pl.ds(c * NP + row0 + k * LANES, LANES)], ebuf0)
            pltpu.sync_copy(ebuf0, acc_sh.at[pl.ds(row0 + k * LANES, LANES)])
        plsc.subcore_barrier()

        def outer(bi, carry):
            pltpu.sync_copy(src_hbm.at[c].at[s].at[pl.ds(bi * IB, IB)], src_v)
            pltpu.sync_copy(dst_hbm.at[s].at[pl.ds(bi * IB, IB)], dst_v)

            def body(jj, carry2):
                j0 = 2 * jj
                cp0 = pltpu.async_copy(u_hbm.at[src_v.at[j0]], ebuf0, sem0)
                cp1 = pltpu.async_copy(u_hbm.at[src_v.at[j0 + 1]], ebuf1, sem1)
                cp0.wait()
                pltpu.sync_copy(ebuf0, acc_sh.at[dst_v.at[j0]], add=True)
                cp1.wait()
                pltpu.sync_copy(ebuf1, acc_sh.at[dst_v.at[j0 + 1]], add=True)
                return carry2

            lax.fori_loop(0, IB // 2, body, 0)
            return carry

        lax.fori_loop(0, PROP_CH // IB, outer, 0)
        plsc.subcore_barrier()
        for k in range(INIT_CH):
            pltpu.sync_copy(acc_sh.at[pl.ds(row0 + k * LANES, LANES)], ebuf0)
            pltpu.sync_copy(ebuf0, out_hbm.at[pl.ds(c * NP + row0 + k * LANES, LANES)])

    return prop_kernel(u, src_idx, dst_idx)



def _tc_dis(deg_partials):
    def body(p_ref, o_ref):
        p = p_ref[...]
        o_ref[...] = lax.rsqrt(p[0:1, :] + p[1:2, :] + 1.0)

    return pl.pallas_call(
        body, out_shape=jax.ShapeDtypeStruct((1, NP), jnp.float32)
    )(deg_partials)


def _tc_umat(h, W, dis_col):
    def body(h_ref, w_ref, d_ref, o_ref):
        acc = jnp.dot(h_ref[...], w_ref[...], preferred_element_type=jnp.float32)
        o_ref[...] = (acc * d_ref[...])[None]

    return pl.pallas_call(
        body,
        grid=(N // BR, 2),
        in_specs=[
            pl.BlockSpec((BR, D_HID), lambda i, j: (i, 0)),
            pl.BlockSpec((D_HID, DH), lambda i, j: (0, j)),
            pl.BlockSpec((BR, 1), lambda i, j: (i, 0)),
        ],
        out_specs=pl.BlockSpec((1, BR, DH), lambda i, j: (j, i, 0)),
        out_shape=jax.ShapeDtypeStruct((NC, NP, DH), jnp.float32),
    )(h, W, dis_col)


def _tc_postin_umat(a, dis_col, b, W):
    def body(a0_ref, a1_ref, d_ref, b_ref, w_ref, h_ref, u_ref):
        hh = jnp.concatenate([a0_ref[0], a1_ref[0]], axis=1) * d_ref[...] + b_ref[...]
        h_ref[...] = hh
        acc = jnp.dot(hh, w_ref[...], preferred_element_type=jnp.float32)
        u_ref[...] = (acc * d_ref[...])[None]

    return pl.pallas_call(
        body,
        grid=(N // BR, 2),
        in_specs=[
            pl.BlockSpec((1, BR, DH), lambda i, j: (0, i, 0)),
            pl.BlockSpec((1, BR, DH), lambda i, j: (1, i, 0)),
            pl.BlockSpec((BR, 1), lambda i, j: (i, 0)),
            pl.BlockSpec((1, D_HID), lambda i, j: (0, 0)),
            pl.BlockSpec((D_HID, DH), lambda i, j: (0, j)),
        ],
        out_specs=[
            pl.BlockSpec((BR, D_HID), lambda i, j: (i, 0)),
            pl.BlockSpec((1, BR, DH), lambda i, j: (j, i, 0)),
        ],
        out_shape=[
            jax.ShapeDtypeStruct((N, D_HID), jnp.float32),
            jax.ShapeDtypeStruct((NC, NP, DH), jnp.float32),
        ],
    )(a, a, dis_col, b.reshape(1, D_HID), W)


def _tc_stats(a, dis_col, b):
    def body(a0_ref, a1_ref, d_ref, b_ref, o_ref):
        i = pl.program_id(0)
        y = jnp.concatenate([a0_ref[0], a1_ref[0]], axis=1) * d_ref[...] + b_ref[...]
        ps = jnp.sum(y, axis=0, keepdims=True)
        ps2 = jnp.sum(y * y, axis=0, keepdims=True)

        @pl.when(i == 0)
        def _():
            o_ref[...] = jnp.zeros_like(o_ref)

        o_ref[...] += jnp.concatenate([ps, ps2], axis=0)

    return pl.pallas_call(
        body,
        grid=(N // BR,),
        in_specs=[
            pl.BlockSpec((1, BR, DH), lambda i: (0, i, 0)),
            pl.BlockSpec((1, BR, DH), lambda i: (1, i, 0)),
            pl.BlockSpec((BR, 1), lambda i: (i, 0)),
            pl.BlockSpec((1, D_HID), lambda i: (0, 0)),
        ],
        out_specs=pl.BlockSpec((2, D_HID), lambda i: (0, 0)),
        out_shape=jax.ShapeDtypeStruct((2, D_HID), jnp.float32),
    )(a, a, dis_col, b.reshape(1, D_HID))


def _bn_silu_res(a0, a1, d, b, g, be, st, h_old):
    y = jnp.concatenate([a0, a1], axis=1) * d + b
    mean = st[0:1, :] * (1.0 / N)
    var = st[1:2, :] * (1.0 / N) - mean * mean
    z = (y - mean) * lax.rsqrt(var + BN_EPS) * g + be
    sig = 1.0 / (1.0 + jnp.exp(-z))
    return h_old + z * sig


def _tc_finish_umat(a, dis_col, b, gamma, beta, stats, h_old, W):
    def body(a0_ref, a1_ref, d_ref, b_ref, g_ref, be_ref, st_ref, hp_ref,
             w_ref, h_ref, u_ref):
        hh = _bn_silu_res(a0_ref[0], a1_ref[0], d_ref[...], b_ref[...],
                          g_ref[...], be_ref[...], st_ref[...], hp_ref[...])
        h_ref[...] = hh
        acc = jnp.dot(hh, w_ref[...], preferred_element_type=jnp.float32)
        u_ref[...] = (acc * d_ref[...])[None]

    return pl.pallas_call(
        body,
        grid=(N // BR, 2),
        in_specs=[
            pl.BlockSpec((1, BR, DH), lambda i, j: (0, i, 0)),
            pl.BlockSpec((1, BR, DH), lambda i, j: (1, i, 0)),
            pl.BlockSpec((BR, 1), lambda i, j: (i, 0)),
            pl.BlockSpec((1, D_HID), lambda i, j: (0, 0)),
            pl.BlockSpec((1, D_HID), lambda i, j: (0, 0)),
            pl.BlockSpec((1, D_HID), lambda i, j: (0, 0)),
            pl.BlockSpec((2, D_HID), lambda i, j: (0, 0)),
            pl.BlockSpec((BR, D_HID), lambda i, j: (i, 0)),
            pl.BlockSpec((D_HID, DH), lambda i, j: (0, j)),
        ],
        out_specs=[
            pl.BlockSpec((BR, D_HID), lambda i, j: (i, 0)),
            pl.BlockSpec((1, BR, DH), lambda i, j: (j, i, 0)),
        ],
        out_shape=[
            jax.ShapeDtypeStruct((N, D_HID), jnp.float32),
            jax.ShapeDtypeStruct((NC, NP, DH), jnp.float32),
        ],
    )(a, a, dis_col, b.reshape(1, D_HID), gamma.reshape(1, D_HID),
      beta.reshape(1, D_HID), stats, h_old, W)


def _tc_finish_readout(a, dis_col, b, gamma, beta, stats, h_old, W_out, b_out):
    dout = W_out.shape[1]

    def body(a0_ref, a1_ref, d_ref, b_ref, g_ref, be_ref, st_ref, hp_ref,
             w_ref, bo_ref, o_ref):
        hh = _bn_silu_res(a0_ref[0], a1_ref[0], d_ref[...], b_ref[...],
                          g_ref[...], be_ref[...], st_ref[...], hp_ref[...])
        o_ref[...] = (
            jnp.dot(hh, w_ref[...], preferred_element_type=jnp.float32)
            + bo_ref[...]
        )

    return pl.pallas_call(
        body,
        grid=(N // BR,),
        in_specs=[
            pl.BlockSpec((1, BR, DH), lambda i: (0, i, 0)),
            pl.BlockSpec((1, BR, DH), lambda i: (1, i, 0)),
            pl.BlockSpec((BR, 1), lambda i: (i, 0)),
            pl.BlockSpec((1, D_HID), lambda i: (0, 0)),
            pl.BlockSpec((1, D_HID), lambda i: (0, 0)),
            pl.BlockSpec((1, D_HID), lambda i: (0, 0)),
            pl.BlockSpec((2, D_HID), lambda i: (0, 0)),
            pl.BlockSpec((BR, D_HID), lambda i: (i, 0)),
            pl.BlockSpec((D_HID, dout), lambda i: (0, 0)),
            pl.BlockSpec((1, dout), lambda i: (0, 0)),
        ],
        out_specs=pl.BlockSpec((BR, dout), lambda i: (i, 0)),
        out_shape=jax.ShapeDtypeStruct((N, dout), jnp.float32),
    )(a, a, dis_col, b.reshape(1, D_HID), gamma.reshape(1, D_HID),
      beta.reshape(1, D_HID), stats, h_old, W_out, b_out.reshape(1, dout))



def kernel(x, edge_index, W_in, b_in, Ws, bs, gammas, betas, W_out, b_out):
    src = edge_index[0].astype(jnp.int32)
    dst = edge_index[1].astype(jnp.int32)

    n_pad = NC * NS * DEG_CH * LANES - E
    dst_deg = jnp.concatenate(
        [dst, jnp.full((n_pad,), NP - 1, jnp.int32)]
    ).reshape(NC, NS, DEG_CH, LANES)

    p_pad = NS * PROP_CH * LANES - E
    src_p = jnp.concatenate([src, jnp.zeros((p_pad,), jnp.int32)])
    dst_p = jnp.concatenate(
        [dst, jnp.full((p_pad,), NP - 1, jnp.int32)]
    ).reshape(NS, PROP_CH, LANES)
    src_prop = jnp.stack([src_p, src_p + NP]).reshape(NC, NS, PROP_CH, LANES)

    deg_part = _sc_degree(dst_deg)
    dis_row = _tc_dis(deg_part)
    dis_col = dis_row[0, :N].reshape(N, 1)

    u = _tc_umat(x, W_in, dis_col)
    a = _sc_propagate(u.reshape(NC * NP, DH), src_prop, dst_p).reshape(NC, NP, DH)
    h, u = _tc_postin_umat(a, dis_col, b_in, Ws[0])
    for l in range(Ws.shape[0]):
        a = _sc_propagate(u.reshape(NC * NP, DH), src_prop, dst_p).reshape(NC, NP, DH)
        st = _tc_stats(a, dis_col, bs[l])
        if l + 1 < Ws.shape[0]:
            h, u = _tc_finish_umat(a, dis_col, bs[l], gammas[l], betas[l],
                                   st, h, Ws[l + 1])
        else:
            return _tc_finish_readout(a, dis_col, bs[l], gammas[l], betas[l],
                                      st, h, W_out, b_out)

# --- scband reference (transcript-rebuilt; emitter-appended) ---
"""Pipeline reference for scband-gcn-79577154060714 (READ-ONLY COPY).

The authoritative reference and input builder live on the scoring server;
editing this copy changes nothing except your own understanding.
"""

import jax, jax.numpy as jnp
import numpy as np

N_NODES = 10000
N_EDGES = 160000
D_IN = 256
D_HID = 256
D_OUT = 128
N_LAYERS = 3
BN_EPS = 1e-5


def setup_inputs(seed: int = 0) -> dict:
    key = jax.random.key(seed)
    ks = jax.random.split(key, 10)
    x = jax.random.normal(ks[0], (N_NODES, D_IN), dtype=jnp.float32)
    edge_index = jax.random.randint(ks[1], (2, N_EDGES), 0, N_NODES, dtype=jnp.int32)
    W_in = jax.random.normal(ks[2], (D_IN, D_HID), dtype=jnp.float32) * 0.05
    b_in = jnp.zeros((D_HID,), dtype=jnp.float32)
    Ws = jax.random.normal(ks[3], (N_LAYERS, D_HID, D_HID), dtype=jnp.float32) * 0.05
    bs = jnp.zeros((N_LAYERS, D_HID), dtype=jnp.float32)
    gammas = jnp.ones((N_LAYERS, D_HID), dtype=jnp.float32)
    betas = jnp.zeros((N_LAYERS, D_HID), dtype=jnp.float32)
    W_out = jax.random.normal(ks[4], (D_HID, D_OUT), dtype=jnp.float32) * 0.05
    b_out = jnp.zeros((D_OUT,), dtype=jnp.float32)
    return {"x": x, "edge_index": edge_index, "W_in": W_in, "b_in": b_in,
            "Ws": Ws, "bs": bs, "gammas": gammas, "betas": betas,
            "W_out": W_out, "b_out": b_out}


def _gcn_conv(x, src, dst, W, b, num_nodes):
    # PyG GCNConv: add self-loops, symmetric normalization, sum aggregation to dst
    deg = jnp.zeros((num_nodes,), dtype=x.dtype).at[dst].add(1.0)
    deg_inv_sqrt = jnp.where(deg > 0, deg ** -0.5, 0.0)
    norm = deg_inv_sqrt[src] * deg_inv_sqrt[dst]
    h = x @ W
    msg = h[src] * norm[:, None]
    out = jnp.zeros((num_nodes, h.shape[1]), dtype=x.dtype).at[dst].add(msg)
    return out + b


def reference(x, edge_index, W_in, b_in, Ws, bs, gammas, betas, W_out, b_out):
    num_nodes = x.shape[0]
    loop = jnp.arange(num_nodes, dtype=edge_index.dtype)
    src = jnp.concatenate([edge_index[0], loop])
    dst = jnp.concatenate([edge_index[1], loop])
    # in_conv
    h = _gcn_conv(x, src, dst, W_in, b_in, num_nodes)
    # residual GNN layers: GCNConv -> BatchNorm1d (batch stats) -> SiLU -> (dropout=identity in eval)
    for l in range(Ws.shape[0]):
        y = _gcn_conv(h, src, dst, Ws[l], bs[l], num_nodes)
        mean = jnp.mean(y, axis=0)
        var = jnp.var(y, axis=0)
        y = (y - mean) / jnp.sqrt(var + BN_EPS) * gammas[l] + betas[l]
        y = y * jax.nn.sigmoid(y)  # SiLU
        h = h + y
    # readout (agg=False -> plain linear)
    return h @ W_out + b_out


if False:  # reference __main__ guard neutralized (emitter)
    inp = setup_inputs()
    out = reference(**inp)
    print(out.shape)

if __name__ == "__main__":
    import jax
    _d = setup_inputs()
    print(jax.jit(kernel)(*tuple(_d.values())))

</pallas_src>

<mosaic_0001>
#map = affine_map<(d0, d1) -> (0, 0)>
#map1 = affine_map<(d0, d1) -> (0, 0, 0, 0)>
#map2 = affine_map<(d0, d1) -> (0, 0, 0)>
module attributes {stable_mosaic.version = 14 : i64} {
  func.func @prop_kernel(%arg0: i32, %arg1: i32, %arg2: memref<20480x128xf32, #tpu.memory_space<hbm>>, %arg3: memref<2x16x80x128xi32, #tpu.memory_space<hbm>>, %arg4: memref<16x80x128xi32, #tpu.memory_space<hbm>>, %arg5: memref<20480x128xf32, #tpu.memory_space<hbm>>, %arg6: memref<40x128xi32, #tpu.memory_space<vmem>>, %arg7: memref<40x128xi32, #tpu.memory_space<vmem>>, %arg8: memref<128x128xf32, #tpu.memory_space<vmem>>, %arg9: memref<128x128xf32, #tpu.memory_space<vmem>>, %arg10: memref<10240x128xf32, #tpu.memory_space<vmem_shared>>, %arg11: memref<!tpu.dma_semaphore, #tpu.memory_space<semaphore_mem>>, %arg12: memref<!tpu.dma_semaphore, #tpu.memory_space<semaphore_mem>>) attributes {dimension_semantics = [#tpu.dimension_semantics<core_parallel>, #tpu.dimension_semantics<subcore_parallel>], iteration_bounds = array<i64: 2, 16>, scalar_prefetch = 0 : i64, scratch_operands = 7 : i64, tpu.core_type = #tpu.core_type<sc_vector_subcore>, window_params = [{transform_indices = #map}, {transform_indices = #map1}, {transform_indices = #map2}, {transform_indices = #map}]} {
    %mul3A = arith.constant 640 : i32
    %mul3A_0 = arith.muli %arg1, %mul3A : i32
    %mul3A_1 = arith.constant 10240 : i32
    %mul3A_2 = arith.muli %arg0, %mul3A_1 : i32
    %add3A = arith.addi %mul3A_2, %mul3A_0 : i32
    %add3A_3 = arith.constant 0 : i32
    %add3A_4 = arith.addi %add3A, %add3A_3 : i32
    "tpu.region"() ({
      %run_scoped3A = tpu.sem_alloc : memref<!tpu.dma_semaphore, #tpu.memory_space<semaphore_mem>>
      %dma_start3A = arith.constant 0 : i32
      %dma_start3A_76 = tpu.memref_slice %arg2[%add3A_4, %dma_start3A] : memref<20480x128xf32, #tpu.memory_space<hbm>> -> memref<128x128xf32, #tpu.memory_space<hbm>>
      %dma_start3A_77 = arith.constant 0 : i32
      %dma_start3A_78 = tpu.memref_slice %arg2[%add3A_4, %dma_start3A_77] : memref<20480x128xf32, #tpu.memory_space<hbm>> -> memref<128x128xf32, #tpu.memory_space<hbm>>
      tpu.enqueue_dma source(%dma_start3A_78 : memref<128x128xf32, #tpu.memory_space<hbm>>) target(%arg8 : memref<128x128xf32, #tpu.memory_space<vmem>>) target_semaphore(%run_scoped3A : memref<!tpu.dma_semaphore, #tpu.memory_space<semaphore_mem>>)
      %dma_wait3A = arith.constant 0 : i32
      %dma_wait3A_79 = tpu.memref_slice %arg2[%add3A_4, %dma_wait3A] : memref<20480x128xf32, #tpu.memory_space<hbm>> -> memref<128x128xf32, #tpu.memory_space<hbm>>
      %dma_wait3A_80 = arith.constant 0 : i32
      %dma_wait3A_81 = tpu.memref_slice %arg2[%add3A_4, %dma_wait3A_80] : memref<20480x128xf32, #tpu.memory_space<hbm>> -> memref<128x128xf32, #tpu.memory_space<hbm>>
      tpu.wait_dma2 semaphore(%run_scoped3A : memref<!tpu.dma_semaphore, #tpu.memory_space<semaphore_mem>>) src(%dma_wait3A_81 : memref<128x128xf32, #tpu.memory_space<hbm>>) dst(%arg8 : memref<128x128xf32, #tpu.memory_space<vmem>>)
      tpu.yield
    }) : () -> ()
    %add3A_5 = arith.constant 0 : i32
    %add3A_6 = arith.addi %mul3A_0, %add3A_5 : i32
    "tpu.region"() ({
      %run_scoped3A = tpu.sem_alloc : memref<!tpu.dma_semaphore, #tpu.memory_space<semaphore_mem>>
      %dma_start3A = arith.constant 0 : i32
      %dma_start3A_76 = tpu.memref_slice %arg10[%add3A_6, %dma_start3A] : memref<10240x128xf32, #tpu.memory_space<vmem_shared>> -> memref<128x128xf32, #tpu.memory_space<vmem_shared>>
      %dma_start3A_77 = arith.constant 0 : i32
      %dma_start3A_78 = tpu.memref_slice %arg10[%add3A_6, %dma_start3A_77] : memref<10240x128xf32, #tpu.memory_space<vmem_shared>> -> memref<128x128xf32, #tpu.memory_space<vmem_shared>>
      tpu.enqueue_dma source(%arg8 : memref<128x128xf32, #tpu.memory_space<vmem>>) target(%dma_start3A_78 : memref<128x128xf32, #tpu.memory_space<vmem_shared>>) target_semaphore(%run_scoped3A : memref<!tpu.dma_semaphore, #tpu.memory_space<semaphore_mem>>)
      %dma_wait3A = arith.constant 0 : i32
      %dma_wait3A_79 = tpu.memref_slice %arg10[%add3A_6, %dma_wait3A] : memref<10240x128xf32, #tpu.memory_space<vmem_shared>> -> memref<128x128xf32, #tpu.memory_space<vmem_shared>>
      %dma_wait3A_80 = arith.constant 0 : i32
      %dma_wait3A_81 = tpu.memref_slice %arg10[%add3A_6, %dma_wait3A_80] : memref<10240x128xf32, #tpu.memory_space<vmem_shared>> -> memref<128x128xf32, #tpu.memory_space<vmem_shared>>
      tpu.wait_dma2 semaphore(%run_scoped3A : memref<!tpu.dma_semaphore, #tpu.memory_space<semaphore_mem>>) src(%arg8 : memref<128x128xf32, #tpu.memory_space<vmem>>) dst(%dma_wait3A_81 : memref<128x128xf32, #tpu.memory_space<vmem_shared>>)
      tpu.yield
    }) : () -> ()
    %mul3A_7 = arith.constant 10240 : i32
    %mul3A_8 = arith.muli %arg0, %mul3A_7 : i32
    %add3A_9 = arith.addi %mul3A_8, %mul3A_0 : i32
    %add3A_10 = arith.constant 128 : i32
    %add3A_11 = arith.addi %add3A_9, %add3A_10 : i32
    "tpu.region"() ({
      %run_scoped3A = tpu.sem_alloc : memref<!tpu.dma_semaphore, #tpu.memory_space<semaphore_mem>>
      %dma_start3A = arith.constant 0 : i32
      %dma_start3A_76 = tpu.memref_slice %arg2[%add3A_11, %dma_start3A] : memref<20480x128xf32, #tpu.memory_space<hbm>> -> memref<128x128xf32, #tpu.memory_space<hbm>>
      %dma_start3A_77 = arith.constant 0 : i32
      %dma_start3A_78 = tpu.memref_slice %arg2[%add3A_11, %dma_start3A_77] : memref<20480x128xf32, #tpu.memory_space<hbm>> -> memref<128x128xf32, #tpu.memory_space<hbm>>
      tpu.enqueue_dma source(%dma_start3A_78 : memref<128x128xf32, #tpu.memory_space<hbm>>) target(%arg8 : memref<128x128xf32, #tpu.memory_space<vmem>>) target_semaphore(%run_scoped3A : memref<!tpu.dma_semaphore, #tpu.memory_space<semaphore_mem>>)
      %dma_wait3A = arith.constant 0 : i32
      %dma_wait3A_79 = tpu.memref_slice %arg2[%add3A_11, %dma_wait3A] : memref<20480x128xf32, #tpu.memory_space<hbm>> -> memref<128x128xf32, #tpu.memory_space<hbm>>
      %dma_wait3A_80 = arith.constant 0 : i32
      %dma_wait3A_81 = tpu.memref_slice %arg2[%add3A_11, %dma_wait3A_80] : memref<20480x128xf32, #tpu.memory_space<hbm>> -> memref<128x128xf32, #tpu.memory_space<hbm>>
      tpu.wait_dma2 semaphore(%run_scoped3A : memref<!tpu.dma_semaphore, #tpu.memory_space<semaphore_mem>>) src(%dma_wait3A_81 : memref<128x128xf32, #tpu.memory_space<hbm>>) dst(%arg8 : memref<128x128xf32, #tpu.memory_space<vmem>>)
      tpu.yield
    }) : () -> ()
    %add3A_12 = arith.constant 128 : i32
    %add3A_13 = arith.addi %mul3A_0, %add3A_12 : i32
    "tpu.region"() ({
      %run_scoped3A = tpu.sem_alloc : memref<!tpu.dma_semaphore, #tpu.memory_space<semaphore_mem>>
      %dma_start3A = arith.constant 0 : i32
      %dma_start3A_76 = tpu.memref_slice %arg10[%add3A_13, %dma_start3A] : memref<10240x128xf32, #tpu.memory_space<vmem_shared>> -> memref<128x128xf32, #tpu.memory_space<vmem_shared>>
      %dma_start3A_77 = arith.constant 0 : i32
      %dma_start3A_78 = tpu.memref_slice %arg10[%add3A_13, %dma_start3A_77] : memref<10240x128xf32, #tpu.memory_space<vmem_shared>> -> memref<128x128xf32, #tpu.memory_space<vmem_shared>>
      tpu.enqueue_dma source(%arg8 : memref<128x128xf32, #tpu.memory_space<vmem>>) target(%dma_start3A_78 : memref<128x128xf32, #tpu.memory_space<vmem_shared>>) target_semaphore(%run_scoped3A : memref<!tpu.dma_semaphore, #tpu.memory_space<semaphore_mem>>)
      %dma_wait3A = arith.constant 0 : i32
      %dma_wait3A_79 = tpu.memref_slice %arg10[%add3A_13, %dma_wait3A] : memref<10240x128xf32, #tpu.memory_space<vmem_shared>> -> memref<128x128xf32, #tpu.memory_space<vmem_shared>>
      %dma_wait3A_80 = arith.constant 0 : i32
      %dma_wait3A_81 = tpu.memref_slice %arg10[%add3A_13, %dma_wait3A_80] : memref<10240x128xf32, #tpu.memory_space<vmem_shared>> -> memref<128x128xf32, #tpu.memory_space<vmem_shared>>
      tpu.wait_dma2 semaphore(%run_scoped3A : memref<!tpu.dma_semaphore, #tpu.memory_space<semaphore_mem>>) src(%arg8 : memref<128x128xf32, #tpu.memory_space<vmem>>) dst(%dma_wait3A_81 : memref<128x128xf32, #tpu.memory_space<vmem_shared>>)
      tpu.yield
    }) : () -> ()
    %mul3A_14 = arith.constant 10240 : i32
    %mul3A_15 = arith.muli %arg0, %mul3A_14 : i32
    %add3A_16 = arith.addi %mul3A_15, %mul3A_0 : i32
    %add3A_17 = arith.constant 256 : i32
    %add3A_18 = arith.addi %add3A_16, %add3A_17 : i32
    "tpu.region"() ({
      %run_scoped3A = tpu.sem_alloc : memref<!tpu.dma_semaphore, #tpu.memory_space<semaphore_mem>>
      %dma_start3A = arith.constant 0 : i32
      %dma_start3A_76 = tpu.memref_slice %arg2[%add3A_18, %dma_start3A] : memref<20480x128xf32, #tpu.memory_space<hbm>> -> memref<128x128xf32, #tpu.memory_space<hbm>>
      %dma_start3A_77 = arith.constant 0 : i32
      %dma_start3A_78 = tpu.memref_slice %arg2[%add3A_18, %dma_start3A_77] : memref<20480x128xf32, #tpu.memory_space<hbm>> -> memref<128x128xf32, #tpu.memory_space<hbm>>
      tpu.enqueue_dma source(%dma_start3A_78 : memref<128x128xf32, #tpu.memory_space<hbm>>) target(%arg8 : memref<128x128xf32, #tpu.memory_space<vmem>>) target_semaphore(%run_scoped3A : memref<!tpu.dma_semaphore, #tpu.memory_space<semaphore_mem>>)
      %dma_wait3A = arith.constant 0 : i32
      %dma_wait3A_79 = tpu.memref_slice %arg2[%add3A_18, %dma_wait3A] : memref<20480x128xf32, #tpu.memory_space<hbm>> -> memref<128x128xf32, #tpu.memory_space<hbm>>
      %dma_wait3A_80 = arith.constant 0 : i32
      %dma_wait3A_81 = tpu.memref_slice %arg2[%add3A_18, %dma_wait3A_80] : memref<20480x128xf32, #tpu.memory_space<hbm>> -> memref<128x128xf32, #tpu.memory_space<hbm>>
      tpu.wait_dma2 semaphore(%run_scoped3A : memref<!tpu.dma_semaphore, #tpu.memory_space<semaphore_mem>>) src(%dma_wait3A_81 : memref<128x128xf32, #tpu.memory_space<hbm>>) dst(%arg8 : memref<128x128xf32, #tpu.memory_space<vmem>>)
      tpu.yield
    }) : () -> ()
    %add3A_19 = arith.constant 256 : i32
    %add3A_20 = arith.addi %mul3A_0, %add3A_19 : i32
    "tpu.region"() ({
      %run_scoped3A = tpu.sem_alloc : memref<!tpu.dma_semaphore, #tpu.memory_space<semaphore_mem>>
      %dma_start3A = arith.constant 0 : i32
      %dma_start3A_76 = tpu.memref_slice %arg10[%add3A_20, %dma_start3A] : memref<10240x128xf32, #tpu.memory_space<vmem_shared>> -> memref<128x128xf32, #tpu.memory_space<vmem_shared>>
      %dma_start3A_77 = arith.constant 0 : i32
      %dma_start3A_78 = tpu.memref_slice %arg10[%add3A_20, %dma_start3A_77] : memref<10240x128xf32, #tpu.memory_space<vmem_shared>> -> memref<128x128xf32, #tpu.memory_space<vmem_shared>>
      tpu.enqueue_dma source(%arg8 : memref<128x128xf32, #tpu.memory_space<vmem>>) target(%dma_start3A_78 : memref<128x128xf32, #tpu.memory_space<vmem_shared>>) target_semaphore(%run_scoped3A : memref<!tpu.dma_semaphore, #tpu.memory_space<semaphore_mem>>)
      %dma_wait3A = arith.constant 0 : i32
      %dma_wait3A_79 = tpu.memref_slice %arg10[%add3A_20, %dma_wait3A] : memref<10240x128xf32, #tpu.memory_space<vmem_shared>> -> memref<128x128xf32, #tpu.memory_space<vmem_shared>>
      %dma_wait3A_80 = arith.constant 0 : i32
      %dma_wait3A_81 = tpu.memref_slice %arg10[%add3A_20, %dma_wait3A_80] : memref<10240x128xf32, #tpu.memory_space<vmem_shared>> -> memref<128x128xf32, #tpu.memory_space<vmem_shared>>
      tpu.wait_dma2 semaphore(%run_scoped3A : memref<!tpu.dma_semaphore, #tpu.memory_space<semaphore_mem>>) src(%arg8 : memref<128x128xf32, #tpu.memory_space<vmem>>) dst(%dma_wait3A_81 : memref<128x128xf32, #tpu.memory_space<vmem_shared>>)
      tpu.yield
    }) : () -> ()
    %mul3A_21 = arith.constant 10240 : i32
    %mul3A_22 = arith.muli %arg0, %mul3A_21 : i32
    %add3A_23 = arith.addi %mul3A_22, %mul3A_0 : i32
    %add3A_24 = arith.constant 384 : i32
    %add3A_25 = arith.addi %add3A_23, %add3A_24 : i32
    "tpu.region"() ({
      %run_scoped3A = tpu.sem_alloc : memref<!tpu.dma_semaphore, #tpu.memory_space<semaphore_mem>>
      %dma_start3A = arith.constant 0 : i32
      %dma_start3A_76 = tpu.memref_slice %arg2[%add3A_25, %dma_start3A] : memref<20480x128xf32, #tpu.memory_space<hbm>> -> memref<128x128xf32, #tpu.memory_space<hbm>>
      %dma_start3A_77 = arith.constant 0 : i32
      %dma_start3A_78 = tpu.memref_slice %arg2[%add3A_25, %dma_start3A_77] : memref<20480x128xf32, #tpu.memory_space<hbm>> -> memref<128x128xf32, #tpu.memory_space<hbm>>
      tpu.enqueue_dma source(%dma_start3A_78 : memref<128x128xf32, #tpu.memory_space<hbm>>) target(%arg8 : memref<128x128xf32, #tpu.memory_space<vmem>>) target_semaphore(%run_scoped3A : memref<!tpu.dma_semaphore, #tpu.memory_space<semaphore_mem>>)
      %dma_wait3A = arith.constant 0 : i32
      %dma_wait3A_79 = tpu.memref_slice %arg2[%add3A_25, %dma_wait3A] : memref<20480x128xf32, #tpu.memory_space<hbm>> -> memref<128x128xf32, #tpu.memory_space<hbm>>
      %dma_wait3A_80 = arith.constant 0 : i32
      %dma_wait3A_81 = tpu.memref_slice %arg2[%add3A_25, %dma_wait3A_80] : memref<20480x128xf32, #tpu.memory_space<hbm>> -> memref<128x128xf32, #tpu.memory_space<hbm>>
      tpu.wait_dma2 semaphore(%run_scoped3A : memref<!tpu.dma_semaphore, #tpu.memory_space<semaphore_mem>>) src(%dma_wait3A_81 : memref<128x128xf32, #tpu.memory_space<hbm>>) dst(%arg8 : memref<128x128xf32, #tpu.memory_space<vmem>>)
      tpu.yield
    }) : () -> ()
    %add3A_26 = arith.constant 384 : i32
    %add3A_27 = arith.addi %mul3A_0, %add3A_26 : i32
    "tpu.region"() ({
      %run_scoped3A = tpu.sem_alloc : memref<!tpu.dma_semaphore, #tpu.memory_space<semaphore_mem>>
      %dma_start3A = arith.constant 0 : i32
      %dma_start3A_76 = tpu.memref_slice %arg10[%add3A_27, %dma_start3A] : memref<10240x128xf32, #tpu.memory_space<vmem_shared>> -> memref<128x128xf32, #tpu.memory_space<vmem_shared>>
      %dma_start3A_77 = arith.constant 0 : i32
      %dma_start3A_78 = tpu.memref_slice %arg10[%add3A_27, %dma_start3A_77] : memref<10240x128xf32, #tpu.memory_space<vmem_shared>> -> memref<128x128xf32, #tpu.memory_space<vmem_shared>>
      tpu.enqueue_dma source(%arg8 : memref<128x128xf32, #tpu.memory_space<vmem>>) target(%dma_start3A_78 : memref<128x128xf32, #tpu.memory_space<vmem_shared>>) target_semaphore(%run_scoped3A : memref<!tpu.dma_semaphore, #tpu.memory_space<semaphore_mem>>)
      %dma_wait3A = arith.constant 0 : i32
      %dma_wait3A_79 = tpu.memref_slice %arg10[%add3A_27, %dma_wait3A] : memref<10240x128xf32, #tpu.memory_space<vmem_shared>> -> memref<128x128xf32, #tpu.memory_space<vmem_shared>>
      %dma_wait3A_80 = arith.constant 0 : i32
      %dma_wait3A_81 = tpu.memref_slice %arg10[%add3A_27, %dma_wait3A_80] : memref<10240x128xf32, #tpu.memory_space<vmem_shared>> -> memref<128x128xf32, #tpu.memory_space<vmem_shared>>
      tpu.wait_dma2 semaphore(%run_scoped3A : memref<!tpu.dma_semaphore, #tpu.memory_space<semaphore_mem>>) src(%arg8 : memref<128x128xf32, #tpu.memory_space<vmem>>) dst(%dma_wait3A_81 : memref<128x128xf32, #tpu.memory_space<vmem_shared>>)
      tpu.yield
    }) : () -> ()
    %mul3A_28 = arith.constant 10240 : i32
    %mul3A_29 = arith.muli %arg0, %mul3A_28 : i32
    %add3A_30 = arith.addi %mul3A_29, %mul3A_0 : i32
    %add3A_31 = arith.constant 512 : i32
    %add3A_32 = arith.addi %add3A_30, %add3A_31 : i32
    "tpu.region"() ({
      %run_scoped3A = tpu.sem_alloc : memref<!tpu.dma_semaphore, #tpu.memory_space<semaphore_mem>>
      %dma_start3A = arith.constant 0 : i32
      %dma_start3A_76 = tpu.memref_slice %arg2[%add3A_32, %dma_start3A] : memref<20480x128xf32, #tpu.memory_space<hbm>> -> memref<128x128xf32, #tpu.memory_space<hbm>>
      %dma_start3A_77 = arith.constant 0 : i32
      %dma_start3A_78 = tpu.memref_slice %arg2[%add3A_32, %dma_start3A_77] : memref<20480x128xf32, #tpu.memory_space<hbm>> -> memref<128x128xf32, #tpu.memory_space<hbm>>
      tpu.enqueue_dma source(%dma_start3A_78 : memref<128x128xf32, #tpu.memory_space<hbm>>) target(%arg8 : memref<128x128xf32, #tpu.memory_space<vmem>>) target_semaphore(%run_scoped3A : memref<!tpu.dma_semaphore, #tpu.memory_space<semaphore_mem>>)
      %dma_wait3A = arith.constant 0 : i32
      %dma_wait3A_79 = tpu.memref_slice %arg2[%add3A_32, %dma_wait3A] : memref<20480x128xf32, #tpu.memory_space<hbm>> -> memref<128x128xf32, #tpu.memory_space<hbm>>
      %dma_wait3A_80 = arith.constant 0 : i32
      %dma_wait3A_81 = tpu.memref_slice %arg2[%add3A_32, %dma_wait3A_80] : memref<20480x128xf32, #tpu.memory_space<hbm>> -> memref<128x128xf32, #tpu.memory_space<hbm>>
      tpu.wait_dma2 semaphore(%run_scoped3A : memref<!tpu.dma_semaphore, #tpu.memory_space<semaphore_mem>>) src(%dma_wait3A_81 : memref<128x128xf32, #tpu.memory_space<hbm>>) dst(%arg8 : memref<128x128xf32, #tpu.memory_space<vmem>>)
      tpu.yield
    }) : () -> ()
    %add3A_33 = arith.constant 512 : i32
    %add3A_34 = arith.addi %mul3A_0, %add3A_33 : i32
    "tpu.region"() ({
      %run_scoped3A = tpu.sem_alloc : memref<!tpu.dma_semaphore, #tpu.memory_space<semaphore_mem>>
      %dma_start3A = arith.constant 0 : i32
      %dma_start3A_76 = tpu.memref_slice %arg10[%add3A_34, %dma_start3A] : memref<10240x128xf32, #tpu.memory_space<vmem_shared>> -> memref<128x128xf32, #tpu.memory_space<vmem_shared>>
      %dma_start3A_77 = arith.constant 0 : i32
      %dma_start3A_78 = tpu.memref_slice %arg10[%add3A_34, %dma_start3A_77] : memref<10240x128xf32, #tpu.memory_space<vmem_shared>> -> memref<128x128xf32, #tpu.memory_space<vmem_shared>>
      tpu.enqueue_dma source(%arg8 : memref<128x128xf32, #tpu.memory_space<vmem>>) target(%dma_start3A_78 : memref<128x128xf32, #tpu.memory_space<vmem_shared>>) target_semaphore(%run_scoped3A : memref<!tpu.dma_semaphore, #tpu.memory_space<semaphore_mem>>)
      %dma_wait3A = arith.constant 0 : i32
      %dma_wait3A_79 = tpu.memref_slice %arg10[%add3A_34, %dma_wait3A] : memref<10240x128xf32, #tpu.memory_space<vmem_shared>> -> memref<128x128xf32, #tpu.memory_space<vmem_shared>>
      %dma_wait3A_80 = arith.constant 0 : i32
      %dma_wait3A_81 = tpu.memref_slice %arg10[%add3A_34, %dma_wait3A_80] : memref<10240x128xf32, #tpu.memory_space<vmem_shared>> -> memref<128x128xf32, #tpu.memory_space<vmem_shared>>
      tpu.wait_dma2 semaphore(%run_scoped3A : memref<!tpu.dma_semaphore, #tpu.memory_space<semaphore_mem>>) src(%arg8 : memref<128x128xf32, #tpu.memory_space<vmem>>) dst(%dma_wait3A_81 : memref<128x128xf32, #tpu.memory_space<vmem_shared>>)
      tpu.yield
    }) : () -> ()
    %barrier3A = arith.constant 0 : index
    tpu.barrier barrier_id(%barrier3A)
    %scan3A = arith.constant 0 : i32
    %scan3A_35 = arith.constant 0 : i32
    %scan3A_36 = arith.constant 2 : i32
    %scan3A_37 = arith.addi %scan3A_35, %scan3A_36 : i32
    %scan3A_38 = arith.constant 1 : i32
    scf.for %scan3A_76 = %scan3A_35 to %scan3A_37 step %scan3A_38  : i32 {
      %mul3A_77 = arith.constant 40 : i32
      %mul3A_78 = arith.muli %scan3A_76, %mul3A_77 : i32
      "tpu.region"() ({
        %run_scoped3A = tpu.sem_alloc : memref<!tpu.dma_semaphore, #tpu.memory_space<semaphore_mem>>
        %dma_start3A = arith.constant 0 : i32
        %dma_start3A_87 = arith.constant 0 : i32
        %dma_start3A_88 = arith.constant 0 : i32
        %dma_start3A_89 = tpu.memref_slice %arg3[%arg0, %dma_start3A, %dma_start3A_87, %dma_start3A_88] : memref<2x16x80x128xi32, #tpu.memory_space<hbm>> -> memref<1x16x80x128xi32, #tpu.memory_space<hbm>>
        %dma_start3A_90 = tpu.memref_squeeze %dma_start3A_89 : memref<1x16x80x128xi32, #tpu.memory_space<hbm>> -> memref<16x80x128xi32, #tpu.memory_space<hbm>>
        %dma_start3A_91 = arith.constant 0 : i32
        %dma_start3A_92 = arith.constant 0 : i32
        %dma_start3A_93 = tpu.memref_slice %dma_start3A_90[%arg1, %dma_start3A_91, %dma_start3A_92] : memref<16x80x128xi32, #tpu.memory_space<hbm>> -> memref<1x80x128xi32, #tpu.memory_space<hbm>>
        %dma_start3A_94 = tpu.memref_squeeze %dma_start3A_93 : memref<1x80x128xi32, #tpu.memory_space<hbm>> -> memref<80x128xi32, #tpu.memory_space<hbm>>
        %dma_start3A_95 = arith.constant 0 : i32
        %dma_start3A_96 = tpu.memref_slice %dma_start3A_94[%mul3A_78, %dma_start3A_95] : memref<80x128xi32, #tpu.memory_space<hbm>> -> memref<40x128xi32, #tpu.memory_space<hbm>>
        %dma_start3A_97 = arith.constant 0 : i32
        %dma_start3A_98 = arith.constant 0 : i32
        %dma_start3A_99 = arith.constant 0 : i32
        %dma_start3A_100 = tpu.memref_slice %arg3[%arg0, %dma_start3A_97, %dma_start3A_98, %dma_start3A_99] : memref<2x16x80x128xi32, #tpu.memory_space<hbm>> -> memref<1x16x80x128xi32, #tpu.memory_space<hbm>>
        %dma_start3A_101 = tpu.memref_squeeze %dma_start3A_100 : memref<1x16x80x128xi32, #tpu.memory_space<hbm>> -> memref<16x80x128xi32, #tpu.memory_space<hbm>>
        %dma_start3A_102 = arith.constant 0 : i32
        %dma_start3A_103 = arith.constant 0 : i32
        %dma_start3A_104 = tpu.memref_slice %dma_start3A_101[%arg1, %dma_start3A_102, %dma_start3A_103] : memref<16x80x128xi32, #tpu.memory_space<hbm>> -> memref<1x80x128xi32, #tpu.memory_space<hbm>>
        %dma_start3A_105 = tpu.memref_squeeze %dma_start3A_104 : memref<1x80x128xi32, #tpu.memory_space<hbm>> -> memref<80x128xi32, #tpu.memory_space<hbm>>
        %dma_start3A_106 = arith.constant 0 : i32
        %dma_start3A_107 = tpu.memref_slice %dma_start3A_105[%mul3A_78, %dma_start3A_106] : memref<80x128xi32, #tpu.memory_space<hbm>> -> memref<40x128xi32, #tpu.memory_space<hbm>>
        tpu.enqueue_dma source(%dma_start3A_107 : memref<40x128xi32, #tpu.memory_space<hbm>>) target(%arg6 : memref<40x128xi32, #tpu.memory_space<vmem>>) target_semaphore(%run_scoped3A : memref<!tpu.dma_semaphore, #tpu.memory_space<semaphore_mem>>)
        %dma_wait3A = arith.constant 0 : i32
        %dma_wait3A_108 = arith.constant 0 : i32
        %dma_wait3A_109 = arith.constant 0 : i32
        %dma_wait3A_110 = tpu.memref_slice %arg3[%arg0, %dma_wait3A, %dma_wait3A_108, %dma_wait3A_109] : memref<2x16x80x128xi32, #tpu.memory_space<hbm>> -> memref<1x16x80x128xi32, #tpu.memory_space<hbm>>
        %dma_wait3A_111 = tpu.memref_squeeze %dma_wait3A_110 : memref<1x16x80x128xi32, #tpu.memory_space<hbm>> -> memref<16x80x128xi32, #tpu.memory_space<hbm>>
        %dma_wait3A_112 = arith.constant 0 : i32
        %dma_wait3A_113 = arith.constant 0 : i32
        %dma_wait3A_114 = tpu.memref_slice %dma_wait3A_111[%arg1, %dma_wait3A_112, %dma_wait3A_113] : memref<16x80x128xi32, #tpu.memory_space<hbm>> -> memref<1x80x128xi32, #tpu.memory_space<hbm>>
        %dma_wait3A_115 = tpu.memref_squeeze %dma_wait3A_114 : memref<1x80x128xi32, #tpu.memory_space<hbm>> -> memref<80x128xi32, #tpu.memory_space<hbm>>
        %dma_wait3A_116 = arith.constant 0 : i32
        %dma_wait3A_117 = tpu.memref_slice %dma_wait3A_115[%mul3A_78, %dma_wait3A_116] : memref<80x128xi32, #tpu.memory_space<hbm>> -> memref<40x128xi32, #tpu.memory_space<hbm>>
        %dma_wait3A_118 = arith.constant 0 : i32
        %dma_wait3A_119 = arith.constant 0 : i32
        %dma_wait3A_120 = arith.constant 0 : i32
        %dma_wait3A_121 = tpu.memref_slice %arg3[%arg0, %dma_wait3A_118, %dma_wait3A_119, %dma_wait3A_120] : memref<2x16x80x128xi32, #tpu.memory_space<hbm>> -> memref<1x16x80x128xi32, #tpu.memory_space<hbm>>
        %dma_wait3A_122 = tpu.memref_squeeze %dma_wait3A_121 : memref<1x16x80x128xi32, #tpu.memory_space<hbm>> -> memref<16x80x128xi32, #tpu.memory_space<hbm>>
        %dma_wait3A_123 = arith.constant 0 : i32
        %dma_wait3A_124 = arith.constant 0 : i32
        %dma_wait3A_125 = tpu.memref_slice %dma_wait3A_122[%arg1, %dma_wait3A_123, %dma_wait3A_124] : memref<16x80x128xi32, #tpu.memory_space<hbm>> -> memref<1x80x128xi32, #tpu.memory_space<hbm>>
        %dma_wait3A_126 = tpu.memref_squeeze %dma_wait3A_125 : memref<1x80x128xi32, #tpu.memory_space<hbm>> -> memref<80x128xi32, #tpu.memory_space<hbm>>
        %dma_wait3A_127 = arith.constant 0 : i32
        %dma_wait3A_128 = tpu.memref_slice %dma_wait3A_126[%mul3A_78, %dma_wait3A_127] : memref<80x128xi32, #tpu.memory_space<hbm>> -> memref<40x128xi32, #tpu.memory_space<hbm>>
        tpu.wait_dma2 semaphore(%run_scoped3A : memref<!tpu.dma_semaphore, #tpu.memory_space<semaphore_mem>>) src(%dma_wait3A_128 : memref<40x128xi32, #tpu.memory_space<hbm>>) dst(%arg6 : memref<40x128xi32, #tpu.memory_space<vmem>>)
        tpu.yield
      }) : () -> ()
      %mul3A_79 = arith.constant 40 : i32
      %mul3A_80 = arith.muli %scan3A_76, %mul3A_79 : i32
      "tpu.region"() ({
        %run_scoped3A = tpu.sem_alloc : memref<!tpu.dma_semaphore, #tpu.memory_space<semaphore_mem>>
        %dma_start3A = arith.constant 0 : i32
        %dma_start3A_87 = arith.constant 0 : i32
        %dma_start3A_88 = tpu.memref_slice %arg4[%arg1, %dma_start3A, %dma_start3A_87] : memref<16x80x128xi32, #tpu.memory_space<hbm>> -> memref<1x80x128xi32, #tpu.memory_space<hbm>>
        %dma_start3A_89 = tpu.memref_squeeze %dma_start3A_88 : memref<1x80x128xi32, #tpu.memory_space<hbm>> -> memref<80x128xi32, #tpu.memory_space<hbm>>
        %dma_start3A_90 = arith.constant 0 : i32
        %dma_start3A_91 = tpu.memref_slice %dma_start3A_89[%mul3A_80, %dma_start3A_90] : memref<80x128xi32, #tpu.memory_space<hbm>> -> memref<40x128xi32, #tpu.memory_space<hbm>>
        %dma_start3A_92 = arith.constant 0 : i32
        %dma_start3A_93 = arith.constant 0 : i32
        %dma_start3A_94 = tpu.memref_slice %arg4[%arg1, %dma_start3A_92, %dma_start3A_93] : memref<16x80x128xi32, #tpu.memory_space<hbm>> -> memref<1x80x128xi32, #tpu.memory_space<hbm>>
        %dma_start3A_95 = tpu.memref_squeeze %dma_start3A_94 : memref<1x80x128xi32, #tpu.memory_space<hbm>> -> memref<80x128xi32, #tpu.memory_space<hbm>>
        %dma_start3A_96 = arith.constant 0 : i32
        %dma_start3A_97 = tpu.memref_slice %dma_start3A_95[%mul3A_80, %dma_start3A_96] : memref<80x128xi32, #tpu.memory_space<hbm>> -> memref<40x128xi32, #tpu.memory_space<hbm>>
        tpu.enqueue_dma source(%dma_start3A_97 : memref<40x128xi32, #tpu.memory_space<hbm>>) target(%arg7 : memref<40x128xi32, #tpu.memory_space<vmem>>) target_semaphore(%run_scoped3A : memref<!tpu.dma_semaphore, #tpu.memory_space<semaphore_mem>>)
        %dma_wait3A = arith.constant 0 : i32
        %dma_wait3A_98 = arith.constant 0 : i32
        %dma_wait3A_99 = tpu.memref_slice %arg4[%arg1, %dma_wait3A, %dma_wait3A_98] : memref<16x80x128xi32, #tpu.memory_space<hbm>> -> memref<1x80x128xi32, #tpu.memory_space<hbm>>
        %dma_wait3A_100 = tpu.memref_squeeze %dma_wait3A_99 : memref<1x80x128xi32, #tpu.memory_space<hbm>> -> memref<80x128xi32, #tpu.memory_space<hbm>>
        %dma_wait3A_101 = arith.constant 0 : i32
        %dma_wait3A_102 = tpu.memref_slice %dma_wait3A_100[%mul3A_80, %dma_wait3A_101] : memref<80x128xi32, #tpu.memory_space<hbm>> -> memref<40x128xi32, #tpu.memory_space<hbm>>
        %dma_wait3A_103 = arith.constant 0 : i32
        %dma_wait3A_104 = arith.constant 0 : i32
        %dma_wait3A_105 = tpu.memref_slice %arg4[%arg1, %dma_wait3A_103, %dma_wait3A_104] : memref<16x80x128xi32, #tpu.memory_space<hbm>> -> memref<1x80x128xi32, #tpu.memory_space<hbm>>
        %dma_wait3A_106 = tpu.memref_squeeze %dma_wait3A_105 : memref<1x80x128xi32, #tpu.memory_space<hbm>> -> memref<80x128xi32, #tpu.memory_space<hbm>>
        %dma_wait3A_107 = arith.constant 0 : i32
        %dma_wait3A_108 = tpu.memref_slice %dma_wait3A_106[%mul3A_80, %dma_wait3A_107] : memref<80x128xi32, #tpu.memory_space<hbm>> -> memref<40x128xi32, #tpu.memory_space<hbm>>
        tpu.wait_dma2 semaphore(%run_scoped3A : memref<!tpu.dma_semaphore, #tpu.memory_space<semaphore_mem>>) src(%dma_wait3A_108 : memref<40x128xi32, #tpu.memory_space<hbm>>) dst(%arg7 : memref<40x128xi32, #tpu.memory_space<vmem>>)
        tpu.yield
      }) : () -> ()
      %scan3A_81 = arith.constant 0 : i32
      %scan3A_82 = arith.constant 0 : i32
      %scan3A_83 = arith.constant 20 : i32
      %scan3A_84 = arith.addi %scan3A_82, %scan3A_83 : i32
      %scan3A_85 = arith.constant 1 : i32
      scf.for %scan3A_87 = %scan3A_82 to %scan3A_84 step %scan3A_85  : i32 {
        %mul3A_88 = arith.constant 2 : i32
        %mul3A_89 = arith.muli %mul3A_88, %scan3A_87 : i32
        %dma_start3A = arith.constant 0 : i32
        %dma_start3A_90 = tpu.memref_slice %arg6[%mul3A_89, %dma_start3A] : memref<40x128xi32, #tpu.memory_space<vmem>> -> memref<1x128xi32, #tpu.memory_space<vmem>>
        %dma_start3A_91 = tpu.memref_squeeze %dma_start3A_90 : memref<1x128xi32, #tpu.memory_space<vmem>> -> memref<128xi32, #tpu.memory_space<vmem>>
        %dma_start3A_92 = arith.constant 0 : i32
        %dma_start3A_93 = arith.constant 0 : i32
        %dma_start3A_94 = tpu.memref_slice %arg2[%dma_start3A_92, %dma_start3A_93] : memref<20480x128xf32, #tpu.memory_space<hbm>> -> memref<20480x128xf32, #tpu.memory_space<hbm>>
        tpu.enqueue_indirect_dma source(%dma_start3A_94 : memref<20480x128xf32, #tpu.memory_space<hbm>>) target(%arg8 : memref<128x128xf32, #tpu.memory_space<vmem>>) offsets(%dma_start3A_91 : memref<128xi32, #tpu.memory_space<vmem>>) semaphore(%arg11 : memref<!tpu.dma_semaphore, #tpu.memory_space<semaphore_mem>>)
        %add3A_95 = arith.constant 1 : i32
        %add3A_96 = arith.addi %mul3A_89, %add3A_95 : i32
        %dma_start3A_97 = arith.constant 0 : i32
        %dma_start3A_98 = tpu.memref_slice %arg6[%add3A_96, %dma_start3A_97] : memref<40x128xi32, #tpu.memory_space<vmem>> -> memref<1x128xi32, #tpu.memory_space<vmem>>
        %dma_start3A_99 = tpu.memref_squeeze %dma_start3A_98 : memref<1x128xi32, #tpu.memory_space<vmem>> -> memref<128xi32, #tpu.memory_space<vmem>>
        %dma_start3A_100 = arith.constant 0 : i32
        %dma_start3A_101 = arith.constant 0 : i32
        %dma_start3A_102 = tpu.memref_slice %arg2[%dma_start3A_100, %dma_start3A_101] : memref<20480x128xf32, #tpu.memory_space<hbm>> -> memref<20480x128xf32, #tpu.memory_space<hbm>>
        tpu.enqueue_indirect_dma source(%dma_start3A_102 : memref<20480x128xf32, #tpu.memory_space<hbm>>) target(%arg9 : memref<128x128xf32, #tpu.memory_space<vmem>>) offsets(%dma_start3A_99 : memref<128xi32, #tpu.memory_space<vmem>>) semaphore(%arg12 : memref<!tpu.dma_semaphore, #tpu.memory_space<semaphore_mem>>)
        %dma_wait3A = arith.constant 0 : i32
        %dma_wait3A_103 = tpu.memref_slice %arg6[%mul3A_89, %dma_wait3A] : memref<40x128xi32, #tpu.memory_space<vmem>> -> memref<1x128xi32, #tpu.memory_space<vmem>>
        %dma_wait3A_104 = tpu.memref_squeeze %dma_wait3A_103 : memref<1x128xi32, #tpu.memory_space<vmem>> -> memref<128xi32, #tpu.memory_space<vmem>>
        %dma_wait3A_105 = arith.constant 0 : i32
        %dma_wait3A_106 = arith.constant 0 : i32
        %dma_wait3A_107 = tpu.memref_slice %arg2[%dma_wait3A_105, %dma_wait3A_106] : memref<20480x128xf32, #tpu.memory_space<hbm>> -> memref<20480x128xf32, #tpu.memory_space<hbm>>
        tpu.wait_indirect_dma semaphore(%arg11 : memref<!tpu.dma_semaphore, #tpu.memory_space<semaphore_mem>>) src(%dma_wait3A_107 : memref<20480x128xf32, #tpu.memory_space<hbm>>) dst(%arg8 : memref<128x128xf32, #tpu.memory_space<vmem>>)
        "tpu.region"() ({
          %run_scoped3A = tpu.sem_alloc : memref<!tpu.dma_semaphore, #tpu.memory_space<semaphore_mem>>
          %dma_start3A_116 = arith.constant 0 : i32
          %dma_start3A_117 = tpu.memref_slice %arg7[%mul3A_89, %dma_start3A_116] : memref<40x128xi32, #tpu.memory_space<vmem>> -> memref<1x128xi32, #tpu.memory_space<vmem>>
          %dma_start3A_118 = tpu.memref_squeeze %dma_start3A_117 : memref<1x128xi32, #tpu.memory_space<vmem>> -> memref<128xi32, #tpu.memory_space<vmem>>
          %dma_start3A_119 = arith.constant 0 : i32
          %dma_start3A_120 = arith.constant 0 : i32
          %dma_start3A_121 = tpu.memref_slice %arg10[%dma_start3A_119, %dma_start3A_120] : memref<10240x128xf32, #tpu.memory_space<vmem_shared>> -> memref<10240x128xf32, #tpu.memory_space<vmem_shared>>
          tpu.enqueue_indirect_dma source(%arg8 : memref<128x128xf32, #tpu.memory_space<vmem>>) target(%dma_start3A_121 : memref<10240x128xf32, #tpu.memory_space<vmem_shared>>) offsets(%dma_start3A_118 : memref<128xi32, #tpu.memory_space<vmem>>) semaphore(%run_scoped3A : memref<!tpu.dma_semaphore, #tpu.memory_space<semaphore_mem>>) {add = true}
          %dma_wait3A_122 = arith.constant 0 : i32
          %dma_wait3A_123 = tpu.memref_slice %arg7[%mul3A_89, %dma_wait3A_122] : memref<40x128xi32, #tpu.memory_space<vmem>> -> memref<1x128xi32, #tpu.memory_space<vmem>>
          %dma_wait3A_124 = tpu.memref_squeeze %dma_wait3A_123 : memref<1x128xi32, #tpu.memory_space<vmem>> -> memref<128xi32, #tpu.memory_space<vmem>>
          %dma_wait3A_125 = arith.constant 0 : i32
          %dma_wait3A_126 = arith.constant 0 : i32
          %dma_wait3A_127 = tpu.memref_slice %arg10[%dma_wait3A_125, %dma_wait3A_126] : memref<10240x128xf32, #tpu.memory_space<vmem_shared>> -> memref<10240x128xf32, #tpu.memory_space<vmem_shared>>
          tpu.wait_indirect_dma semaphore(%run_scoped3A : memref<!tpu.dma_semaphore, #tpu.memory_space<semaphore_mem>>) src(%arg8 : memref<128x128xf32, #tpu.memory_space<vmem>>) dst(%dma_wait3A_127 : memref<10240x128xf32, #tpu.memory_space<vmem_shared>>)
          tpu.yield
        }) : () -> ()
        %dma_wait3A_108 = arith.constant 0 : i32
        %dma_wait3A_109 = tpu.memref_slice %arg6[%add3A_96, %dma_wait3A_108] : memref<40x128xi32, #tpu.memory_space<vmem>> -> memref<1x128xi32, #tpu.memory_space<vmem>>
        %dma_wait3A_110 = tpu.memref_squeeze %dma_wait3A_109 : memref<1x128xi32, #tpu.memory_space<vmem>> -> memref<128xi32, #tpu.memory_space<vmem>>
        %dma_wait3A_111 = arith.constant 0 : i32
        %dma_wait3A_112 = arith.constant 0 : i32
        %dma_wait3A_113 = tpu.memref_slice %arg2[%dma_wait3A_111, %dma_wait3A_112] : memref<20480x128xf32, #tpu.memory_space<hbm>> -> memref<20480x128xf32, #tpu.memory_space<hbm>>
        tpu.wait_indirect_dma semaphore(%arg12 : memref<!tpu.dma_semaphore, #tpu.memory_space<semaphore_mem>>) src(%dma_wait3A_113 : memref<20480x128xf32, #tpu.memory_space<hbm>>) dst(%arg9 : memref<128x128xf32, #tpu.memory_space<vmem>>)
        %add3A_114 = arith.constant 1 : i32
        %add3A_115 = arith.addi %mul3A_89, %add3A_114 : i32
        "tpu.region"() ({
          %run_scoped3A = tpu.sem_alloc : memref<!tpu.dma_semaphore, #tpu.memory_space<semaphore_mem>>
          %dma_start3A_116 = arith.constant 0 : i32
          %dma_start3A_117 = tpu.memref_slice %arg7[%add3A_115, %dma_start3A_116] : memref<40x128xi32, #tpu.memory_space<vmem>> -> memref<1x128xi32, #tpu.memory_space<vmem>>
          %dma_start3A_118 = tpu.memref_squeeze %dma_start3A_117 : memref<1x128xi32, #tpu.memory_space<vmem>> -> memref<128xi32, #tpu.memory_space<vmem>>
          %dma_start3A_119 = arith.constant 0 : i32
          %dma_start3A_120 = arith.constant 0 : i32
          %dma_start3A_121 = tpu.memref_slice %arg10[%dma_start3A_119, %dma_start3A_120] : memref<10240x128xf32, #tpu.memory_space<vmem_shared>> -> memref<10240x128xf32, #tpu.memory_space<vmem_shared>>
          tpu.enqueue_indirect_dma source(%arg9 : memref<128x128xf32, #tpu.memory_space<vmem>>) target(%dma_start3A_121 : memref<10240x128xf32, #tpu.memory_space<vmem_shared>>) offsets(%dma_start3A_118 : memref<128xi32, #tpu.memory_space<vmem>>) semaphore(%run_scoped3A : memref<!tpu.dma_semaphore, #tpu.memory_space<semaphore_mem>>) {add = true}
          %dma_wait3A_122 = arith.constant 0 : i32
          %dma_wait3A_123 = tpu.memref_slice %arg7[%add3A_115, %dma_wait3A_122] : memref<40x128xi32, #tpu.memory_space<vmem>> -> memref<1x128xi32, #tpu.memory_space<vmem>>
          %dma_wait3A_124 = tpu.memref_squeeze %dma_wait3A_123 : memref<1x128xi32, #tpu.memory_space<vmem>> -> memref<128xi32, #tpu.memory_space<vmem>>
          %dma_wait3A_125 = arith.constant 0 : i32
          %dma_wait3A_126 = arith.constant 0 : i32
          %dma_wait3A_127 = tpu.memref_slice %arg10[%dma_wait3A_125, %dma_wait3A_126] : memref<10240x128xf32, #tpu.memory_space<vmem_shared>> -> memref<10240x128xf32, #tpu.memory_space<vmem_shared>>
          tpu.wait_indirect_dma semaphore(%run_scoped3A : memref<!tpu.dma_semaphore, #tpu.memory_space<semaphore_mem>>) src(%arg9 : memref<128x128xf32, #tpu.memory_space<vmem>>) dst(%dma_wait3A_127 : memref<10240x128xf32, #tpu.memory_space<vmem_shared>>)
          tpu.yield
        }) : () -> ()
      }
      %scan3A_86 = arith.constant 20 : i32
    }
    %scan3A_39 = arith.constant 2 : i32
    %barrier3A_40 = arith.constant 0 : index
    tpu.barrier barrier_id(%barrier3A_40)
    %add3A_41 = arith.constant 0 : i32
    %add3A_42 = arith.addi %mul3A_0, %add3A_41 : i32
    "tpu.region"() ({
      %run_scoped3A = tpu.sem_alloc : memref<!tpu.dma_semaphore, #tpu.memory_space<semaphore_mem>>
      %dma_start3A = arith.constant 0 : i32
      %dma_start3A_76 = tpu.memref_slice %arg10[%add3A_42, %dma_start3A] : memref<10240x128xf32, #tpu.memory_space<vmem_shared>> -> memref<128x128xf32, #tpu.memory_space<vmem_shared>>
      %dma_start3A_77 = arith.constant 0 : i32
      %dma_start3A_78 = tpu.memref_slice %arg10[%add3A_42, %dma_start3A_77] : memref<10240x128xf32, #tpu.memory_space<vmem_shared>> -> memref<128x128xf32, #tpu.memory_space<vmem_shared>>
      tpu.enqueue_dma source(%dma_start3A_78 : memref<128x128xf32, #tpu.memory_space<vmem_shared>>) target(%arg8 : memref<128x128xf32, #tpu.memory_space<vmem>>) target_semaphore(%run_scoped3A : memref<!tpu.dma_semaphore, #tpu.memory_space<semaphore_mem>>)
      %dma_wait3A = arith.constant 0 : i32
      %dma_wait3A_79 = tpu.memref_slice %arg10[%add3A_42, %dma_wait3A] : memref<10240x128xf32, #tpu.memory_space<vmem_shared>> -> memref<128x128xf32, #tpu.memory_space<vmem_shared>>
      %dma_wait3A_80 = arith.constant 0 : i32
      %dma_wait3A_81 = tpu.memref_slice %arg10[%add3A_42, %dma_wait3A_80] : memref<10240x128xf32, #tpu.memory_space<vmem_shared>> -> memref<128x128xf32, #tpu.memory_space<vmem_shared>>
      tpu.wait_dma2 semaphore(%run_scoped3A : memref<!tpu.dma_semaphore, #tpu.memory_space<semaphore_mem>>) src(%dma_wait3A_81 : memref<128x128xf32, #tpu.memory_space<vmem_shared>>) dst(%arg8 : memref<128x128xf32, #tpu.memory_space<vmem>>)
      tpu.yield
    }) : () -> ()
    %mul3A_43 = arith.constant 10240 : i32
    %mul3A_44 = arith.muli %arg0, %mul3A_43 : i32
    %add3A_45 = arith.addi %mul3A_44, %mul3A_0 : i32
    %add3A_46 = arith.constant 0 : i32
    %add3A_47 = arith.addi %add3A_45, %add3A_46 : i32
    "tpu.region"() ({
      %run_scoped3A = tpu.sem_alloc : memref<!tpu.dma_semaphore, #tpu.memory_space<semaphore_mem>>
      %dma_start3A = arith.constant 0 : i32
      %dma_start3A_76 = tpu.memref_slice %arg5[%add3A_47, %dma_start3A] : memref<20480x128xf32, #tpu.memory_space<hbm>> -> memref<128x128xf32, #tpu.memory_space<hbm>>
      %dma_start3A_77 = arith.constant 0 : i32
      %dma_start3A_78 = tpu.memref_slice %arg5[%add3A_47, %dma_start3A_77] : memref<20480x128xf32, #tpu.memory_space<hbm>> -> memref<128x128xf32, #tpu.memory_space<hbm>>
      tpu.enqueue_dma source(%arg8 : memref<128x128xf32, #tpu.memory_space<vmem>>) target(%dma_start3A_78 : memref<128x128xf32, #tpu.memory_space<hbm>>) target_semaphore(%run_scoped3A : memref<!tpu.dma_semaphore, #tpu.memory_space<semaphore_mem>>)
      %dma_wait3A = arith.constant 0 : i32
      %dma_wait3A_79 = tpu.memref_slice %arg5[%add3A_47, %dma_wait3A] : memref<20480x128xf32, #tpu.memory_space<hbm>> -> memref<128x128xf32, #tpu.memory_space<hbm>>
      %dma_wait3A_80 = arith.constant 0 : i32
      %dma_wait3A_81 = tpu.memref_slice %arg5[%add3A_47, %dma_wait3A_80] : memref<20480x128xf32, #tpu.memory_space<hbm>> -> memref<128x128xf32, #tpu.memory_space<hbm>>
      tpu.wait_dma2 semaphore(%run_scoped3A : memref<!tpu.dma_semaphore, #tpu.memory_space<semaphore_mem>>) src(%arg8 : memref<128x128xf32, #tpu.memory_space<vmem>>) dst(%dma_wait3A_81 : memref<128x128xf32, #tpu.memory_space<hbm>>)
      tpu.yield
    }) : () -> ()
    %add3A_48 = arith.constant 128 : i32
    %add3A_49 = arith.addi %mul3A_0, %add3A_48 : i32
    "tpu.region"() ({
      %run_scoped3A = tpu.sem_alloc : memref<!tpu.dma_semaphore, #tpu.memory_space<semaphore_mem>>
      %dma_start3A = arith.constant 0 : i32
      %dma_start3A_76 = tpu.memref_slice %arg10[%add3A_49, %dma_start3A] : memref<10240x128xf32, #tpu.memory_space<vmem_shared>> -> memref<128x128xf32, #tpu.memory_space<vmem_shared>>
      %dma_start3A_77 = arith.constant 0 : i32
      %dma_start3A_78 = tpu.memref_slice %arg10[%add3A_49, %dma_start3A_77] : memref<10240x128xf32, #tpu.memory_space<vmem_shared>> -> memref<128x128xf32, #tpu.memory_space<vmem_shared>>
      tpu.enqueue_dma source(%dma_start3A_78 : memref<128x128xf32, #tpu.memory_space<vmem_shared>>) target(%arg8 : memref<128x128xf32, #tpu.memory_space<vmem>>) target_semaphore(%run_scoped3A : memref<!tpu.dma_semaphore, #tpu.memory_space<semaphore_mem>>)
      %dma_wait3A = arith.constant 0 : i32
      %dma_wait3A_79 = tpu.memref_slice %arg10[%add3A_49, %dma_wait3A] : memref<10240x128xf32, #tpu.memory_space<vmem_shared>> -> memref<128x128xf32, #tpu.memory_space<vmem_shared>>
      %dma_wait3A_80 = arith.constant 0 : i32
      %dma_wait3A_81 = tpu.memref_slice %arg10[%add3A_49, %dma_wait3A_80] : memref<10240x128xf32, #tpu.memory_space<vmem_shared>> -> memref<128x128xf32, #tpu.memory_space<vmem_shared>>
      tpu.wait_dma2 semaphore(%run_scoped3A : memref<!tpu.dma_semaphore, #tpu.memory_space<semaphore_mem>>) src(%dma_wait3A_81 : memref<128x128xf32, #tpu.memory_space<vmem_shared>>) dst(%arg8 : memref<128x128xf32, #tpu.memory_space<vmem>>)
      tpu.yield
    }) : () -> ()
    %mul3A_50 = arith.constant 10240 : i32
    %mul3A_51 = arith.muli %arg0, %mul3A_50 : i32
    %add3A_52 = arith.addi %mul3A_51, %mul3A_0 : i32
    %add3A_53 = arith.constant 128 : i32
    %add3A_54 = arith.addi %add3A_52, %add3A_53 : i32
    "tpu.region"() ({
      %run_scoped3A = tpu.sem_alloc : memref<!tpu.dma_semaphore, #tpu.memory_space<semaphore_mem>>
      %dma_start3A = arith.constant 0 : i32
      %dma_start3A_76 = tpu.memref_slice %arg5[%add3A_54, %dma_start3A] : memref<20480x128xf32, #tpu.memory_space<hbm>> -> memref<128x128xf32, #tpu.memory_space<hbm>>
      %dma_start3A_77 = arith.constant 0 : i32
      %dma_start3A_78 = tpu.memref_slice %arg5[%add3A_54, %dma_start3A_77] : memref<20480x128xf32, #tpu.memory_space<hbm>> -> memref<128x128xf32, #tpu.memory_space<hbm>>
      tpu.enqueue_dma source(%arg8 : memref<128x128xf32, #tpu.memory_space<vmem>>) target(%dma_start3A_78 : memref<128x128xf32, #tpu.memory_space<hbm>>) target_semaphore(%run_scoped3A : memref<!tpu.dma_semaphore, #tpu.memory_space<semaphore_mem>>)
      %dma_wait3A = arith.constant 0 : i32
      %dma_wait3A_79 = tpu.memref_slice %arg5[%add3A_54, %dma_wait3A] : memref<20480x128xf32, #tpu.memory_space<hbm>> -> memref<128x128xf32, #tpu.memory_space<hbm>>
      %dma_wait3A_80 = arith.constant 0 : i32
      %dma_wait3A_81 = tpu.memref_slice %arg5[%add3A_54, %dma_wait3A_80] : memref<20480x128xf32, #tpu.memory_space<hbm>> -> memref<128x128xf32, #tpu.memory_space<hbm>>
      tpu.wait_dma2 semaphore(%run_scoped3A : memref<!tpu.dma_semaphore, #tpu.memory_space<semaphore_mem>>) src(%arg8 : memref<128x128xf32, #tpu.memory_space<vmem>>) dst(%dma_wait3A_81 : memref<128x128xf32, #tpu.memory_space<hbm>>)
      tpu.yield
    }) : () -> ()
    %add3A_55 = arith.constant 256 : i32
    %add3A_56 = arith.addi %mul3A_0, %add3A_55 : i32
    "tpu.region"() ({
      %run_scoped3A = tpu.sem_alloc : memref<!tpu.dma_semaphore, #tpu.memory_space<semaphore_mem>>
      %dma_start3A = arith.constant 0 : i32
      %dma_start3A_76 = tpu.memref_slice %arg10[%add3A_56, %dma_start3A] : memref<10240x128xf32, #tpu.memory_space<vmem_shared>> -> memref<128x128xf32, #tpu.memory_space<vmem_shared>>
      %dma_start3A_77 = arith.constant 0 : i32
      %dma_start3A_78 = tpu.memref_slice %arg10[%add3A_56, %dma_start3A_77] : memref<10240x128xf32, #tpu.memory_space<vmem_shared>> -> memref<128x128xf32, #tpu.memory_space<vmem_shared>>
      tpu.enqueue_dma source(%dma_start3A_78 : memref<128x128xf32, #tpu.memory_space<vmem_shared>>) target(%arg8 : memref<128x128xf32, #tpu.memory_space<vmem>>) target_semaphore(%run_scoped3A : memref<!tpu.dma_semaphore, #tpu.memory_space<semaphore_mem>>)
      %dma_wait3A = arith.constant 0 : i32
      %dma_wait3A_79 = tpu.memref_slice %arg10[%add3A_56, %dma_wait3A] : memref<10240x128xf32, #tpu.memory_space<vmem_shared>> -> memref<128x128xf32, #tpu.memory_space<vmem_shared>>
      %dma_wait3A_80 = arith.constant 0 : i32
      %dma_wait3A_81 = tpu.memref_slice %arg10[%add3A_56, %dma_wait3A_80] : memref<10240x128xf32, #tpu.memory_space<vmem_shared>> -> memref<128x128xf32, #tpu.memory_space<vmem_shared>>
      tpu.wait_dma2 semaphore(%run_scoped3A : memref<!tpu.dma_semaphore, #tpu.memory_space<semaphore_mem>>) src(%dma_wait3A_81 : memref<128x128xf32, #tpu.memory_space<vmem_shared>>) dst(%arg8 : memref<128x128xf32, #tpu.memory_space<vmem>>)
      tpu.yield
    }) : () -> ()
    %mul3A_57 = arith.constant 10240 : i32
    %mul3A_58 = arith.muli %arg0, %mul3A_57 : i32
    %add3A_59 = arith.addi %mul3A_58, %mul3A_0 : i32
    %add3A_60 = arith.constant 256 : i32
    %add3A_61 = arith.addi %add3A_59, %add3A_60 : i32
    "tpu.region"() ({
      %run_scoped3A = tpu.sem_alloc : memref<!tpu.dma_semaphore, #tpu.memory_space<semaphore_mem>>
      %dma_start3A = arith.constant 0 : i32
      %dma_start3A_76 = tpu.memref_slice %arg5[%add3A_61, %dma_start3A] : memref<20480x128xf32, #tpu.memory_space<hbm>> -> memref<128x128xf32, #tpu.memory_space<hbm>>
      %dma_start3A_77 = arith.constant 0 : i32
      %dma_start3A_78 = tpu.memref_slice %arg5[%add3A_61, %dma_start3A_77] : memref<20480x128xf32, #tpu.memory_space<hbm>> -> memref<128x128xf32, #tpu.memory_space<hbm>>
      tpu.enqueue_dma source(%arg8 : memref<128x128xf32, #tpu.memory_space<vmem>>) target(%dma_start3A_78 : memref<128x128xf32, #tpu.memory_space<hbm>>) target_semaphore(%run_scoped3A : memref<!tpu.dma_semaphore, #tpu.memory_space<semaphore_mem>>)
      %dma_wait3A = arith.constant 0 : i32
      %dma_wait3A_79 = tpu.memref_slice %arg5[%add3A_61, %dma_wait3A] : memref<20480x128xf32, #tpu.memory_space<hbm>> -> memref<128x128xf32, #tpu.memory_space<hbm>>
      %dma_wait3A_80 = arith.constant 0 : i32
      %dma_wait3A_81 = tpu.memref_slice %arg5[%add3A_61, %dma_wait3A_80] : memref<20480x128xf32, #tpu.memory_space<hbm>> -> memref<128x128xf32, #tpu.memory_space<hbm>>
      tpu.wait_dma2 semaphore(%run_scoped3A : memref<!tpu.dma_semaphore, #tpu.memory_space<semaphore_mem>>) src(%arg8 : memref<128x128xf32, #tpu.memory_space<vmem>>) dst(%dma_wait3A_81 : memref<128x128xf32, #tpu.memory_space<hbm>>)
      tpu.yield
    }) : () -> ()
    %add3A_62 = arith.constant 384 : i32
    %add3A_63 = arith.addi %mul3A_0, %add3A_62 : i32
    "tpu.region"() ({
      %run_scoped3A = tpu.sem_alloc : memref<!tpu.dma_semaphore, #tpu.memory_space<semaphore_mem>>
      %dma_start3A = arith.constant 0 : i32
      %dma_start3A_76 = tpu.memref_slice %arg10[%add3A_63, %dma_start3A] : memref<10240x128xf32, #tpu.memory_space<vmem_shared>> -> memref<128x128xf32, #tpu.memory_space<vmem_shared>>
      %dma_start3A_77 = arith.constant 0 : i32
      %dma_start3A_78 = tpu.memref_slice %arg10[%add3A_63, %dma_start3A_77] : memref<10240x128xf32, #tpu.memory_space<vmem_shared>> -> memref<128x128xf32, #tpu.memory_space<vmem_shared>>
      tpu.enqueue_dma source(%dma_start3A_78 : memref<128x128xf32, #tpu.memory_space<vmem_shared>>) target(%arg8 : memref<128x128xf32, #tpu.memory_space<vmem>>) target_semaphore(%run_scoped3A : memref<!tpu.dma_semaphore, #tpu.memory_space<semaphore_mem>>)
      %dma_wait3A = arith.constant 0 : i32
      %dma_wait3A_79 = tpu.memref_slice %arg10[%add3A_63, %dma_wait3A] : memref<10240x128xf32, #tpu.memory_space<vmem_shared>> -> memref<128x128xf32, #tpu.memory_space<vmem_shared>>
      %dma_wait3A_80 = arith.constant 0 : i32
      %dma_wait3A_81 = tpu.memref_slice %arg10[%add3A_63, %dma_wait3A_80] : memref<10240x128xf32, #tpu.memory_space<vmem_shared>> -> memref<128x128xf32, #tpu.memory_space<vmem_shared>>
      tpu.wait_dma2 semaphore(%run_scoped3A : memref<!tpu.dma_semaphore, #tpu.memory_space<semaphore_mem>>) src(%dma_wait3A_81 : memref<128x128xf32, #tpu.memory_space<vmem_shared>>) dst(%arg8 : memref<128x128xf32, #tpu.memory_space<vmem>>)
      tpu.yield
    }) : () -> ()
    %mul3A_64 = arith.constant 10240 : i32
    %mul3A_65 = arith.muli %arg0, %mul3A_64 : i32
    %add3A_66 = arith.addi %mul3A_65, %mul3A_0 : i32
    %add3A_67 = arith.constant 384 : i32
    %add3A_68 = arith.addi %add3A_66, %add3A_67 : i32
    "tpu.region"() ({
      %run_scoped3A = tpu.sem_alloc : memref<!tpu.dma_semaphore, #tpu.memory_space<semaphore_mem>>
      %dma_start3A = arith.constant 0 : i32
      %dma_start3A_76 = tpu.memref_slice %arg5[%add3A_68, %dma_start3A] : memref<20480x128xf32, #tpu.memory_space<hbm>> -> memref<128x128xf32, #tpu.memory_space<hbm>>
      %dma_start3A_77 = arith.constant 0 : i32
      %dma_start3A_78 = tpu.memref_slice %arg5[%add3A_68, %dma_start3A_77] : memref<20480x128xf32, #tpu.memory_space<hbm>> -> memref<128x128xf32, #tpu.memory_space<hbm>>
      tpu.enqueue_dma source(%arg8 : memref<128x128xf32, #tpu.memory_space<vmem>>) target(%dma_start3A_78 : memref<128x128xf32, #tpu.memory_space<hbm>>) target_semaphore(%run_scoped3A : memref<!tpu.dma_semaphore, #tpu.memory_space<semaphore_mem>>)
      %dma_wait3A = arith.constant 0 : i32
      %dma_wait3A_79 = tpu.memref_slice %arg5[%add3A_68, %dma_wait3A] : memref<20480x128xf32, #tpu.memory_space<hbm>> -> memref<128x128xf32, #tpu.memory_space<hbm>>
      %dma_wait3A_80 = arith.constant 0 : i32
      %dma_wait3A_81 = tpu.memref_slice %arg5[%add3A_68, %dma_wait3A_80] : memref<20480x128xf32, #tpu.memory_space<hbm>> -> memref<128x128xf32, #tpu.memory_space<hbm>>
      tpu.wait_dma2 semaphore(%run_scoped3A : memref<!tpu.dma_semaphore, #tpu.memory_space<semaphore_mem>>) src(%arg8 : memref<128x128xf32, #tpu.memory_space<vmem>>) dst(%dma_wait3A_81 : memref<128x128xf32, #tpu.memory_space<hbm>>)
      tpu.yield
    }) : () -> ()
    %add3A_69 = arith.constant 512 : i32
    %add3A_70 = arith.addi %mul3A_0, %add3A_69 : i32
    "tpu.region"() ({
      %run_scoped3A = tpu.sem_alloc : memref<!tpu.dma_semaphore, #tpu.memory_space<semaphore_mem>>
      %dma_start3A = arith.constant 0 : i32
      %dma_start3A_76 = tpu.memref_slice %arg10[%add3A_70, %dma_start3A] : memref<10240x128xf32, #tpu.memory_space<vmem_shared>> -> memref<128x128xf32, #tpu.memory_space<vmem_shared>>
      %dma_start3A_77 = arith.constant 0 : i32
      %dma_start3A_78 = tpu.memref_slice %arg10[%add3A_70, %dma_start3A_77] : memref<10240x128xf32, #tpu.memory_space<vmem_shared>> -> memref<128x128xf32, #tpu.memory_space<vmem_shared>>
      tpu.enqueue_dma source(%dma_start3A_78 : memref<128x128xf32, #tpu.memory_space<vmem_shared>>) target(%arg8 : memref<128x128xf32, #tpu.memory_space<vmem>>) target_semaphore(%run_scoped3A : memref<!tpu.dma_semaphore, #tpu.memory_space<semaphore_mem>>)
      %dma_wait3A = arith.constant 0 : i32
      %dma_wait3A_79 = tpu.memref_slice %arg10[%add3A_70, %dma_wait3A] : memref<10240x128xf32, #tpu.memory_space<vmem_shared>> -> memref<128x128xf32, #tpu.memory_space<vmem_shared>>
      %dma_wait3A_80 = arith.constant 0 : i32
      %dma_wait3A_81 = tpu.memref_slice %arg10[%add3A_70, %dma_wait3A_80] : memref<10240x128xf32, #tpu.memory_space<vmem_shared>> -> memref<128x128xf32, #tpu.memory_space<vmem_shared>>
      tpu.wait_dma2 semaphore(%run_scoped3A : memref<!tpu.dma_semaphore, #tpu.memory_space<semaphore_mem>>) src(%dma_wait3A_81 : memref<128x128xf32, #tpu.memory_space<vmem_shared>>) dst(%arg8 : memref<128x128xf32, #tpu.memory_space<vmem>>)
      tpu.yield
    }) : () -> ()
    %mul3A_71 = arith.constant 10240 : i32
    %mul3A_72 = arith.muli %arg0, %mul3A_71 : i32
    %add3A_73 = arith.addi %mul3A_72, %mul3A_0 : i32
    %add3A_74 = arith.constant 512 : i32
    %add3A_75 = arith.addi %add3A_73, %add3A_74 : i32
    "tpu.region"() ({
      %run_scoped3A = tpu.sem_alloc : memref<!tpu.dma_semaphore, #tpu.memory_space<semaphore_mem>>
      %dma_start3A = arith.constant 0 : i32
      %dma_start3A_76 = tpu.memref_slice %arg5[%add3A_75, %dma_start3A] : memref<20480x128xf32, #tpu.memory_space<hbm>> -> memref<128x128xf32, #tpu.memory_space<hbm>>
      %dma_start3A_77 = arith.constant 0 : i32
      %dma_start3A_78 = tpu.memref_slice %arg5[%add3A_75, %dma_start3A_77] : memref<20480x128xf32, #tpu.memory_space<hbm>> -> memref<128x128xf32, #tpu.memory_space<hbm>>
      tpu.enqueue_dma source(%arg8 : memref<128x128xf32, #tpu.memory_space<vmem>>) target(%dma_start3A_78 : memref<128x128xf32, #tpu.memory_space<hbm>>) target_semaphore(%run_scoped3A : memref<!tpu.dma_semaphore, #tpu.memory_space<semaphore_mem>>)
      %dma_wait3A = arith.constant 0 : i32
      %dma_wait3A_79 = tpu.memref_slice %arg5[%add3A_75, %dma_wait3A] : memref<20480x128xf32, #tpu.memory_space<hbm>> -> memref<128x128xf32, #tpu.memory_space<hbm>>
      %dma_wait3A_80 = arith.constant 0 : i32
      %dma_wait3A_81 = tpu.memref_slice %arg5[%add3A_75, %dma_wait3A_80] : memref<20480x128xf32, #tpu.memory_space<hbm>> -> memref<128x128xf32, #tpu.memory_space<hbm>>
      tpu.wait_dma2 semaphore(%run_scoped3A : memref<!tpu.dma_semaphore, #tpu.memory_space<semaphore_mem>>) src(%arg8 : memref<128x128xf32, #tpu.memory_space<vmem>>) dst(%dma_wait3A_81 : memref<128x128xf32, #tpu.memory_space<hbm>>)
      tpu.yield
    }) : () -> ()
    return
  }
}

#map = affine_map<(d0, d1) -> (0, 0)>
#map1 = affine_map<(d0, d1) -> (0, 0, 0, 0)>
#map2 = affine_map<(d0, d1) -> (0, 0, 0)>
module attributes {stable_mosaic.version = 14 : i64} {
  func.func @prop_kernel(%arg0: i32, %arg1: i32, %arg2: memref<20480x128xf32, #tpu.memory_space<hbm>>, %arg3: memref<2x16x80x128xi32, #tpu.memory_space<hbm>>, %arg4: memref<16x80x128xi32, #tpu.memory_space<hbm>>, %arg5: memref<20480x128xf32, #tpu.memory_space<hbm>>, %arg6: memref<40x128xi32, #tpu.memory_space<vmem>>, %arg7: memref<40x128xi32, #tpu.memory_space<vmem>>, %arg8: memref<128x128xf32, #tpu.memory_space<vmem>>, %arg9: memref<128x128xf32, #tpu.memory_space<vmem>>, %arg10: memref<10240x128xf32, #tpu.memory_space<vmem_shared>>, %arg11: memref<!tpu.dma_semaphore, #tpu.memory_space<semaphore_mem>>, %arg12: memref<!tpu.dma_semaphore, #tpu.memory_space<semaphore_mem>>) attributes {dimension_semantics = [#tpu.dimension_semantics<core_parallel>, #tpu.dimension_semantics<subcore_parallel>], iteration_bounds = array<i64: 2, 16>, scalar_prefetch = 0 : i64, scratch_operands = 7 : i64, tpu.core_type = #tpu.core_type<sc_vector_subcore>, window_params = [{transform_indices = #map}, {transform_indices = #map1}, {transform_indices = #map2}, {transform_indices = #map}]} {
    %mul3A = arith.constant 640 : i32
    %mul3A_0 = arith.muli %arg1, %mul3A : i32
    %mul3A_1 = arith.constant 10240 : i32
    %mul3A_2 = arith.muli %arg0, %mul3A_1 : i32
    %add3A = arith.addi %mul3A_2, %mul3A_0 : i32
    %add3A_3 = arith.constant 0 : i32
    %add3A_4 = arith.addi %add3A, %add3A_3 : i32
    "tpu.region"() ({
      %run_scoped3A = tpu.sem_alloc : memref<!tpu.dma_semaphore, #tpu.memory_space<semaphore_mem>>
      %dma_start3A = arith.constant 0 : i32
      %dma_start3A_76 = tpu.memref_slice %arg2[%add3A_4, %dma_start3A] : memref<20480x128xf32, #tpu.memory_space<hbm>> -> memref<128x128xf32, #tpu.memory_space<hbm>>
      %dma_start3A_77 = arith.constant 0 : i32
      %dma_start3A_78 = tpu.memref_slice %arg2[%add3A_4, %dma_start3A_77] : memref<20480x128xf32, #tpu.memory_space<hbm>> -> memref<128x128xf32, #tpu.memory_space<hbm>>
      tpu.enqueue_dma source(%dma_start3A_78 : memref<128x128xf32, #tpu.memory_space<hbm>>) target(%arg8 : memref<128x128xf32, #tpu.memory_space<vmem>>) target_semaphore(%run_scoped3A : memref<!tpu.dma_semaphore, #tpu.memory_space<semaphore_mem>>)
      %dma_wait3A = arith.constant 0 : i32
      %dma_wait3A_79 = tpu.memref_slice %arg2[%add3A_4, %dma_wait3A] : memref<20480x128xf32, #tpu.memory_space<hbm>> -> memref<128x128xf32, #tpu.memory_space<hbm>>
      %dma_wait3A_80 = arith.constant 0 : i32
      %dma_wait3A_81 = tpu.memref_slice %arg2[%add3A_4, %dma_wait3A_80] : memref<20480x128xf32, #tpu.memory_space<hbm>> -> memref<128x128xf32, #tpu.memory_space<hbm>>
      tpu.wait_dma2 semaphore(%run_scoped3A : memref<!tpu.dma_semaphore, #tpu.memory_space<semaphore_mem>>) src(%dma_wait3A_81 : memref<128x128xf32, #tpu.memory_space<hbm>>) dst(%arg8 : memref<128x128xf32, #tpu.memory_space<vmem>>)
      tpu.yield
    }) : () -> ()
    %add3A_5 = arith.constant 0 : i32
    %add3A_6 = arith.addi %mul3A_0, %add3A_5 : i32
    "tpu.region"() ({
      %run_scoped3A = tpu.sem_alloc : memref<!tpu.dma_semaphore, #tpu.memory_space<semaphore_mem>>
      %dma_start3A = arith.constant 0 : i32
      %dma_start3A_76 = tpu.memref_slice %arg10[%add3A_6, %dma_start3A] : memref<10240x128xf32, #tpu.memory_space<vmem_shared>> -> memref<128x128xf32, #tpu.memory_space<vmem_shared>>
      %dma_start3A_77 = arith.constant 0 : i32
      %dma_start3A_78 = tpu.memref_slice %arg10[%add3A_6, %dma_start3A_77] : memref<10240x128xf32, #tpu.memory_space<vmem_shared>> -> memref<128x128xf32, #tpu.memory_space<vmem_shared>>
      tpu.enqueue_dma source(%arg8 : memref<128x128xf32, #tpu.memory_space<vmem>>) target(%dma_start3A_78 : memref<128x128xf32, #tpu.memory_space<vmem_shared>>) target_semaphore(%run_scoped3A : memref<!tpu.dma_semaphore, #tpu.memory_space<semaphore_mem>>)
      %dma_wait3A = arith.constant 0 : i32
      %dma_wait3A_79 = tpu.memref_slice %arg10[%add3A_6, %dma_wait3A] : memref<10240x128xf32, #tpu.memory_space<vmem_shared>> -> memref<128x128xf32, #tpu.memory_space<vmem_shared>>
      %dma_wait3A_80 = arith.constant 0 : i32
      %dma_wait3A_81 = tpu.memref_slice %arg10[%add3A_6, %dma_wait3A_80] : memref<10240x128xf32, #tpu.memory_space<vmem_shared>> -> memref<128x128xf32, #tpu.memory_space<vmem_shared>>
      tpu.wait_dma2 semaphore(%run_scoped3A : memref<!tpu.dma_semaphore, #tpu.memory_space<semaphore_mem>>) src(%arg8 : memref<128x128xf32, #tpu.memory_space<vmem>>) dst(%dma_wait3A_81 : memref<128x128xf32, #tpu.memory_space<vmem_shared>>)
      tpu.yield
    }) : () -> ()
    %mul3A_7 = arith.constant 10240 : i32
    %mul3A_8 = arith.muli %arg0, %mul3A_7 : i32
    %add3A_9 = arith.addi %mul3A_8, %mul3A_0 : i32
    %add3A_10 = arith.constant 128 : i32
    %add3A_11 = arith.addi %add3A_9, %add3A_10 : i32
    "tpu.region"() ({
      %run_scoped3A = tpu.sem_alloc : memref<!tpu.dma_semaphore, #tpu.memory_space<semaphore_mem>>
      %dma_start3A = arith.constant 0 : i32
      %dma_start3A_76 = tpu.memref_slice %arg2[%add3A_11, %dma_start3A] : memref<20480x128xf32, #tpu.memory_space<hbm>> -> memref<128x128xf32, #tpu.memory_space<hbm>>
      %dma_start3A_77 = arith.constant 0 : i32
      %dma_start3A_78 = tpu.memref_slice %arg2[%add3A_11, %dma_start3A_77] : memref<20480x128xf32, #tpu.memory_space<hbm>> -> memref<128x128xf32, #tpu.memory_space<hbm>>
      tpu.enqueue_dma source(%dma_start3A_78 : memref<128x128xf32, #tpu.memory_space<hbm>>) target(%arg8 : memref<128x128xf32, #tpu.memory_space<vmem>>) target_semaphore(%run_scoped3A : memref<!tpu.dma_semaphore, #tpu.memory_space<semaphore_mem>>)
      %dma_wait3A = arith.constant 0 : i32
      %dma_wait3A_79 = tpu.memref_slice %arg2[%add3A_11, %dma_wait3A] : memref<20480x128xf32, #tpu.memory_space<hbm>> -> memref<128x128xf32, #tpu.memory_space<hbm>>
      %dma_wait3A_80 = arith.constant 0 : i32
      %dma_wait3A_81 = tpu.memref_slice %arg2[%add3A_11, %dma_wait3A_80] : memref<20480x128xf32, #tpu.memory_space<hbm>> -> memref<128x128xf32, #tpu.memory_space<hbm>>
      tpu.wait_dma2 semaphore(%run_scoped3A : memref<!tpu.dma_semaphore, #tpu.memory_space<semaphore_mem>>) src(%dma_wait3A_81 : memref<128x128xf32, #tpu.memory_space<hbm>>) dst(%arg8 : memref<128x128xf32, #tpu.memory_space<vmem>>)
      tpu.yield
    }) : () -> ()
    %add3A_12 = arith.constant 128 : i32
    %add3A_13 = arith.addi %mul3A_0, %add3A_12 : i32
    "tpu.region"() ({
      %run_scoped3A = tpu.sem_alloc : memref<!tpu.dma_semaphore, #tpu.memory_space<semaphore_mem>>
      %dma_start3A = arith.constant 0 : i32
      %dma_start3A_76 = tpu.memref_slice %arg10[%add3A_13, %dma_start3A] : memref<10240x128xf32, #tpu.memory_space<vmem_shared>> -> memref<128x128xf32, #tpu.memory_space<vmem_shared>>
      %dma_start3A_77 = arith.constant 0 : i32
      %dma_start3A_78 = tpu.memref_slice %arg10[%add3A_13, %dma_start3A_77] : memref<10240x128xf32, #tpu.memory_space<vmem_shared>> -> memref<128x128xf32, #tpu.memory_space<vmem_shared>>
      tpu.enqueue_dma source(%arg8 : memref<128x128xf32, #tpu.memory_space<vmem>>) target(%dma_start3A_78 : memref<128x128xf32, #tpu.memory_space<vmem_shared>>) target_semaphore(%run_scoped3A : memref<!tpu.dma_semaphore, #tpu.memory_space<semaphore_mem>>)
      %dma_wait3A = arith.constant 0 : i32
      %dma_wait3A_79 = tpu.memref_slice %arg10[%add3A_13, %dma_wait3A] : memref<10240x128xf32, #tpu.memory_space<vmem_shared>> -> memref<128x128xf32, #tpu.memory_space<vmem_shared>>
      %dma_wait3A_80 = arith.constant 0 : i32
      %dma_wait3A_81 = tpu.memref_slice %arg10[%add3A_13, %dma_wait3A_80] : memref<10240x128xf32, #tpu.memory_space<vmem_shared>> -> memref<128x128xf32, #tpu.memory_space<vmem_shared>>
      tpu.wait_dma2 semaphore(%run_scoped3A : memref<!tpu.dma_semaphore, #tpu.memory_space<semaphore_mem>>) src(%arg8 : memref<128x128xf32, #tpu.memory_space<vmem>>) dst(%dma_wait3A_81 : memref<128x128xf32, #tpu.memory_space<vmem_shared>>)
      tpu.yield
    }) : () -> ()
    %mul3A_14 = arith.constant 10240 : i32
    %mul3A_15 = arith.muli %arg0, %mul3A_14 : i32
    %add3A_16 = arith.addi %mul3A_15, %mul3A_0 : i32
    %add3A_17 = arith.constant 256 : i32
    %add3A_18 = arith.addi %add3A_16, %add3A_17 : i32
    "tpu.region"() ({
      %run_scoped3A = tpu.sem_alloc : memref<!tpu.dma_semaphore, #tpu.memory_space<semaphore_mem>>
      %dma_start3A = arith.constant 0 : i32
      %dma_start3A_76 = tpu.memref_slice %arg2[%add3A_18, %dma_start3A] : memref<20480x128xf32, #tpu.memory_space<hbm>> -> memref<128x128xf32, #tpu.memory_space<hbm>>
      %dma_start3A_77 = arith.constant 0 : i32
      %dma_start3A_78 = tpu.memref_slice %arg2[%add3A_18, %dma_start3A_77] : memref<20480x128xf32, #tpu.memory_space<hbm>> -> memref<128x128xf32, #tpu.memory_space<hbm>>
      tpu.enqueue_dma source(%dma_start3A_78 : memref<128x128xf32, #tpu.memory_space<hbm>>) target(%arg8 : memref<128x128xf32, #tpu.memory_space<vmem>>) target_semaphore(%run_scoped3A : memref<!tpu.dma_semaphore, #tpu.memory_space<semaphore_mem>>)
      %dma_wait3A = arith.constant 0 : i32
      %dma_wait3A_79 = tpu.memref_slice %arg2[%add3A_18, %dma_wait3A] : memref<20480x128xf32, #tpu.memory_space<hbm>> -> memref<128x128xf32, #tpu.memory_space<hbm>>
      %dma_wait3A_80 = arith.constant 0 : i32
      %dma_wait3A_81 = tpu.memref_slice %arg2[%add3A_18, %dma_wait3A_80] : memref<20480x128xf32, #tpu.memory_space<hbm>> -> memref<128x128xf32, #tpu.memory_space<hbm>>
      tpu.wait_dma2 semaphore(%run_scoped3A : memref<!tpu.dma_semaphore, #tpu.memory_space<semaphore_mem>>) src(%dma_wait3A_81 : memref<128x128xf32, #tpu.memory_space<hbm>>) dst(%arg8 : memref<128x128xf32, #tpu.memory_space<vmem>>)
      tpu.yield
    }) : () -> ()
    %add3A_19 = arith.constant 256 : i32
    %add3A_20 = arith.addi %mul3A_0, %add3A_19 : i32
    "tpu.region"() ({
      %run_scoped3A = tpu.sem_alloc : memref<!tpu.dma_semaphore, #tpu.memory_space<semaphore_mem>>
      %dma_start3A = arith.constant 0 : i32
      %dma_start3A_76 = tpu.memref_slice %arg10[%add3A_20, %dma_start3A] : memref<10240x128xf32, #tpu.memory_space<vmem_shared>> -> memref<128x128xf32, #tpu.memory_space<vmem_shared>>
      %dma_start3A_77 = arith.constant 0 : i32
      %dma_start3A_78 = tpu.memref_slice %arg10[%add3A_20, %dma_start3A_77] : memref<10240x128xf32, #tpu.memory_space<vmem_shared>> -> memref<128x128xf32, #tpu.memory_space<vmem_shared>>
      tpu.enqueue_dma source(%arg8 : memref<128x128xf32, #tpu.memory_space<vmem>>) target(%dma_start3A_78 : memref<128x128xf32, #tpu.memory_space<vmem_shared>>) target_semaphore(%run_scoped3A : memref<!tpu.dma_semaphore, #tpu.memory_space<semaphore_mem>>)
      %dma_wait3A = arith.constant 0 : i32
      %dma_wait3A_79 = tpu.memref_slice %arg10[%add3A_20, %dma_wait3A] : memref<10240x128xf32, #tpu.memory_space<vmem_shared>> -> memref<128x128xf32, #tpu.memory_space<vmem_shared>>
      %dma_wait3A_80 = arith.constant 0 : i32
      %dma_wait3A_81 = tpu.memref_slice %arg10[%add3A_20, %dma_wait3A_80] : memref<10240x128xf32, #tpu.memory_space<vmem_shared>> -> memref<128x128xf32, #tpu.memory_space<vmem_shared>>
      tpu.wait_dma2 semaphore(%run_scoped3A : memref<!tpu.dma_semaphore, #tpu.memory_space<semaphore_mem>>) src(%arg8 : memref<128x128xf32, #tpu.memory_space<vmem>>) dst(%dma_wait3A_81 : memref<128x128xf32, #tpu.memory_space<vmem_shared>>)
      tpu.yield
    }) : () -> ()
    %mul3A_21 = arith.constant 10240 : i32
    %mul3A_22 = arith.muli %arg0, %mul3A_21 : i32
    %add3A_23 = arith.addi %mul3A_22, %mul3A_0 : i32
    %add3A_24 = arith.constant 384 : i32
    %add3A_25 = arith.addi %add3A_23, %add3A_24 : i32
    "tpu.region"() ({
      %run_scoped3A = tpu.sem_alloc : memref<!tpu.dma_semaphore, #tpu.memory_space<semaphore_mem>>
      %dma_start3A = arith.constant 0 : i32
      %dma_start3A_76 = tpu.memref_slice %arg2[%add3A_25, %dma_start3A] : memref<20480x128xf32, #tpu.memory_space<hbm>> -> memref<128x128xf32, #tpu.memory_space<hbm>>
      %dma_start3A_77 = arith.constant 0 : i32
      %dma_start3A_78 = tpu.memref_slice %arg2[%add3A_25, %dma_start3A_77] : memref<20480x128xf32, #tpu.memory_space<hbm>> -> memref<128x128xf32, #tpu.memory_space<hbm>>
      tpu.enqueue_dma source(%dma_start3A_78 : memref<128x128xf32, #tpu.memory_space<hbm>>) target(%arg8 : memref<128x128xf32, #tpu.memory_space<vmem>>) target_semaphore(%run_scoped3A : memref<!tpu.dma_semaphore, #tpu.memory_space<semaphore_mem>>)
      %dma_wait3A = arith.constant 0 : i32
      %dma_wait3A_79 = tpu.memref_slice %arg2[%add3A_25, %dma_wait3A] : memref<20480x128xf32, #tpu.memory_space<hbm>> -> memref<128x128xf32, #tpu.memory_space<hbm>>
      %dma_wait3A_80 = arith.constant 0 : i32
      %dma_wait3A_81 = tpu.memref_slice %arg2[%add3A_25, %dma_wait3A_80] : memref<20480x128xf32, #tpu.memory_space<hbm>> -> memref<128x128xf32, #tpu.memory_space<hbm>>
      tpu.wait_dma2 semaphore(%run_scoped3A : memref<!tpu.dma_semaphore, #tpu.memory_space<semaphore_mem>>) src(%dma_wait3A_81 : memref<128x128xf32, #tpu.memory_space<hbm>>) dst(%arg8 : memref<128x128xf32, #tpu.memory_space<vmem>>)
      tpu.yield
    }) : () -> ()
    %add3A_26 = arith.constant 384 : i32
    %add3A_27 = arith.addi %mul3A_0, %add3A_26 : i32
    "tpu.region"() ({
      %run_scoped3A = tpu.sem_alloc : memref<!tpu.dma_semaphore, #tpu.memory_space<semaphore_mem>>
      %dma_start3A = arith.constant 0 : i32
      %dma_start3A_76 = tpu.memref_slice %arg10[%add3A_27, %dma_start3A] : memref<10240x128xf32, #tpu.memory_space<vmem_shared>> -> memref<128x128xf32, #tpu.memory_space<vmem_shared>>
      %dma_start3A_77 = arith.constant 0 : i32
      %dma_start3A_78 = tpu.memref_slice %arg10[%add3A_27, %dma_start3A_77] : memref<10240x128xf32, #tpu.memory_space<vmem_shared>> -> memref<128x128xf32, #tpu.memory_space<vmem_shared>>
      tpu.enqueue_dma source(%arg8 : memref<128x128xf32, #tpu.memory_space<vmem>>) target(%dma_start3A_78 : memref<128x128xf32, #tpu.memory_space<vmem_shared>>) target_semaphore(%run_scoped3A : memref<!tpu.dma_semaphore, #tpu.memory_space<semaphore_mem>>)
      %dma_wait3A = arith.constant 0 : i32
      %dma_wait3A_79 = tpu.memref_slice %arg10[%add3A_27, %dma_wait3A] : memref<10240x128xf32, #tpu.memory_space<vmem_shared>> -> memref<128x128xf32, #tpu.memory_space<vmem_shared>>
      %dma_wait3A_80 = arith.constant 0 : i32
      %dma_wait3A_81 = tpu.memref_slice %arg10[%add3A_27, %dma_wait3A_80] : memref<10240x128xf32, #tpu.memory_space<vmem_shared>> -> memref<128x128xf32, #tpu.memory_space<vmem_shared>>
      tpu.wait_dma2 semaphore(%run_scoped3A : memref<!tpu.dma_semaphore, #tpu.memory_space<semaphore_mem>>) src(%arg8 : memref<128x128xf32, #tpu.memory_space<vmem>>) dst(%dma_wait3A_81 : memref<128x128xf32, #tpu.memory_space<vmem_shared>>)
      tpu.yield
    }) : () -> ()
    %mul3A_28 = arith.constant 10240 : i32
    %mul3A_29 = arith.muli %arg0, %mul3A_28 : i32
    %add3A_30 = arith.addi %mul3A_29, %mul3A_0 : i32
    %add3A_31 = arith.constant 512 : i32
    %add3A_32 = arith.addi %add3A_30, %add3A_31 : i32
    "tpu.region"() ({
      %run_scoped3A = tpu.sem_alloc : memref<!tpu.dma_semaphore, #tpu.memory_space<semaphore_mem>>
      %dma_start3A = arith.constant 0 : i32
      %dma_start3A_76 = tpu.memref_slice %arg2[%add3A_32, %dma_start3A] : memref<20480x128xf32, #tpu.memory_space<hbm>> -> memref<128x128xf32, #tpu.memory_space<hbm>>
      %dma_start3A_77 = arith.constant 0 : i32
      %dma_start3A_78 = tpu.memref_slice %arg2[%add3A_32, %dma_start3A_77] : memref<20480x128xf32, #tpu.memory_space<hbm>> -> memref<128x128xf32, #tpu.memory_space<hbm>>
      tpu.enqueue_dma source(%dma_start3A_78 : memref<128x128xf32, #tpu.memory_space<hbm>>) target(%arg8 : memref<128x128xf32, #tpu.memory_space<vmem>>) target_semaphore(%run_scoped3A : memref<!tpu.dma_semaphore, #tpu.memory_space<semaphore_mem>>)
      %dma_wait3A = arith.constant 0 : i32
      %dma_wait3A_79 = tpu.memref_slice %arg2[%add3A_32, %dma_wait3A] : memref<20480x128xf32, #tpu.memory_space<hbm>> -> memref<128x128xf32, #tpu.memory_space<hbm>>
      %dma_wait3A_80 = arith.constant 0 : i32
      %dma_wait3A_81 = tpu.memref_slice %arg2[%add3A_32, %dma_wait3A_80] : memref<20480x128xf32, #tpu.memory_space<hbm>> -> memref<128x128xf32, #tpu.memory_space<hbm>>
      tpu.wait_dma2 semaphore(%run_scoped3A : memref<!tpu.dma_semaphore, #tpu.memory_space<semaphore_mem>>) src(%dma_wait3A_81 : memref<128x128xf32, #tpu.memory_space<hbm>>) dst(%arg8 : memref<128x128xf32, #tpu.memory_space<vmem>>)
      tpu.yield
    }) : () -> ()
    %add3A_33 = arith.constant 512 : i32
    %add3A_34 = arith.addi %mul3A_0, %add3A_33 : i32
    "tpu.region"() ({
      %run_scoped3A = tpu.sem_alloc : memref<!tpu.dma_semaphore, #tpu.memory_space<semaphore_mem>>
      %dma_start3A = arith.constant 0 : i32
      %dma_start3A_76 = tpu.memref_slice %arg10[%add3A_34, %dma_start3A] : memref<10240x128xf32, #tpu.memory_space<vmem_shared>> -> memref<128x128xf32, #tpu.memory_space<vmem_shared>>
      %dma_start3A_77 = arith.constant 0 : i32
      %dma_start3A_78 = tpu.memref_slice %arg10[%add3A_34, %dma_start3A_77] : memref<10240x128xf32, #tpu.memory_space<vmem_shared>> -> memref<128x128xf32, #tpu.memory_space<vmem_shared>>
      tpu.enqueue_dma source(%arg8 : memref<128x128xf32, #tpu.memory_space<vmem>>) target(%dma_start3A_78 : memref<128x128xf32, #tpu.memory_space<vmem_shared>>) target_semaphore(%run_scoped3A : memref<!tpu.dma_semaphore, #tpu.memory_space<semaphore_mem>>)
      %dma_wait3A = arith.constant 0 : i32
      %dma_wait3A_79 = tpu.memref_slice %arg10[%add3A_34, %dma_wait3A] : memref<10240x128xf32, #tpu.memory_space<vmem_shared>> -> memref<128x128xf32, #tpu.memory_space<vmem_shared>>
      %dma_wait3A_80 = arith.constant 0 : i32
      %dma_wait3A_81 = tpu.memref_slice %arg10[%add3A_34, %dma_wait3A_80] : memref<10240x128xf32, #tpu.memory_space<vmem_shared>> -> memref<128x128xf32, #tpu.memory_space<vmem_shared>>
      tpu.wait_dma2 semaphore(%run_scoped3A : memref<!tpu.dma_semaphore, #tpu.memory_space<semaphore_mem>>) src(%arg8 : memref<128x128xf32, #tpu.memory_space<vmem>>) dst(%dma_wait3A_81 : memref<128x128xf32, #tpu.memory_space<vmem_shared>>)
      tpu.yield
    }) : () -> ()
    %barrier3A = arith.constant 0 : index
    tpu.barrier barrier_id(%barrier3A)
    %scan3A = arith.constant 0 : i32
    %scan3A_35 = arith.constant 0 : i32
    %scan3A_36 = arith.constant 2 : i32
    %scan3A_37 = arith.addi %scan3A_35, %scan3A_36 : i32
    %scan3A_38 = arith.constant 1 : i32
    scf.for %scan3A_76 = %scan3A_35 to %scan3A_37 step %scan3A_38  : i32 {
      %mul3A_77 = arith.constant 40 : i32
      %mul3A_78 = arith.muli %scan3A_76, %mul3A_77 : i32
      "tpu.region"() ({
        %run_scoped3A = tpu.sem_alloc : memref<!tpu.dma_semaphore, #tpu.memory_space<semaphore_mem>>
        %dma_start3A = arith.constant 0 : i32
        %dma_start3A_87 = arith.constant 0 : i32
        %dma_start3A_88 = arith.constant 0 : i32
        %dma_start3A_89 = tpu.memref_slice %arg3[%arg0, %dma_start3A, %dma_start3A_87, %dma_start3A_88] : memref<2x16x80x128xi32, #tpu.memory_space<hbm>> -> memref<1x16x80x128xi32, #tpu.memory_space<hbm>>
        %dma_start3A_90 = tpu.memref_squeeze %dma_start3A_89 : memref<1x16x80x128xi32, #tpu.memory_space<hbm>> -> memref<16x80x128xi32, #tpu.memory_space<hbm>>
        %dma_start3A_91 = arith.constant 0 : i32
        %dma_start3A_92 = arith.constant 0 : i32
        %dma_start3A_93 = tpu.memref_slice %dma_start3A_90[%arg1, %dma_start3A_91, %dma_start3A_92] : memref<16x80x128xi32, #tpu.memory_space<hbm>> -> memref<1x80x128xi32, #tpu.memory_space<hbm>>
        %dma_start3A_94 = tpu.memref_squeeze %dma_start3A_93 : memref<1x80x128xi32, #tpu.memory_space<hbm>> -> memref<80x128xi32, #tpu.memory_space<hbm>>
        %dma_start3A_95 = arith.constant 0 : i32
        %dma_start3A_96 = tpu.memref_slice %dma_start3A_94[%mul3A_78, %dma_start3A_95] : memref<80x128xi32, #tpu.memory_space<hbm>> -> memref<40x128xi32, #tpu.memory_space<hbm>>
        %dma_start3A_97 = arith.constant 0 : i32
        %dma_start3A_98 = arith.constant 0 : i32
        %dma_start3A_99 = arith.constant 0 : i32
        %dma_start3A_100 = tpu.memref_slice %arg3[%arg0, %dma_start3A_97, %dma_start3A_98, %dma_start3A_99] : memref<2x16x80x128xi32, #tpu.memory_space<hbm>> -> memref<1x16x80x128xi32, #tpu.memory_space<hbm>>
        %dma_start3A_101 = tpu.memref_squeeze %dma_start3A_100 : memref<1x16x80x128xi32, #tpu.memory_space<hbm>> -> memref<16x80x128xi32, #tpu.memory_space<hbm>>
        %dma_start3A_102 = arith.constant 0 : i32
        %dma_start3A_103 = arith.constant 0 : i32
        %dma_start3A_104 = tpu.memref_slice %dma_start3A_101[%arg1, %dma_start3A_102, %dma_start3A_103] : memref<16x80x128xi32, #tpu.memory_space<hbm>> -> memref<1x80x128xi32, #tpu.memory_space<hbm>>
        %dma_start3A_105 = tpu.memref_squeeze %dma_start3A_104 : memref<1x80x128xi32, #tpu.memory_space<hbm>> -> memref<80x128xi32, #tpu.memory_space<hbm>>
        %dma_start3A_106 = arith.constant 0 : i32
        %dma_start3A_107 = tpu.memref_slice %dma_start3A_105[%mul3A_78, %dma_start3A_106] : memref<80x128xi32, #tpu.memory_space<hbm>> -> memref<40x128xi32, #tpu.memory_space<hbm>>
        tpu.enqueue_dma source(%dma_start3A_107 : memref<40x128xi32, #tpu.memory_space<hbm>>) target(%arg6 : memref<40x128xi32, #tpu.memory_space<vmem>>) target_semaphore(%run_scoped3A : memref<!tpu.dma_semaphore, #tpu.memory_space<semaphore_mem>>)
        %dma_wait3A = arith.constant 0 : i32
        %dma_wait3A_108 = arith.constant 0 : i32
        %dma_wait3A_109 = arith.constant 0 : i32
        %dma_wait3A_110 = tpu.memref_slice %arg3[%arg0, %dma_wait3A, %dma_wait3A_108, %dma_wait3A_109] : memref<2x16x80x128xi32, #tpu.memory_space<hbm>> -> memref<1x16x80x128xi32, #tpu.memory_space<hbm>>
        %dma_wait3A_111 = tpu.memref_squeeze %dma_wait3A_110 : memref<1x16x80x128xi32, #tpu.memory_space<hbm>> -> memref<16x80x128xi32, #tpu.memory_space<hbm>>
        %dma_wait3A_112 = arith.constant 0 : i32
        %dma_wait3A_113 = arith.constant 0 : i32
        %dma_wait3A_114 = tpu.memref_slice %dma_wait3A_111[%arg1, %dma_wait3A_112, %dma_wait3A_113] : memref<16x80x128xi32, #tpu.memory_space<hbm>> -> memref<1x80x128xi32, #tpu.memory_space<hbm>>
        %dma_wait3A_115 = tpu.memref_squeeze %dma_wait3A_114 : memref<1x80x128xi32, #tpu.memory_space<hbm>> -> memref<80x128xi32, #tpu.memory_space<hbm>>
        %dma_wait3A_116 = arith.constant 0 : i32
        %dma_wait3A_117 = tpu.memref_slice %dma_wait3A_115[%mul3A_78, %dma_wait3A_116] : memref<80x128xi32, #tpu.memory_space<hbm>> -> memref<40x128xi32, #tpu.memory_space<hbm>>
        %dma_wait3A_118 = arith.constant 0 : i32
        %dma_wait3A_119 = arith.constant 0 : i32
        %dma_wait3A_120 = arith.constant 0 : i32
        %dma_wait3A_121 = tpu.memref_slice %arg3[%arg0, %dma_wait3A_118, %dma_wait3A_119, %dma_wait3A_120] : memref<2x16x80x128xi32, #tpu.memory_space<hbm>> -> memref<1x16x80x128xi32, #tpu.memory_space<hbm>>
        %dma_wait3A_122 = tpu.memref_squeeze %dma_wait3A_121 : memref<1x16x80x128xi32, #tpu.memory_space<hbm>> -> memref<16x80x128xi32, #tpu.memory_space<hbm>>
        %dma_wait3A_123 = arith.constant 0 : i32
        %dma_wait3A_124 = arith.constant 0 : i32
        %dma_wait3A_125 = tpu.memref_slice %dma_wait3A_122[%arg1, %dma_wait3A_123, %dma_wait3A_124] : memref<16x80x128xi32, #tpu.memory_space<hbm>> -> memref<1x80x128xi32, #tpu.memory_space<hbm>>
        %dma_wait3A_126 = tpu.memref_squeeze %dma_wait3A_125 : memref<1x80x128xi32, #tpu.memory_space<hbm>> -> memref<80x128xi32, #tpu.memory_space<hbm>>
        %dma_wait3A_127 = arith.constant 0 : i32
        %dma_wait3A_128 = tpu.memref_slice %dma_wait3A_126[%mul3A_78, %dma_wait3A_127] : memref<80x128xi32, #tpu.memory_space<hbm>> -> memref<40x128xi32, #tpu.memory_space<hbm>>
        tpu.wait_dma2 semaphore(%run_scoped3A : memref<!tpu.dma_semaphore, #tpu.memory_space<semaphore_mem>>) src(%dma_wait3A_128 : memref<40x128xi32, #tpu.memory_space<hbm>>) dst(%arg6 : memref<40x128xi32, #tpu.memory_space<vmem>>)
        tpu.yield
      }) : () -> ()
      %mul3A_79 = arith.constant 40 : i32
      %mul3A_80 = arith.muli %scan3A_76, %mul3A_79 : i32
      "tpu.region"() ({
        %run_scoped3A = tpu.sem_alloc : memref<!tpu.dma_semaphore, #tpu.memory_space<semaphore_mem>>
        %dma_start3A = arith.constant 0 : i32
        %dma_start3A_87 = arith.constant 0 : i32
        %dma_start3A_88 = tpu.memref_slice %arg4[%arg1, %dma_start3A, %dma_start3A_87] : memref<16x80x128xi32, #tpu.memory_space<hbm>> -> memref<1x80x128xi32, #tpu.memory_space<hbm>>
        %dma_start3A_89 = tpu.memref_squeeze %dma_start3A_88 : memref<1x80x128xi32, #tpu.memory_space<hbm>> -> memref<80x128xi32, #tpu.memory_space<hbm>>
        %dma_start3A_90 = arith.constant 0 : i32
        %dma_start3A_91 = tpu.memref_slice %dma_start3A_89[%mul3A_80, %dma_start3A_90] : memref<80x128xi32, #tpu.memory_space<hbm>> -> memref<40x128xi32, #tpu.memory_space<hbm>>
        %dma_start3A_92 = arith.constant 0 : i32
        %dma_start3A_93 = arith.constant 0 : i32
        %dma_start3A_94 = tpu.memref_slice %arg4[%arg1, %dma_start3A_92, %dma_start3A_93] : memref<16x80x128xi32, #tpu.memory_space<hbm>> -> memref<1x80x128xi32, #tpu.memory_space<hbm>>
        %dma_start3A_95 = tpu.memref_squeeze %dma_start3A_94 : memref<1x80x128xi32, #tpu.memory_space<hbm>> -> memref<80x128xi32, #tpu.memory_space<hbm>>
        %dma_start3A_96 = arith.constant 0 : i32
        %dma_start3A_97 = tpu.memref_slice %dma_start3A_95[%mul3A_80, %dma_start3A_96] : memref<80x128xi32, #tpu.memory_space<hbm>> -> memref<40x128xi32, #tpu.memory_space<hbm>>
        tpu.enqueue_dma source(%dma_start3A_97 : memref<40x128xi32, #tpu.memory_space<hbm>>) target(%arg7 : memref<40x128xi32, #tpu.memory_space<vmem>>) target_semaphore(%run_scoped3A : memref<!tpu.dma_semaphore, #tpu.memory_space<semaphore_mem>>)
        %dma_wait3A = arith.constant 0 : i32
        %dma_wait3A_98 = arith.constant 0 : i32
        %dma_wait3A_99 = tpu.memref_slice %arg4[%arg1, %dma_wait3A, %dma_wait3A_98] : memref<16x80x128xi32, #tpu.memory_space<hbm>> -> memref<1x80x128xi32, #tpu.memory_space<hbm>>
        %dma_wait3A_100 = tpu.memref_squeeze %dma_wait3A_99 : memref<1x80x128xi32, #tpu.memory_space<hbm>> -> memref<80x128xi32, #tpu.memory_space<hbm>>
        %dma_wait3A_101 = arith.constant 0 : i32
        %dma_wait3A_102 = tpu.memref_slice %dma_wait3A_100[%mul3A_80, %dma_wait3A_101] : memref<80x128xi32, #tpu.memory_space<hbm>> -> memref<40x128xi32, #tpu.memory_space<hbm>>
        %dma_wait3A_103 = arith.constant 0 : i32
        %dma_wait3A_104 = arith.constant 0 : i32
        %dma_wait3A_105 = tpu.memref_slice %arg4[%arg1, %dma_wait3A_103, %dma_wait3A_104] : memref<16x80x128xi32, #tpu.memory_space<hbm>> -> memref<1x80x128xi32, #tpu.memory_space<hbm>>
        %dma_wait3A_106 = tpu.memref_squeeze %dma_wait3A_105 : memref<1x80x128xi32, #tpu.memory_space<hbm>> -> memref<80x128xi32, #tpu.memory_space<hbm>>
        %dma_wait3A_107 = arith.constant 0 : i32
        %dma_wait3A_108 = tpu.memref_slice %dma_wait3A_106[%mul3A_80, %dma_wait3A_107] : memref<80x128xi32, #tpu.memory_space<hbm>> -> memref<40x128xi32, #tpu.memory_space<hbm>>
        tpu.wait_dma2 semaphore(%run_scoped3A : memref<!tpu.dma_semaphore, #tpu.memory_space<semaphore_mem>>) src(%dma_wait3A_108 : memref<40x128xi32, #tpu.memory_space<hbm>>) dst(%arg7 : memref<40x128xi32, #tpu.memory_space<vmem>>)
        tpu.yield
      }) : () -> ()
      %scan3A_81 = arith.constant 0 : i32
      %scan3A_82 = arith.constant 0 : i32
      %scan3A_83 = arith.constant 20 : i32
      %scan3A_84 = arith.addi %scan3A_82, %scan3A_83 : i32
      %scan3A_85 = arith.constant 1 : i32
      scf.for %scan3A_87 = %scan3A_82 to %scan3A_84 step %scan3A_85  : i32 {
        %mul3A_88 = arith.constant 2 : i32
        %mul3A_89 = arith.muli %mul3A_88, %scan3A_87 : i32
        %dma_start3A = arith.constant 0 : i32
        %dma_start3A_90 = tpu.memref_slice %arg6[%mul3A_89, %dma_start3A] : memref<40x128xi32, #tpu.memory_space<vmem>> -> memref<1x128xi32, #tpu.memory_space<vmem>>
        %dma_start3A_91 = tpu.memref_squeeze %dma_start3A_90 : memref<1x128xi32, #tpu.memory_space<vmem>> -> memref<128xi32, #tpu.memory_space<vmem>>
        %dma_start3A_92 = arith.constant 0 : i32
        %dma_start3A_93 = arith.constant 0 : i32
        %dma_start3A_94 = tpu.memref_slice %arg2[%dma_start3A_92, %dma_start3A_93] : memref<20480x128xf32, #tpu.memory_space<hbm>> -> memref<20480x128xf32, #tpu.memory_space<hbm>>
        tpu.enqueue_indirect_dma source(%dma_start3A_94 : memref<20480x128xf32, #tpu.memory_space<hbm>>) target(%arg8 : memref<128x128xf32, #tpu.memory_space<vmem>>) offsets(%dma_start3A_91 : memref<128xi32, #tpu.memory_space<vmem>>) semaphore(%arg11 : memref<!tpu.dma_semaphore, #tpu.memory_space<semaphore_mem>>)
        %add3A_95 = arith.constant 1 : i32
        %add3A_96 = arith.addi %mul3A_89, %add3A_95 : i32
        %dma_start3A_97 = arith.constant 0 : i32
        %dma_start3A_98 = tpu.memref_slice %arg6[%add3A_96, %dma_start3A_97] : memref<40x128xi32, #tpu.memory_space<vmem>> -> memref<1x128xi32, #tpu.memory_space<vmem>>
        %dma_start3A_99 = tpu.memref_squeeze %dma_start3A_98 : memref<1x128xi32, #tpu.memory_space<vmem>> -> memref<128xi32, #tpu.memory_space<vmem>>
        %dma_start3A_100 = arith.constant 0 : i32
        %dma_start3A_101 = arith.constant 0 : i32
        %dma_start3A_102 = tpu.memref_slice %arg2[%dma_start3A_100, %dma_start3A_101] : memref<20480x128xf32, #tpu.memory_space<hbm>> -> memref<20480x128xf32, #tpu.memory_space<hbm>>
        tpu.enqueue_indirect_dma source(%dma_start3A_102 : memref<20480x128xf32, #tpu.memory_space<hbm>>) target(%arg9 : memref<128x128xf32, #tpu.memory_space<vmem>>) offsets(%dma_start3A_99 : memref<128xi32, #tpu.memory_space<vmem>>) semaphore(%arg12 : memref<!tpu.dma_semaphore, #tpu.memory_space<semaphore_mem>>)
        %dma_wait3A = arith.constant 0 : i32
        %dma_wait3A_103 = tpu.memref_slice %arg6[%mul3A_89, %dma_wait3A] : memref<40x128xi32, #tpu.memory_space<vmem>> -> memref<1x128xi32, #tpu.memory_space<vmem>>
        %dma_wait3A_104 = tpu.memref_squeeze %dma_wait3A_103 : memref<1x128xi32, #tpu.memory_space<vmem>> -> memref<128xi32, #tpu.memory_space<vmem>>
        %dma_wait3A_105 = arith.constant 0 : i32
        %dma_wait3A_106 = arith.constant 0 : i32
        %dma_wait3A_107 = tpu.memref_slice %arg2[%dma_wait3A_105, %dma_wait3A_106] : memref<20480x128xf32, #tpu.memory_space<hbm>> -> memref<20480x128xf32, #tpu.memory_space<hbm>>
        tpu.wait_indirect_dma semaphore(%arg11 : memref<!tpu.dma_semaphore, #tpu.memory_space<semaphore_mem>>) src(%dma_wait3A_107 : memref<20480x128xf32, #tpu.memory_space<hbm>>) dst(%arg8 : memref<128x128xf32, #tpu.memory_space<vmem>>)
        "tpu.region"() ({
          %run_scoped3A = tpu.sem_alloc : memref<!tpu.dma_semaphore, #tpu.memory_space<semaphore_mem>>
          %dma_start3A_116 = arith.constant 0 : i32
          %dma_start3A_117 = tpu.memref_slice %arg7[%mul3A_89, %dma_start3A_116] : memref<40x128xi32, #tpu.memory_space<vmem>> -> memref<1x128xi32, #tpu.memory_space<vmem>>
          %dma_start3A_118 = tpu.memref_squeeze %dma_start3A_117 : memref<1x128xi32, #tpu.memory_space<vmem>> -> memref<128xi32, #tpu.memory_space<vmem>>
          %dma_start3A_119 = arith.constant 0 : i32
          %dma_start3A_120 = arith.constant 0 : i32
          %dma_start3A_121 = tpu.memref_slice %arg10[%dma_start3A_119, %dma_start3A_120] : memref<10240x128xf32, #tpu.memory_space<vmem_shared>> -> memref<10240x128xf32, #tpu.memory_space<vmem_shared>>
          tpu.enqueue_indirect_dma source(%arg8 : memref<128x128xf32, #tpu.memory_space<vmem>>) target(%dma_start3A_121 : memref<10240x128xf32, #tpu.memory_space<vmem_shared>>) offsets(%dma_start3A_118 : memref<128xi32, #tpu.memory_space<vmem>>) semaphore(%run_scoped3A : memref<!tpu.dma_semaphore, #tpu.memory_space<semaphore_mem>>) {add = true}
          %dma_wait3A_122 = arith.constant 0 : i32
          %dma_wait3A_123 = tpu.memref_slice %arg7[%mul3A_89, %dma_wait3A_122] : memref<40x128xi32, #tpu.memory_space<vmem>> -> memref<1x128xi32, #tpu.memory_space<vmem>>
          %dma_wait3A_124 = tpu.memref_squeeze %dma_wait3A_123 : memref<1x128xi32, #tpu.memory_space<vmem>> -> memref<128xi32, #tpu.memory_space<vmem>>
          %dma_wait3A_125 = arith.constant 0 : i32
          %dma_wait3A_126 = arith.constant 0 : i32
          %dma_wait3A_127 = tpu.memref_slice %arg10[%dma_wait3A_125, %dma_wait3A_126] : memref<10240x128xf32, #tpu.memory_space<vmem_shared>> -> memref<10240x128xf32, #tpu.memory_space<vmem_shared>>
          tpu.wait_indirect_dma semaphore(%run_scoped3A : memref<!tpu.dma_semaphore, #tpu.memory_space<semaphore_mem>>) src(%arg8 : memref<128x128xf32, #tpu.memory_space<vmem>>) dst(%dma_wait3A_127 : memref<10240x128xf32, #tpu.memory_space<vmem_shared>>)
          tpu.yield
        }) : () -> ()
        %dma_wait3A_108 = arith.constant 0 : i32
        %dma_wait3A_109 = tpu.memref_slice %arg6[%add3A_96, %dma_wait3A_108] : memref<40x128xi32, #tpu.memory_space<vmem>> -> memref<1x128xi32, #tpu.memory_space<vmem>>
        %dma_wait3A_110 = tpu.memref_squeeze %dma_wait3A_109 : memref<1x128xi32, #tpu.memory_space<vmem>> -> memref<128xi32, #tpu.memory_space<vmem>>
        %dma_wait3A_111 = arith.constant 0 : i32
        %dma_wait3A_112 = arith.constant 0 : i32
        %dma_wait3A_113 = tpu.memref_slice %arg2[%dma_wait3A_111, %dma_wait3A_112] : memref<20480x128xf32, #tpu.memory_space<hbm>> -> memref<20480x128xf32, #tpu.memory_space<hbm>>
        tpu.wait_indirect_dma semaphore(%arg12 : memref<!tpu.dma_semaphore, #tpu.memory_space<semaphore_mem>>) src(%dma_wait3A_113 : memref<20480x128xf32, #tpu.memory_space<hbm>>) dst(%arg9 : memref<128x128xf32, #tpu.memory_space<vmem>>)
        %add3A_114 = arith.constant 1 : i32
        %add3A_115 = arith.addi %mul3A_89, %add3A_114 : i32
        "tpu.region"() ({
          %run_scoped3A = tpu.sem_alloc : memref<!tpu.dma_semaphore, #tpu.memory_space<semaphore_mem>>
          %dma_start3A_116 = arith.constant 0 : i32
          %dma_start3A_117 = tpu.memref_slice %arg7[%add3A_115, %dma_start3A_116] : memref<40x128xi32, #tpu.memory_space<vmem>> -> memref<1x128xi32, #tpu.memory_space<vmem>>
          %dma_start3A_118 = tpu.memref_squeeze %dma_start3A_117 : memref<1x128xi32, #tpu.memory_space<vmem>> -> memref<128xi32, #tpu.memory_space<vmem>>
          %dma_start3A_119 = arith.constant 0 : i32
          %dma_start3A_120 = arith.constant 0 : i32
          %dma_start3A_121 = tpu.memref_slice %arg10[%dma_start3A_119, %dma_start3A_120] : memref<10240x128xf32, #tpu.memory_space<vmem_shared>> -> memref<10240x128xf32, #tpu.memory_space<vmem_shared>>
          tpu.enqueue_indirect_dma source(%arg9 : memref<128x128xf32, #tpu.memory_space<vmem>>) target(%dma_start3A_121 : memref<10240x128xf32, #tpu.memory_space<vmem_shared>>) offsets(%dma_start3A_118 : memref<128xi32, #tpu.memory_space<vmem>>) semaphore(%run_scoped3A : memref<!tpu.dma_semaphore, #tpu.memory_space<semaphore_mem>>) {add = true}
          %dma_wait3A_122 = arith.constant 0 : i32
          %dma_wait3A_123 = tpu.memref_slice %arg7[%add3A_115, %dma_wait3A_122] : memref<40x128xi32, #tpu.memory_space<vmem>> -> memref<1x128xi32, #tpu.memory_space<vmem>>
          %dma_wait3A_124 = tpu.memref_squeeze %dma_wait3A_123 : memref<1x128xi32, #tpu.memory_space<vmem>> -> memref<128xi32, #tpu.memory_space<vmem>>
          %dma_wait3A_125 = arith.constant 0 : i32
          %dma_wait3A_126 = arith.constant 0 : i32
          %dma_wait3A_127 = tpu.memref_slice %arg10[%dma_wait3A_125, %dma_wait3A_126] : memref<10240x128xf32, #tpu.memory_space<vmem_shared>> -> memref<10240x128xf32, #tpu.memory_space<vmem_shared>>
          tpu.wait_indirect_dma semaphore(%run_scoped3A : memref<!tpu.dma_semaphore, #tpu.memory_space<semaphore_mem>>) src(%arg9 : memref<128x128xf32, #tpu.memory_space<vmem>>) dst(%dma_wait3A_127 : memref<10240x128xf32, #tpu.memory_space<vmem_shared>>)
          tpu.yield
        }) : () -> ()
      }
      %scan3A_86 = arith.constant 20 : i32
    }
    %scan3A_39 = arith.constant 2 : i32
    %barrier3A_40 = arith.constant 0 : index
    tpu.barrier barrier_id(%barrier3A_40)
    %add3A_41 = arith.constant 0 : i32
    %add3A_42 = arith.addi %mul3A_0, %add3A_41 : i32
    "tpu.region"() ({
      %run_scoped3A = tpu.sem_alloc : memref<!tpu.dma_semaphore, #tpu.memory_space<semaphore_mem>>
      %dma_start3A = arith.constant 0 : i32
      %dma_start3A_76 = tpu.memref_slice %arg10[%add3A_42, %dma_start3A] : memref<10240x128xf32, #tpu.memory_space<vmem_shared>> -> memref<128x128xf32, #tpu.memory_space<vmem_shared>>
      %dma_start3A_77 = arith.constant 0 : i32
      %dma_start3A_78 = tpu.memref_slice %arg10[%add3A_42, %dma_start3A_77] : memref<10240x128xf32, #tpu.memory_space<vmem_shared>> -> memref<128x128xf32, #tpu.memory_space<vmem_shared>>
      tpu.enqueue_dma source(%dma_start3A_78 : memref<128x128xf32, #tpu.memory_space<vmem_shared>>) target(%arg8 : memref<128x128xf32, #tpu.memory_space<vmem>>) target_semaphore(%run_scoped3A : memref<!tpu.dma_semaphore, #tpu.memory_space<semaphore_mem>>)
      %dma_wait3A = arith.constant 0 : i32
      %dma_wait3A_79 = tpu.memref_slice %arg10[%add3A_42, %dma_wait3A] : memref<10240x128xf32, #tpu.memory_space<vmem_shared>> -> memref<128x128xf32, #tpu.memory_space<vmem_shared>>
      %dma_wait3A_80 = arith.constant 0 : i32
      %dma_wait3A_81 = tpu.memref_slice %arg10[%add3A_42, %dma_wait3A_80] : memref<10240x128xf32, #tpu.memory_space<vmem_shared>> -> memref<128x128xf32, #tpu.memory_space<vmem_shared>>
      tpu.wait_dma2 semaphore(%run_scoped3A : memref<!tpu.dma_semaphore, #tpu.memory_space<semaphore_mem>>) src(%dma_wait3A_81 : memref<128x128xf32, #tpu.memory_space<vmem_shared>>) dst(%arg8 : memref<128x128xf32, #tpu.memory_space<vmem>>)
      tpu.yield
    }) : () -> ()
    %mul3A_43 = arith.constant 10240 : i32
    %mul3A_44 = arith.muli %arg0, %mul3A_43 : i32
    %add3A_45 = arith.addi %mul3A_44, %mul3A_0 : i32
    %add3A_46 = arith.constant 0 : i32
    %add3A_47 = arith.addi %add3A_45, %add3A_46 : i32
    "tpu.region"() ({
      %run_scoped3A = tpu.sem_alloc : memref<!tpu.dma_semaphore, #tpu.memory_space<semaphore_mem>>
      %dma_start3A = arith.constant 0 : i32
      %dma_start3A_76 = tpu.memref_slice %arg5[%add3A_47, %dma_start3A] : memref<20480x128xf32, #tpu.memory_space<hbm>> -> memref<128x128xf32, #tpu.memory_space<hbm>>
      %dma_start3A_77 = arith.constant 0 : i32
      %dma_start3A_78 = tpu.memref_slice %arg5[%add3A_47, %dma_start3A_77] : memref<20480x128xf32, #tpu.memory_space<hbm>> -> memref<128x128xf32, #tpu.memory_space<hbm>>
      tpu.enqueue_dma source(%arg8 : memref<128x128xf32, #tpu.memory_space<vmem>>) target(%dma_start3A_78 : memref<128x128xf32, #tpu.memory_space<hbm>>) target_semaphore(%run_scoped3A : memref<!tpu.dma_semaphore, #tpu.memory_space<semaphore_mem>>)
      %dma_wait3A = arith.constant 0 : i32
      %dma_wait3A_79 = tpu.memref_slice %arg5[%add3A_47, %dma_wait3A] : memref<20480x128xf32, #tpu.memory_space<hbm>> -> memref<128x128xf32, #tpu.memory_space<hbm>>
      %dma_wait3A_80 = arith.constant 0 : i32
      %dma_wait3A_81 = tpu.memref_slice %arg5[%add3A_47, %dma_wait3A_80] : memref<20480x128xf32, #tpu.memory_space<hbm>> -> memref<128x128xf32, #tpu.memory_space<hbm>>
      tpu.wait_dma2 semaphore(%run_scoped3A : memref<!tpu.dma_semaphore, #tpu.memory_space<semaphore_mem>>) src(%arg8 : memref<128x128xf32, #tpu.memory_space<vmem>>) dst(%dma_wait3A_81 : memref<128x128xf32, #tpu.memory_space<hbm>>)
      tpu.yield
    }) : () -> ()
    %add3A_48 = arith.constant 128 : i32
    %add3A_49 = arith.addi %mul3A_0, %add3A_48 : i32
    "tpu.region"() ({
      %run_scoped3A = tpu.sem_alloc : memref<!tpu.dma_semaphore, #tpu.memory_space<semaphore_mem>>
      %dma_start3A = arith.constant 0 : i32
      %dma_start3A_76 = tpu.memref_slice %arg10[%add3A_49, %dma_start3A] : memref<10240x128xf32, #tpu.memory_space<vmem_shared>> -> memref<128x128xf32, #tpu.memory_space<vmem_shared>>
      %dma_start3A_77 = arith.constant 0 : i32
      %dma_start3A_78 = tpu.memref_slice %arg10[%add3A_49, %dma_start3A_77] : memref<10240x128xf32, #tpu.memory_space<vmem_shared>> -> memref<128x128xf32, #tpu.memory_space<vmem_shared>>
      tpu.enqueue_dma source(%dma_start3A_78 : memref<128x128xf32, #tpu.memory_space<vmem_shared>>) target(%arg8 : memref<128x128xf32, #tpu.memory_space<vmem>>) target_semaphore(%run_scoped3A : memref<!tpu.dma_semaphore, #tpu.memory_space<semaphore_mem>>)
      %dma_wait3A = arith.constant 0 : i32
      %dma_wait3A_79 = tpu.memref_slice %arg10[%add3A_49, %dma_wait3A] : memref<10240x128xf32, #tpu.memory_space<vmem_shared>> -> memref<128x128xf32, #tpu.memory_space<vmem_shared>>
      %dma_wait3A_80 = arith.constant 0 : i32
      %dma_wait3A_81 = tpu.memref_slice %arg10[%add3A_49, %dma_wait3A_80] : memref<10240x128xf32, #tpu.memory_space<vmem_shared>> -> memref<128x128xf32, #tpu.memory_space<vmem_shared>>
      tpu.wait_dma2 semaphore(%run_scoped3A : memref<!tpu.dma_semaphore, #tpu.memory_space<semaphore_mem>>) src(%dma_wait3A_81 : memref<128x128xf32, #tpu.memory_space<vmem_shared>>) dst(%arg8 : memref<128x128xf32, #tpu.memory_space<vmem>>)
      tpu.yield
    }) : () -> ()
    %mul3A_50 = arith.constant 10240 : i32
    %mul3A_51 = arith.muli %arg0, %mul3A_50 : i32
    %add3A_52 = arith.addi %mul3A_51, %mul3A_0 : i32
    %add3A_53 = arith.constant 128 : i32
    %add3A_54 = arith.addi %add3A_52, %add3A_53 : i32
    "tpu.region"() ({
      %run_scoped3A = tpu.sem_alloc : memref<!tpu.dma_semaphore, #tpu.memory_space<semaphore_mem>>
      %dma_start3A = arith.constant 0 : i32
      %dma_start3A_76 = tpu.memref_slice %arg5[%add3A_54, %dma_start3A] : memref<20480x128xf32, #tpu.memory_space<hbm>> -> memref<128x128xf32, #tpu.memory_space<hbm>>
      %dma_start3A_77 = arith.constant 0 : i32
      %dma_start3A_78 = tpu.memref_slice %arg5[%add3A_54, %dma_start3A_77] : memref<20480x128xf32, #tpu.memory_space<hbm>> -> memref<128x128xf32, #tpu.memory_space<hbm>>
      tpu.enqueue_dma source(%arg8 : memref<128x128xf32, #tpu.memory_space<vmem>>) target(%dma_start3A_78 : memref<128x128xf32, #tpu.memory_space<hbm>>) target_semaphore(%run_scoped3A : memref<!tpu.dma_semaphore, #tpu.memory_space<semaphore_mem>>)
      %dma_wait3A = arith.constant 0 : i32
      %dma_wait3A_79 = tpu.memref_slice %arg5[%add3A_54, %dma_wait3A] : memref<20480x128xf32, #tpu.memory_space<hbm>> -> memref<128x128xf32, #tpu.memory_space<hbm>>
      %dma_wait3A_80 = arith.constant 0 : i32
      %dma_wait3A_81 = tpu.memref_slice %arg5[%add3A_54, %dma_wait3A_80] : memref<20480x128xf32, #tpu.memory_space<hbm>> -> memref<128x128xf32, #tpu.memory_space<hbm>>
      tpu.wait_dma2 semaphore(%run_scoped3A : memref<!tpu.dma_semaphore, #tpu.memory_space<semaphore_mem>>) src(%arg8 : memref<128x128xf32, #tpu.memory_space<vmem>>) dst(%dma_wait3A_81 : memref<128x128xf32, #tpu.memory_space<hbm>>)
      tpu.yield
    }) : () -> ()
    %add3A_55 = arith.constant 256 : i32
    %add3A_56 = arith.addi %mul3A_0, %add3A_55 : i32
    "tpu.region"() ({
      %run_scoped3A = tpu.sem_alloc : memref<!tpu.dma_semaphore, #tpu.memory_space<semaphore_mem>>
      %dma_start3A = arith.constant 0 : i32
      %dma_start3A_76 = tpu.memref_slice %arg10[%add3A_56, %dma_start3A] : memref<10240x128xf32, #tpu.memory_space<vmem_shared>> -> memref<128x128xf32, #tpu.memory_space<vmem_shared>>
      %dma_start3A_77 = arith.constant 0 : i32
      %dma_start3A_78 = tpu.memref_slice %arg10[%add3A_56, %dma_start3A_77] : memref<10240x128xf32, #tpu.memory_space<vmem_shared>> -> memref<128x128xf32, #tpu.memory_space<vmem_shared>>
      tpu.enqueue_dma source(%dma_start3A_78 : memref<128x128xf32, #tpu.memory_space<vmem_shared>>) target(%arg8 : memref<128x128xf32, #tpu.memory_space<vmem>>) target_semaphore(%run_scoped3A : memref<!tpu.dma_semaphore, #tpu.memory_space<semaphore_mem>>)
      %dma_wait3A = arith.constant 0 : i32
      %dma_wait3A_79 = tpu.memref_slice %arg10[%add3A_56, %dma_wait3A] : memref<10240x128xf32, #tpu.memory_space<vmem_shared>> -> memref<128x128xf32, #tpu.memory_space<vmem_shared>>
      %dma_wait3A_80 = arith.constant 0 : i32
      %dma_wait3A_81 = tpu.memref_slice %arg10[%add3A_56, %dma_wait3A_80] : memref<10240x128xf32, #tpu.memory_space<vmem_shared>> -> memref<128x128xf32, #tpu.memory_space<vmem_shared>>
      tpu.wait_dma2 semaphore(%run_scoped3A : memref<!tpu.dma_semaphore, #tpu.memory_space<semaphore_mem>>) src(%dma_wait3A_81 : memref<128x128xf32, #tpu.memory_space<vmem_shared>>) dst(%arg8 : memref<128x128xf32, #tpu.memory_space<vmem>>)
      tpu.yield
    }) : () -> ()
    %mul3A_57 = arith.constant 10240 : i32
    %mul3A_58 = arith.muli %arg0, %mul3A_57 : i32
    %add3A_59 = arith.addi %mul3A_58, %mul3A_0 : i32
    %add3A_60 = arith.constant 256 : i32
    %add3A_61 = arith.addi %add3A_59, %add3A_60 : i32
    "tpu.region"() ({
      %run_scoped3A = tpu.sem_alloc : memref<!tpu.dma_semaphore, #tpu.memory_space<semaphore_mem>>
      %dma_start3A = arith.constant 0 : i32
      %dma_start3A_76 = tpu.memref_slice %arg5[%add3A_61, %dma_start3A] : memref<20480x128xf32, #tpu.memory_space<hbm>> -> memref<128x128xf32, #tpu.memory_space<hbm>>
      %dma_start3A_77 = arith.constant 0 : i32
      %dma_start3A_78 = tpu.memref_slice %arg5[%add3A_61, %dma_start3A_77] : memref<20480x128xf32, #tpu.memory_space<hbm>> -> memref<128x128xf32, #tpu.memory_space<hbm>>
      tpu.enqueue_dma source(%arg8 : memref<128x128xf32, #tpu.memory_space<vmem>>) target(%dma_start3A_78 : memref<128x128xf32, #tpu.memory_space<hbm>>) target_semaphore(%run_scoped3A : memref<!tpu.dma_semaphore, #tpu.memory_space<semaphore_mem>>)
      %dma_wait3A = arith.constant 0 : i32
      %dma_wait3A_79 = tpu.memref_slice %arg5[%add3A_61, %dma_wait3A] : memref<20480x128xf32, #tpu.memory_space<hbm>> -> memref<128x128xf32, #tpu.memory_space<hbm>>
      %dma_wait3A_80 = arith.constant 0 : i32
      %dma_wait3A_81 = tpu.memref_slice %arg5[%add3A_61, %dma_wait3A_80] : memref<20480x128xf32, #tpu.memory_space<hbm>> -> memref<128x128xf32, #tpu.memory_space<hbm>>
      tpu.wait_dma2 semaphore(%run_scoped3A : memref<!tpu.dma_semaphore, #tpu.memory_space<semaphore_mem>>) src(%arg8 : memref<128x128xf32, #tpu.memory_space<vmem>>) dst(%dma_wait3A_81 : memref<128x128xf32, #tpu.memory_space<hbm>>)
      tpu.yield
    }) : () -> ()
    %add3A_62 = arith.constant 384 : i32
    %add3A_63 = arith.addi %mul3A_0, %add3A_62 : i32
    "tpu.region"() ({
      %run_scoped3A = tpu.sem_alloc : memref<!tpu.dma_semaphore, #tpu.memory_space<semaphore_mem>>
      %dma_start3A = arith.constant 0 : i32
      %dma_start3A_76 = tpu.memref_slice %arg10[%add3A_63, %dma_start3A] : memref<10240x128xf32, #tpu.memory_space<vmem_shared>> -> memref<128x128xf32, #tpu.memory_space<vmem_shared>>
      %dma_start3A_77 = arith.constant 0 : i32
      %dma_start3A_78 = tpu.memref_slice %arg10[%add3A_63, %dma_start3A_77] : memref<10240x128xf32, #tpu.memory_space<vmem_shared>> -> memref<128x128xf32, #tpu.memory_space<vmem_shared>>
      tpu.enqueue_dma source(%dma_start3A_78 : memref<128x128xf32, #tpu.memory_space<vmem_shared>>) target(%arg8 : memref<128x128xf32, #tpu.memory_space<vmem>>) target_semaphore(%run_scoped3A : memref<!tpu.dma_semaphore, #tpu.memory_space<semaphore_mem>>)
      %dma_wait3A = arith.constant 0 : i32
      %dma_wait3A_79 = tpu.memref_slice %arg10[%add3A_63, %dma_wait3A] : memref<10240x128xf32, #tpu.memory_space<vmem_shared>> -> memref<128x128xf32, #tpu.memory_space<vmem_shared>>
      %dma_wait3A_80 = arith.constant 0 : i32
      %dma_wait3A_81 = tpu.memref_slice %arg10[%add3A_63, %dma_wait3A_80] : memref<10240x128xf32, #tpu.memory_space<vmem_shared>> -> memref<128x128xf32, #tpu.memory_space<vmem_shared>>
      tpu.wait_dma2 semaphore(%run_scoped3A : memref<!tpu.dma_semaphore, #tpu.memory_space<semaphore_mem>>) src(%dma_wait3A_81 : memref<128x128xf32, #tpu.memory_space<vmem_shared>>) dst(%arg8 : memref<128x128xf32, #tpu.memory_space<vmem>>)
      tpu.yield
    }) : () -> ()
    %mul3A_64 = arith.constant 10240 : i32
    %mul3A_65 = arith.muli %arg0, %mul3A_64 : i32
    %add3A_66 = arith.addi %mul3A_65, %mul3A_0 : i32
    %add3A_67 = arith.constant 384 : i32
    %add3A_68 = arith.addi %add3A_66, %add3A_67 : i32
    "tpu.region"() ({
      %run_scoped3A = tpu.sem_alloc : memref<!tpu.dma_semaphore, #tpu.memory_space<semaphore_mem>>
      %dma_start3A = arith.constant 0 : i32
      %dma_start3A_76 = tpu.memref_slice %arg5[%add3A_68, %dma_start3A] : memref<20480x128xf32, #tpu.memory_space<hbm>> -> memref<128x128xf32, #tpu.memory_space<hbm>>
      %dma_start3A_77 = arith.constant 0 : i32
      %dma_start3A_78 = tpu.memref_slice %arg5[%add3A_68, %dma_start3A_77] : memref<20480x128xf32, #tpu.memory_space<hbm>> -> memref<128x128xf32, #tpu.memory_space<hbm>>
      tpu.enqueue_dma source(%arg8 : memref<128x128xf32, #tpu.memory_space<vmem>>) target(%dma_start3A_78 : memref<128x128xf32, #tpu.memory_space<hbm>>) target_semaphore(%run_scoped3A : memref<!tpu.dma_semaphore, #tpu.memory_space<semaphore_mem>>)
      %dma_wait3A = arith.constant 0 : i32
      %dma_wait3A_79 = tpu.memref_slice %arg5[%add3A_68, %dma_wait3A] : memref<20480x128xf32, #tpu.memory_space<hbm>> -> memref<128x128xf32, #tpu.memory_space<hbm>>
      %dma_wait3A_80 = arith.constant 0 : i32
      %dma_wait3A_81 = tpu.memref_slice %arg5[%add3A_68, %dma_wait3A_80] : memref<20480x128xf32, #tpu.memory_space<hbm>> -> memref<128x128xf32, #tpu.memory_space<hbm>>
      tpu.wait_dma2 semaphore(%run_scoped3A : memref<!tpu.dma_semaphore, #tpu.memory_space<semaphore_mem>>) src(%arg8 : memref<128x128xf32, #tpu.memory_space<vmem>>) dst(%dma_wait3A_81 : memref<128x128xf32, #tpu.memory_space<hbm>>)
      tpu.yield
    }) : () -> ()
    %add3A_69 = arith.constant 512 : i32
    %add3A_70 = arith.addi %mul3A_0, %add3A_69 : i32
    "tpu.region"() ({
      %run_scoped3A = tpu.sem_alloc : memref<!tpu.dma_semaphore, #tpu.memory_space<semaphore_mem>>
      %dma_start3A = arith.constant 0 : i32
      %dma_start3A_76 = tpu.memref_slice %arg10[%add3A_70, %dma_start3A] : memref<10240x128xf32, #tpu.memory_space<vmem_shared>> -> memref<128x128xf32, #tpu.memory_space<vmem_shared>>
      %dma_start3A_77 = arith.constant 0 : i32
      %dma_start3A_78 = tpu.memref_slice %arg10[%add3A_70, %dma_start3A_77] : memref<10240x128xf32, #tpu.memory_space<vmem_shared>> -> memref<128x128xf32, #tpu.memory_space<vmem_shared>>
      tpu.enqueue_dma source(%dma_start3A_78 : memref<128x128xf32, #tpu.memory_space<vmem_shared>>) target(%arg8 : memref<128x128xf32, #tpu.memory_space<vmem>>) target_semaphore(%run_scoped3A : memref<!tpu.dma_semaphore, #tpu.memory_space<semaphore_mem>>)
      %dma_wait3A = arith.constant 0 : i32
      %dma_wait3A_79 = tpu.memref_slice %arg10[%add3A_70, %dma_wait3A] : memref<10240x128xf32, #tpu.memory_space<vmem_shared>> -> memref<128x128xf32, #tpu.memory_space<vmem_shared>>
      %dma_wait3A_80 = arith.constant 0 : i32
      %dma_wait3A_81 = tpu.memref_slice %arg10[%add3A_70, %dma_wait3A_80] : memref<10240x128xf32, #tpu.memory_space<vmem_shared>> -> memref<128x128xf32, #tpu.memory_space<vmem_shared>>
      tpu.wait_dma2 semaphore(%run_scoped3A : memref<!tpu.dma_semaphore, #tpu.memory_space<semaphore_mem>>) src(%dma_wait3A_81 : memref<128x128xf32, #tpu.memory_space<vmem_shared>>) dst(%arg8 : memref<128x128xf32, #tpu.memory_space<vmem>>)
      tpu.yield
    }) : () -> ()
    %mul3A_71 = arith.constant 10240 : i32
    %mul3A_72 = arith.muli %arg0, %mul3A_71 : i32
    %add3A_73 = arith.addi %mul3A_72, %mul3A_0 : i32
    %add3A_74 = arith.constant 512 : i32
    %add3A_75 = arith.addi %add3A_73, %add3A_74 : i32
    "tpu.region"() ({
      %run_scoped3A = tpu.sem_alloc : memref<!tpu.dma_semaphore, #tpu.memory_space<semaphore_mem>>
      %dma_start3A = arith.constant 0 : i32
      %dma_start3A_76 = tpu.memref_slice %arg5[%add3A_75, %dma_start3A] : memref<20480x128xf32, #tpu.memory_space<hbm>> -> memref<128x128xf32, #tpu.memory_space<hbm>>
      %dma_start3A_77 = arith.constant 0 : i32
      %dma_start3A_78 = tpu.memref_slice %arg5[%add3A_75, %dma_start3A_77] : memref<20480x128xf32, #tpu.memory_space<hbm>> -> memref<128x128xf32, #tpu.memory_space<hbm>>
      tpu.enqueue_dma source(%arg8 : memref<128x128xf32, #tpu.memory_space<vmem>>) target(%dma_start3A_78 : memref<128x128xf32, #tpu.memory_space<hbm>>) target_semaphore(%run_scoped3A : memref<!tpu.dma_semaphore, #tpu.memory_space<semaphore_mem>>)
      %dma_wait3A = arith.constant 0 : i32
      %dma_wait3A_79 = tpu.memref_slice %arg5[%add3A_75, %dma_wait3A] : memref<20480x128xf32, #tpu.memory_space<hbm>> -> memref<128x128xf32, #tpu.memory_space<hbm>>
      %dma_wait3A_80 = arith.constant 0 : i32
      %dma_wait3A_81 = tpu.memref_slice %arg5[%add3A_75, %dma_wait3A_80] : memref<20480x128xf32, #tpu.memory_space<hbm>> -> memref<128x128xf32, #tpu.memory_space<hbm>>
      tpu.wait_dma2 semaphore(%run_scoped3A : memref<!tpu.dma_semaphore, #tpu.memory_space<semaphore_mem>>) src(%arg8 : memref<128x128xf32, #tpu.memory_space<vmem>>) dst(%dma_wait3A_81 : memref<128x128xf32, #tpu.memory_space<hbm>>)
      tpu.yield
    }) : () -> ()
    return
  }
}

#map = affine_map<(d0, d1) -> (0, 0, 0, 0)>
#map1 = affine_map<(d0, d1) -> (0, 0)>
module attributes {stable_mosaic.version = 14 : i64} {
  func.func @deg_kernel(%arg0: i32, %arg1: i32, %arg2: memref<2x16x40x128xi32, #tpu.memory_space<hbm>>, %arg3: memref<2x10240xf32, #tpu.memory_space<hbm>>, %arg4: memref<40x128xi32, #tpu.memory_space<vmem>>, %arg5: memref<128xf32, #tpu.memory_space<vmem>>, %arg6: memref<640xf32, #tpu.memory_space<vmem>>, %arg7: memref<10240xf32, #tpu.memory_space<vmem_shared>>) attributes {dimension_semantics = [#tpu.dimension_semantics<core_parallel>, #tpu.dimension_semantics<subcore_parallel>], iteration_bounds = array<i64: 2, 16>, scalar_prefetch = 0 : i64, scratch_operands = 4 : i64, tpu.core_type = #tpu.core_type<sc_vector_subcore>, window_params = [{transform_indices = #map}, {transform_indices = #map1}]} {
    %broadcast_in_dim3A = arith.constant 1.000000e+00 : f32
    %broadcast_in_dim3A_0 = vector.broadcast %broadcast_in_dim3A : f32 to vector<16xf32>
    %swap3A = arith.constant 0 : index
    %swap3A_1 = tpu.vector_load %arg5[%swap3A] {strides = array<i32>} : memref<128xf32, #tpu.memory_space<vmem>>, vector<16xf32>,
    %swap3A_2 = vector.shape_cast %swap3A_1 : vector<16xf32> to vector<16xf32>
    %swap3A_3 = vector.shape_cast %broadcast_in_dim3A_0 : vector<16xf32> to vector<16xf32>
    tpu.vector_store %arg5[%swap3A], %swap3A_3 {strides = array<i32>} : memref<128xf32, #tpu.memory_space<vmem>>, vector<16xf32>,
    %broadcast_in_dim3A_4 = arith.constant 1.000000e+00 : f32
    %broadcast_in_dim3A_5 = vector.broadcast %broadcast_in_dim3A_4 : f32 to vector<16xf32>
    %swap3A_6 = arith.constant 16 : index
    %swap3A_7 = tpu.vector_load %arg5[%swap3A_6] {strides = array<i32>} : memref<128xf32, #tpu.memory_space<vmem>>, vector<16xf32>,
    %swap3A_8 = vector.shape_cast %swap3A_7 : vector<16xf32> to vector<16xf32>
    %swap3A_9 = vector.shape_cast %broadcast_in_dim3A_5 : vector<16xf32> to vector<16xf32>
    tpu.vector_store %arg5[%swap3A_6], %swap3A_9 {strides = array<i32>} : memref<128xf32, #tpu.memory_space<vmem>>, vector<16xf32>,
    %broadcast_in_dim3A_10 = arith.constant 1.000000e+00 : f32
    %broadcast_in_dim3A_11 = vector.broadcast %broadcast_in_dim3A_10 : f32 to vector<16xf32>
    %swap3A_12 = arith.constant 32 : index
    %swap3A_13 = tpu.vector_load %arg5[%swap3A_12] {strides = array<i32>} : memref<128xf32, #tpu.memory_space<vmem>>, vector<16xf32>,
    %swap3A_14 = vector.shape_cast %swap3A_13 : vector<16xf32> to vector<16xf32>
    %swap3A_15 = vector.shape_cast %broadcast_in_dim3A_11 : vector<16xf32> to vector<16xf32>
    tpu.vector_store %arg5[%swap3A_12], %swap3A_15 {strides = array<i32>} : memref<128xf32, #tpu.memory_space<vmem>>, vector<16xf32>,
    %broadcast_in_dim3A_16 = arith.constant 1.000000e+00 : f32
    %broadcast_in_dim3A_17 = vector.broadcast %broadcast_in_dim3A_16 : f32 to vector<16xf32>
    %swap3A_18 = arith.constant 48 : index
    %swap3A_19 = tpu.vector_load %arg5[%swap3A_18] {strides = array<i32>} : memref<128xf32, #tpu.memory_space<vmem>>, vector<16xf32>,
    %swap3A_20 = vector.shape_cast %swap3A_19 : vector<16xf32> to vector<16xf32>
    %swap3A_21 = vector.shape_cast %broadcast_in_dim3A_17 : vector<16xf32> to vector<16xf32>
    tpu.vector_store %arg5[%swap3A_18], %swap3A_21 {strides = array<i32>} : memref<128xf32, #tpu.memory_space<vmem>>, vector<16xf32>,
    %broadcast_in_dim3A_22 = arith.constant 1.000000e+00 : f32
    %broadcast_in_dim3A_23 = vector.broadcast %broadcast_in_dim3A_22 : f32 to vector<16xf32>
    %swap3A_24 = arith.constant 64 : index
    %swap3A_25 = tpu.vector_load %arg5[%swap3A_24] {strides = array<i32>} : memref<128xf32, #tpu.memory_space<vmem>>, vector<16xf32>,
    %swap3A_26 = vector.shape_cast %swap3A_25 : vector<16xf32> to vector<16xf32>
    %swap3A_27 = vector.shape_cast %broadcast_in_dim3A_23 : vector<16xf32> to vector<16xf32>
    tpu.vector_store %arg5[%swap3A_24], %swap3A_27 {strides = array<i32>} : memref<128xf32, #tpu.memory_space<vmem>>, vector<16xf32>,
    %broadcast_in_dim3A_28 = arith.constant 1.000000e+00 : f32
    %broadcast_in_dim3A_29 = vector.broadcast %broadcast_in_dim3A_28 : f32 to vector<16xf32>
    %swap3A_30 = arith.constant 80 : index
    %swap3A_31 = tpu.vector_load %arg5[%swap3A_30] {strides = array<i32>} : memref<128xf32, #tpu.memory_space<vmem>>, vector<16xf32>,
    %swap3A_32 = vector.shape_cast %swap3A_31 : vector<16xf32> to vector<16xf32>
    %swap3A_33 = vector.shape_cast %broadcast_in_dim3A_29 : vector<16xf32> to vector<16xf32>
    tpu.vector_store %arg5[%swap3A_30], %swap3A_33 {strides = array<i32>} : memref<128xf32, #tpu.memory_space<vmem>>, vector<16xf32>,
    %broadcast_in_dim3A_34 = arith.constant 1.000000e+00 : f32
    %broadcast_in_dim3A_35 = vector.broadcast %broadcast_in_dim3A_34 : f32 to vector<16xf32>
    %swap3A_36 = arith.constant 96 : index
    %swap3A_37 = tpu.vector_load %arg5[%swap3A_36] {strides = array<i32>} : memref<128xf32, #tpu.memory_space<vmem>>, vector<16xf32>,
    %swap3A_38 = vector.shape_cast %swap3A_37 : vector<16xf32> to vector<16xf32>
    %swap3A_39 = vector.shape_cast %broadcast_in_dim3A_35 : vector<16xf32> to vector<16xf32>
    tpu.vector_store %arg5[%swap3A_36], %swap3A_39 {strides = array<i32>} : memref<128xf32, #tpu.memory_space<vmem>>, vector<16xf32>,
    %broadcast_in_dim3A_40 = arith.constant 1.000000e+00 : f32
    %broadcast_in_dim3A_41 = vector.broadcast %broadcast_in_dim3A_40 : f32 to vector<16xf32>
    %swap3A_42 = arith.constant 112 : index
    %swap3A_43 = tpu.vector_load %arg5[%swap3A_42] {strides = array<i32>} : memref<128xf32, #tpu.memory_space<vmem>>, vector<16xf32>,
    %swap3A_44 = vector.shape_cast %swap3A_43 : vector<16xf32> to vector<16xf32>
    %swap3A_45 = vector.shape_cast %broadcast_in_dim3A_41 : vector<16xf32> to vector<16xf32>
    tpu.vector_store %arg5[%swap3A_42], %swap3A_45 {strides = array<i32>} : memref<128xf32, #tpu.memory_space<vmem>>, vector<16xf32>,
    %broadcast_in_dim3A_46 = arith.constant 0.000000e+00 : f32
    %broadcast_in_dim3A_47 = vector.broadcast %broadcast_in_dim3A_46 : f32 to vector<16xf32>
    %swap3A_48 = arith.constant 0 : index
    %swap3A_49 = tpu.vector_load %arg6[%swap3A_48] {strides = array<i32>} : memref<640xf32, #tpu.memory_space<vmem>>, vector<16xf32>,
    %swap3A_50 = vector.shape_cast %swap3A_49 : vector<16xf32> to vector<16xf32>
    %swap3A_51 = vector.shape_cast %broadcast_in_dim3A_47 : vector<16xf32> to vector<16xf32>
    tpu.vector_store %arg6[%swap3A_48], %swap3A_51 {strides = array<i32>} : memref<640xf32, #tpu.memory_space<vmem>>, vector<16xf32>,
    %broadcast_in_dim3A_52 = arith.constant 0.000000e+00 : f32
    %broadcast_in_dim3A_53 = vector.broadcast %broadcast_in_dim3A_52 : f32 to vector<16xf32>
    %swap3A_54 = arith.constant 16 : index
    %swap3A_55 = tpu.vector_load %arg6[%swap3A_54] {strides = array<i32>} : memref<640xf32, #tpu.memory_space<vmem>>, vector<16xf32>,
    %swap3A_56 = vector.shape_cast %swap3A_55 : vector<16xf32> to vector<16xf32>
    %swap3A_57 = vector.shape_cast %broadcast_in_dim3A_53 : vector<16xf32> to vector<16xf32>
    tpu.vector_store %arg6[%swap3A_54], %swap3A_57 {strides = array<i32>} : memref<640xf32, #tpu.memory_space<vmem>>, vector<16xf32>,
    %broadcast_in_dim3A_58 = arith.constant 0.000000e+00 : f32
    %broadcast_in_dim3A_59 = vector.broadcast %broadcast_in_dim3A_58 : f32 to vector<16xf32>
    %swap3A_60 = arith.constant 32 : index
    %swap3A_61 = tpu.vector_load %arg6[%swap3A_60] {strides = array<i32>} : memref<640xf32, #tpu.memory_space<vmem>>, vector<16xf32>,
    %swap3A_62 = vector.shape_cast %swap3A_61 : vector<16xf32> to vector<16xf32>
    %swap3A_63 = vector.shape_cast %broadcast_in_dim3A_59 : vector<16xf32> to vector<16xf32>
    tpu.vector_store %arg6[%swap3A_60], %swap3A_63 {strides = array<i32>} : memref<640xf32, #tpu.memory_space<vmem>>, vector<16xf32>,
    %broadcast_in_dim3A_64 = arith.constant 0.000000e+00 : f32
    %broadcast_in_dim3A_65 = vector.broadcast %broadcast_in_dim3A_64 : f32 to vector<16xf32>
    %swap3A_66 = arith.constant 48 : index
    %swap3A_67 = tpu.vector_load %arg6[%swap3A_66] {strides = array<i32>} : memref<640xf32, #tpu.memory_space<vmem>>, vector<16xf32>,
    %swap3A_68 = vector.shape_cast %swap3A_67 : vector<16xf32> to vector<16xf32>
    %swap3A_69 = vector.shape_cast %broadcast_in_dim3A_65 : vector<16xf32> to vector<16xf32>
    tpu.vector_store %arg6[%swap3A_66], %swap3A_69 {strides = array<i32>} : memref<640xf32, #tpu.memory_space<vmem>>, vector<16xf32>,
    %broadcast_in_dim3A_70 = arith.constant 0.000000e+00 : f32
    %broadcast_in_dim3A_71 = vector.broadcast %broadcast_in_dim3A_70 : f32 to vector<16xf32>
    %swap3A_72 = arith.constant 64 : index
    %swap3A_73 = tpu.vector_load %arg6[%swap3A_72] {strides = array<i32>} : memref<640xf32, #tpu.memory_space<vmem>>, vector<16xf32>,
    %swap3A_74 = vector.shape_cast %swap3A_73 : vector<16xf32> to vector<16xf32>
    %swap3A_75 = vector.shape_cast %broadcast_in_dim3A_71 : vector<16xf32> to vector<16xf32>
    tpu.vector_store %arg6[%swap3A_72], %swap3A_75 {strides = array<i32>} : memref<640xf32, #tpu.memory_space<vmem>>, vector<16xf32>,
    %broadcast_in_dim3A_76 = arith.constant 0.000000e+00 : f32
    %broadcast_in_dim3A_77 = vector.broadcast %broadcast_in_dim3A_76 : f32 to vector<16xf32>
    %swap3A_78 = arith.constant 80 : index
    %swap3A_79 = tpu.vector_load %arg6[%swap3A_78] {strides = array<i32>} : memref<640xf32, #tpu.memory_space<vmem>>, vector<16xf32>,
    %swap3A_80 = vector.shape_cast %swap3A_79 : vector<16xf32> to vector<16xf32>
    %swap3A_81 = vector.shape_cast %broadcast_in_dim3A_77 : vector<16xf32> to vector<16xf32>
    tpu.vector_store %arg6[%swap3A_78], %swap3A_81 {strides = array<i32>} : memref<640xf32, #tpu.memory_space<vmem>>, vector<16xf32>,
    %broadcast_in_dim3A_82 = arith.constant 0.000000e+00 : f32
    %broadcast_in_dim3A_83 = vector.broadcast %broadcast_in_dim3A_82 : f32 to vector<16xf32>
    %swap3A_84 = arith.constant 96 : index
    %swap3A_85 = tpu.vector_load %arg6[%swap3A_84] {strides = array<i32>} : memref<640xf32, #tpu.memory_space<vmem>>, vector<16xf32>,
    %swap3A_86 = vector.shape_cast %swap3A_85 : vector<16xf32> to vector<16xf32>
    %swap3A_87 = vector.shape_cast %broadcast_in_dim3A_83 : vector<16xf32> to vector<16xf32>
    tpu.vector_store %arg6[%swap3A_84], %swap3A_87 {strides = array<i32>} : memref<640xf32, #tpu.memory_space<vmem>>, vector<16xf32>,
    %broadcast_in_dim3A_88 = arith.constant 0.000000e+00 : f32
    %broadcast_in_dim3A_89 = vector.broadcast %broadcast_in_dim3A_88 : f32 to vector<16xf32>
    %swap3A_90 = arith.constant 112 : index
    %swap3A_91 = tpu.vector_load %arg6[%swap3A_90] {strides = array<i32>} : memref<640xf32, #tpu.memory_space<vmem>>, vector<16xf32>,
    %swap3A_92 = vector.shape_cast %swap3A_91 : vector<16xf32> to vector<16xf32>
    %swap3A_93 = vector.shape_cast %broadcast_in_dim3A_89 : vector<16xf32> to vector<16xf32>
    tpu.vector_store %arg6[%swap3A_90], %swap3A_93 {strides = array<i32>} : memref<640xf32, #tpu.memory_space<vmem>>, vector<16xf32>,
    %broadcast_in_dim3A_94 = arith.constant 0.000000e+00 : f32
    %broadcast_in_dim3A_95 = vector.broadcast %broadcast_in_dim3A_94 : f32 to vector<16xf32>
    %swap3A_96 = arith.constant 128 : index
    %swap3A_97 = tpu.vector_load %arg6[%swap3A_96] {strides = array<i32>} : memref<640xf32, #tpu.memory_space<vmem>>, vector<16xf32>,
    %swap3A_98 = vector.shape_cast %swap3A_97 : vector<16xf32> to vector<16xf32>
    %swap3A_99 = vector.shape_cast %broadcast_in_dim3A_95 : vector<16xf32> to vector<16xf32>
    tpu.vector_store %arg6[%swap3A_96], %swap3A_99 {strides = array<i32>} : memref<640xf32, #tpu.memory_space<vmem>>, vector<16xf32>,
    %broadcast_in_dim3A_100 = arith.constant 0.000000e+00 : f32
    %broadcast_in_dim3A_101 = vector.broadcast %broadcast_in_dim3A_100 : f32 to vector<16xf32>
    %swap3A_102 = arith.constant 144 : index
    %swap3A_103 = tpu.vector_load %arg6[%swap3A_102] {strides = array<i32>} : memref<640xf32, #tpu.memory_space<vmem>>, vector<16xf32>,
    %swap3A_104 = vector.shape_cast %swap3A_103 : vector<16xf32> to vector<16xf32>
    %swap3A_105 = vector.shape_cast %broadcast_in_dim3A_101 : vector<16xf32> to vector<16xf32>
    tpu.vector_store %arg6[%swap3A_102], %swap3A_105 {strides = array<i32>} : memref<640xf32, #tpu.memory_space<vmem>>, vector<16xf32>,
    %broadcast_in_dim3A_106 = arith.constant 0.000000e+00 : f32
    %broadcast_in_dim3A_107 = vector.broadcast %broadcast_in_dim3A_106 : f32 to vector<16xf32>
    %swap3A_108 = arith.constant 160 : index
    %swap3A_109 = tpu.vector_load %arg6[%swap3A_108] {strides = array<i32>} : memref<640xf32, #tpu.memory_space<vmem>>, vector<16xf32>,
    %swap3A_110 = vector.shape_cast %swap3A_109 : vector<16xf32> to vector<16xf32>
    %swap3A_111 = vector.shape_cast %broadcast_in_dim3A_107 : vector<16xf32> to vector<16xf32>
    tpu.vector_store %arg6[%swap3A_108], %swap3A_111 {strides = array<i32>} : memref<640xf32, #tpu.memory_space<vmem>>, vector<16xf32>,
    %broadcast_in_dim3A_112 = arith.constant 0.000000e+00 : f32
    %broadcast_in_dim3A_113 = vector.broadcast %broadcast_in_dim3A_112 : f32 to vector<16xf32>
    %swap3A_114 = arith.constant 176 : index
    %swap3A_115 = tpu.vector_load %arg6[%swap3A_114] {strides = array<i32>} : memref<640xf32, #tpu.memory_space<vmem>>, vector<16xf32>,
    %swap3A_116 = vector.shape_cast %swap3A_115 : vector<16xf32> to vector<16xf32>
    %swap3A_117 = vector.shape_cast %broadcast_in_dim3A_113 : vector<16xf32> to vector<16xf32>
    tpu.vector_store %arg6[%swap3A_114], %swap3A_117 {strides = array<i32>} : memref<640xf32, #tpu.memory_space<vmem>>, vector<16xf32>,
    %broadcast_in_dim3A_118 = arith.constant 0.000000e+00 : f32
    %broadcast_in_dim3A_119 = vector.broadcast %broadcast_in_dim3A_118 : f32 to vector<16xf32>
    %swap3A_120 = arith.constant 192 : index
    %swap3A_121 = tpu.vector_load %arg6[%swap3A_120] {strides = array<i32>} : memref<640xf32, #tpu.memory_space<vmem>>, vector<16xf32>,
    %swap3A_122 = vector.shape_cast %swap3A_121 : vector<16xf32> to vector<16xf32>
    %swap3A_123 = vector.shape_cast %broadcast_in_dim3A_119 : vector<16xf32> to vector<16xf32>
    tpu.vector_store %arg6[%swap3A_120], %swap3A_123 {strides = array<i32>} : memref<640xf32, #tpu.memory_space<vmem>>, vector<16xf32>,
    %broadcast_in_dim3A_124 = arith.constant 0.000000e+00 : f32
    %broadcast_in_dim3A_125 = vector.broadcast %broadcast_in_dim3A_124 : f32 to vector<16xf32>
    %swap3A_126 = arith.constant 208 : index
    %swap3A_127 = tpu.vector_load %arg6[%swap3A_126] {strides = array<i32>} : memref<640xf32, #tpu.memory_space<vmem>>, vector<16xf32>,
    %swap3A_128 = vector.shape_cast %swap3A_127 : vector<16xf32> to vector<16xf32>
    %swap3A_129 = vector.shape_cast %broadcast_in_dim3A_125 : vector<16xf32> to vector<16xf32>
    tpu.vector_store %arg6[%swap3A_126], %swap3A_129 {strides = array<i32>} : memref<640xf32, #tpu.memory_space<vmem>>, vector<16xf32>,
    %broadcast_in_dim3A_130 = arith.constant 0.000000e+00 : f32
    %broadcast_in_dim3A_131 = vector.broadcast %broadcast_in_dim3A_130 : f32 to vector<16xf32>
    %swap3A_132 = arith.constant 224 : index
    %swap3A_133 = tpu.vector_load %arg6[%swap3A_132] {strides = array<i32>} : memref<640xf32, #tpu.memory_space<vmem>>, vector<16xf32>,
    %swap3A_134 = vector.shape_cast %swap3A_133 : vector<16xf32> to vector<16xf32>
    %swap3A_135 = vector.shape_cast %broadcast_in_dim3A_131 : vector<16xf32> to vector<16xf32>
    tpu.vector_store %arg6[%swap3A_132], %swap3A_135 {strides = array<i32>} : memref<640xf32, #tpu.memory_space<vmem>>, vector<16xf32>,
    %broadcast_in_dim3A_136 = arith.constant 0.000000e+00 : f32
    %broadcast_in_dim3A_137 = vector.broadcast %broadcast_in_dim3A_136 : f32 to vector<16xf32>
    %swap3A_138 = arith.constant 240 : index
    %swap3A_139 = tpu.vector_load %arg6[%swap3A_138] {strides = array<i32>} : memref<640xf32, #tpu.memory_space<vmem>>, vector<16xf32>,
    %swap3A_140 = vector.shape_cast %swap3A_139 : vector<16xf32> to vector<16xf32>
    %swap3A_141 = vector.shape_cast %broadcast_in_dim3A_137 : vector<16xf32> to vector<16xf32>
    tpu.vector_store %arg6[%swap3A_138], %swap3A_141 {strides = array<i32>} : memref<640xf32, #tpu.memory_space<vmem>>, vector<16xf32>,
    %broadcast_in_dim3A_142 = arith.constant 0.000000e+00 : f32
    %broadcast_in_dim3A_143 = vector.broadcast %broadcast_in_dim3A_142 : f32 to vector<16xf32>
    %swap3A_144 = arith.constant 256 : index
    %swap3A_145 = tpu.vector_load %arg6[%swap3A_144] {strides = array<i32>} : memref<640xf32, #tpu.memory_space<vmem>>, vector<16xf32>,
    %swap3A_146 = vector.shape_cast %swap3A_145 : vector<16xf32> to vector<16xf32>
    %swap3A_147 = vector.shape_cast %broadcast_in_dim3A_143 : vector<16xf32> to vector<16xf32>
    tpu.vector_store %arg6[%swap3A_144], %swap3A_147 {strides = array<i32>} : memref<640xf32, #tpu.memory_space<vmem>>, vector<16xf32>,
    %broadcast_in_dim3A_148 = arith.constant 0.000000e+00 : f32
    %broadcast_in_dim3A_149 = vector.broadcast %broadcast_in_dim3A_148 : f32 to vector<16xf32>
    %swap3A_150 = arith.constant 272 : index
    %swap3A_151 = tpu.vector_load %arg6[%swap3A_150] {strides = array<i32>} : memref<640xf32, #tpu.memory_space<vmem>>, vector<16xf32>,
    %swap3A_152 = vector.shape_cast %swap3A_151 : vector<16xf32> to vector<16xf32>
    %swap3A_153 = vector.shape_cast %broadcast_in_dim3A_149 : vector<16xf32> to vector<16xf32>
    tpu.vector_store %arg6[%swap3A_150], %swap3A_153 {strides = array<i32>} : memref<640xf32, #tpu.memory_space<vmem>>, vector<16xf32>,
    %broadcast_in_dim3A_154 = arith.constant 0.000000e+00 : f32
    %broadcast_in_dim3A_155 = vector.broadcast %broadcast_in_dim3A_154 : f32 to vector<16xf32>
    %swap3A_156 = arith.constant 288 : index
    %swap3A_157 = tpu.vector_load %arg6[%swap3A_156] {strides = array<i32>} : memref<640xf32, #tpu.memory_space<vmem>>, vector<16xf32>,
    %swap3A_158 = vector.shape_cast %swap3A_157 : vector<16xf32> to vector<16xf32>
    %swap3A_159 = vector.shape_cast %broadcast_in_dim3A_155 : vector<16xf32> to vector<16xf32>
    tpu.vector_store %arg6[%swap3A_156], %swap3A_159 {strides = array<i32>} : memref<640xf32, #tpu.memory_space<vmem>>, vector<16xf32>,
    %broadcast_in_dim3A_160 = arith.constant 0.000000e+00 : f32
    %broadcast_in_dim3A_161 = vector.broadcast %broadcast_in_dim3A_160 : f32 to vector<16xf32>
    %swap3A_162 = arith.constant 304 : index
    %swap3A_163 = tpu.vector_load %arg6[%swap3A_162] {strides = array<i32>} : memref<640xf32, #tpu.memory_space<vmem>>, vector<16xf32>,
    %swap3A_164 = vector.shape_cast %swap3A_163 : vector<16xf32> to vector<16xf32>
    %swap3A_165 = vector.shape_cast %broadcast_in_dim3A_161 : vector<16xf32> to vector<16xf32>
    tpu.vector_store %arg6[%swap3A_162], %swap3A_165 {strides = array<i32>} : memref<640xf32, #tpu.memory_space<vmem>>, vector<16xf32>,
    %broadcast_in_dim3A_166 = arith.constant 0.000000e+00 : f32
    %broadcast_in_dim3A_167 = vector.broadcast %broadcast_in_dim3A_166 : f32 to vector<16xf32>
    %swap3A_168 = arith.constant 320 : index
    %swap3A_169 = tpu.vector_load %arg6[%swap3A_168] {strides = array<i32>} : memref<640xf32, #tpu.memory_space<vmem>>, vector<16xf32>,
    %swap3A_170 = vector.shape_cast %swap3A_169 : vector<16xf32> to vector<16xf32>
    %swap3A_171 = vector.shape_cast %broadcast_in_dim3A_167 : vector<16xf32> to vector<16xf32>
    tpu.vector_store %arg6[%swap3A_168], %swap3A_171 {strides = array<i32>} : memref<640xf32, #tpu.memory_space<vmem>>, vector<16xf32>,
    %broadcast_in_dim3A_172 = arith.constant 0.000000e+00 : f32
    %broadcast_in_dim3A_173 = vector.broadcast %broadcast_in_dim3A_172 : f32 to vector<16xf32>
    %swap3A_174 = arith.constant 336 : index
    %swap3A_175 = tpu.vector_load %arg6[%swap3A_174] {strides = array<i32>} : memref<640xf32, #tpu.memory_space<vmem>>, vector<16xf32>,
    %swap3A_176 = vector.shape_cast %swap3A_175 : vector<16xf32> to vector<16xf32>
    %swap3A_177 = vector.shape_cast %broadcast_in_dim3A_173 : vector<16xf32> to vector<16xf32>
    tpu.vector_store %arg6[%swap3A_174], %swap3A_177 {strides = array<i32>} : memref<640xf32, #tpu.memory_space<vmem>>, vector<16xf32>,
    %broadcast_in_dim3A_178 = arith.constant 0.000000e+00 : f32
    %broadcast_in_dim3A_179 = vector.broadcast %broadcast_in_dim3A_178 : f32 to vector<16xf32>
    %swap3A_180 = arith.constant 352 : index
    %swap3A_181 = tpu.vector_load %arg6[%swap3A_180] {strides = array<i32>} : memref<640xf32, #tpu.memory_space<vmem>>, vector<16xf32>,
    %swap3A_182 = vector.shape_cast %swap3A_181 : vector<16xf32> to vector<16xf32>
    %swap3A_183 = vector.shape_cast %broadcast_in_dim3A_179 : vector<16xf32> to vector<16xf32>
    tpu.vector_store %arg6[%swap3A_180], %swap3A_183 {strides = array<i32>} : memref<640xf32, #tpu.memory_space<vmem>>, vector<16xf32>,
    %broadcast_in_dim3A_184 = arith.constant 0.000000e+00 : f32
    %broadcast_in_dim3A_185 = vector.broadcast %broadcast_in_dim3A_184 : f32 to vector<16xf32>
    %swap3A_186 = arith.constant 368 : index
    %swap3A_187 = tpu.vector_load %arg6[%swap3A_186] {strides = array<i32>} : memref<640xf32, #tpu.memory_space<vmem>>, vector<16xf32>,
    %swap3A_188 = vector.shape_cast %swap3A_187 : vector<16xf32> to vector<16xf32>
    %swap3A_189 = vector.shape_cast %broadcast_in_dim3A_185 : vector<16xf32> to vector<16xf32>
    tpu.vector_store %arg6[%swap3A_186], %swap3A_189 {strides = array<i32>} : memref<640xf32, #tpu.memory_space<vmem>>, vector<16xf32>,
    %broadcast_in_dim3A_190 = arith.constant 0.000000e+00 : f32
    %broadcast_in_dim3A_191 = vector.broadcast %broadcast_in_dim3A_190 : f32 to vector<16xf32>
    %swap3A_192 = arith.constant 384 : index
    %swap3A_193 = tpu.vector_load %arg6[%swap3A_192] {strides = array<i32>} : memref<640xf32, #tpu.memory_space<vmem>>, vector<16xf32>,
    %swap3A_194 = vector.shape_cast %swap3A_193 : vector<16xf32> to vector<16xf32>
    %swap3A_195 = vector.shape_cast %broadcast_in_dim3A_191 : vector<16xf32> to vector<16xf32>
    tpu.vector_store %arg6[%swap3A_192], %swap3A_195 {strides = array<i32>} : memref<640xf32, #tpu.memory_space<vmem>>, vector<16xf32>,
    %broadcast_in_dim3A_196 = arith.constant 0.000000e+00 : f32
    %broadcast_in_dim3A_197 = vector.broadcast %broadcast_in_dim3A_196 : f32 to vector<16xf32>
    %swap3A_198 = arith.constant 400 : index
    %swap3A_199 = tpu.vector_load %arg6[%swap3A_198] {strides = array<i32>} : memref<640xf32, #tpu.memory_space<vmem>>, vector<16xf32>,
    %swap3A_200 = vector.shape_cast %swap3A_199 : vector<16xf32> to vector<16xf32>
    %swap3A_201 = vector.shape_cast %broadcast_in_dim3A_197 : vector<16xf32> to vector<16xf32>
    tpu.vector_store %arg6[%swap3A_198], %swap3A_201 {strides = array<i32>} : memref<640xf32, #tpu.memory_space<vmem>>, vector<16xf32>,
    %broadcast_in_dim3A_202 = arith.constant 0.000000e+00 : f32
    %broadcast_in_dim3A_203 = vector.broadcast %broadcast_in_dim3A_202 : f32 to vector<16xf32>
    %swap3A_204 = arith.constant 416 : index
    %swap3A_205 = tpu.vector_load %arg6[%swap3A_204] {strides = array<i32>} : memref<640xf32, #tpu.memory_space<vmem>>, vector<16xf32>,
    %swap3A_206 = vector.shape_cast %swap3A_205 : vector<16xf32> to vector<16xf32>
    %swap3A_207 = vector.shape_cast %broadcast_in_dim3A_203 : vector<16xf32> to vector<16xf32>
    tpu.vector_store %arg6[%swap3A_204], %swap3A_207 {strides = array<i32>} : memref<640xf32, #tpu.memory_space<vmem>>, vector<16xf32>,
    %broadcast_in_dim3A_208 = arith.constant 0.000000e+00 : f32
    %broadcast_in_dim3A_209 = vector.broadcast %broadcast_in_dim3A_208 : f32 to vector<16xf32>
    %swap3A_210 = arith.constant 432 : index
    %swap3A_211 = tpu.vector_load %arg6[%swap3A_210] {strides = array<i32>} : memref<640xf32, #tpu.memory_space<vmem>>, vector<16xf32>,
    %swap3A_212 = vector.shape_cast %swap3A_211 : vector<16xf32> to vector<16xf32>
    %swap3A_213 = vector.shape_cast %broadcast_in_dim3A_209 : vector<16xf32> to vector<16xf32>
    tpu.vector_store %arg6[%swap3A_210], %swap3A_213 {strides = array<i32>} : memref<640xf32, #tpu.memory_space<vmem>>, vector<16xf32>,
    %broadcast_in_dim3A_214 = arith.constant 0.000000e+00 : f32
    %broadcast_in_dim3A_215 = vector.broadcast %broadcast_in_dim3A_214 : f32 to vector<16xf32>
    %swap3A_216 = arith.constant 448 : index
    %swap3A_217 = tpu.vector_load %arg6[%swap3A_216] {strides = array<i32>} : memref<640xf32, #tpu.memory_space<vmem>>, vector<16xf32>,
    %swap3A_218 = vector.shape_cast %swap3A_217 : vector<16xf32> to vector<16xf32>
    %swap3A_219 = vector.shape_cast %broadcast_in_dim3A_215 : vector<16xf32> to vector<16xf32>
    tpu.vector_store %arg6[%swap3A_216], %swap3A_219 {strides = array<i32>} : memref<640xf32, #tpu.memory_space<vmem>>, vector<16xf32>,
    %broadcast_in_dim3A_220 = arith.constant 0.000000e+00 : f32
    %broadcast_in_dim3A_221 = vector.broadcast %broadcast_in_dim3A_220 : f32 to vector<16xf32>
    %swap3A_222 = arith.constant 464 : index
    %swap3A_223 = tpu.vector_load %arg6[%swap3A_222] {strides = array<i32>} : memref<640xf32, #tpu.memory_space<vmem>>, vector<16xf32>,
    %swap3A_224 = vector.shape_cast %swap3A_223 : vector<16xf32> to vector<16xf32>
    %swap3A_225 = vector.shape_cast %broadcast_in_dim3A_221 : vector<16xf32> to vector<16xf32>
    tpu.vector_store %arg6[%swap3A_222], %swap3A_225 {strides = array<i32>} : memref<640xf32, #tpu.memory_space<vmem>>, vector<16xf32>,
    %broadcast_in_dim3A_226 = arith.constant 0.000000e+00 : f32
    %broadcast_in_dim3A_227 = vector.broadcast %broadcast_in_dim3A_226 : f32 to vector<16xf32>
    %swap3A_228 = arith.constant 480 : index
    %swap3A_229 = tpu.vector_load %arg6[%swap3A_228] {strides = array<i32>} : memref<640xf32, #tpu.memory_space<vmem>>, vector<16xf32>,
    %swap3A_230 = vector.shape_cast %swap3A_229 : vector<16xf32> to vector<16xf32>
    %swap3A_231 = vector.shape_cast %broadcast_in_dim3A_227 : vector<16xf32> to vector<16xf32>
    tpu.vector_store %arg6[%swap3A_228], %swap3A_231 {strides = array<i32>} : memref<640xf32, #tpu.memory_space<vmem>>, vector<16xf32>,
    %broadcast_in_dim3A_232 = arith.constant 0.000000e+00 : f32
    %broadcast_in_dim3A_233 = vector.broadcast %broadcast_in_dim3A_232 : f32 to vector<16xf32>
    %swap3A_234 = arith.constant 496 : index
    %swap3A_235 = tpu.vector_load %arg6[%swap3A_234] {strides = array<i32>} : memref<640xf32, #tpu.memory_space<vmem>>, vector<16xf32>,
    %swap3A_236 = vector.shape_cast %swap3A_235 : vector<16xf32> to vector<16xf32>
    %swap3A_237 = vector.shape_cast %broadcast_in_dim3A_233 : vector<16xf32> to vector<16xf32>
    tpu.vector_store %arg6[%swap3A_234], %swap3A_237 {strides = array<i32>} : memref<640xf32, #tpu.memory_space<vmem>>, vector<16xf32>,
    %broadcast_in_dim3A_238 = arith.constant 0.000000e+00 : f32
    %broadcast_in_dim3A_239 = vector.broadcast %broadcast_in_dim3A_238 : f32 to vector<16xf32>
    %swap3A_240 = arith.constant 512 : index
    %swap3A_241 = tpu.vector_load %arg6[%swap3A_240] {strides = array<i32>} : memref<640xf32, #tpu.memory_space<vmem>>, vector<16xf32>,
    %swap3A_242 = vector.shape_cast %swap3A_241 : vector<16xf32> to vector<16xf32>
    %swap3A_243 = vector.shape_cast %broadcast_in_dim3A_239 : vector<16xf32> to vector<16xf32>
    tpu.vector_store %arg6[%swap3A_240], %swap3A_243 {strides = array<i32>} : memref<640xf32, #tpu.memory_space<vmem>>, vector<16xf32>,
    %broadcast_in_dim3A_244 = arith.constant 0.000000e+00 : f32
    %broadcast_in_dim3A_245 = vector.broadcast %broadcast_in_dim3A_244 : f32 to vector<16xf32>
    %swap3A_246 = arith.constant 528 : index
    %swap3A_247 = tpu.vector_load %arg6[%swap3A_246] {strides = array<i32>} : memref<640xf32, #tpu.memory_space<vmem>>, vector<16xf32>,
    %swap3A_248 = vector.shape_cast %swap3A_247 : vector<16xf32> to vector<16xf32>
    %swap3A_249 = vector.shape_cast %broadcast_in_dim3A_245 : vector<16xf32> to vector<16xf32>
    tpu.vector_store %arg6[%swap3A_246], %swap3A_249 {strides = array<i32>} : memref<640xf32, #tpu.memory_space<vmem>>, vector<16xf32>,
    %broadcast_in_dim3A_250 = arith.constant 0.000000e+00 : f32
    %broadcast_in_dim3A_251 = vector.broadcast %broadcast_in_dim3A_250 : f32 to vector<16xf32>
    %swap3A_252 = arith.constant 544 : index
    %swap3A_253 = tpu.vector_load %arg6[%swap3A_252] {strides = array<i32>} : memref<640xf32, #tpu.memory_space<vmem>>, vector<16xf32>,
    %swap3A_254 = vector.shape_cast %swap3A_253 : vector<16xf32> to vector<16xf32>
    %swap3A_255 = vector.shape_cast %broadcast_in_dim3A_251 : vector<16xf32> to vector<16xf32>
    tpu.vector_store %arg6[%swap3A_252], %swap3A_255 {strides = array<i32>} : memref<640xf32, #tpu.memory_space<vmem>>, vector<16xf32>,
    %broadcast_in_dim3A_256 = arith.constant 0.000000e+00 : f32
    %broadcast_in_dim3A_257 = vector.broadcast %broadcast_in_dim3A_256 : f32 to vector<16xf32>
    %swap3A_258 = arith.constant 560 : index
    %swap3A_259 = tpu.vector_load %arg6[%swap3A_258] {strides = array<i32>} : memref<640xf32, #tpu.memory_space<vmem>>, vector<16xf32>,
    %swap3A_260 = vector.shape_cast %swap3A_259 : vector<16xf32> to vector<16xf32>
    %swap3A_261 = vector.shape_cast %broadcast_in_dim3A_257 : vector<16xf32> to vector<16xf32>
    tpu.vector_store %arg6[%swap3A_258], %swap3A_261 {strides = array<i32>} : memref<640xf32, #tpu.memory_space<vmem>>, vector<16xf32>,
    %broadcast_in_dim3A_262 = arith.constant 0.000000e+00 : f32
    %broadcast_in_dim3A_263 = vector.broadcast %broadcast_in_dim3A_262 : f32 to vector<16xf32>
    %swap3A_264 = arith.constant 576 : index
    %swap3A_265 = tpu.vector_load %arg6[%swap3A_264] {strides = array<i32>} : memref<640xf32, #tpu.memory_space<vmem>>, vector<16xf32>,
    %swap3A_266 = vector.shape_cast %swap3A_265 : vector<16xf32> to vector<16xf32>
    %swap3A_267 = vector.shape_cast %broadcast_in_dim3A_263 : vector<16xf32> to vector<16xf32>
    tpu.vector_store %arg6[%swap3A_264], %swap3A_267 {strides = array<i32>} : memref<640xf32, #tpu.memory_space<vmem>>, vector<16xf32>,
    %broadcast_in_dim3A_268 = arith.constant 0.000000e+00 : f32
    %broadcast_in_dim3A_269 = vector.broadcast %broadcast_in_dim3A_268 : f32 to vector<16xf32>
    %swap3A_270 = arith.constant 592 : index
    %swap3A_271 = tpu.vector_load %arg6[%swap3A_270] {strides = array<i32>} : memref<640xf32, #tpu.memory_space<vmem>>, vector<16xf32>,
    %swap3A_272 = vector.shape_cast %swap3A_271 : vector<16xf32> to vector<16xf32>
    %swap3A_273 = vector.shape_cast %broadcast_in_dim3A_269 : vector<16xf32> to vector<16xf32>
    tpu.vector_store %arg6[%swap3A_270], %swap3A_273 {strides = array<i32>} : memref<640xf32, #tpu.memory_space<vmem>>, vector<16xf32>,
    %broadcast_in_dim3A_274 = arith.constant 0.000000e+00 : f32
    %broadcast_in_dim3A_275 = vector.broadcast %broadcast_in_dim3A_274 : f32 to vector<16xf32>
    %swap3A_276 = arith.constant 608 : index
    %swap3A_277 = tpu.vector_load %arg6[%swap3A_276] {strides = array<i32>} : memref<640xf32, #tpu.memory_space<vmem>>, vector<16xf32>,
    %swap3A_278 = vector.shape_cast %swap3A_277 : vector<16xf32> to vector<16xf32>
    %swap3A_279 = vector.shape_cast %broadcast_in_dim3A_275 : vector<16xf32> to vector<16xf32>
    tpu.vector_store %arg6[%swap3A_276], %swap3A_279 {strides = array<i32>} : memref<640xf32, #tpu.memory_space<vmem>>, vector<16xf32>,
    %broadcast_in_dim3A_280 = arith.constant 0.000000e+00 : f32
    %broadcast_in_dim3A_281 = vector.broadcast %broadcast_in_dim3A_280 : f32 to vector<16xf32>
    %swap3A_282 = arith.constant 624 : index
    %swap3A_283 = tpu.vector_load %arg6[%swap3A_282] {strides = array<i32>} : memref<640xf32, #tpu.memory_space<vmem>>, vector<16xf32>,
    %swap3A_284 = vector.shape_cast %swap3A_283 : vector<16xf32> to vector<16xf32>
    %swap3A_285 = vector.shape_cast %broadcast_in_dim3A_281 : vector<16xf32> to vector<16xf32>
    tpu.vector_store %arg6[%swap3A_282], %swap3A_285 {strides = array<i32>} : memref<640xf32, #tpu.memory_space<vmem>>, vector<16xf32>,
    "tpu.region"() ({
      %run_scoped3A = tpu.sem_alloc : memref<!tpu.dma_semaphore, #tpu.memory_space<semaphore_mem>>
      %dma_start3A = arith.constant 0 : i32
      %dma_start3A_297 = arith.constant 0 : i32
      %dma_start3A_298 = arith.constant 0 : i32
      %dma_start3A_299 = tpu.memref_slice %arg2[%arg0, %dma_start3A, %dma_start3A_297, %dma_start3A_298] : memref<2x16x40x128xi32, #tpu.memory_space<hbm>> -> memref<1x16x40x128xi32, #tpu.memory_space<hbm>>
      %dma_start3A_300 = tpu.memref_squeeze %dma_start3A_299 : memref<1x16x40x128xi32, #tpu.memory_space<hbm>> -> memref<16x40x128xi32, #tpu.memory_space<hbm>>
      %dma_start3A_301 = arith.constant 0 : i32
      %dma_start3A_302 = arith.constant 0 : i32
      %dma_start3A_303 = tpu.memref_slice %dma_start3A_300[%arg1, %dma_start3A_301, %dma_start3A_302] : memref<16x40x128xi32, #tpu.memory_space<hbm>> -> memref<1x40x128xi32, #tpu.memory_space<hbm>>
      %dma_start3A_304 = tpu.memref_squeeze %dma_start3A_303 : memref<1x40x128xi32, #tpu.memory_space<hbm>> -> memref<40x128xi32, #tpu.memory_space<hbm>>
      %dma_start3A_305 = arith.constant 0 : i32
      %dma_start3A_306 = arith.constant 0 : i32
      %dma_start3A_307 = arith.constant 0 : i32
      %dma_start3A_308 = tpu.memref_slice %arg2[%arg0, %dma_start3A_305, %dma_start3A_306, %dma_start3A_307] : memref<2x16x40x128xi32, #tpu.memory_space<hbm>> -> memref<1x16x40x128xi32, #tpu.memory_space<hbm>>
      %dma_start3A_309 = tpu.memref_squeeze %dma_start3A_308 : memref<1x16x40x128xi32, #tpu.memory_space<hbm>> -> memref<16x40x128xi32, #tpu.memory_space<hbm>>
      %dma_start3A_310 = arith.constant 0 : i32
      %dma_start3A_311 = arith.constant 0 : i32
      %dma_start3A_312 = tpu.memref_slice %dma_start3A_309[%arg1, %dma_start3A_310, %dma_start3A_311] : memref<16x40x128xi32, #tpu.memory_space<hbm>> -> memref<1x40x128xi32, #tpu.memory_space<hbm>>
      %dma_start3A_313 = tpu.memref_squeeze %dma_start3A_312 : memref<1x40x128xi32, #tpu.memory_space<hbm>> -> memref<40x128xi32, #tpu.memory_space<hbm>>
      tpu.enqueue_dma source(%dma_start3A_313 : memref<40x128xi32, #tpu.memory_space<hbm>>) target(%arg4 : memref<40x128xi32, #tpu.memory_space<vmem>>) target_semaphore(%run_scoped3A : memref<!tpu.dma_semaphore, #tpu.memory_space<semaphore_mem>>)
      %dma_wait3A = arith.constant 0 : i32
      %dma_wait3A_314 = arith.constant 0 : i32
      %dma_wait3A_315 = arith.constant 0 : i32
      %dma_wait3A_316 = tpu.memref_slice %arg2[%arg0, %dma_wait3A, %dma_wait3A_314, %dma_wait3A_315] : memref<2x16x40x128xi32, #tpu.memory_space<hbm>> -> memref<1x16x40x128xi32, #tpu.memory_space<hbm>>
      %dma_wait3A_317 = tpu.memref_squeeze %dma_wait3A_316 : memref<1x16x40x128xi32, #tpu.memory_space<hbm>> -> memref<16x40x128xi32, #tpu.memory_space<hbm>>
      %dma_wait3A_318 = arith.constant 0 : i32
      %dma_wait3A_319 = arith.constant 0 : i32
      %dma_wait3A_320 = tpu.memref_slice %dma_wait3A_317[%arg1, %dma_wait3A_318, %dma_wait3A_319] : memref<16x40x128xi32, #tpu.memory_space<hbm>> -> memref<1x40x128xi32, #tpu.memory_space<hbm>>
      %dma_wait3A_321 = tpu.memref_squeeze %dma_wait3A_320 : memref<1x40x128xi32, #tpu.memory_space<hbm>> -> memref<40x128xi32, #tpu.memory_space<hbm>>
      %dma_wait3A_322 = arith.constant 0 : i32
      %dma_wait3A_323 = arith.constant 0 : i32
      %dma_wait3A_324 = arith.constant 0 : i32
      %dma_wait3A_325 = tpu.memref_slice %arg2[%arg0, %dma_wait3A_322, %dma_wait3A_323, %dma_wait3A_324] : memref<2x16x40x128xi32, #tpu.memory_space<hbm>> -> memref<1x16x40x128xi32, #tpu.memory_space<hbm>>
      %dma_wait3A_326 = tpu.memref_squeeze %dma_wait3A_325 : memref<1x16x40x128xi32, #tpu.memory_space<hbm>> -> memref<16x40x128xi32, #tpu.memory_space<hbm>>
      %dma_wait3A_327 = arith.constant 0 : i32
      %dma_wait3A_328 = arith.constant 0 : i32
      %dma_wait3A_329 = tpu.memref_slice %dma_wait3A_326[%arg1, %dma_wait3A_327, %dma_wait3A_328] : memref<16x40x128xi32, #tpu.memory_space<hbm>> -> memref<1x40x128xi32, #tpu.memory_space<hbm>>
      %dma_wait3A_330 = tpu.memref_squeeze %dma_wait3A_329 : memref<1x40x128xi32, #tpu.memory_space<hbm>> -> memref<40x128xi32, #tpu.memory_space<hbm>>
      tpu.wait_dma2 semaphore(%run_scoped3A : memref<!tpu.dma_semaphore, #tpu.memory_space<semaphore_mem>>) src(%dma_wait3A_330 : memref<40x128xi32, #tpu.memory_space<hbm>>) dst(%arg4 : memref<40x128xi32, #tpu.memory_space<vmem>>)
      tpu.yield
    }) : () -> ()
    %mul3A = arith.constant 640 : i32
    %mul3A_286 = arith.muli %arg1, %mul3A : i32
    "tpu.region"() ({
      %run_scoped3A = tpu.sem_alloc : memref<!tpu.dma_semaphore, #tpu.memory_space<semaphore_mem>>
      %dma_start3A = tpu.memref_slice %arg7[%mul3A_286] : memref<10240xf32, #tpu.memory_space<vmem_shared>> -> memref<640xf32, #tpu.memory_space<vmem_shared>>
      %dma_start3A_297 = tpu.memref_slice %arg7[%mul3A_286] : memref<10240xf32, #tpu.memory_space<vmem_shared>> -> memref<640xf32, #tpu.memory_space<vmem_shared>>
      tpu.enqueue_dma source(%arg6 : memref<640xf32, #tpu.memory_space<vmem>>) target(%dma_start3A_297 : memref<640xf32, #tpu.memory_space<vmem_shared>>) target_semaphore(%run_scoped3A : memref<!tpu.dma_semaphore, #tpu.memory_space<semaphore_mem>>)
      %dma_wait3A = tpu.memref_slice %arg7[%mul3A_286] : memref<10240xf32, #tpu.memory_space<vmem_shared>> -> memref<640xf32, #tpu.memory_space<vmem_shared>>
      %dma_wait3A_298 = tpu.memref_slice %arg7[%mul3A_286] : memref<10240xf32, #tpu.memory_space<vmem_shared>> -> memref<640xf32, #tpu.memory_space<vmem_shared>>
      tpu.wait_dma2 semaphore(%run_scoped3A : memref<!tpu.dma_semaphore, #tpu.memory_space<semaphore_mem>>) src(%arg6 : memref<640xf32, #tpu.memory_space<vmem>>) dst(%dma_wait3A_298 : memref<640xf32, #tpu.memory_space<vmem_shared>>)
      tpu.yield
    }) : () -> ()
    %barrier3A = arith.constant 0 : index
    tpu.barrier barrier_id(%barrier3A)
    %scan3A = arith.constant 0 : i32
    %scan3A_287 = arith.constant 0 : i32
    %scan3A_288 = arith.constant 40 : i32
    %scan3A_289 = arith.addi %scan3A_287, %scan3A_288 : i32
    %scan3A_290 = arith.constant 1 : i32
    scf.for %scan3A_297 = %scan3A_287 to %scan3A_289 step %scan3A_290  : i32 {
      "tpu.region"() ({
        %run_scoped3A = tpu.sem_alloc : memref<!tpu.dma_semaphore, #tpu.memory_space<semaphore_mem>>
        %dma_start3A = arith.constant 0 : i32
        %dma_start3A_298 = tpu.memref_slice %arg4[%scan3A_297, %dma_start3A] : memref<40x128xi32, #tpu.memory_space<vmem>> -> memref<1x128xi32, #tpu.memory_space<vmem>>
        %dma_start3A_299 = tpu.memref_squeeze %dma_start3A_298 : memref<1x128xi32, #tpu.memory_space<vmem>> -> memref<128xi32, #tpu.memory_space<vmem>>
        %dma_start3A_300 = arith.constant 0 : i32
        %dma_start3A_301 = tpu.memref_slice %arg7[%dma_start3A_300] : memref<10240xf32, #tpu.memory_space<vmem_shared>> -> memref<10240xf32, #tpu.memory_space<vmem_shared>>
        tpu.enqueue_indirect_dma source(%arg5 : memref<128xf32, #tpu.memory_space<vmem>>) target(%dma_start3A_301 : memref<10240xf32, #tpu.memory_space<vmem_shared>>) offsets(%dma_start3A_299 : memref<128xi32, #tpu.memory_space<vmem>>) semaphore(%run_scoped3A : memref<!tpu.dma_semaphore, #tpu.memory_space<semaphore_mem>>) {add = true}
        %dma_wait3A = arith.constant 0 : i32
        %dma_wait3A_302 = tpu.memref_slice %arg4[%scan3A_297, %dma_wait3A] : memref<40x128xi32, #tpu.memory_space<vmem>> -> memref<1x128xi32, #tpu.memory_space<vmem>>
        %dma_wait3A_303 = tpu.memref_squeeze %dma_wait3A_302 : memref<1x128xi32, #tpu.memory_space<vmem>> -> memref<128xi32, #tpu.memory_space<vmem>>
        %dma_wait3A_304 = arith.constant 0 : i32
        %dma_wait3A_305 = tpu.memref_slice %arg7[%dma_wait3A_304] : memref<10240xf32, #tpu.memory_space<vmem_shared>> -> memref<10240xf32, #tpu.memory_space<vmem_shared>>
        tpu.wait_indirect_dma semaphore(%run_scoped3A : memref<!tpu.dma_semaphore, #tpu.memory_space<semaphore_mem>>) src(%arg5 : memref<128xf32, #tpu.memory_space<vmem>>) dst(%dma_wait3A_305 : memref<10240xf32, #tpu.memory_space<vmem_shared>>)
        tpu.yield
      }) : () -> ()
    }
    %scan3A_291 = arith.constant 40 : i32
    %barrier3A_292 = arith.constant 0 : index
    tpu.barrier barrier_id(%barrier3A_292)
    %mul3A_293 = arith.constant 640 : i32
    %mul3A_294 = arith.muli %arg1, %mul3A_293 : i32
    "tpu.region"() ({
      %run_scoped3A = tpu.sem_alloc : memref<!tpu.dma_semaphore, #tpu.memory_space<semaphore_mem>>
      %dma_start3A = tpu.memref_slice %arg7[%mul3A_294] : memref<10240xf32, #tpu.memory_space<vmem_shared>> -> memref<640xf32, #tpu.memory_space<vmem_shared>>
      %dma_start3A_297 = tpu.memref_slice %arg7[%mul3A_294] : memref<10240xf32, #tpu.memory_space<vmem_shared>> -> memref<640xf32, #tpu.memory_space<vmem_shared>>
      tpu.enqueue_dma source(%dma_start3A_297 : memref<640xf32, #tpu.memory_space<vmem_shared>>) target(%arg6 : memref<640xf32, #tpu.memory_space<vmem>>) target_semaphore(%run_scoped3A : memref<!tpu.dma_semaphore, #tpu.memory_space<semaphore_mem>>)
      %dma_wait3A = tpu.memref_slice %arg7[%mul3A_294] : memref<10240xf32, #tpu.memory_space<vmem_shared>> -> memref<640xf32, #tpu.memory_space<vmem_shared>>
      %dma_wait3A_298 = tpu.memref_slice %arg7[%mul3A_294] : memref<10240xf32, #tpu.memory_space<vmem_shared>> -> memref<640xf32, #tpu.memory_space<vmem_shared>>
      tpu.wait_dma2 semaphore(%run_scoped3A : memref<!tpu.dma_semaphore, #tpu.memory_space<semaphore_mem>>) src(%dma_wait3A_298 : memref<640xf32, #tpu.memory_space<vmem_shared>>) dst(%arg6 : memref<640xf32, #tpu.memory_space<vmem>>)
      tpu.yield
    }) : () -> ()
    %mul3A_295 = arith.constant 640 : i32
    %mul3A_296 = arith.muli %arg1, %mul3A_295 : i32
    "tpu.region"() ({
      %run_scoped3A = tpu.sem_alloc : memref<!tpu.dma_semaphore, #tpu.memory_space<semaphore_mem>>
      %dma_start3A = arith.constant 0 : i32
      %dma_start3A_297 = tpu.memref_slice %arg3[%arg0, %dma_start3A] : memref<2x10240xf32, #tpu.memory_space<hbm>> -> memref<1x10240xf32, #tpu.memory_space<hbm>>
      %dma_start3A_298 = tpu.memref_squeeze %dma_start3A_297 : memref<1x10240xf32, #tpu.memory_space<hbm>> -> memref<10240xf32, #tpu.memory_space<hbm>>
      %dma_start3A_299 = tpu.memref_slice %dma_start3A_298[%mul3A_296] : memref<10240xf32, #tpu.memory_space<hbm>> -> memref<640xf32, #tpu.memory_space<hbm>>
      %dma_start3A_300 = arith.constant 0 : i32
      %dma_start3A_301 = tpu.memref_slice %arg3[%arg0, %dma_start3A_300] : memref<2x10240xf32, #tpu.memory_space<hbm>> -> memref<1x10240xf32, #tpu.memory_space<hbm>>
      %dma_start3A_302 = tpu.memref_squeeze %dma_start3A_301 : memref<1x10240xf32, #tpu.memory_space<hbm>> -> memref<10240xf32, #tpu.memory_space<hbm>>
      %dma_start3A_303 = tpu.memref_slice %dma_start3A_302[%mul3A_296] : memref<10240xf32, #tpu.memory_space<hbm>> -> memref<640xf32, #tpu.memory_space<hbm>>
      tpu.enqueue_dma source(%arg6 : memref<640xf32, #tpu.memory_space<vmem>>) target(%dma_start3A_303 : memref<640xf32, #tpu.memory_space<hbm>>) target_semaphore(%run_scoped3A : memref<!tpu.dma_semaphore, #tpu.memory_space<semaphore_mem>>)
      %dma_wait3A = arith.constant 0 : i32
      %dma_wait3A_304 = tpu.memref_slice %arg3[%arg0, %dma_wait3A] : memref<2x10240xf32, #tpu.memory_space<hbm>> -> memref<1x10240xf32, #tpu.memory_space<hbm>>
      %dma_wait3A_305 = tpu.memref_squeeze %dma_wait3A_304 : memref<1x10240xf32, #tpu.memory_space<hbm>> -> memref<10240xf32, #tpu.memory_space<hbm>>
      %dma_wait3A_306 = tpu.memref_slice %dma_wait3A_305[%mul3A_296] : memref<10240xf32, #tpu.memory_space<hbm>> -> memref<640xf32, #tpu.memory_space<hbm>>
      %dma_wait3A_307 = arith.constant 0 : i32
      %dma_wait3A_308 = tpu.memref_slice %arg3[%arg0, %dma_wait3A_307] : memref<2x10240xf32, #tpu.memory_space<hbm>> -> memref<1x10240xf32, #tpu.memory_space<hbm>>
      %dma_wait3A_309 = tpu.memref_squeeze %dma_wait3A_308 : memref<1x10240xf32, #tpu.memory_space<hbm>> -> memref<10240xf32, #tpu.memory_space<hbm>>
      %dma_wait3A_310 = tpu.memref_slice %dma_wait3A_309[%mul3A_296] : memref<10240xf32, #tpu.memory_space<hbm>> -> memref<640xf32, #tpu.memory_space<hbm>>
      tpu.wait_dma2 semaphore(%run_scoped3A : memref<!tpu.dma_semaphore, #tpu.memory_space<semaphore_mem>>) src(%arg6 : memref<640xf32, #tpu.memory_space<vmem>>) dst(%dma_wait3A_310 : memref<640xf32, #tpu.memory_space<hbm>>)
      tpu.yield
    }) : () -> ()
    return
  }
}

#map = affine_map<(d0, d1) -> (0, 0)>
#map1 = affine_map<(d0, d1) -> (0, 0, 0, 0)>
#map2 = affine_map<(d0, d1) -> (0, 0, 0)>
module attributes {stable_mosaic.version = 14 : i64} {
  func.func @prop_kernel(%arg0: i32, %arg1: i32, %arg2: memref<20480x128xf32, #tpu.memory_space<hbm>>, %arg3: memref<2x16x80x128xi32, #tpu.memory_space<hbm>>, %arg4: memref<16x80x128xi32, #tpu.memory_space<hbm>>, %arg5: memref<20480x128xf32, #tpu.memory_space<hbm>>, %arg6: memref<40x128xi32, #tpu.memory_space<vmem>>, %arg7: memref<40x128xi32, #tpu.memory_space<vmem>>, %arg8: memref<128x128xf32, #tpu.memory_space<vmem>>, %arg9: memref<128x128xf32, #tpu.memory_space<vmem>>, %arg10: memref<10240x128xf32, #tpu.memory_space<vmem_shared>>, %arg11: memref<!tpu.dma_semaphore, #tpu.memory_space<semaphore_mem>>, %arg12: memref<!tpu.dma_semaphore, #tpu.memory_space<semaphore_mem>>) attributes {dimension_semantics = [#tpu.dimension_semantics<core_parallel>, #tpu.dimension_semantics<subcore_parallel>], iteration_bounds = array<i64: 2, 16>, scalar_prefetch = 0 : i64, scratch_operands = 7 : i64, tpu.core_type = #tpu.core_type<sc_vector_subcore>, window_params = [{transform_indices = #map}, {transform_indices = #map1}, {transform_indices = #map2}, {transform_indices = #map}]} {
    %mul3A = arith.constant 640 : i32
    %mul3A_0 = arith.muli %arg1, %mul3A : i32
    %mul3A_1 = arith.constant 10240 : i32
    %mul3A_2 = arith.muli %arg0, %mul3A_1 : i32
    %add3A = arith.addi %mul3A_2, %mul3A_0 : i32
    %add3A_3 = arith.constant 0 : i32
    %add3A_4 = arith.addi %add3A, %add3A_3 : i32
    "tpu.region"() ({
      %run_scoped3A = tpu.sem_alloc : memref<!tpu.dma_semaphore, #tpu.memory_space<semaphore_mem>>
      %dma_start3A = arith.constant 0 : i32
      %dma_start3A_76 = tpu.memref_slice %arg2[%add3A_4, %dma_start3A] : memref<20480x128xf32, #tpu.memory_space<hbm>> -> memref<128x128xf32, #tpu.memory_space<hbm>>
      %dma_start3A_77 = arith.constant 0 : i32
      %dma_start3A_78 = tpu.memref_slice %arg2[%add3A_4, %dma_start3A_77] : memref<20480x128xf32, #tpu.memory_space<hbm>> -> memref<128x128xf32, #tpu.memory_space<hbm>>
      tpu.enqueue_dma source(%dma_start3A_78 : memref<128x128xf32, #tpu.memory_space<hbm>>) target(%arg8 : memref<128x128xf32, #tpu.memory_space<vmem>>) target_semaphore(%run_scoped3A : memref<!tpu.dma_semaphore, #tpu.memory_space<semaphore_mem>>)
      %dma_wait3A = arith.constant 0 : i32
      %dma_wait3A_79 = tpu.memref_slice %arg2[%add3A_4, %dma_wait3A] : memref<20480x128xf32, #tpu.memory_space<hbm>> -> memref<128x128xf32, #tpu.memory_space<hbm>>
      %dma_wait3A_80 = arith.constant 0 : i32
      %dma_wait3A_81 = tpu.memref_slice %arg2[%add3A_4, %dma_wait3A_80] : memref<20480x128xf32, #tpu.memory_space<hbm>> -> memref<128x128xf32, #tpu.memory_space<hbm>>
      tpu.wait_dma2 semaphore(%run_scoped3A : memref<!tpu.dma_semaphore, #tpu.memory_space<semaphore_mem>>) src(%dma_wait3A_81 : memref<128x128xf32, #tpu.memory_space<hbm>>) dst(%arg8 : memref<128x128xf32, #tpu.memory_space<vmem>>)
      tpu.yield
    }) : () -> ()
    %add3A_5 = arith.constant 0 : i32
    %add3A_6 = arith.addi %mul3A_0, %add3A_5 : i32
    "tpu.region"() ({
      %run_scoped3A = tpu.sem_alloc : memref<!tpu.dma_semaphore, #tpu.memory_space<semaphore_mem>>
      %dma_start3A = arith.constant 0 : i32
      %dma_start3A_76 = tpu.memref_slice %arg10[%add3A_6, %dma_start3A] : memref<10240x128xf32, #tpu.memory_space<vmem_shared>> -> memref<128x128xf32, #tpu.memory_space<vmem_shared>>
      %dma_start3A_77 = arith.constant 0 : i32
      %dma_start3A_78 = tpu.memref_slice %arg10[%add3A_6, %dma_start3A_77] : memref<10240x128xf32, #tpu.memory_space<vmem_shared>> -> memref<128x128xf32, #tpu.memory_space<vmem_shared>>
      tpu.enqueue_dma source(%arg8 : memref<128x128xf32, #tpu.memory_space<vmem>>) target(%dma_start3A_78 : memref<128x128xf32, #tpu.memory_space<vmem_shared>>) target_semaphore(%run_scoped3A : memref<!tpu.dma_semaphore, #tpu.memory_space<semaphore_mem>>)
      %dma_wait3A = arith.constant 0 : i32
      %dma_wait3A_79 = tpu.memref_slice %arg10[%add3A_6, %dma_wait3A] : memref<10240x128xf32, #tpu.memory_space<vmem_shared>> -> memref<128x128xf32, #tpu.memory_space<vmem_shared>>
      %dma_wait3A_80 = arith.constant 0 : i32
      %dma_wait3A_81 = tpu.memref_slice %arg10[%add3A_6, %dma_wait3A_80] : memref<10240x128xf32, #tpu.memory_space<vmem_shared>> -> memref<128x128xf32, #tpu.memory_space<vmem_shared>>
      tpu.wait_dma2 semaphore(%run_scoped3A : memref<!tpu.dma_semaphore, #tpu.memory_space<semaphore_mem>>) src(%arg8 : memref<128x128xf32, #tpu.memory_space<vmem>>) dst(%dma_wait3A_81 : memref<128x128xf32, #tpu.memory_space<vmem_shared>>)
      tpu.yield
    }) : () -> ()
    %mul3A_7 = arith.constant 10240 : i32
    %mul3A_8 = arith.muli %arg0, %mul3A_7 : i32
    %add3A_9 = arith.addi %mul3A_8, %mul3A_0 : i32
    %add3A_10 = arith.constant 128 : i32
    %add3A_11 = arith.addi %add3A_9, %add3A_10 : i32
    "tpu.region"() ({
      %run_scoped3A = tpu.sem_alloc : memref<!tpu.dma_semaphore, #tpu.memory_space<semaphore_mem>>
      %dma_start3A = arith.constant 0 : i32
      %dma_start3A_76 = tpu.memref_slice %arg2[%add3A_11, %dma_start3A] : memref<20480x128xf32, #tpu.memory_space<hbm>> -> memref<128x128xf32, #tpu.memory_space<hbm>>
      %dma_start3A_77 = arith.constant 0 : i32
      %dma_start3A_78 = tpu.memref_slice %arg2[%add3A_11, %dma_start3A_77] : memref<20480x128xf32, #tpu.memory_space<hbm>> -> memref<128x128xf32, #tpu.memory_space<hbm>>
      tpu.enqueue_dma source(%dma_start3A_78 : memref<128x128xf32, #tpu.memory_space<hbm>>) target(%arg8 : memref<128x128xf32, #tpu.memory_space<vmem>>) target_semaphore(%run_scoped3A : memref<!tpu.dma_semaphore, #tpu.memory_space<semaphore_mem>>)
      %dma_wait3A = arith.constant 0 : i32
      %dma_wait3A_79 = tpu.memref_slice %arg2[%add3A_11, %dma_wait3A] : memref<20480x128xf32, #tpu.memory_space<hbm>> -> memref<128x128xf32, #tpu.memory_space<hbm>>
      %dma_wait3A_80 = arith.constant 0 : i32
      %dma_wait3A_81 = tpu.memref_slice %arg2[%add3A_11, %dma_wait3A_80] : memref<20480x128xf32, #tpu.memory_space<hbm>> -> memref<128x128xf32, #tpu.memory_space<hbm>>
      tpu.wait_dma2 semaphore(%run_scoped3A : memref<!tpu.dma_semaphore, #tpu.memory_space<semaphore_mem>>) src(%dma_wait3A_81 : memref<128x128xf32, #tpu.memory_space<hbm>>) dst(%arg8 : memref<128x128xf32, #tpu.memory_space<vmem>>)
      tpu.yield
    }) : () -> ()
    %add3A_12 = arith.constant 128 : i32
    %add3A_13 = arith.addi %mul3A_0, %add3A_12 : i32
    "tpu.region"() ({
      %run_scoped3A = tpu.sem_alloc : memref<!tpu.dma_semaphore, #tpu.memory_space<semaphore_mem>>
      %dma_start3A = arith.constant 0 : i32
      %dma_start3A_76 = tpu.memref_slice %arg10[%add3A_13, %dma_start3A] : memref<10240x128xf32, #tpu.memory_space<vmem_shared>> -> memref<128x128xf32, #tpu.memory_space<vmem_shared>>
      %dma_start3A_77 = arith.constant 0 : i32
      %dma_start3A_78 = tpu.memref_slice %arg10[%add3A_13, %dma_start3A_77] : memref<10240x128xf32, #tpu.memory_space<vmem_shared>> -> memref<128x128xf32, #tpu.memory_space<vmem_shared>>
      tpu.enqueue_dma source(%arg8 : memref<128x128xf32, #tpu.memory_space<vmem>>) target(%dma_start3A_78 : memref<128x128xf32, #tpu.memory_space<vmem_shared>>) target_semaphore(%run_scoped3A : memref<!tpu.dma_semaphore, #tpu.memory_space<semaphore_mem>>)
      %dma_wait3A = arith.constant 0 : i32
      %dma_wait3A_79 = tpu.memref_slice %arg10[%add3A_13, %dma_wait3A] : memref<10240x128xf32, #tpu.memory_space<vmem_shared>> -> memref<128x128xf32, #tpu.memory_space<vmem_shared>>
      %dma_wait3A_80 = arith.constant 0 : i32
      %dma_wait3A_81 = tpu.memref_slice %arg10[%add3A_13, %dma_wait3A_80] : memref<10240x128xf32, #tpu.memory_space<vmem_shared>> -> memref<128x128xf32, #tpu.memory_space<vmem_shared>>
      tpu.wait_dma2 semaphore(%run_scoped3A : memref<!tpu.dma_semaphore, #tpu.memory_space<semaphore_mem>>) src(%arg8 : memref<128x128xf32, #tpu.memory_space<vmem>>) dst(%dma_wait3A_81 : memref<128x128xf32, #tpu.memory_space<vmem_shared>>)
      tpu.yield
    }) : () -> ()
    %mul3A_14 = arith.constant 10240 : i32
    %mul3A_15 = arith.muli %arg0, %mul3A_14 : i32
    %add3A_16 = arith.addi %mul3A_15, %mul3A_0 : i32
    %add3A_17 = arith.constant 256 : i32
    %add3A_18 = arith.addi %add3A_16, %add3A_17 : i32
    "tpu.region"() ({
      %run_scoped3A = tpu.sem_alloc : memref<!tpu.dma_semaphore, #tpu.memory_space<semaphore_mem>>
      %dma_start3A = arith.constant 0 : i32
      %dma_start3A_76 = tpu.memref_slice %arg2[%add3A_18, %dma_start3A] : memref<20480x128xf32, #tpu.memory_space<hbm>> -> memref<128x128xf32, #tpu.memory_space<hbm>>
      %dma_start3A_77 = arith.constant 0 : i32
      %dma_start3A_78 = tpu.memref_slice %arg2[%add3A_18, %dma_start3A_77] : memref<20480x128xf32, #tpu.memory_space<hbm>> -> memref<128x128xf32, #tpu.memory_space<hbm>>
      tpu.enqueue_dma source(%dma_start3A_78 : memref<128x128xf32, #tpu.memory_space<hbm>>) target(%arg8 : memref<128x128xf32, #tpu.memory_space<vmem>>) target_semaphore(%run_scoped3A : memref<!tpu.dma_semaphore, #tpu.memory_space<semaphore_mem>>)
      %dma_wait3A = arith.constant 0 : i32
      %dma_wait3A_79 = tpu.memref_slice %arg2[%add3A_18, %dma_wait3A] : memref<20480x128xf32, #tpu.memory_space<hbm>> -> memref<128x128xf32, #tpu.memory_space<hbm>>
      %dma_wait3A_80 = arith.constant 0 : i32
      %dma_wait3A_81 = tpu.memref_slice %arg2[%add3A_18, %dma_wait3A_80] : memref<20480x128xf32, #tpu.memory_space<hbm>> -> memref<128x128xf32, #tpu.memory_space<hbm>>
      tpu.wait_dma2 semaphore(%run_scoped3A : memref<!tpu.dma_semaphore, #tpu.memory_space<semaphore_mem>>) src(%dma_wait3A_81 : memref<128x128xf32, #tpu.memory_space<hbm>>) dst(%arg8 : memref<128x128xf32, #tpu.memory_space<vmem>>)
      tpu.yield
    }) : () -> ()
    %add3A_19 = arith.constant 256 : i32
    %add3A_20 = arith.addi %mul3A_0, %add3A_19 : i32
    "tpu.region"() ({
      %run_scoped3A = tpu.sem_alloc : memref<!tpu.dma_semaphore, #tpu.memory_space<semaphore_mem>>
      %dma_start3A = arith.constant 0 : i32
      %dma_start3A_76 = tpu.memref_slice %arg10[%add3A_20, %dma_start3A] : memref<10240x128xf32, #tpu.memory_space<vmem_shared>> -> memref<128x128xf32, #tpu.memory_space<vmem_shared>>
      %dma_start3A_77 = arith.constant 0 : i32
      %dma_start3A_78 = tpu.memref_slice %arg10[%add3A_20, %dma_start3A_77] : memref<10240x128xf32, #tpu.memory_space<vmem_shared>> -> memref<128x128xf32, #tpu.memory_space<vmem_shared>>
      tpu.enqueue_dma source(%arg8 : memref<128x128xf32, #tpu.memory_space<vmem>>) target(%dma_start3A_78 : memref<128x128xf32, #tpu.memory_space<vmem_shared>>) target_semaphore(%run_scoped3A : memref<!tpu.dma_semaphore, #tpu.memory_space<semaphore_mem>>)
      %dma_wait3A = arith.constant 0 : i32
      %dma_wait3A_79 = tpu.memref_slice %arg10[%add3A_20, %dma_wait3A] : memref<10240x128xf32, #tpu.memory_space<vmem_shared>> -> memref<128x128xf32, #tpu.memory_space<vmem_shared>>
      %dma_wait3A_80 = arith.constant 0 : i32
      %dma_wait3A_81 = tpu.memref_slice %arg10[%add3A_20, %dma_wait3A_80] : memref<10240x128xf32, #tpu.memory_space<vmem_shared>> -> memref<128x128xf32, #tpu.memory_space<vmem_shared>>
      tpu.wait_dma2 semaphore(%run_scoped3A : memref<!tpu.dma_semaphore, #tpu.memory_space<semaphore_mem>>) src(%arg8 : memref<128x128xf32, #tpu.memory_space<vmem>>) dst(%dma_wait3A_81 : memref<128x128xf32, #tpu.memory_space<vmem_shared>>)
      tpu.yield
    }) : () -> ()
    %mul3A_21 = arith.constant 10240 : i32
    %mul3A_22 = arith.muli %arg0, %mul3A_21 : i32
    %add3A_23 = arith.addi %mul3A_22, %mul3A_0 : i32
    %add3A_24 = arith.constant 384 : i32
    %add3A_25 = arith.addi %add3A_23, %add3A_24 : i32
    "tpu.region"() ({
      %run_scoped3A = tpu.sem_alloc : memref<!tpu.dma_semaphore, #tpu.memory_space<semaphore_mem>>
      %dma_start3A = arith.constant 0 : i32
      %dma_start3A_76 = tpu.memref_slice %arg2[%add3A_25, %dma_start3A] : memref<20480x128xf32, #tpu.memory_space<hbm>> -> memref<128x128xf32, #tpu.memory_space<hbm>>
      %dma_start3A_77 = arith.constant 0 : i32
      %dma_start3A_78 = tpu.memref_slice %arg2[%add3A_25, %dma_start3A_77] : memref<20480x128xf32, #tpu.memory_space<hbm>> -> memref<128x128xf32, #tpu.memory_space<hbm>>
      tpu.enqueue_dma source(%dma_start3A_78 : memref<128x128xf32, #tpu.memory_space<hbm>>) target(%arg8 : memref<128x128xf32, #tpu.memory_space<vmem>>) target_semaphore(%run_scoped3A : memref<!tpu.dma_semaphore, #tpu.memory_space<semaphore_mem>>)
      %dma_wait3A = arith.constant 0 : i32
      %dma_wait3A_79 = tpu.memref_slice %arg2[%add3A_25, %dma_wait3A] : memref<20480x128xf32, #tpu.memory_space<hbm>> -> memref<128x128xf32, #tpu.memory_space<hbm>>
      %dma_wait3A_80 = arith.constant 0 : i32
      %dma_wait3A_81 = tpu.memref_slice %arg2[%add3A_25, %dma_wait3A_80] : memref<20480x128xf32, #tpu.memory_space<hbm>> -> memref<128x128xf32, #tpu.memory_space<hbm>>
      tpu.wait_dma2 semaphore(%run_scoped3A : memref<!tpu.dma_semaphore, #tpu.memory_space<semaphore_mem>>) src(%dma_wait3A_81 : memref<128x128xf32, #tpu.memory_space<hbm>>) dst(%arg8 : memref<128x128xf32, #tpu.memory_space<vmem>>)
      tpu.yield
    }) : () -> ()
    %add3A_26 = arith.constant 384 : i32
    %add3A_27 = arith.addi %mul3A_0, %add3A_26 : i32
    "tpu.region"() ({
      %run_scoped3A = tpu.sem_alloc : memref<!tpu.dma_semaphore, #tpu.memory_space<semaphore_mem>>
      %dma_start3A = arith.constant 0 : i32
      %dma_start3A_76 = tpu.memref_slice %arg10[%add3A_27, %dma_start3A] : memref<10240x128xf32, #tpu.memory_space<vmem_shared>> -> memref<128x128xf32, #tpu.memory_space<vmem_shared>>
      %dma_start3A_77 = arith.constant 0 : i32
      %dma_start3A_78 = tpu.memref_slice %arg10[%add3A_27, %dma_start3A_77] : memref<10240x128xf32, #tpu.memory_space<vmem_shared>> -> memref<128x128xf32, #tpu.memory_space<vmem_shared>>
      tpu.enqueue_dma source(%arg8 : memref<128x128xf32, #tpu.memory_space<vmem>>) target(%dma_start3A_78 : memref<128x128xf32, #tpu.memory_space<vmem_shared>>) target_semaphore(%run_scoped3A : memref<!tpu.dma_semaphore, #tpu.memory_space<semaphore_mem>>)
      %dma_wait3A = arith.constant 0 : i32
      %dma_wait3A_79 = tpu.memref_slice %arg10[%add3A_27, %dma_wait3A] : memref<10240x128xf32, #tpu.memory_space<vmem_shared>> -> memref<128x128xf32, #tpu.memory_space<vmem_shared>>
      %dma_wait3A_80 = arith.constant 0 : i32
      %dma_wait3A_81 = tpu.memref_slice %arg10[%add3A_27, %dma_wait3A_80] : memref<10240x128xf32, #tpu.memory_space<vmem_shared>> -> memref<128x128xf32, #tpu.memory_space<vmem_shared>>
      tpu.wait_dma2 semaphore(%run_scoped3A : memref<!tpu.dma_semaphore, #tpu.memory_space<semaphore_mem>>) src(%arg8 : memref<128x128xf32, #tpu.memory_space<vmem>>) dst(%dma_wait3A_81 : memref<128x128xf32, #tpu.memory_space<vmem_shared>>)
      tpu.yield
    }) : () -> ()
    %mul3A_28 = arith.constant 10240 : i32
    %mul3A_29 = arith.muli %arg0, %mul3A_28 : i32
    %add3A_30 = arith.addi %mul3A_29, %mul3A_0 : i32
    %add3A_31 = arith.constant 512 : i32
    %add3A_32 = arith.addi %add3A_30, %add3A_31 : i32
    "tpu.region"() ({
      %run_scoped3A = tpu.sem_alloc : memref<!tpu.dma_semaphore, #tpu.memory_space<semaphore_mem>>
      %dma_start3A = arith.constant 0 : i32
      %dma_start3A_76 = tpu.memref_slice %arg2[%add3A_32, %dma_start3A] : memref<20480x128xf32, #tpu.memory_space<hbm>> -> memref<128x128xf32, #tpu.memory_space<hbm>>
      %dma_start3A_77 = arith.constant 0 : i32
      %dma_start3A_78 = tpu.memref_slice %arg2[%add3A_32, %dma_start3A_77] : memref<20480x128xf32, #tpu.memory_space<hbm>> -> memref<128x128xf32, #tpu.memory_space<hbm>>
      tpu.enqueue_dma source(%dma_start3A_78 : memref<128x128xf32, #tpu.memory_space<hbm>>) target(%arg8 : memref<128x128xf32, #tpu.memory_space<vmem>>) target_semaphore(%run_scoped3A : memref<!tpu.dma_semaphore, #tpu.memory_space<semaphore_mem>>)
      %dma_wait3A = arith.constant 0 : i32
      %dma_wait3A_79 = tpu.memref_slice %arg2[%add3A_32, %dma_wait3A] : memref<20480x128xf32, #tpu.memory_space<hbm>> -> memref<128x128xf32, #tpu.memory_space<hbm>>
      %dma_wait3A_80 = arith.constant 0 : i32
      %dma_wait3A_81 = tpu.memref_slice %arg2[%add3A_32, %dma_wait3A_80] : memref<20480x128xf32, #tpu.memory_space<hbm>> -> memref<128x128xf32, #tpu.memory_space<hbm>>
      tpu.wait_dma2 semaphore(%run_scoped3A : memref<!tpu.dma_semaphore, #tpu.memory_space<semaphore_mem>>) src(%dma_wait3A_81 : memref<128x128xf32, #tpu.memory_space<hbm>>) dst(%arg8 : memref<128x128xf32, #tpu.memory_space<vmem>>)
      tpu.yield
    }) : () -> ()
    %add3A_33 = arith.constant 512 : i32
    %add3A_34 = arith.addi %mul3A_0, %add3A_33 : i32
    "tpu.region"() ({
      %run_scoped3A = tpu.sem_alloc : memref<!tpu.dma_semaphore, #tpu.memory_space<semaphore_mem>>
      %dma_start3A = arith.constant 0 : i32
      %dma_start3A_76 = tpu.memref_slice %arg10[%add3A_34, %dma_start3A] : memref<10240x128xf32, #tpu.memory_space<vmem_shared>> -> memref<128x128xf32, #tpu.memory_space<vmem_shared>>
      %dma_start3A_77 = arith.constant 0 : i32
      %dma_start3A_78 = tpu.memref_slice %arg10[%add3A_34, %dma_start3A_77] : memref<10240x128xf32, #tpu.memory_space<vmem_shared>> -> memref<128x128xf32, #tpu.memory_space<vmem_shared>>
      tpu.enqueue_dma source(%arg8 : memref<128x128xf32, #tpu.memory_space<vmem>>) target(%dma_start3A_78 : memref<128x128xf32, #tpu.memory_space<vmem_shared>>) target_semaphore(%run_scoped3A : memref<!tpu.dma_semaphore, #tpu.memory_space<semaphore_mem>>)
      %dma_wait3A = arith.constant 0 : i32
      %dma_wait3A_79 = tpu.memref_slice %arg10[%add3A_34, %dma_wait3A] : memref<10240x128xf32, #tpu.memory_space<vmem_shared>> -> memref<128x128xf32, #tpu.memory_space<vmem_shared>>
      %dma_wait3A_80 = arith.constant 0 : i32
      %dma_wait3A_81 = tpu.memref_slice %arg10[%add3A_34, %dma_wait3A_80] : memref<10240x128xf32, #tpu.memory_space<vmem_shared>> -> memref<128x128xf32, #tpu.memory_space<vmem_shared>>
      tpu.wait_dma2 semaphore(%run_scoped3A : memref<!tpu.dma_semaphore, #tpu.memory_space<semaphore_mem>>) src(%arg8 : memref<128x128xf32, #tpu.memory_space<vmem>>) dst(%dma_wait3A_81 : memref<128x128xf32, #tpu.memory_space<vmem_shared>>)
      tpu.yield
    }) : () -> ()
    %barrier3A = arith.constant 0 : index
    tpu.barrier barrier_id(%barrier3A)
    %scan3A = arith.constant 0 : i32
    %scan3A_35 = arith.constant 0 : i32
    %scan3A_36 = arith.constant 2 : i32
    %scan3A_37 = arith.addi %scan3A_35, %scan3A_36 : i32
    %scan3A_38 = arith.constant 1 : i32
    scf.for %scan3A_76 = %scan3A_35 to %scan3A_37 step %scan3A_38  : i32 {
      %mul3A_77 = arith.constant 40 : i32
      %mul3A_78 = arith.muli %scan3A_76, %mul3A_77 : i32
      "tpu.region"() ({
        %run_scoped3A = tpu.sem_alloc : memref<!tpu.dma_semaphore, #tpu.memory_space<semaphore_mem>>
        %dma_start3A = arith.constant 0 : i32
        %dma_start3A_87 = arith.constant 0 : i32
        %dma_start3A_88 = arith.constant 0 : i32
        %dma_start3A_89 = tpu.memref_slice %arg3[%arg0, %dma_start3A, %dma_start3A_87, %dma_start3A_88] : memref<2x16x80x128xi32, #tpu.memory_space<hbm>> -> memref<1x16x80x128xi32, #tpu.memory_space<hbm>>
        %dma_start3A_90 = tpu.memref_squeeze %dma_start3A_89 : memref<1x16x80x128xi32, #tpu.memory_space<hbm>> -> memref<16x80x128xi32, #tpu.memory_space<hbm>>
        %dma_start3A_91 = arith.constant 0 : i32
        %dma_start3A_92 = arith.constant 0 : i32
        %dma_start3A_93 = tpu.memref_slice %dma_start3A_90[%arg1, %dma_start3A_91, %dma_start3A_92] : memref<16x80x128xi32, #tpu.memory_space<hbm>> -> memref<1x80x128xi32, #tpu.memory_space<hbm>>
        %dma_start3A_94 = tpu.memref_squeeze %dma_start3A_93 : memref<1x80x128xi32, #tpu.memory_space<hbm>> -> memref<80x128xi32, #tpu.memory_space<hbm>>
        %dma_start3A_95 = arith.constant 0 : i32
        %dma_start3A_96 = tpu.memref_slice %dma_start3A_94[%mul3A_78, %dma_start3A_95] : memref<80x128xi32, #tpu.memory_space<hbm>> -> memref<40x128xi32, #tpu.memory_space<hbm>>
        %dma_start3A_97 = arith.constant 0 : i32
        %dma_start3A_98 = arith.constant 0 : i32
        %dma_start3A_99 = arith.constant 0 : i32
        %dma_start3A_100 = tpu.memref_slice %arg3[%arg0, %dma_start3A_97, %dma_start3A_98, %dma_start3A_99] : memref<2x16x80x128xi32, #tpu.memory_space<hbm>> -> memref<1x16x80x128xi32, #tpu.memory_space<hbm>>
        %dma_start3A_101 = tpu.memref_squeeze %dma_start3A_100 : memref<1x16x80x128xi32, #tpu.memory_space<hbm>> -> memref<16x80x128xi32, #tpu.memory_space<hbm>>
        %dma_start3A_102 = arith.constant 0 : i32
        %dma_start3A_103 = arith.constant 0 : i32
        %dma_start3A_104 = tpu.memref_slice %dma_start3A_101[%arg1, %dma_start3A_102, %dma_start3A_103] : memref<16x80x128xi32, #tpu.memory_space<hbm>> -> memref<1x80x128xi32, #tpu.memory_space<hbm>>
        %dma_start3A_105 = tpu.memref_squeeze %dma_start3A_104 : memref<1x80x128xi32, #tpu.memory_space<hbm>> -> memref<80x128xi32, #tpu.memory_space<hbm>>
        %dma_start3A_106 = arith.constant 0 : i32
        %dma_start3A_107 = tpu.memref_slice %dma_start3A_105[%mul3A_78, %dma_start3A_106] : memref<80x128xi32, #tpu.memory_space<hbm>> -> memref<40x128xi32, #tpu.memory_space<hbm>>
        tpu.enqueue_dma source(%dma_start3A_107 : memref<40x128xi32, #tpu.memory_space<hbm>>) target(%arg6 : memref<40x128xi32, #tpu.memory_space<vmem>>) target_semaphore(%run_scoped3A : memref<!tpu.dma_semaphore, #tpu.memory_space<semaphore_mem>>)
        %dma_wait3A = arith.constant 0 : i32
        %dma_wait3A_108 = arith.constant 0 : i32
        %dma_wait3A_109 = arith.constant 0 : i32
        %dma_wait3A_110 = tpu.memref_slice %arg3[%arg0, %dma_wait3A, %dma_wait3A_108, %dma_wait3A_109] : memref<2x16x80x128xi32, #tpu.memory_space<hbm>> -> memref<1x16x80x128xi32, #tpu.memory_space<hbm>>
        %dma_wait3A_111 = tpu.memref_squeeze %dma_wait3A_110 : memref<1x16x80x128xi32, #tpu.memory_space<hbm>> -> memref<16x80x128xi32, #tpu.memory_space<hbm>>
        %dma_wait3A_112 = arith.constant 0 : i32
        %dma_wait3A_113 = arith.constant 0 : i32
        %dma_wait3A_114 = tpu.memref_slice %dma_wait3A_111[%arg1, %dma_wait3A_112, %dma_wait3A_113] : memref<16x80x128xi32, #tpu.memory_space<hbm>> -> memref<1x80x128xi32, #tpu.memory_space<hbm>>
        %dma_wait3A_115 = tpu.memref_squeeze %dma_wait3A_114 : memref<1x80x128xi32, #tpu.memory_space<hbm>> -> memref<80x128xi32, #tpu.memory_space<hbm>>
        %dma_wait3A_116 = arith.constant 0 : i32
        %dma_wait3A_117 = tpu.memref_slice %dma_wait3A_115[%mul3A_78, %dma_wait3A_116] : memref<80x128xi32, #tpu.memory_space<hbm>> -> memref<40x128xi32, #tpu.memory_space<hbm>>
        %dma_wait3A_118 = arith.constant 0 : i32
        %dma_wait3A_119 = arith.constant 0 : i32
        %dma_wait3A_120 = arith.constant 0 : i32
        %dma_wait3A_121 = tpu.memref_slice %arg3[%arg0, %dma_wait3A_118, %dma_wait3A_119, %dma_wait3A_120] : memref<2x16x80x128xi32, #tpu.memory_space<hbm>> -> memref<1x16x80x128xi32, #tpu.memory_space<hbm>>
        %dma_wait3A_122 = tpu.memref_squeeze %dma_wait3A_121 : memref<1x16x80x128xi32, #tpu.memory_space<hbm>> -> memref<16x80x128xi32, #tpu.memory_space<hbm>>
        %dma_wait3A_123 = arith.constant 0 : i32
        %dma_wait3A_124 = arith.constant 0 : i32
        %dma_wait3A_125 = tpu.memref_slice %dma_wait3A_122[%arg1, %dma_wait3A_123, %dma_wait3A_124] : memref<16x80x128xi32, #tpu.memory_space<hbm>> -> memref<1x80x128xi32, #tpu.memory_space<hbm>>
        %dma_wait3A_126 = tpu.memref_squeeze %dma_wait3A_125 : memref<1x80x128xi32, #tpu.memory_space<hbm>> -> memref<80x128xi32, #tpu.memory_space<hbm>>
        %dma_wait3A_127 = arith.constant 0 : i32
        %dma_wait3A_128 = tpu.memref_slice %dma_wait3A_126[%mul3A_78, %dma_wait3A_127] : memref<80x128xi32, #tpu.memory_space<hbm>> -> memref<40x128xi32, #tpu.memory_space<hbm>>
        tpu.wait_dma2 semaphore(%run_scoped3A : memref<!tpu.dma_semaphore, #tpu.memory_space<semaphore_mem>>) src(%dma_wait3A_128 : memref<40x128xi32, #tpu.memory_space<hbm>>) dst(%arg6 : memref<40x128xi32, #tpu.memory_space<vmem>>)
        tpu.yield
      }) : () -> ()
      %mul3A_79 = arith.constant 40 : i32
      %mul3A_80 = arith.muli %scan3A_76, %mul3A_79 : i32
      "tpu.region"() ({
        %run_scoped3A = tpu.sem_alloc : memref<!tpu.dma_semaphore, #tpu.memory_space<semaphore_mem>>
        %dma_start3A = arith.constant 0 : i32
        %dma_start3A_87 = arith.constant 0 : i32
        %dma_start3A_88 = tpu.memref_slice %arg4[%arg1, %dma_start3A, %dma_start3A_87] : memref<16x80x128xi32, #tpu.memory_space<hbm>> -> memref<1x80x128xi32, #tpu.memory_space<hbm>>
        %dma_start3A_89 = tpu.memref_squeeze %dma_start3A_88 : memref<1x80x128xi32, #tpu.memory_space<hbm>> -> memref<80x128xi32, #tpu.memory_space<hbm>>
        %dma_start3A_90 = arith.constant 0 : i32
        %dma_start3A_91 = tpu.memref_slice %dma_start3A_89[%mul3A_80, %dma_start3A_90] : memref<80x128xi32, #tpu.memory_space<hbm>> -> memref<40x128xi32, #tpu.memory_space<hbm>>
        %dma_start3A_92 = arith.constant 0 : i32
        %dma_start3A_93 = arith.constant 0 : i32
        %dma_start3A_94 = tpu.memref_slice %arg4[%arg1, %dma_start3A_92, %dma_start3A_93] : memref<16x80x128xi32, #tpu.memory_space<hbm>> -> memref<1x80x128xi32, #tpu.memory_space<hbm>>
        %dma_start3A_95 = tpu.memref_squeeze %dma_start3A_94 : memref<1x80x128xi32, #tpu.memory_space<hbm>> -> memref<80x128xi32, #tpu.memory_space<hbm>>
        %dma_start3A_96 = arith.constant 0 : i32
        %dma_start3A_97 = tpu.memref_slice %dma_start3A_95[%mul3A_80, %dma_start3A_96] : memref<80x128xi32, #tpu.memory_space<hbm>> -> memref<40x128xi32, #tpu.memory_space<hbm>>
        tpu.enqueue_dma source(%dma_start3A_97 : memref<40x128xi32, #tpu.memory_space<hbm>>) target(%arg7 : memref<40x128xi32, #tpu.memory_space<vmem>>) target_semaphore(%run_scoped3A : memref<!tpu.dma_semaphore, #tpu.memory_space<semaphore_mem>>)
        %dma_wait3A = arith.constant 0 : i32
        %dma_wait3A_98 = arith.constant 0 : i32
        %dma_wait3A_99 = tpu.memref_slice %arg4[%arg1, %dma_wait3A, %dma_wait3A_98] : memref<16x80x128xi32, #tpu.memory_space<hbm>> -> memref<1x80x128xi32, #tpu.memory_space<hbm>>
        %dma_wait3A_100 = tpu.memref_squeeze %dma_wait3A_99 : memref<1x80x128xi32, #tpu.memory_space<hbm>> -> memref<80x128xi32, #tpu.memory_space<hbm>>
        %dma_wait3A_101 = arith.constant 0 : i32
        %dma_wait3A_102 = tpu.memref_slice %dma_wait3A_100[%mul3A_80, %dma_wait3A_101] : memref<80x128xi32, #tpu.memory_space<hbm>> -> memref<40x128xi32, #tpu.memory_space<hbm>>
        %dma_wait3A_103 = arith.constant 0 : i32
        %dma_wait3A_104 = arith.constant 0 : i32
        %dma_wait3A_105 = tpu.memref_slice %arg4[%arg1, %dma_wait3A_103, %dma_wait3A_104] : memref<16x80x128xi32, #tpu.memory_space<hbm>> -> memref<1x80x128xi32, #tpu.memory_space<hbm>>
        %dma_wait3A_106 = tpu.memref_squeeze %dma_wait3A_105 : memref<1x80x128xi32, #tpu.memory_space<hbm>> -> memref<80x128xi32, #tpu.memory_space<hbm>>
        %dma_wait3A_107 = arith.constant 0 : i32
        %dma_wait3A_108 = tpu.memref_slice %dma_wait3A_106[%mul3A_80, %dma_wait3A_107] : memref<80x128xi32, #tpu.memory_space<hbm>> -> memref<40x128xi32, #tpu.memory_space<hbm>>
        tpu.wait_dma2 semaphore(%run_scoped3A : memref<!tpu.dma_semaphore, #tpu.memory_space<semaphore_mem>>) src(%dma_wait3A_108 : memref<40x128xi32, #tpu.memory_space<hbm>>) dst(%arg7 : memref<40x128xi32, #tpu.memory_space<vmem>>)
        tpu.yield
      }) : () -> ()
      %scan3A_81 = arith.constant 0 : i32
      %scan3A_82 = arith.constant 0 : i32
      %scan3A_83 = arith.constant 20 : i32
      %scan3A_84 = arith.addi %scan3A_82, %scan3A_83 : i32
      %scan3A_85 = arith.constant 1 : i32
      scf.for %scan3A_87 = %scan3A_82 to %scan3A_84 step %scan3A_85  : i32 {
        %mul3A_88 = arith.constant 2 : i32
        %mul3A_89 = arith.muli %mul3A_88, %scan3A_87 : i32
        %dma_start3A = arith.constant 0 : i32
        %dma_start3A_90 = tpu.memref_slice %arg6[%mul3A_89, %dma_start3A] : memref<40x128xi32, #tpu.memory_space<vmem>> -> memref<1x128xi32, #tpu.memory_space<vmem>>
        %dma_start3A_91 = tpu.memref_squeeze %dma_start3A_90 : memref<1x128xi32, #tpu.memory_space<vmem>> -> memref<128xi32, #tpu.memory_space<vmem>>
        %dma_start3A_92 = arith.constant 0 : i32
        %dma_start3A_93 = arith.constant 0 : i32
        %dma_start3A_94 = tpu.memref_slice %arg2[%dma_start3A_92, %dma_start3A_93] : memref<20480x128xf32, #tpu.memory_space<hbm>> -> memref<20480x128xf32, #tpu.memory_space<hbm>>
        tpu.enqueue_indirect_dma source(%dma_start3A_94 : memref<20480x128xf32, #tpu.memory_space<hbm>>) target(%arg8 : memref<128x128xf32, #tpu.memory_space<vmem>>) offsets(%dma_start3A_91 : memref<128xi32, #tpu.memory_space<vmem>>) semaphore(%arg11 : memref<!tpu.dma_semaphore, #tpu.memory_space<semaphore_mem>>)
        %add3A_95 = arith.constant 1 : i32
        %add3A_96 = arith.addi %mul3A_89, %add3A_95 : i32
        %dma_start3A_97 = arith.constant 0 : i32
        %dma_start3A_98 = tpu.memref_slice %arg6[%add3A_96, %dma_start3A_97] : memref<40x128xi32, #tpu.memory_space<vmem>> -> memref<1x128xi32, #tpu.memory_space<vmem>>
        %dma_start3A_99 = tpu.memref_squeeze %dma_start3A_98 : memref<1x128xi32, #tpu.memory_space<vmem>> -> memref<128xi32, #tpu.memory_space<vmem>>
        %dma_start3A_100 = arith.constant 0 : i32
        %dma_start3A_101 = arith.constant 0 : i32
        %dma_start3A_102 = tpu.memref_slice %arg2[%dma_start3A_100, %dma_start3A_101] : memref<20480x128xf32, #tpu.memory_space<hbm>> -> memref<20480x128xf32, #tpu.memory_space<hbm>>
        tpu.enqueue_indirect_dma source(%dma_start3A_102 : memref<20480x128xf32, #tpu.memory_space<hbm>>) target(%arg9 : memref<128x128xf32, #tpu.memory_space<vmem>>) offsets(%dma_start3A_99 : memref<128xi32, #tpu.memory_space<vmem>>) semaphore(%arg12 : memref<!tpu.dma_semaphore, #tpu.memory_space<semaphore_mem>>)
        %dma_wait3A = arith.constant 0 : i32
        %dma_wait3A_103 = tpu.memref_slice %arg6[%mul3A_89, %dma_wait3A] : memref<40x128xi32, #tpu.memory_space<vmem>> -> memref<1x128xi32, #tpu.memory_space<vmem>>
        %dma_wait3A_104 = tpu.memref_squeeze %dma_wait3A_103 : memref<1x128xi32, #tpu.memory_space<vmem>> -> memref<128xi32, #tpu.memory_space<vmem>>
        %dma_wait3A_105 = arith.constant 0 : i32
        %dma_wait3A_106 = arith.constant 0 : i32
        %dma_wait3A_107 = tpu.memref_slice %arg2[%dma_wait3A_105, %dma_wait3A_106] : memref<20480x128xf32, #tpu.memory_space<hbm>> -> memref<20480x128xf32, #tpu.memory_space<hbm>>
        tpu.wait_indirect_dma semaphore(%arg11 : memref<!tpu.dma_semaphore, #tpu.memory_space<semaphore_mem>>) src(%dma_wait3A_107 : memref<20480x128xf32, #tpu.memory_space<hbm>>) dst(%arg8 : memref<128x128xf32, #tpu.memory_space<vmem>>)
        "tpu.region"() ({
          %run_scoped3A = tpu.sem_alloc : memref<!tpu.dma_semaphore, #tpu.memory_space<semaphore_mem>>
          %dma_start3A_116 = arith.constant 0 : i32
          %dma_start3A_117 = tpu.memref_slice %arg7[%mul3A_89, %dma_start3A_116] : memref<40x128xi32, #tpu.memory_space<vmem>> -> memref<1x128xi32, #tpu.memory_space<vmem>>
          %dma_start3A_118 = tpu.memref_squeeze %dma_start3A_117 : memref<1x128xi32, #tpu.memory_space<vmem>> -> memref<128xi32, #tpu.memory_space<vmem>>
          %dma_start3A_119 = arith.constant 0 : i32
          %dma_start3A_120 = arith.constant 0 : i32
          %dma_start3A_121 = tpu.memref_slice %arg10[%dma_start3A_119, %dma_start3A_120] : memref<10240x128xf32, #tpu.memory_space<vmem_shared>> -> memref<10240x128xf32, #tpu.memory_space<vmem_shared>>
          tpu.enqueue_indirect_dma source(%arg8 : memref<128x128xf32, #tpu.memory_space<vmem>>) target(%dma_start3A_121 : memref<10240x128xf32, #tpu.memory_space<vmem_shared>>) offsets(%dma_start3A_118 : memref<128xi32, #tpu.memory_space<vmem>>) semaphore(%run_scoped3A : memref<!tpu.dma_semaphore, #tpu.memory_space<semaphore_mem>>) {add = true}
          %dma_wait3A_122 = arith.constant 0 : i32
          %dma_wait3A_123 = tpu.memref_slice %arg7[%mul3A_89, %dma_wait3A_122] : memref<40x128xi32, #tpu.memory_space<vmem>> -> memref<1x128xi32, #tpu.memory_space<vmem>>
          %dma_wait3A_124 = tpu.memref_squeeze %dma_wait3A_123 : memref<1x128xi32, #tpu.memory_space<vmem>> -> memref<128xi32, #tpu.memory_space<vmem>>
          %dma_wait3A_125 = arith.constant 0 : i32
          %dma_wait3A_126 = arith.constant 0 : i32
          %dma_wait3A_127 = tpu.memref_slice %arg10[%dma_wait3A_125, %dma_wait3A_126] : memref<10240x128xf32, #tpu.memory_space<vmem_shared>> -> memref<10240x128xf32, #tpu.memory_space<vmem_shared>>
          tpu.wait_indirect_dma semaphore(%run_scoped3A : memref<!tpu.dma_semaphore, #tpu.memory_space<semaphore_mem>>) src(%arg8 : memref<128x128xf32, #tpu.memory_space<vmem>>) dst(%dma_wait3A_127 : memref<10240x128xf32, #tpu.memory_space<vmem_shared>>)
          tpu.yield
        }) : () -> ()
        %dma_wait3A_108 = arith.constant 0 : i32
        %dma_wait3A_109 = tpu.memref_slice %arg6[%add3A_96, %dma_wait3A_108] : memref<40x128xi32, #tpu.memory_space<vmem>> -> memref<1x128xi32, #tpu.memory_space<vmem>>
        %dma_wait3A_110 = tpu.memref_squeeze %dma_wait3A_109 : memref<1x128xi32, #tpu.memory_space<vmem>> -> memref<128xi32, #tpu.memory_space<vmem>>
        %dma_wait3A_111 = arith.constant 0 : i32
        %dma_wait3A_112 = arith.constant 0 : i32
        %dma_wait3A_113 = tpu.memref_slice %arg2[%dma_wait3A_111, %dma_wait3A_112] : memref<20480x128xf32, #tpu.memory_space<hbm>> -> memref<20480x128xf32, #tpu.memory_space<hbm>>
        tpu.wait_indirect_dma semaphore(%arg12 : memref<!tpu.dma_semaphore, #tpu.memory_space<semaphore_mem>>) src(%dma_wait3A_113 : memref<20480x128xf32, #tpu.memory_space<hbm>>) dst(%arg9 : memref<128x128xf32, #tpu.memory_space<vmem>>)
        %add3A_114 = arith.constant 1 : i32
        %add3A_115 = arith.addi %mul3A_89, %add3A_114 : i32
        "tpu.region"() ({
          %run_scoped3A = tpu.sem_alloc : memref<!tpu.dma_semaphore, #tpu.memory_space<semaphore_mem>>
          %dma_start3A_116 = arith.constant 0 : i32
          %dma_start3A_117 = tpu.memref_slice %arg7[%add3A_115, %dma_start3A_116] : memref<40x128xi32, #tpu.memory_space<vmem>> -> memref<1x128xi32, #tpu.memory_space<vmem>>
          %dma_start3A_118 = tpu.memref_squeeze %dma_start3A_117 : memref<1x128xi32, #tpu.memory_space<vmem>> -> memref<128xi32, #tpu.memory_space<vmem>>
          %dma_start3A_119 = arith.constant 0 : i32
          %dma_start3A_120 = arith.constant 0 : i32
          %dma_start3A_121 = tpu.memref_slice %arg10[%dma_start3A_119, %dma_start3A_120] : memref<10240x128xf32, #tpu.memory_space<vmem_shared>> -> memref<10240x128xf32, #tpu.memory_space<vmem_shared>>
          tpu.enqueue_indirect_dma source(%arg9 : memref<128x128xf32, #tpu.memory_space<vmem>>) target(%dma_start3A_121 : memref<10240x128xf32, #tpu.memory_space<vmem_shared>>) offsets(%dma_start3A_118 : memref<128xi32, #tpu.memory_space<vmem>>) semaphore(%run_scoped3A : memref<!tpu.dma_semaphore, #tpu.memory_space<semaphore_mem>>) {add = true}
          %dma_wait3A_122 = arith.constant 0 : i32
          %dma_wait3A_123 = tpu.memref_slice %arg7[%add3A_115, %dma_wait3A_122] : memref<40x128xi32, #tpu.memory_space<vmem>> -> memref<1x128xi32, #tpu.memory_space<vmem>>
          %dma_wait3A_124 = tpu.memref_squeeze %dma_wait3A_123 : memref<1x128xi32, #tpu.memory_space<vmem>> -> memref<128xi32, #tpu.memory_space<vmem>>
          %dma_wait3A_125 = arith.constant 0 : i32
          %dma_wait3A_126 = arith.constant 0 : i32
          %dma_wait3A_127 = tpu.memref_slice %arg10[%dma_wait3A_125, %dma_wait3A_126] : memref<10240x128xf32, #tpu.memory_space<vmem_shared>> -> memref<10240x128xf32, #tpu.memory_space<vmem_shared>>
          tpu.wait_indirect_dma semaphore(%run_scoped3A : memref<!tpu.dma_semaphore, #tpu.memory_space<semaphore_mem>>) src(%arg9 : memref<128x128xf32, #tpu.memory_space<vmem>>) dst(%dma_wait3A_127 : memref<10240x128xf32, #tpu.memory_space<vmem_shared>>)
          tpu.yield
        }) : () -> ()
      }
      %scan3A_86 = arith.constant 20 : i32
    }
    %scan3A_39 = arith.constant 2 : i32
    %barrier3A_40 = arith.constant 0 : index
    tpu.barrier barrier_id(%barrier3A_40)
    %add3A_41 = arith.constant 0 : i32
    %add3A_42 = arith.addi %mul3A_0, %add3A_41 : i32
    "tpu.region"() ({
      %run_scoped3A = tpu.sem_alloc : memref<!tpu.dma_semaphore, #tpu.memory_space<semaphore_mem>>
      %dma_start3A = arith.constant 0 : i32
      %dma_start3A_76 = tpu.memref_slice %arg10[%add3A_42, %dma_start3A] : memref<10240x128xf32, #tpu.memory_space<vmem_shared>> -> memref<128x128xf32, #tpu.memory_space<vmem_shared>>
      %dma_start3A_77 = arith.constant 0 : i32
      %dma_start3A_78 = tpu.memref_slice %arg10[%add3A_42, %dma_start3A_77] : memref<10240x128xf32, #tpu.memory_space<vmem_shared>> -> memref<128x128xf32, #tpu.memory_space<vmem_shared>>
      tpu.enqueue_dma source(%dma_start3A_78 : memref<128x128xf32, #tpu.memory_space<vmem_shared>>) target(%arg8 : memref<128x128xf32, #tpu.memory_space<vmem>>) target_semaphore(%run_scoped3A : memref<!tpu.dma_semaphore, #tpu.memory_space<semaphore_mem>>)
      %dma_wait3A = arith.constant 0 : i32
      %dma_wait3A_79 = tpu.memref_slice %arg10[%add3A_42, %dma_wait3A] : memref<10240x128xf32, #tpu.memory_space<vmem_shared>> -> memref<128x128xf32, #tpu.memory_space<vmem_shared>>
      %dma_wait3A_80 = arith.constant 0 : i32
      %dma_wait3A_81 = tpu.memref_slice %arg10[%add3A_42, %dma_wait3A_80] : memref<10240x128xf32, #tpu.memory_space<vmem_shared>> -> memref<128x128xf32, #tpu.memory_space<vmem_shared>>
      tpu.wait_dma2 semaphore(%run_scoped3A : memref<!tpu.dma_semaphore, #tpu.memory_space<semaphore_mem>>) src(%dma_wait3A_81 : memref<128x128xf32, #tpu.memory_space<vmem_shared>>) dst(%arg8 : memref<128x128xf32, #tpu.memory_space<vmem>>)
      tpu.yield
    }) : () -> ()
    %mul3A_43 = arith.constant 10240 : i32
    %mul3A_44 = arith.muli %arg0, %mul3A_43 : i32
    %add3A_45 = arith.addi %mul3A_44, %mul3A_0 : i32
    %add3A_46 = arith.constant 0 : i32
    %add3A_47 = arith.addi %add3A_45, %add3A_46 : i32
    "tpu.region"() ({
      %run_scoped3A = tpu.sem_alloc : memref<!tpu.dma_semaphore, #tpu.memory_space<semaphore_mem>>
      %dma_start3A = arith.constant 0 : i32
      %dma_start3A_76 = tpu.memref_slice %arg5[%add3A_47, %dma_start3A] : memref<20480x128xf32, #tpu.memory_space<hbm>> -> memref<128x128xf32, #tpu.memory_space<hbm>>
      %dma_start3A_77 = arith.constant 0 : i32
      %dma_start3A_78 = tpu.memref_slice %arg5[%add3A_47, %dma_start3A_77] : memref<20480x128xf32, #tpu.memory_space<hbm>> -> memref<128x128xf32, #tpu.memory_space<hbm>>
      tpu.enqueue_dma source(%arg8 : memref<128x128xf32, #tpu.memory_space<vmem>>) target(%dma_start3A_78 : memref<128x128xf32, #tpu.memory_space<hbm>>) target_semaphore(%run_scoped3A : memref<!tpu.dma_semaphore, #tpu.memory_space<semaphore_mem>>)
      %dma_wait3A = arith.constant 0 : i32
      %dma_wait3A_79 = tpu.memref_slice %arg5[%add3A_47, %dma_wait3A] : memref<20480x128xf32, #tpu.memory_space<hbm>> -> memref<128x128xf32, #tpu.memory_space<hbm>>
      %dma_wait3A_80 = arith.constant 0 : i32
      %dma_wait3A_81 = tpu.memref_slice %arg5[%add3A_47, %dma_wait3A_80] : memref<20480x128xf32, #tpu.memory_space<hbm>> -> memref<128x128xf32, #tpu.memory_space<hbm>>
      tpu.wait_dma2 semaphore(%run_scoped3A : memref<!tpu.dma_semaphore, #tpu.memory_space<semaphore_mem>>) src(%arg8 : memref<128x128xf32, #tpu.memory_space<vmem>>) dst(%dma_wait3A_81 : memref<128x128xf32, #tpu.memory_space<hbm>>)
      tpu.yield
    }) : () -> ()
    %add3A_48 = arith.constant 128 : i32
    %add3A_49 = arith.addi %mul3A_0, %add3A_48 : i32
    "tpu.region"() ({
      %run_scoped3A = tpu.sem_alloc : memref<!tpu.dma_semaphore, #tpu.memory_space<semaphore_mem>>
      %dma_start3A = arith.constant 0 : i32
      %dma_start3A_76 = tpu.memref_slice %arg10[%add3A_49, %dma_start3A] : memref<10240x128xf32, #tpu.memory_space<vmem_shared>> -> memref<128x128xf32, #tpu.memory_space<vmem_shared>>
      %dma_start3A_77 = arith.constant 0 : i32
      %dma_start3A_78 = tpu.memref_slice %arg10[%add3A_49, %dma_start3A_77] : memref<10240x128xf32, #tpu.memory_space<vmem_shared>> -> memref<128x128xf32, #tpu.memory_space<vmem_shared>>
      tpu.enqueue_dma source(%dma_start3A_78 : memref<128x128xf32, #tpu.memory_space<vmem_shared>>) target(%arg8 : memref<128x128xf32, #tpu.memory_space<vmem>>) target_semaphore(%run_scoped3A : memref<!tpu.dma_semaphore, #tpu.memory_space<semaphore_mem>>)
      %dma_wait3A = arith.constant 0 : i32
      %dma_wait3A_79 = tpu.memref_slice %arg10[%add3A_49, %dma_wait3A] : memref<10240x128xf32, #tpu.memory_space<vmem_shared>> -> memref<128x128xf32, #tpu.memory_space<vmem_shared>>
      %dma_wait3A_80 = arith.constant 0 : i32
      %dma_wait3A_81 = tpu.memref_slice %arg10[%add3A_49, %dma_wait3A_80] : memref<10240x128xf32, #tpu.memory_space<vmem_shared>> -> memref<128x128xf32, #tpu.memory_space<vmem_shared>>
      tpu.wait_dma2 semaphore(%run_scoped3A : memref<!tpu.dma_semaphore, #tpu.memory_space<semaphore_mem>>) src(%dma_wait3A_81 : memref<128x128xf32, #tpu.memory_space<vmem_shared>>) dst(%arg8 : memref<128x128xf32, #tpu.memory_space<vmem>>)
      tpu.yield
    }) : () -> ()
    %mul3A_50 = arith.constant 10240 : i32
    %mul3A_51 = arith.muli %arg0, %mul3A_50 : i32
    %add3A_52 = arith.addi %mul3A_51, %mul3A_0 : i32
    %add3A_53 = arith.constant 128 : i32
    %add3A_54 = arith.addi %add3A_52, %add3A_53 : i32
    "tpu.region"() ({
      %run_scoped3A = tpu.sem_alloc : memref<!tpu.dma_semaphore, #tpu.memory_space<semaphore_mem>>
      %dma_start3A = arith.constant 0 : i32
      %dma_start3A_76 = tpu.memref_slice %arg5[%add3A_54, %dma_start3A] : memref<20480x128xf32, #tpu.memory_space<hbm>> -> memref<128x128xf32, #tpu.memory_space<hbm>>
      %dma_start3A_77 = arith.constant 0 : i32
      %dma_start3A_78 = tpu.memref_slice %arg5[%add3A_54, %dma_start3A_77] : memref<20480x128xf32, #tpu.memory_space<hbm>> -> memref<128x128xf32, #tpu.memory_space<hbm>>
      tpu.enqueue_dma source(%arg8 : memref<128x128xf32, #tpu.memory_space<vmem>>) target(%dma_start3A_78 : memref<128x128xf32, #tpu.memory_space<hbm>>) target_semaphore(%run_scoped3A : memref<!tpu.dma_semaphore, #tpu.memory_space<semaphore_mem>>)
      %dma_wait3A = arith.constant 0 : i32
      %dma_wait3A_79 = tpu.memref_slice %arg5[%add3A_54, %dma_wait3A] : memref<20480x128xf32, #tpu.memory_space<hbm>> -> memref<128x128xf32, #tpu.memory_space<hbm>>
      %dma_wait3A_80 = arith.constant 0 : i32
      %dma_wait3A_81 = tpu.memref_slice %arg5[%add3A_54, %dma_wait3A_80] : memref<20480x128xf32, #tpu.memory_space<hbm>> -> memref<128x128xf32, #tpu.memory_space<hbm>>
      tpu.wait_dma2 semaphore(%run_scoped3A : memref<!tpu.dma_semaphore, #tpu.memory_space<semaphore_mem>>) src(%arg8 : memref<128x128xf32, #tpu.memory_space<vmem>>) dst(%dma_wait3A_81 : memref<128x128xf32, #tpu.memory_space<hbm>>)
      tpu.yield
    }) : () -> ()
    %add3A_55 = arith.constant 256 : i32
    %add3A_56 = arith.addi %mul3A_0, %add3A_55 : i32
    "tpu.region"() ({
      %run_scoped3A = tpu.sem_alloc : memref<!tpu.dma_semaphore, #tpu.memory_space<semaphore_mem>>
      %dma_start3A = arith.constant 0 : i32
      %dma_start3A_76 = tpu.memref_slice %arg10[%add3A_56, %dma_start3A] : memref<10240x128xf32, #tpu.memory_space<vmem_shared>> -> memref<128x128xf32, #tpu.memory_space<vmem_shared>>
      %dma_start3A_77 = arith.constant 0 : i32
      %dma_start3A_78 = tpu.memref_slice %arg10[%add3A_56, %dma_start3A_77] : memref<10240x128xf32, #tpu.memory_space<vmem_shared>> -> memref<128x128xf32, #tpu.memory_space<vmem_shared>>
      tpu.enqueue_dma source(%dma_start3A_78 : memref<128x128xf32, #tpu.memory_space<vmem_shared>>) target(%arg8 : memref<128x128xf32, #tpu.memory_space<vmem>>) target_semaphore(%run_scoped3A : memref<!tpu.dma_semaphore, #tpu.memory_space<semaphore_mem>>)
      %dma_wait3A = arith.constant 0 : i32
      %dma_wait3A_79 = tpu.memref_slice %arg10[%add3A_56, %dma_wait3A] : memref<10240x128xf32, #tpu.memory_space<vmem_shared>> -> memref<128x128xf32, #tpu.memory_space<vmem_shared>>
      %dma_wait3A_80 = arith.constant 0 : i32
      %dma_wait3A_81 = tpu.memref_slice %arg10[%add3A_56, %dma_wait3A_80] : memref<10240x128xf32, #tpu.memory_space<vmem_shared>> -> memref<128x128xf32, #tpu.memory_space<vmem_shared>>
      tpu.wait_dma2 semaphore(%run_scoped3A : memref<!tpu.dma_semaphore, #tpu.memory_space<semaphore_mem>>) src(%dma_wait3A_81 : memref<128x128xf32, #tpu.memory_space<vmem_shared>>) dst(%arg8 : memref<128x128xf32, #tpu.memory_space<vmem>>)
      tpu.yield
    }) : () -> ()
    %mul3A_57 = arith.constant 10240 : i32
    %mul3A_58 = arith.muli %arg0, %mul3A_57 : i32
    %add3A_59 = arith.addi %mul3A_58, %mul3A_0 : i32
    %add3A_60 = arith.constant 256 : i32
    %add3A_61 = arith.addi %add3A_59, %add3A_60 : i32
    "tpu.region"() ({
      %run_scoped3A = tpu.sem_alloc : memref<!tpu.dma_semaphore, #tpu.memory_space<semaphore_mem>>
      %dma_start3A = arith.constant 0 : i32
      %dma_start3A_76 = tpu.memref_slice %arg5[%add3A_61, %dma_start3A] : memref<20480x128xf32, #tpu.memory_space<hbm>> -> memref<128x128xf32, #tpu.memory_space<hbm>>
      %dma_start3A_77 = arith.constant 0 : i32
      %dma_start3A_78 = tpu.memref_slice %arg5[%add3A_61, %dma_start3A_77] : memref<20480x128xf32, #tpu.memory_space<hbm>> -> memref<128x128xf32, #tpu.memory_space<hbm>>
      tpu.enqueue_dma source(%arg8 : memref<128x128xf32, #tpu.memory_space<vmem>>) target(%dma_start3A_78 : memref<128x128xf32, #tpu.memory_space<hbm>>) target_semaphore(%run_scoped3A : memref<!tpu.dma_semaphore, #tpu.memory_space<semaphore_mem>>)
      %dma_wait3A = arith.constant 0 : i32
      %dma_wait3A_79 = tpu.memref_slice %arg5[%add3A_61, %dma_wait3A] : memref<20480x128xf32, #tpu.memory_space<hbm>> -> memref<128x128xf32, #tpu.memory_space<hbm>>
      %dma_wait3A_80 = arith.constant 0 : i32
      %dma_wait3A_81 = tpu.memref_slice %arg5[%add3A_61, %dma_wait3A_80] : memref<20480x128xf32, #tpu.memory_space<hbm>> -> memref<128x128xf32, #tpu.memory_space<hbm>>
      tpu.wait_dma2 semaphore(%run_scoped3A : memref<!tpu.dma_semaphore, #tpu.memory_space<semaphore_mem>>) src(%arg8 : memref<128x128xf32, #tpu.memory_space<vmem>>) dst(%dma_wait3A_81 : memref<128x128xf32, #tpu.memory_space<hbm>>)
      tpu.yield
    }) : () -> ()
    %add3A_62 = arith.constant 384 : i32
    %add3A_63 = arith.addi %mul3A_0, %add3A_62 : i32
    "tpu.region"() ({
      %run_scoped3A = tpu.sem_alloc : memref<!tpu.dma_semaphore, #tpu.memory_space<semaphore_mem>>
      %dma_start3A = arith.constant 0 : i32
      %dma_start3A_76 = tpu.memref_slice %arg10[%add3A_63, %dma_start3A] : memref<10240x128xf32, #tpu.memory_space<vmem_shared>> -> memref<128x128xf32, #tpu.memory_space<vmem_shared>>
      %dma_start3A_77 = arith.constant 0 : i32
      %dma_start3A_78 = tpu.memref_slice %arg10[%add3A_63, %dma_start3A_77] : memref<10240x128xf32, #tpu.memory_space<vmem_shared>> -> memref<128x128xf32, #tpu.memory_space<vmem_shared>>
      tpu.enqueue_dma source(%dma_start3A_78 : memref<128x128xf32, #tpu.memory_space<vmem_shared>>) target(%arg8 : memref<128x128xf32, #tpu.memory_space<vmem>>) target_semaphore(%run_scoped3A : memref<!tpu.dma_semaphore, #tpu.memory_space<semaphore_mem>>)
      %dma_wait3A = arith.constant 0 : i32
      %dma_wait3A_79 = tpu.memref_slice %arg10[%add3A_63, %dma_wait3A] : memref<10240x128xf32, #tpu.memory_space<vmem_shared>> -> memref<128x128xf32, #tpu.memory_space<vmem_shared>>
      %dma_wait3A_80 = arith.constant 0 : i32
      %dma_wait3A_81 = tpu.memref_slice %arg10[%add3A_63, %dma_wait3A_80] : memref<10240x128xf32, #tpu.memory_space<vmem_shared>> -> memref<128x128xf32, #tpu.memory_space<vmem_shared>>
      tpu.wait_dma2 semaphore(%run_scoped3A : memref<!tpu.dma_semaphore, #tpu.memory_space<semaphore_mem>>) src(%dma_wait3A_81 : memref<128x128xf32, #tpu.memory_space<vmem_shared>>) dst(%arg8 : memref<128x128xf32, #tpu.memory_space<vmem>>)
      tpu.yield
    }) : () -> ()
    %mul3A_64 = arith.constant 10240 : i32
    %mul3A_65 = arith.muli %arg0, %mul3A_64 : i32
    %add3A_66 = arith.addi %mul3A_65, %mul3A_0 : i32
    %add3A_67 = arith.constant 384 : i32
    %add3A_68 = arith.addi %add3A_66, %add3A_67 : i32
    "tpu.region"() ({
      %run_scoped3A = tpu.sem_alloc : memref<!tpu.dma_semaphore, #tpu.memory_space<semaphore_mem>>
      %dma_start3A = arith.constant 0 : i32
      %dma_start3A_76 = tpu.memref_slice %arg5[%add3A_68, %dma_start3A] : memref<20480x128xf32, #tpu.memory_space<hbm>> -> memref<128x128xf32, #tpu.memory_space<hbm>>
      %dma_start3A_77 = arith.constant 0 : i32
      %dma_start3A_78 = tpu.memref_slice %arg5[%add3A_68, %dma_start3A_77] : memref<20480x128xf32, #tpu.memory_space<hbm>> -> memref<128x128xf32, #tpu.memory_space<hbm>>
      tpu.enqueue_dma source(%arg8 : memref<128x128xf32, #tpu.memory_space<vmem>>) target(%dma_start3A_78 : memref<128x128xf32, #tpu.memory_space<hbm>>) target_semaphore(%run_scoped3A : memref<!tpu.dma_semaphore, #tpu.memory_space<semaphore_mem>>)
      %dma_wait3A = arith.constant 0 : i32
      %dma_wait3A_79 = tpu.memref_slice %arg5[%add3A_68, %dma_wait3A] : memref<20480x128xf32, #tpu.memory_space<hbm>> -> memref<128x128xf32, #tpu.memory_space<hbm>>
      %dma_wait3A_80 = arith.constant 0 : i32
      %dma_wait3A_81 = tpu.memref_slice %arg5[%add3A_68, %dma_wait3A_80] : memref<20480x128xf32, #tpu.memory_space<hbm>> -> memref<128x128xf32, #tpu.memory_space<hbm>>
      tpu.wait_dma2 semaphore(%run_scoped3A : memref<!tpu.dma_semaphore, #tpu.memory_space<semaphore_mem>>) src(%arg8 : memref<128x128xf32, #tpu.memory_space<vmem>>) dst(%dma_wait3A_81 : memref<128x128xf32, #tpu.memory_space<hbm>>)
      tpu.yield
    }) : () -> ()
    %add3A_69 = arith.constant 512 : i32
    %add3A_70 = arith.addi %mul3A_0, %add3A_69 : i32
    "tpu.region"() ({
      %run_scoped3A = tpu.sem_alloc : memref<!tpu.dma_semaphore, #tpu.memory_space<semaphore_mem>>
      %dma_start3A = arith.constant 0 : i32
      %dma_start3A_76 = tpu.memref_slice %arg10[%add3A_70, %dma_start3A] : memref<10240x128xf32, #tpu.memory_space<vmem_shared>> -> memref<128x128xf32, #tpu.memory_space<vmem_shared>>
      %dma_start3A_77 = arith.constant 0 : i32
      %dma_start3A_78 = tpu.memref_slice %arg10[%add3A_70, %dma_start3A_77] : memref<10240x128xf32, #tpu.memory_space<vmem_shared>> -> memref<128x128xf32, #tpu.memory_space<vmem_shared>>
      tpu.enqueue_dma source(%dma_start3A_78 : memref<128x128xf32, #tpu.memory_space<vmem_shared>>) target(%arg8 : memref<128x128xf32, #tpu.memory_space<vmem>>) target_semaphore(%run_scoped3A : memref<!tpu.dma_semaphore, #tpu.memory_space<semaphore_mem>>)
      %dma_wait3A = arith.constant 0 : i32
      %dma_wait3A_79 = tpu.memref_slice %arg10[%add3A_70, %dma_wait3A] : memref<10240x128xf32, #tpu.memory_space<vmem_shared>> -> memref<128x128xf32, #tpu.memory_space<vmem_shared>>
      %dma_wait3A_80 = arith.constant 0 : i32
      %dma_wait3A_81 = tpu.memref_slice %arg10[%add3A_70, %dma_wait3A_80] : memref<10240x128xf32, #tpu.memory_space<vmem_shared>> -> memref<128x128xf32, #tpu.memory_space<vmem_shared>>
      tpu.wait_dma2 semaphore(%run_scoped3A : memref<!tpu.dma_semaphore, #tpu.memory_space<semaphore_mem>>) src(%dma_wait3A_81 : memref<128x128xf32, #tpu.memory_space<vmem_shared>>) dst(%arg8 : memref<128x128xf32, #tpu.memory_space<vmem>>)
      tpu.yield
    }) : () -> ()
    %mul3A_71 = arith.constant 10240 : i32
    %mul3A_72 = arith.muli %arg0, %mul3A_71 : i32
    %add3A_73 = arith.addi %mul3A_72, %mul3A_0 : i32
    %add3A_74 = arith.constant 512 : i32
    %add3A_75 = arith.addi %add3A_73, %add3A_74 : i32
    "tpu.region"() ({
      %run_scoped3A = tpu.sem_alloc : memref<!tpu.dma_semaphore, #tpu.memory_space<semaphore_mem>>
      %dma_start3A = arith.constant 0 : i32
      %dma_start3A_76 = tpu.memref_slice %arg5[%add3A_75, %dma_start3A] : memref<20480x128xf32, #tpu.memory_space<hbm>> -> memref<128x128xf32, #tpu.memory_space<hbm>>
      %dma_start3A_77 = arith.constant 0 : i32
      %dma_start3A_78 = tpu.memref_slice %arg5[%add3A_75, %dma_start3A_77] : memref<20480x128xf32, #tpu.memory_space<hbm>> -> memref<128x128xf32, #tpu.memory_space<hbm>>
      tpu.enqueue_dma source(%arg8 : memref<128x128xf32, #tpu.memory_space<vmem>>) target(%dma_start3A_78 : memref<128x128xf32, #tpu.memory_space<hbm>>) target_semaphore(%run_scoped3A : memref<!tpu.dma_semaphore, #tpu.memory_space<semaphore_mem>>)
      %dma_wait3A = arith.constant 0 : i32
      %dma_wait3A_79 = tpu.memref_slice %arg5[%add3A_75, %dma_wait3A] : memref<20480x128xf32, #tpu.memory_space<hbm>> -> memref<128x128xf32, #tpu.memory_space<hbm>>
      %dma_wait3A_80 = arith.constant 0 : i32
      %dma_wait3A_81 = tpu.memref_slice %arg5[%add3A_75, %dma_wait3A_80] : memref<20480x128xf32, #tpu.memory_space<hbm>> -> memref<128x128xf32, #tpu.memory_space<hbm>>
      tpu.wait_dma2 semaphore(%run_scoped3A : memref<!tpu.dma_semaphore, #tpu.memory_space<semaphore_mem>>) src(%arg8 : memref<128x128xf32, #tpu.memory_space<vmem>>) dst(%dma_wait3A_81 : memref<128x128xf32, #tpu.memory_space<hbm>>)
      tpu.yield
    }) : () -> ()
    return
  }
}

#map = affine_map<(d0, d1) -> (0, 0)>
#map1 = affine_map<(d0, d1) -> (0, 0, 0, 0)>
#map2 = affine_map<(d0, d1) -> (0, 0, 0)>
module attributes {stable_mosaic.version = 14 : i64} {
  func.func @prop_kernel(%arg0: i32, %arg1: i32, %arg2: memref<20480x128xf32, #tpu.memory_space<hbm>>, %arg3: memref<2x16x80x128xi32, #tpu.memory_space<hbm>>, %arg4: memref<16x80x128xi32, #tpu.memory_space<hbm>>, %arg5: memref<20480x128xf32, #tpu.memory_space<hbm>>, %arg6: memref<40x128xi32, #tpu.memory_space<vmem>>, %arg7: memref<40x128xi32, #tpu.memory_space<vmem>>, %arg8: memref<128x128xf32, #tpu.memory_space<vmem>>, %arg9: memref<128x128xf32, #tpu.memory_space<vmem>>, %arg10: memref<10240x128xf32, #tpu.memory_space<vmem_shared>>, %arg11: memref<!tpu.dma_semaphore, #tpu.memory_space<semaphore_mem>>, %arg12: memref<!tpu.dma_semaphore, #tpu.memory_space<semaphore_mem>>) attributes {dimension_semantics = [#tpu.dimension_semantics<core_parallel>, #tpu.dimension_semantics<subcore_parallel>], iteration_bounds = array<i64: 2, 16>, scalar_prefetch = 0 : i64, scratch_operands = 7 : i64, tpu.core_type = #tpu.core_type<sc_vector_subcore>, window_params = [{transform_indices = #map}, {transform_indices = #map1}, {transform_indices = #map2}, {transform_indices = #map}]} {
    %mul3A = arith.constant 640 : i32
    %mul3A_0 = arith.muli %arg1, %mul3A : i32
    %mul3A_1 = arith.constant 10240 : i32
    %mul3A_2 = arith.muli %arg0, %mul3A_1 : i32
    %add3A = arith.addi %mul3A_2, %mul3A_0 : i32
    %add3A_3 = arith.constant 0 : i32
    %add3A_4 = arith.addi %add3A, %add3A_3 : i32
    "tpu.region"() ({
      %run_scoped3A = tpu.sem_alloc : memref<!tpu.dma_semaphore, #tpu.memory_space<semaphore_mem>>
      %dma_start3A = arith.constant 0 : i32
      %dma_start3A_76 = tpu.memref_slice %arg2[%add3A_4, %dma_start3A] : memref<20480x128xf32, #tpu.memory_space<hbm>> -> memref<128x128xf32, #tpu.memory_space<hbm>>
      %dma_start3A_77 = arith.constant 0 : i32
      %dma_start3A_78 = tpu.memref_slice %arg2[%add3A_4, %dma_start3A_77] : memref<20480x128xf32, #tpu.memory_space<hbm>> -> memref<128x128xf32, #tpu.memory_space<hbm>>
      tpu.enqueue_dma source(%dma_start3A_78 : memref<128x128xf32, #tpu.memory_space<hbm>>) target(%arg8 : memref<128x128xf32, #tpu.memory_space<vmem>>) target_semaphore(%run_scoped3A : memref<!tpu.dma_semaphore, #tpu.memory_space<semaphore_mem>>)
      %dma_wait3A = arith.constant 0 : i32
      %dma_wait3A_79 = tpu.memref_slice %arg2[%add3A_4, %dma_wait3A] : memref<20480x128xf32, #tpu.memory_space<hbm>> -> memref<128x128xf32, #tpu.memory_space<hbm>>
      %dma_wait3A_80 = arith.constant 0 : i32
      %dma_wait3A_81 = tpu.memref_slice %arg2[%add3A_4, %dma_wait3A_80] : memref<20480x128xf32, #tpu.memory_space<hbm>> -> memref<128x128xf32, #tpu.memory_space<hbm>>
      tpu.wait_dma2 semaphore(%run_scoped3A : memref<!tpu.dma_semaphore, #tpu.memory_space<semaphore_mem>>) src(%dma_wait3A_81 : memref<128x128xf32, #tpu.memory_space<hbm>>) dst(%arg8 : memref<128x128xf32, #tpu.memory_space<vmem>>)
      tpu.yield
    }) : () -> ()
    %add3A_5 = arith.constant 0 : i32
    %add3A_6 = arith.addi %mul3A_0, %add3A_5 : i32
    "tpu.region"() ({
      %run_scoped3A = tpu.sem_alloc : memref<!tpu.dma_semaphore, #tpu.memory_space<semaphore_mem>>
      %dma_start3A = arith.constant 0 : i32
      %dma_start3A_76 = tpu.memref_slice %arg10[%add3A_6, %dma_start3A] : memref<10240x128xf32, #tpu.memory_space<vmem_shared>> -> memref<128x128xf32, #tpu.memory_space<vmem_shared>>
      %dma_start3A_77 = arith.constant 0 : i32
      %dma_start3A_78 = tpu.memref_slice %arg10[%add3A_6, %dma_start3A_77] : memref<10240x128xf32, #tpu.memory_space<vmem_shared>> -> memref<128x128xf32, #tpu.memory_space<vmem_shared>>
      tpu.enqueue_dma source(%arg8 : memref<128x128xf32, #tpu.memory_space<vmem>>) target(%dma_start3A_78 : memref<128x128xf32, #tpu.memory_space<vmem_shared>>) target_semaphore(%run_scoped3A : memref<!tpu.dma_semaphore, #tpu.memory_space<semaphore_mem>>)
      %dma_wait3A = arith.constant 0 : i32
      %dma_wait3A_79 = tpu.memref_slice %arg10[%add3A_6, %dma_wait3A] : memref<10240x128xf32, #tpu.memory_space<vmem_shared>> -> memref<128x128xf32, #tpu.memory_space<vmem_shared>>
      %dma_wait3A_80 = arith.constant 0 : i32
      %dma_wait3A_81 = tpu.memref_slice %arg10[%add3A_6, %dma_wait3A_80] : memref<10240x128xf32, #tpu.memory_space<vmem_shared>> -> memref<128x128xf32, #tpu.memory_space<vmem_shared>>
      tpu.wait_dma2 semaphore(%run_scoped3A : memref<!tpu.dma_semaphore, #tpu.memory_space<semaphore_mem>>) src(%arg8 : memref<128x128xf32, #tpu.memory_space<vmem>>) dst(%dma_wait3A_81 : memref<128x128xf32, #tpu.memory_space<vmem_shared>>)
      tpu.yield
    }) : () -> ()
    %mul3A_7 = arith.constant 10240 : i32
    %mul3A_8 = arith.muli %arg0, %mul3A_7 : i32
    %add3A_9 = arith.addi %mul3A_8, %mul3A_0 : i32
    %add3A_10 = arith.constant 128 : i32
    %add3A_11 = arith.addi %add3A_9, %add3A_10 : i32
    "tpu.region"() ({
      %run_scoped3A = tpu.sem_alloc : memref<!tpu.dma_semaphore, #tpu.memory_space<semaphore_mem>>
      %dma_start3A = arith.constant 0 : i32
      %dma_start3A_76 = tpu.memref_slice %arg2[%add3A_11, %dma_start3A] : memref<20480x128xf32, #tpu.memory_space<hbm>> -> memref<128x128xf32, #tpu.memory_space<hbm>>
      %dma_start3A_77 = arith.constant 0 : i32
      %dma_start3A_78 = tpu.memref_slice %arg2[%add3A_11, %dma_start3A_77] : memref<20480x128xf32, #tpu.memory_space<hbm>> -> memref<128x128xf32, #tpu.memory_space<hbm>>
      tpu.enqueue_dma source(%dma_start3A_78 : memref<128x128xf32, #tpu.memory_space<hbm>>) target(%arg8 : memref<128x128xf32, #tpu.memory_space<vmem>>) target_semaphore(%run_scoped3A : memref<!tpu.dma_semaphore, #tpu.memory_space<semaphore_mem>>)
      %dma_wait3A = arith.constant 0 : i32
      %dma_wait3A_79 = tpu.memref_slice %arg2[%add3A_11, %dma_wait3A] : memref<20480x128xf32, #tpu.memory_space<hbm>> -> memref<128x128xf32, #tpu.memory_space<hbm>>
      %dma_wait3A_80 = arith.constant 0 : i32
      %dma_wait3A_81 = tpu.memref_slice %arg2[%add3A_11, %dma_wait3A_80] : memref<20480x128xf32, #tpu.memory_space<hbm>> -> memref<128x128xf32, #tpu.memory_space<hbm>>
      tpu.wait_dma2 semaphore(%run_scoped3A : memref<!tpu.dma_semaphore, #tpu.memory_space<semaphore_mem>>) src(%dma_wait3A_81 : memref<128x128xf32, #tpu.memory_space<hbm>>) dst(%arg8 : memref<128x128xf32, #tpu.memory_space<vmem>>)
      tpu.yield
    }) : () -> ()
    %add3A_12 = arith.constant 128 : i32
    %add3A_13 = arith.addi %mul3A_0, %add3A_12 : i32
    "tpu.region"() ({
      %run_scoped3A = tpu.sem_alloc : memref<!tpu.dma_semaphore, #tpu.memory_space<semaphore_mem>>
      %dma_start3A = arith.constant 0 : i32
      %dma_start3A_76 = tpu.memref_slice %arg10[%add3A_13, %dma_start3A] : memref<10240x128xf32, #tpu.memory_space<vmem_shared>> -> memref<128x128xf32, #tpu.memory_space<vmem_shared>>
      %dma_start3A_77 = arith.constant 0 : i32
      %dma_start3A_78 = tpu.memref_slice %arg10[%add3A_13, %dma_start3A_77] : memref<10240x128xf32, #tpu.memory_space<vmem_shared>> -> memref<128x128xf32, #tpu.memory_space<vmem_shared>>
      tpu.enqueue_dma source(%arg8 : memref<128x128xf32, #tpu.memory_space<vmem>>) target(%dma_start3A_78 : memref<128x128xf32, #tpu.memory_space<vmem_shared>>) target_semaphore(%run_scoped3A : memref<!tpu.dma_semaphore, #tpu.memory_space<semaphore_mem>>)
      %dma_wait3A = arith.constant 0 : i32
      %dma_wait3A_79 = tpu.memref_slice %arg10[%add3A_13, %dma_wait3A] : memref<10240x128xf32, #tpu.memory_space<vmem_shared>> -> memref<128x128xf32, #tpu.memory_space<vmem_shared>>
      %dma_wait3A_80 = arith.constant 0 : i32
      %dma_wait3A_81 = tpu.memref_slice %arg10[%add3A_13, %dma_wait3A_80] : memref<10240x128xf32, #tpu.memory_space<vmem_shared>> -> memref<128x128xf32, #tpu.memory_space<vmem_shared>>
      tpu.wait_dma2 semaphore(%run_scoped3A : memref<!tpu.dma_semaphore, #tpu.memory_space<semaphore_mem>>) src(%arg8 : memref<128x128xf32, #tpu.memory_space<vmem>>) dst(%dma_wait3A_81 : memref<128x128xf32, #tpu.memory_space<vmem_shared>>)
      tpu.yield
    }) : () -> ()
    %mul3A_14 = arith.constant 10240 : i32
    %mul3A_15 = arith.muli %arg0, %mul3A_14 : i32
    %add3A_16 = arith.addi %mul3A_15, %mul3A_0 : i32
    %add3A_17 = arith.constant 256 : i32
    %add3A_18 = arith.addi %add3A_16, %add3A_17 : i32
    "tpu.region"() ({
      %run_scoped3A = tpu.sem_alloc : memref<!tpu.dma_semaphore, #tpu.memory_space<semaphore_mem>>
      %dma_start3A = arith.constant 0 : i32
      %dma_start3A_76 = tpu.memref_slice %arg2[%add3A_18, %dma_start3A] : memref<20480x128xf32, #tpu.memory_space<hbm>> -> memref<128x128xf32, #tpu.memory_space<hbm>>
      %dma_start3A_77 = arith.constant 0 : i32
      %dma_start3A_78 = tpu.memref_slice %arg2[%add3A_18, %dma_start3A_77] : memref<20480x128xf32, #tpu.memory_space<hbm>> -> memref<128x128xf32, #tpu.memory_space<hbm>>
      tpu.enqueue_dma source(%dma_start3A_78 : memref<128x128xf32, #tpu.memory_space<hbm>>) target(%arg8 : memref<128x128xf32, #tpu.memory_space<vmem>>) target_semaphore(%run_scoped3A : memref<!tpu.dma_semaphore, #tpu.memory_space<semaphore_mem>>)
      %dma_wait3A = arith.constant 0 : i32
      %dma_wait3A_79 = tpu.memref_slice %arg2[%add3A_18, %dma_wait3A] : memref<20480x128xf32, #tpu.memory_space<hbm>> -> memref<128x128xf32, #tpu.memory_space<hbm>>
      %dma_wait3A_80 = arith.constant 0 : i32
      %dma_wait3A_81 = tpu.memref_slice %arg2[%add3A_18, %dma_wait3A_80] : memref<20480x128xf32, #tpu.memory_space<hbm>> -> memref<128x128xf32, #tpu.memory_space<hbm>>
      tpu.wait_dma2 semaphore(%run_scoped3A : memref<!tpu.dma_semaphore, #tpu.memory_space<semaphore_mem>>) src(%dma_wait3A_81 : memref<128x128xf32, #tpu.memory_space<hbm>>) dst(%arg8 : memref<128x128xf32, #tpu.memory_space<vmem>>)
      tpu.yield
    }) : () -> ()
    %add3A_19 = arith.constant 256 : i32
    %add3A_20 = arith.addi %mul3A_0, %add3A_19 : i32
    "tpu.region"() ({
      %run_scoped3A = tpu.sem_alloc : memref<!tpu.dma_semaphore, #tpu.memory_space<semaphore_mem>>
      %dma_start3A = arith.constant 0 : i32
      %dma_start3A_76 = tpu.memref_slice %arg10[%add3A_20, %dma_start3A] : memref<10240x128xf32, #tpu.memory_space<vmem_shared>> -> memref<128x128xf32, #tpu.memory_space<vmem_shared>>
      %dma_start3A_77 = arith.constant 0 : i32
      %dma_start3A_78 = tpu.memref_slice %arg10[%add3A_20, %dma_start3A_77] : memref<10240x128xf32, #tpu.memory_space<vmem_shared>> -> memref<128x128xf32, #tpu.memory_space<vmem_shared>>
      tpu.enqueue_dma source(%arg8 : memref<128x128xf32, #tpu.memory_space<vmem>>) target(%dma_start3A_78 : memref<128x128xf32, #tpu.memory_space<vmem_shared>>) target_semaphore(%run_scoped3A : memref<!tpu.dma_semaphore, #tpu.memory_space<semaphore_mem>>)
      %dma_wait3A = arith.constant 0 : i32
      %dma_wait3A_79 = tpu.memref_slice %arg10[%add3A_20, %dma_wait3A] : memref<10240x128xf32, #tpu.memory_space<vmem_shared>> -> memref<128x128xf32, #tpu.memory_space<vmem_shared>>
      %dma_wait3A_80 = arith.constant 0 : i32
      %dma_wait3A_81 = tpu.memref_slice %arg10[%add3A_20, %dma_wait3A_80] : memref<10240x128xf32, #tpu.memory_space<vmem_shared>> -> memref<128x128xf32, #tpu.memory_space<vmem_shared>>
      tpu.wait_dma2 semaphore(%run_scoped3A : memref<!tpu.dma_semaphore, #tpu.memory_space<semaphore_mem>>) src(%arg8 : memref<128x128xf32, #tpu.memory_space<vmem>>) dst(%dma_wait3A_81 : memref<128x128xf32, #tpu.memory_space<vmem_shared>>)
      tpu.yield
    }) : () -> ()
    %mul3A_21 = arith.constant 10240 : i32
    %mul3A_22 = arith.muli %arg0, %mul3A_21 : i32
    %add3A_23 = arith.addi %mul3A_22, %mul3A_0 : i32
    %add3A_24 = arith.constant 384 : i32
    %add3A_25 = arith.addi %add3A_23, %add3A_24 : i32
    "tpu.region"() ({
      %run_scoped3A = tpu.sem_alloc : memref<!tpu.dma_semaphore, #tpu.memory_space<semaphore_mem>>
      %dma_start3A = arith.constant 0 : i32
      %dma_start3A_76 = tpu.memref_slice %arg2[%add3A_25, %dma_start3A] : memref<20480x128xf32, #tpu.memory_space<hbm>> -> memref<128x128xf32, #tpu.memory_space<hbm>>
      %dma_start3A_77 = arith.constant 0 : i32
      %dma_start3A_78 = tpu.memref_slice %arg2[%add3A_25, %dma_start3A_77] : memref<20480x128xf32, #tpu.memory_space<hbm>> -> memref<128x128xf32, #tpu.memory_space<hbm>>
      tpu.enqueue_dma source(%dma_start3A_78 : memref<128x128xf32, #tpu.memory_space<hbm>>) target(%arg8 : memref<128x128xf32, #tpu.memory_space<vmem>>) target_semaphore(%run_scoped3A : memref<!tpu.dma_semaphore, #tpu.memory_space<semaphore_mem>>)
      %dma_wait3A = arith.constant 0 : i32
      %dma_wait3A_79 = tpu.memref_slice %arg2[%add3A_25, %dma_wait3A] : memref<20480x128xf32, #tpu.memory_space<hbm>> -> memref<128x128xf32, #tpu.memory_space<hbm>>
      %dma_wait3A_80 = arith.constant 0 : i32
      %dma_wait3A_81 = tpu.memref_slice %arg2[%add3A_25, %dma_wait3A_80] : memref<20480x128xf32, #tpu.memory_space<hbm>> -> memref<128x128xf32, #tpu.memory_space<hbm>>
      tpu.wait_dma2 semaphore(%run_scoped3A : memref<!tpu.dma_semaphore, #tpu.memory_space<semaphore_mem>>) src(%dma_wait3A_81 : memref<128x128xf32, #tpu.memory_space<hbm>>) dst(%arg8 : memref<128x128xf32, #tpu.memory_space<vmem>>)
      tpu.yield
    }) : () -> ()
    %add3A_26 = arith.constant 384 : i32
    %add3A_27 = arith.addi %mul3A_0, %add3A_26 : i32
    "tpu.region"() ({
      %run_scoped3A = tpu.sem_alloc : memref<!tpu.dma_semaphore, #tpu.memory_space<semaphore_mem>>
      %dma_start3A = arith.constant 0 : i32
      %dma_start3A_76 = tpu.memref_slice %arg10[%add3A_27, %dma_start3A] : memref<10240x128xf32, #tpu.memory_space<vmem_shared>> -> memref<128x128xf32, #tpu.memory_space<vmem_shared>>
      %dma_start3A_77 = arith.constant 0 : i32
      %dma_start3A_78 = tpu.memref_slice %arg10[%add3A_27, %dma_start3A_77] : memref<10240x128xf32, #tpu.memory_space<vmem_shared>> -> memref<128x128xf32, #tpu.memory_space<vmem_shared>>
      tpu.enqueue_dma source(%arg8 : memref<128x128xf32, #tpu.memory_space<vmem>>) target(%dma_start3A_78 : memref<128x128xf32, #tpu.memory_space<vmem_shared>>) target_semaphore(%run_scoped3A : memref<!tpu.dma_semaphore, #tpu.memory_space<semaphore_mem>>)
      %dma_wait3A = arith.constant 0 : i32
      %dma_wait3A_79 = tpu.memref_slice %arg10[%add3A_27, %dma_wait3A] : memref<10240x128xf32, #tpu.memory_space<vmem_shared>> -> memref<128x128xf32, #tpu.memory_space<vmem_shared>>
      %dma_wait3A_80 = arith.constant 0 : i32
      %dma_wait3A_81 = tpu.memref_slice %arg10[%add3A_27, %dma_wait3A_80] : memref<10240x128xf32, #tpu.memory_space<vmem_shared>> -> memref<128x128xf32, #tpu.memory_space<vmem_shared>>
      tpu.wait_dma2 semaphore(%run_scoped3A : memref<!tpu.dma_semaphore, #tpu.memory_space<semaphore_mem>>) src(%arg8 : memref<128x128xf32, #tpu.memory_space<vmem>>) dst(%dma_wait3A_81 : memref<128x128xf32, #tpu.memory_space<vmem_shared>>)
      tpu.yield
    }) : () -> ()
    %mul3A_28 = arith.constant 10240 : i32
    %mul3A_29 = arith.muli %arg0, %mul3A_28 : i32
    %add3A_30 = arith.addi %mul3A_29, %mul3A_0 : i32
    %add3A_31 = arith.constant 512 : i32
    %add3A_32 = arith.addi %add3A_30, %add3A_31 : i32
    "tpu.region"() ({
      %run_scoped3A = tpu.sem_alloc : memref<!tpu.dma_semaphore, #tpu.memory_space<semaphore_mem>>
      %dma_start3A = arith.constant 0 : i32
      %dma_start3A_76 = tpu.memref_slice %arg2[%add3A_32, %dma_start3A] : memref<20480x128xf32, #tpu.memory_space<hbm>> -> memref<128x128xf32, #tpu.memory_space<hbm>>
      %dma_start3A_77 = arith.constant 0 : i32
      %dma_start3A_78 = tpu.memref_slice %arg2[%add3A_32, %dma_start3A_77] : memref<20480x128xf32, #tpu.memory_space<hbm>> -> memref<128x128xf32, #tpu.memory_space<hbm>>
      tpu.enqueue_dma source(%dma_start3A_78 : memref<128x128xf32, #tpu.memory_space<hbm>>) target(%arg8 : memref<128x128xf32, #tpu.memory_space<vmem>>) target_semaphore(%run_scoped3A : memref<!tpu.dma_semaphore, #tpu.memory_space<semaphore_mem>>)
      %dma_wait3A = arith.constant 0 : i32
      %dma_wait3A_79 = tpu.memref_slice %arg2[%add3A_32, %dma_wait3A] : memref<20480x128xf32, #tpu.memory_space<hbm>> -> memref<128x128xf32, #tpu.memory_space<hbm>>
      %dma_wait3A_80 = arith.constant 0 : i32
      %dma_wait3A_81 = tpu.memref_slice %arg2[%add3A_32, %dma_wait3A_80] : memref<20480x128xf32, #tpu.memory_space<hbm>> -> memref<128x128xf32, #tpu.memory_space<hbm>>
      tpu.wait_dma2 semaphore(%run_scoped3A : memref<!tpu.dma_semaphore, #tpu.memory_space<semaphore_mem>>) src(%dma_wait3A_81 : memref<128x128xf32, #tpu.memory_space<hbm>>) dst(%arg8 : memref<128x128xf32, #tpu.memory_space<vmem>>)
      tpu.yield
    }) : () -> ()
    %add3A_33 = arith.constant 512 : i32
    %add3A_34 = arith.addi %mul3A_0, %add3A_33 : i32
    "tpu.region"() ({
      %run_scoped3A = tpu.sem_alloc : memref<!tpu.dma_semaphore, #tpu.memory_space<semaphore_mem>>
      %dma_start3A = arith.constant 0 : i32
      %dma_start3A_76 = tpu.memref_slice %arg10[%add3A_34, %dma_start3A] : memref<10240x128xf32, #tpu.memory_space<vmem_shared>> -> memref<128x128xf32, #tpu.memory_space<vmem_shared>>
      %dma_start3A_77 = arith.constant 0 : i32
      %dma_start3A_78 = tpu.memref_slice %arg10[%add3A_34, %dma_start3A_77] : memref<10240x128xf32, #tpu.memory_space<vmem_shared>> -> memref<128x128xf32, #tpu.memory_space<vmem_shared>>
      tpu.enqueue_dma source(%arg8 : memref<128x128xf32, #tpu.memory_space<vmem>>) target(%dma_start3A_78 : memref<128x128xf32, #tpu.memory_space<vmem_shared>>) target_semaphore(%run_scoped3A : memref<!tpu.dma_semaphore, #tpu.memory_space<semaphore_mem>>)
      %dma_wait3A = arith.constant 0 : i32
      %dma_wait3A_79 = tpu.memref_slice %arg10[%add3A_34, %dma_wait3A] : memref<10240x128xf32, #tpu.memory_space<vmem_shared>> -> memref<128x128xf32, #tpu.memory_space<vmem_shared>>
      %dma_wait3A_80 = arith.constant 0 : i32
      %dma_wait3A_81 = tpu.memref_slice %arg10[%add3A_34, %dma_wait3A_80] : memref<10240x128xf32, #tpu.memory_space<vmem_shared>> -> memref<128x128xf32, #tpu.memory_space<vmem_shared>>
      tpu.wait_dma2 semaphore(%run_scoped3A : memref<!tpu.dma_semaphore, #tpu.memory_space<semaphore_mem>>) src(%arg8 : memref<128x128xf32, #tpu.memory_space<vmem>>) dst(%dma_wait3A_81 : memref<128x128xf32, #tpu.memory_space<vmem_shared>>)
      tpu.yield
    }) : () -> ()
    %barrier3A = arith.constant 0 : index
    tpu.barrier barrier_id(%barrier3A)
    %scan3A = arith.constant 0 : i32
    %scan3A_35 = arith.constant 0 : i32
    %scan3A_36 = arith.constant 2 : i32
    %scan3A_37 = arith.addi %scan3A_35, %scan3A_36 : i32
    %scan3A_38 = arith.constant 1 : i32
    scf.for %scan3A_76 = %scan3A_35 to %scan3A_37 step %scan3A_38  : i32 {
      %mul3A_77 = arith.constant 40 : i32
      %mul3A_78 = arith.muli %scan3A_76, %mul3A_77 : i32
      "tpu.region"() ({
        %run_scoped3A = tpu.sem_alloc : memref<!tpu.dma_semaphore, #tpu.memory_space<semaphore_mem>>
        %dma_start3A = arith.constant 0 : i32
        %dma_start3A_87 = arith.constant 0 : i32
        %dma_start3A_88 = arith.constant 0 : i32
        %dma_start3A_89 = tpu.memref_slice %arg3[%arg0, %dma_start3A, %dma_start3A_87, %dma_start3A_88] : memref<2x16x80x128xi32, #tpu.memory_space<hbm>> -> memref<1x16x80x128xi32, #tpu.memory_space<hbm>>
        %dma_start3A_90 = tpu.memref_squeeze %dma_start3A_89 : memref<1x16x80x128xi32, #tpu.memory_space<hbm>> -> memref<16x80x128xi32, #tpu.memory_space<hbm>>
        %dma_start3A_91 = arith.constant 0 : i32
        %dma_start3A_92 = arith.constant 0 : i32
        %dma_start3A_93 = tpu.memref_slice %dma_start3A_90[%arg1, %dma_start3A_91, %dma_start3A_92] : memref<16x80x128xi32, #tpu.memory_space<hbm>> -> memref<1x80x128xi32, #tpu.memory_space<hbm>>
        %dma_start3A_94 = tpu.memref_squeeze %dma_start3A_93 : memref<1x80x128xi32, #tpu.memory_space<hbm>> -> memref<80x128xi32, #tpu.memory_space<hbm>>
        %dma_start3A_95 = arith.constant 0 : i32
        %dma_start3A_96 = tpu.memref_slice %dma_start3A_94[%mul3A_78, %dma_start3A_95] : memref<80x128xi32, #tpu.memory_space<hbm>> -> memref<40x128xi32, #tpu.memory_space<hbm>>
        %dma_start3A_97 = arith.constant 0 : i32
        %dma_start3A_98 = arith.constant 0 : i32
        %dma_start3A_99 = arith.constant 0 : i32
        %dma_start3A_100 = tpu.memref_slice %arg3[%arg0, %dma_start3A_97, %dma_start3A_98, %dma_start3A_99] : memref<2x16x80x128xi32, #tpu.memory_space<hbm>> -> memref<1x16x80x128xi32, #tpu.memory_space<hbm>>
        %dma_start3A_101 = tpu.memref_squeeze %dma_start3A_100 : memref<1x16x80x128xi32, #tpu.memory_space<hbm>> -> memref<16x80x128xi32, #tpu.memory_space<hbm>>
        %dma_start3A_102 = arith.constant 0 : i32
        %dma_start3A_103 = arith.constant 0 : i32
        %dma_start3A_104 = tpu.memref_slice %dma_start3A_101[%arg1, %dma_start3A_102, %dma_start3A_103] : memref<16x80x128xi32, #tpu.memory_space<hbm>> -> memref<1x80x128xi32, #tpu.memory_space<hbm>>
        %dma_start3A_105 = tpu.memref_squeeze %dma_start3A_104 : memref<1x80x128xi32, #tpu.memory_space<hbm>> -> memref<80x128xi32, #tpu.memory_space<hbm>>
        %dma_start3A_106 = arith.constant 0 : i32
        %dma_start3A_107 = tpu.memref_slice %dma_start3A_105[%mul3A_78, %dma_start3A_106] : memref<80x128xi32, #tpu.memory_space<hbm>> -> memref<40x128xi32, #tpu.memory_space<hbm>>
        tpu.enqueue_dma source(%dma_start3A_107 : memref<40x128xi32, #tpu.memory_space<hbm>>) target(%arg6 : memref<40x128xi32, #tpu.memory_space<vmem>>) target_semaphore(%run_scoped3A : memref<!tpu.dma_semaphore, #tpu.memory_space<semaphore_mem>>)
        %dma_wait3A = arith.constant 0 : i32
        %dma_wait3A_108 = arith.constant 0 : i32
        %dma_wait3A_109 = arith.constant 0 : i32
        %dma_wait3A_110 = tpu.memref_slice %arg3[%arg0, %dma_wait3A, %dma_wait3A_108, %dma_wait3A_109] : memref<2x16x80x128xi32, #tpu.memory_space<hbm>> -> memref<1x16x80x128xi32, #tpu.memory_space<hbm>>
        %dma_wait3A_111 = tpu.memref_squeeze %dma_wait3A_110 : memref<1x16x80x128xi32, #tpu.memory_space<hbm>> -> memref<16x80x128xi32, #tpu.memory_space<hbm>>
        %dma_wait3A_112 = arith.constant 0 : i32
        %dma_wait3A_113 = arith.constant 0 : i32
        %dma_wait3A_114 = tpu.memref_slice %dma_wait3A_111[%arg1, %dma_wait3A_112, %dma_wait3A_113] : memref<16x80x128xi32, #tpu.memory_space<hbm>> -> memref<1x80x128xi32, #tpu.memory_space<hbm>>
        %dma_wait3A_115 = tpu.memref_squeeze %dma_wait3A_114 : memref<1x80x128xi32, #tpu.memory_space<hbm>> -> memref<80x128xi32, #tpu.memory_space<hbm>>
        %dma_wait3A_116 = arith.constant 0 : i32
        %dma_wait3A_117 = tpu.memref_slice %dma_wait3A_115[%mul3A_78, %dma_wait3A_116] : memref<80x128xi32, #tpu.memory_space<hbm>> -> memref<40x128xi32, #tpu.memory_space<hbm>>
        %dma_wait3A_118 = arith.constant 0 : i32
        %dma_wait3A_119 = arith.constant 0 : i32
        %dma_wait3A_120 = arith.constant 0 : i32
        %dma_wait3A_121 = tpu.memref_slice %arg3[%arg0, %dma_wait3A_118, %dma_wait3A_119, %dma_wait3A_120] : memref<2x16x80x128xi32, #tpu.memory_space<hbm>> -> memref<1x16x80x128xi32, #tpu.memory_space<hbm>>
        %dma_wait3A_122 = tpu.memref_squeeze %dma_wait3A_121 : memref<1x16x80x128xi32, #tpu.memory_space<hbm>> -> memref<16x80x128xi32, #tpu.memory_space<hbm>>
        %dma_wait3A_123 = arith.constant 0 : i32
        %dma_wait3A_124 = arith.constant 0 : i32
        %dma_wait3A_125 = tpu.memref_slice %dma_wait3A_122[%arg1, %dma_wait3A_123, %dma_wait3A_124] : memref<16x80x128xi32, #tpu.memory_space<hbm>> -> memref<1x80x128xi32, #tpu.memory_space<hbm>>
        %dma_wait3A_126 = tpu.memref_squeeze %dma_wait3A_125 : memref<1x80x128xi32, #tpu.memory_space<hbm>> -> memref<80x128xi32, #tpu.memory_space<hbm>>
        %dma_wait3A_127 = arith.constant 0 : i32
        %dma_wait3A_128 = tpu.memref_slice %dma_wait3A_126[%mul3A_78, %dma_wait3A_127] : memref<80x128xi32, #tpu.memory_space<hbm>> -> memref<40x128xi32, #tpu.memory_space<hbm>>
        tpu.wait_dma2 semaphore(%run_scoped3A : memref<!tpu.dma_semaphore, #tpu.memory_space<semaphore_mem>>) src(%dma_wait3A_128 : memref<40x128xi32, #tpu.memory_space<hbm>>) dst(%arg6 : memref<40x128xi32, #tpu.memory_space<vmem>>)
        tpu.yield
      }) : () -> ()
      %mul3A_79 = arith.constant 40 : i32
      %mul3A_80 = arith.muli %scan3A_76, %mul3A_79 : i32
      "tpu.region"() ({
        %run_scoped3A = tpu.sem_alloc : memref<!tpu.dma_semaphore, #tpu.memory_space<semaphore_mem>>
        %dma_start3A = arith.constant 0 : i32
        %dma_start3A_87 = arith.constant 0 : i32
        %dma_start3A_88 = tpu.memref_slice %arg4[%arg1, %dma_start3A, %dma_start3A_87] : memref<16x80x128xi32, #tpu.memory_space<hbm>> -> memref<1x80x128xi32, #tpu.memory_space<hbm>>
        %dma_start3A_89 = tpu.memref_squeeze %dma_start3A_88 : memref<1x80x128xi32, #tpu.memory_space<hbm>> -> memref<80x128xi32, #tpu.memory_space<hbm>>
        %dma_start3A_90 = arith.constant 0 : i32
        %dma_start3A_91 = tpu.memref_slice %dma_start3A_89[%mul3A_80, %dma_start3A_90] : memref<80x128xi32, #tpu.memory_space<hbm>> -> memref<40x128xi32, #tpu.memory_space<hbm>>
        %dma_start3A_92 = arith.constant 0 : i32
        %dma_start3A_93 = arith.constant 0 : i32
        %dma_start3A_94 = tpu.memref_slice %arg4[%arg1, %dma_start3A_92, %dma_start3A_93] : memref<16x80x128xi32, #tpu.memory_space<hbm>> -> memref<1x80x128xi32, #tpu.memory_space<hbm>>
        %dma_start3A_95 = tpu.memref_squeeze %dma_start3A_94 : memref<1x80x128xi32, #tpu.memory_space<hbm>> -> memref<80x128xi32, #tpu.memory_space<hbm>>
        %dma_start3A_96 = arith.constant 0 : i32
        %dma_start3A_97 = tpu.memref_slice %dma_start3A_95[%mul3A_80, %dma_start3A_96] : memref<80x128xi32, #tpu.memory_space<hbm>> -> memref<40x128xi32, #tpu.memory_space<hbm>>
        tpu.enqueue_dma source(%dma_start3A_97 : memref<40x128xi32, #tpu.memory_space<hbm>>) target(%arg7 : memref<40x128xi32, #tpu.memory_space<vmem>>) target_semaphore(%run_scoped3A : memref<!tpu.dma_semaphore, #tpu.memory_space<semaphore_mem>>)
        %dma_wait3A = arith.constant 0 : i32
        %dma_wait3A_98 = arith.constant 0 : i32
        %dma_wait3A_99 = tpu.memref_slice %arg4[%arg1, %dma_wait3A, %dma_wait3A_98] : memref<16x80x128xi32, #tpu.memory_space<hbm>> -> memref<1x80x128xi32, #tpu.memory_space<hbm>>
        %dma_wait3A_100 = tpu.memref_squeeze %dma_wait3A_99 : memref<1x80x128xi32, #tpu.memory_space<hbm>> -> memref<80x128xi32, #tpu.memory_space<hbm>>
        %dma_wait3A_101 = arith.constant 0 : i32
        %dma_wait3A_102 = tpu.memref_slice %dma_wait3A_100[%mul3A_80, %dma_wait3A_101] : memref<80x128xi32, #tpu.memory_space<hbm>> -> memref<40x128xi32, #tpu.memory_space<hbm>>
        %dma_wait3A_103 = arith.constant 0 : i32
        %dma_wait3A_104 = arith.constant 0 : i32
        %dma_wait3A_105 = tpu.memref_slice %arg4[%arg1, %dma_wait3A_103, %dma_wait3A_104] : memref<16x80x128xi32, #tpu.memory_space<hbm>> -> memref<1x80x128xi32, #tpu.memory_space<hbm>>
        %dma_wait3A_106 = tpu.memref_squeeze %dma_wait3A_105 : memref<1x80x128xi32, #tpu.memory_space<hbm>> -> memref<80x128xi32, #tpu.memory_space<hbm>>
        %dma_wait3A_107 = arith.constant 0 : i32
        %dma_wait3A_108 = tpu.memref_slice %dma_wait3A_106[%mul3A_80, %dma_wait3A_107] : memref<80x128xi32, #tpu.memory_space<hbm>> -> memref<40x128xi32, #tpu.memory_space<hbm>>
        tpu.wait_dma2 semaphore(%run_scoped3A : memref<!tpu.dma_semaphore, #tpu.memory_space<semaphore_mem>>) src(%dma_wait3A_108 : memref<40x128xi32, #tpu.memory_space<hbm>>) dst(%arg7 : memref<40x128xi32, #tpu.memory_space<vmem>>)
        tpu.yield
      }) : () -> ()
      %scan3A_81 = arith.constant 0 : i32
      %scan3A_82 = arith.constant 0 : i32
      %scan3A_83 = arith.constant 20 : i32
      %scan3A_84 = arith.addi %scan3A_82, %scan3A_83 : i32
      %scan3A_85 = arith.constant 1 : i32
      scf.for %scan3A_87 = %scan3A_82 to %scan3A_84 step %scan3A_85  : i32 {
        %mul3A_88 = arith.constant 2 : i32
        %mul3A_89 = arith.muli %mul3A_88, %scan3A_87 : i32
        %dma_start3A = arith.constant 0 : i32
        %dma_start3A_90 = tpu.memref_slice %arg6[%mul3A_89, %dma_start3A] : memref<40x128xi32, #tpu.memory_space<vmem>> -> memref<1x128xi32, #tpu.memory_space<vmem>>
        %dma_start3A_91 = tpu.memref_squeeze %dma_start3A_90 : memref<1x128xi32, #tpu.memory_space<vmem>> -> memref<128xi32, #tpu.memory_space<vmem>>
        %dma_start3A_92 = arith.constant 0 : i32
        %dma_start3A_93 = arith.constant 0 : i32
        %dma_start3A_94 = tpu.memref_slice %arg2[%dma_start3A_92, %dma_start3A_93] : memref<20480x128xf32, #tpu.memory_space<hbm>> -> memref<20480x128xf32, #tpu.memory_space<hbm>>
        tpu.enqueue_indirect_dma source(%dma_start3A_94 : memref<20480x128xf32, #tpu.memory_space<hbm>>) target(%arg8 : memref<128x128xf32, #tpu.memory_space<vmem>>) offsets(%dma_start3A_91 : memref<128xi32, #tpu.memory_space<vmem>>) semaphore(%arg11 : memref<!tpu.dma_semaphore, #tpu.memory_space<semaphore_mem>>)
        %add3A_95 = arith.constant 1 : i32
        %add3A_96 = arith.addi %mul3A_89, %add3A_95 : i32
        %dma_start3A_97 = arith.constant 0 : i32
        %dma_start3A_98 = tpu.memref_slice %arg6[%add3A_96, %dma_start3A_97] : memref<40x128xi32, #tpu.memory_space<vmem>> -> memref<1x128xi32, #tpu.memory_space<vmem>>
        %dma_start3A_99 = tpu.memref_squeeze %dma_start3A_98 : memref<1x128xi32, #tpu.memory_space<vmem>> -> memref<128xi32, #tpu.memory_space<vmem>>
        %dma_start3A_100 = arith.constant 0 : i32
        %dma_start3A_101 = arith.constant 0 : i32
        %dma_start3A_102 = tpu.memref_slice %arg2[%dma_start3A_100, %dma_start3A_101] : memref<20480x128xf32, #tpu.memory_space<hbm>> -> memref<20480x128xf32, #tpu.memory_space<hbm>>
        tpu.enqueue_indirect_dma source(%dma_start3A_102 : memref<20480x128xf32, #tpu.memory_space<hbm>>) target(%arg9 : memref<128x128xf32, #tpu.memory_space<vmem>>) offsets(%dma_start3A_99 : memref<128xi32, #tpu.memory_space<vmem>>) semaphore(%arg12 : memref<!tpu.dma_semaphore, #tpu.memory_space<semaphore_mem>>)
        %dma_wait3A = arith.constant 0 : i32
        %dma_wait3A_103 = tpu.memref_slice %arg6[%mul3A_89, %dma_wait3A] : memref<40x128xi32, #tpu.memory_space<vmem>> -> memref<1x128xi32, #tpu.memory_space<vmem>>
        %dma_wait3A_104 = tpu.memref_squeeze %dma_wait3A_103 : memref<1x128xi32, #tpu.memory_space<vmem>> -> memref<128xi32, #tpu.memory_space<vmem>>
        %dma_wait3A_105 = arith.constant 0 : i32
        %dma_wait3A_106 = arith.constant 0 : i32
        %dma_wait3A_107 = tpu.memref_slice %arg2[%dma_wait3A_105, %dma_wait3A_106] : memref<20480x128xf32, #tpu.memory_space<hbm>> -> memref<20480x128xf32, #tpu.memory_space<hbm>>
        tpu.wait_indirect_dma semaphore(%arg11 : memref<!tpu.dma_semaphore, #tpu.memory_space<semaphore_mem>>) src(%dma_wait3A_107 : memref<20480x128xf32, #tpu.memory_space<hbm>>) dst(%arg8 : memref<128x128xf32, #tpu.memory_space<vmem>>)
        "tpu.region"() ({
          %run_scoped3A = tpu.sem_alloc : memref<!tpu.dma_semaphore, #tpu.memory_space<semaphore_mem>>
          %dma_start3A_116 = arith.constant 0 : i32
          %dma_start3A_117 = tpu.memref_slice %arg7[%mul3A_89, %dma_start3A_116] : memref<40x128xi32, #tpu.memory_space<vmem>> -> memref<1x128xi32, #tpu.memory_space<vmem>>
          %dma_start3A_118 = tpu.memref_squeeze %dma_start3A_117 : memref<1x128xi32, #tpu.memory_space<vmem>> -> memref<128xi32, #tpu.memory_space<vmem>>
          %dma_start3A_119 = arith.constant 0 : i32
          %dma_start3A_120 = arith.constant 0 : i32
          %dma_start3A_121 = tpu.memref_slice %arg10[%dma_start3A_119, %dma_start3A_120] : memref<10240x128xf32, #tpu.memory_space<vmem_shared>> -> memref<10240x128xf32, #tpu.memory_space<vmem_shared>>
          tpu.enqueue_indirect_dma source(%arg8 : memref<128x128xf32, #tpu.memory_space<vmem>>) target(%dma_start3A_121 : memref<10240x128xf32, #tpu.memory_space<vmem_shared>>) offsets(%dma_start3A_118 : memref<128xi32, #tpu.memory_space<vmem>>) semaphore(%run_scoped3A : memref<!tpu.dma_semaphore, #tpu.memory_space<semaphore_mem>>) {add = true}
          %dma_wait3A_122 = arith.constant 0 : i32
          %dma_wait3A_123 = tpu.memref_slice %arg7[%mul3A_89, %dma_wait3A_122] : memref<40x128xi32, #tpu.memory_space<vmem>> -> memref<1x128xi32, #tpu.memory_space<vmem>>
          %dma_wait3A_124 = tpu.memref_squeeze %dma_wait3A_123 : memref<1x128xi32, #tpu.memory_space<vmem>> -> memref<128xi32, #tpu.memory_space<vmem>>
          %dma_wait3A_125 = arith.constant 0 : i32
          %dma_wait3A_126 = arith.constant 0 : i32
          %dma_wait3A_127 = tpu.memref_slice %arg10[%dma_wait3A_125, %dma_wait3A_126] : memref<10240x128xf32, #tpu.memory_space<vmem_shared>> -> memref<10240x128xf32, #tpu.memory_space<vmem_shared>>
          tpu.wait_indirect_dma semaphore(%run_scoped3A : memref<!tpu.dma_semaphore, #tpu.memory_space<semaphore_mem>>) src(%arg8 : memref<128x128xf32, #tpu.memory_space<vmem>>) dst(%dma_wait3A_127 : memref<10240x128xf32, #tpu.memory_space<vmem_shared>>)
          tpu.yield
        }) : () -> ()
        %dma_wait3A_108 = arith.constant 0 : i32
        %dma_wait3A_109 = tpu.memref_slice %arg6[%add3A_96, %dma_wait3A_108] : memref<40x128xi32, #tpu.memory_space<vmem>> -> memref<1x128xi32, #tpu.memory_space<vmem>>
        %dma_wait3A_110 = tpu.memref_squeeze %dma_wait3A_109 : memref<1x128xi32, #tpu.memory_space<vmem>> -> memref<128xi32, #tpu.memory_space<vmem>>
        %dma_wait3A_111 = arith.constant 0 : i32
        %dma_wait3A_112 = arith.constant 0 : i32
        %dma_wait3A_113 = tpu.memref_slice %arg2[%dma_wait3A_111, %dma_wait3A_112] : memref<20480x128xf32, #tpu.memory_space<hbm>> -> memref<20480x128xf32, #tpu.memory_space<hbm>>
        tpu.wait_indirect_dma semaphore(%arg12 : memref<!tpu.dma_semaphore, #tpu.memory_space<semaphore_mem>>) src(%dma_wait3A_113 : memref<20480x128xf32, #tpu.memory_space<hbm>>) dst(%arg9 : memref<128x128xf32, #tpu.memory_space<vmem>>)
        %add3A_114 = arith.constant 1 : i32
        %add3A_115 = arith.addi %mul3A_89, %add3A_114 : i32
        "tpu.region"() ({
          %run_scoped3A = tpu.sem_alloc : memref<!tpu.dma_semaphore, #tpu.memory_space<semaphore_mem>>
          %dma_start3A_116 = arith.constant 0 : i32
          %dma_start3A_117 = tpu.memref_slice %arg7[%add3A_115, %dma_start3A_116] : memref<40x128xi32, #tpu.memory_space<vmem>> -> memref<1x128xi32, #tpu.memory_space<vmem>>
          %dma_start3A_118 = tpu.memref_squeeze %dma_start3A_117 : memref<1x128xi32, #tpu.memory_space<vmem>> -> memref<128xi32, #tpu.memory_space<vmem>>
          %dma_start3A_119 = arith.constant 0 : i32
          %dma_start3A_120 = arith.constant 0 : i32
          %dma_start3A_121 = tpu.memref_slice %arg10[%dma_start3A_119, %dma_start3A_120] : memref<10240x128xf32, #tpu.memory_space<vmem_shared>> -> memref<10240x128xf32, #tpu.memory_space<vmem_shared>>
          tpu.enqueue_indirect_dma source(%arg9 : memref<128x128xf32, #tpu.memory_space<vmem>>) target(%dma_start3A_121 : memref<10240x128xf32, #tpu.memory_space<vmem_shared>>) offsets(%dma_start3A_118 : memref<128xi32, #tpu.memory_space<vmem>>) semaphore(%run_scoped3A : memref<!tpu.dma_semaphore, #tpu.memory_space<semaphore_mem>>) {add = true}
          %dma_wait3A_122 = arith.constant 0 : i32
          %dma_wait3A_123 = tpu.memref_slice %arg7[%add3A_115, %dma_wait3A_122] : memref<40x128xi32, #tpu.memory_space<vmem>> -> memref<1x128xi32, #tpu.memory_space<vmem>>
          %dma_wait3A_124 = tpu.memref_squeeze %dma_wait3A_123 : memref<1x128xi32, #tpu.memory_space<vmem>> -> memref<128xi32, #tpu.memory_space<vmem>>
          %dma_wait3A_125 = arith.constant 0 : i32
          %dma_wait3A_126 = arith.constant 0 : i32
          %dma_wait3A_127 = tpu.memref_slice %arg10[%dma_wait3A_125, %dma_wait3A_126] : memref<10240x128xf32, #tpu.memory_space<vmem_shared>> -> memref<10240x128xf32, #tpu.memory_space<vmem_shared>>
          tpu.wait_indirect_dma semaphore(%run_scoped3A : memref<!tpu.dma_semaphore, #tpu.memory_space<semaphore_mem>>) src(%arg9 : memref<128x128xf32, #tpu.memory_space<vmem>>) dst(%dma_wait3A_127 : memref<10240x128xf32, #tpu.memory_space<vmem_shared>>)
          tpu.yield
        }) : () -> ()
      }
      %scan3A_86 = arith.constant 20 : i32
    }
    %scan3A_39 = arith.constant 2 : i32
    %barrier3A_40 = arith.constant 0 : index
    tpu.barrier barrier_id(%barrier3A_40)
    %add3A_41 = arith.constant 0 : i32
    %add3A_42 = arith.addi %mul3A_0, %add3A_41 : i32
    "tpu.region"() ({
      %run_scoped3A = tpu.sem_alloc : memref<!tpu.dma_semaphore, #tpu.memory_space<semaphore_mem>>
      %dma_start3A = arith.constant 0 : i32
      %dma_start3A_76 = tpu.memref_slice %arg10[%add3A_42, %dma_start3A] : memref<10240x128xf32, #tpu.memory_space<vmem_shared>> -> memref<128x128xf32, #tpu.memory_space<vmem_shared>>
      %dma_start3A_77 = arith.constant 0 : i32
      %dma_start3A_78 = tpu.memref_slice %arg10[%add3A_42, %dma_start3A_77] : memref<10240x128xf32, #tpu.memory_space<vmem_shared>> -> memref<128x128xf32, #tpu.memory_space<vmem_shared>>
      tpu.enqueue_dma source(%dma_start3A_78 : memref<128x128xf32, #tpu.memory_space<vmem_shared>>) target(%arg8 : memref<128x128xf32, #tpu.memory_space<vmem>>) target_semaphore(%run_scoped3A : memref<!tpu.dma_semaphore, #tpu.memory_space<semaphore_mem>>)
      %dma_wait3A = arith.constant 0 : i32
      %dma_wait3A_79 = tpu.memref_slice %arg10[%add3A_42, %dma_wait3A] : memref<10240x128xf32, #tpu.memory_space<vmem_shared>> -> memref<128x128xf32, #tpu.memory_space<vmem_shared>>
      %dma_wait3A_80 = arith.constant 0 : i32
      %dma_wait3A_81 = tpu.memref_slice %arg10[%add3A_42, %dma_wait3A_80] : memref<10240x128xf32, #tpu.memory_space<vmem_shared>> -> memref<128x128xf32, #tpu.memory_space<vmem_shared>>
      tpu.wait_dma2 semaphore(%run_scoped3A : memref<!tpu.dma_semaphore, #tpu.memory_space<semaphore_mem>>) src(%dma_wait3A_81 : memref<128x128xf32, #tpu.memory_space<vmem_shared>>) dst(%arg8 : memref<128x128xf32, #tpu.memory_space<vmem>>)
      tpu.yield
    }) : () -> ()
    %mul3A_43 = arith.constant 10240 : i32
    %mul3A_44 = arith.muli %arg0, %mul3A_43 : i32
    %add3A_45 = arith.addi %mul3A_44, %mul3A_0 : i32
    %add3A_46 = arith.constant 0 : i32
    %add3A_47 = arith.addi %add3A_45, %add3A_46 : i32
    "tpu.region"() ({
      %run_scoped3A = tpu.sem_alloc : memref<!tpu.dma_semaphore, #tpu.memory_space<semaphore_mem>>
      %dma_start3A = arith.constant 0 : i32
      %dma_start3A_76 = tpu.memref_slice %arg5[%add3A_47, %dma_start3A] : memref<20480x128xf32, #tpu.memory_space<hbm>> -> memref<128x128xf32, #tpu.memory_space<hbm>>
      %dma_start3A_77 = arith.constant 0 : i32
      %dma_start3A_78 = tpu.memref_slice %arg5[%add3A_47, %dma_start3A_77] : memref<20480x128xf32, #tpu.memory_space<hbm>> -> memref<128x128xf32, #tpu.memory_space<hbm>>
      tpu.enqueue_dma source(%arg8 : memref<128x128xf32, #tpu.memory_space<vmem>>) target(%dma_start3A_78 : memref<128x128xf32, #tpu.memory_space<hbm>>) target_semaphore(%run_scoped3A : memref<!tpu.dma_semaphore, #tpu.memory_space<semaphore_mem>>)
      %dma_wait3A = arith.constant 0 : i32
      %dma_wait3A_79 = tpu.memref_slice %arg5[%add3A_47, %dma_wait3A] : memref<20480x128xf32, #tpu.memory_space<hbm>> -> memref<128x128xf32, #tpu.memory_space<hbm>>
      %dma_wait3A_80 = arith.constant 0 : i32
      %dma_wait3A_81 = tpu.memref_slice %arg5[%add3A_47, %dma_wait3A_80] : memref<20480x128xf32, #tpu.memory_space<hbm>> -> memref<128x128xf32, #tpu.memory_space<hbm>>
      tpu.wait_dma2 semaphore(%run_scoped3A : memref<!tpu.dma_semaphore, #tpu.memory_space<semaphore_mem>>) src(%arg8 : memref<128x128xf32, #tpu.memory_space<vmem>>) dst(%dma_wait3A_81 : memref<128x128xf32, #tpu.memory_space<hbm>>)
      tpu.yield
    }) : () -> ()
    %add3A_48 = arith.constant 128 : i32
    %add3A_49 = arith.addi %mul3A_0, %add3A_48 : i32
    "tpu.region"() ({
      %run_scoped3A = tpu.sem_alloc : memref<!tpu.dma_semaphore, #tpu.memory_space<semaphore_mem>>
      %dma_start3A = arith.constant 0 : i32
      %dma_start3A_76 = tpu.memref_slice %arg10[%add3A_49, %dma_start3A] : memref<10240x128xf32, #tpu.memory_space<vmem_shared>> -> memref<128x128xf32, #tpu.memory_space<vmem_shared>>
      %dma_start3A_77 = arith.constant 0 : i32
      %dma_start3A_78 = tpu.memref_slice %arg10[%add3A_49, %dma_start3A_77] : memref<10240x128xf32, #tpu.memory_space<vmem_shared>> -> memref<128x128xf32, #tpu.memory_space<vmem_shared>>
      tpu.enqueue_dma source(%dma_start3A_78 : memref<128x128xf32, #tpu.memory_space<vmem_shared>>) target(%arg8 : memref<128x128xf32, #tpu.memory_space<vmem>>) target_semaphore(%run_scoped3A : memref<!tpu.dma_semaphore, #tpu.memory_space<semaphore_mem>>)
      %dma_wait3A = arith.constant 0 : i32
      %dma_wait3A_79 = tpu.memref_slice %arg10[%add3A_49, %dma_wait3A] : memref<10240x128xf32, #tpu.memory_space<vmem_shared>> -> memref<128x128xf32, #tpu.memory_space<vmem_shared>>
      %dma_wait3A_80 = arith.constant 0 : i32
      %dma_wait3A_81 = tpu.memref_slice %arg10[%add3A_49, %dma_wait3A_80] : memref<10240x128xf32, #tpu.memory_space<vmem_shared>> -> memref<128x128xf32, #tpu.memory_space<vmem_shared>>
      tpu.wait_dma2 semaphore(%run_scoped3A : memref<!tpu.dma_semaphore, #tpu.memory_space<semaphore_mem>>) src(%dma_wait3A_81 : memref<128x128xf32, #tpu.memory_space<vmem_shared>>) dst(%arg8 : memref<128x128xf32, #tpu.memory_space<vmem>>)
      tpu.yield
    }) : () -> ()
    %mul3A_50 = arith.constant 10240 : i32
    %mul3A_51 = arith.muli %arg0, %mul3A_50 : i32
    %add3A_52 = arith.addi %mul3A_51, %mul3A_0 : i32
    %add3A_53 = arith.constant 128 : i32
    %add3A_54 = arith.addi %add3A_52, %add3A_53 : i32
    "tpu.region"() ({
      %run_scoped3A = tpu.sem_alloc : memref<!tpu.dma_semaphore, #tpu.memory_space<semaphore_mem>>
      %dma_start3A = arith.constant 0 : i32
      %dma_start3A_76 = tpu.memref_slice %arg5[%add3A_54, %dma_start3A] : memref<20480x128xf32, #tpu.memory_space<hbm>> -> memref<128x128xf32, #tpu.memory_space<hbm>>
      %dma_start3A_77 = arith.constant 0 : i32
      %dma_start3A_78 = tpu.memref_slice %arg5[%add3A_54, %dma_start3A_77] : memref<20480x128xf32, #tpu.memory_space<hbm>> -> memref<128x128xf32, #tpu.memory_space<hbm>>
      tpu.enqueue_dma source(%arg8 : memref<128x128xf32, #tpu.memory_space<vmem>>) target(%dma_start3A_78 : memref<128x128xf32, #tpu.memory_space<hbm>>) target_semaphore(%run_scoped3A : memref<!tpu.dma_semaphore, #tpu.memory_space<semaphore_mem>>)
      %dma_wait3A = arith.constant 0 : i32
      %dma_wait3A_79 = tpu.memref_slice %arg5[%add3A_54, %dma_wait3A] : memref<20480x128xf32, #tpu.memory_space<hbm>> -> memref<128x128xf32, #tpu.memory_space<hbm>>
      %dma_wait3A_80 = arith.constant 0 : i32
      %dma_wait3A_81 = tpu.memref_slice %arg5[%add3A_54, %dma_wait3A_80] : memref<20480x128xf32, #tpu.memory_space<hbm>> -> memref<128x128xf32, #tpu.memory_space<hbm>>
      tpu.wait_dma2 semaphore(%run_scoped3A : memref<!tpu.dma_semaphore, #tpu.memory_space<semaphore_mem>>) src(%arg8 : memref<128x128xf32, #tpu.memory_space<vmem>>) dst(%dma_wait3A_81 : memref<128x128xf32, #tpu.memory_space<hbm>>)
      tpu.yield
    }) : () -> ()
    %add3A_55 = arith.constant 256 : i32
    %add3A_56 = arith.addi %mul3A_0, %add3A_55 : i32
    "tpu.region"() ({
      %run_scoped3A = tpu.sem_alloc : memref<!tpu.dma_semaphore, #tpu.memory_space<semaphore_mem>>
      %dma_start3A = arith.constant 0 : i32
      %dma_start3A_76 = tpu.memref_slice %arg10[%add3A_56, %dma_start3A] : memref<10240x128xf32, #tpu.memory_space<vmem_shared>> -> memref<128x128xf32, #tpu.memory_space<vmem_shared>>
      %dma_start3A_77 = arith.constant 0 : i32
      %dma_start3A_78 = tpu.memref_slice %arg10[%add3A_56, %dma_start3A_77] : memref<10240x128xf32, #tpu.memory_space<vmem_shared>> -> memref<128x128xf32, #tpu.memory_space<vmem_shared>>
      tpu.enqueue_dma source(%dma_start3A_78 : memref<128x128xf32, #tpu.memory_space<vmem_shared>>) target(%arg8 : memref<128x128xf32, #tpu.memory_space<vmem>>) target_semaphore(%run_scoped3A : memref<!tpu.dma_semaphore, #tpu.memory_space<semaphore_mem>>)
      %dma_wait3A = arith.constant 0 : i32
      %dma_wait3A_79 = tpu.memref_slice %arg10[%add3A_56, %dma_wait3A] : memref<10240x128xf32, #tpu.memory_space<vmem_shared>> -> memref<128x128xf32, #tpu.memory_space<vmem_shared>>
      %dma_wait3A_80 = arith.constant 0 : i32
      %dma_wait3A_81 = tpu.memref_slice %arg10[%add3A_56, %dma_wait3A_80] : memref<10240x128xf32, #tpu.memory_space<vmem_shared>> -> memref<128x128xf32, #tpu.memory_space<vmem_shared>>
      tpu.wait_dma2 semaphore(%run_scoped3A : memref<!tpu.dma_semaphore, #tpu.memory_space<semaphore_mem>>) src(%dma_wait3A_81 : memref<128x128xf32, #tpu.memory_space<vmem_shared>>) dst(%arg8 : memref<128x128xf32, #tpu.memory_space<vmem>>)
      tpu.yield
    }) : () -> ()
    %mul3A_57 = arith.constant 10240 : i32
    %mul3A_58 = arith.muli %arg0, %mul3A_57 : i32
    %add3A_59 = arith.addi %mul3A_58, %mul3A_0 : i32
    %add3A_60 = arith.constant 256 : i32
    %add3A_61 = arith.addi %add3A_59, %add3A_60 : i32
    "tpu.region"() ({
      %run_scoped3A = tpu.sem_alloc : memref<!tpu.dma_semaphore, #tpu.memory_space<semaphore_mem>>
      %dma_start3A = arith.constant 0 : i32
      %dma_start3A_76 = tpu.memref_slice %arg5[%add3A_61, %dma_start3A] : memref<20480x128xf32, #tpu.memory_space<hbm>> -> memref<128x128xf32, #tpu.memory_space<hbm>>
      %dma_start3A_77 = arith.constant 0 : i32
      %dma_start3A_78 = tpu.memref_slice %arg5[%add3A_61, %dma_start3A_77] : memref<20480x128xf32, #tpu.memory_space<hbm>> -> memref<128x128xf32, #tpu.memory_space<hbm>>
      tpu.enqueue_dma source(%arg8 : memref<128x128xf32, #tpu.memory_space<vmem>>) target(%dma_start3A_78 : memref<128x128xf32, #tpu.memory_space<hbm>>) target_semaphore(%run_scoped3A : memref<!tpu.dma_semaphore, #tpu.memory_space<semaphore_mem>>)
      %dma_wait3A = arith.constant 0 : i32
      %dma_wait3A_79 = tpu.memref_slice %arg5[%add3A_61, %dma_wait3A] : memref<20480x128xf32, #tpu.memory_space<hbm>> -> memref<128x128xf32, #tpu.memory_space<hbm>>
      %dma_wait3A_80 = arith.constant 0 : i32
      %dma_wait3A_81 = tpu.memref_slice %arg5[%add3A_61, %dma_wait3A_80] : memref<20480x128xf32, #tpu.memory_space<hbm>> -> memref<128x128xf32, #tpu.memory_space<hbm>>
      tpu.wait_dma2 semaphore(%run_scoped3A : memref<!tpu.dma_semaphore, #tpu.memory_space<semaphore_mem>>) src(%arg8 : memref<128x128xf32, #tpu.memory_space<vmem>>) dst(%dma_wait3A_81 : memref<128x128xf32, #tpu.memory_space<hbm>>)
      tpu.yield
    }) : () -> ()
    %add3A_62 = arith.constant 384 : i32
    %add3A_63 = arith.addi %mul3A_0, %add3A_62 : i32
    "tpu.region"() ({
      %run_scoped3A = tpu.sem_alloc : memref<!tpu.dma_semaphore, #tpu.memory_space<semaphore_mem>>
      %dma_start3A = arith.constant 0 : i32
      %dma_start3A_76 = tpu.memref_slice %arg10[%add3A_63, %dma_start3A] : memref<10240x128xf32, #tpu.memory_space<vmem_shared>> -> memref<128x128xf32, #tpu.memory_space<vmem_shared>>
      %dma_start3A_77 = arith.constant 0 : i32
      %dma_start3A_78 = tpu.memref_slice %arg10[%add3A_63, %dma_start3A_77] : memref<10240x128xf32, #tpu.memory_space<vmem_shared>> -> memref<128x128xf32, #tpu.memory_space<vmem_shared>>
      tpu.enqueue_dma source(%dma_start3A_78 : memref<128x128xf32, #tpu.memory_space<vmem_shared>>) target(%arg8 : memref<128x128xf32, #tpu.memory_space<vmem>>) target_semaphore(%run_scoped3A : memref<!tpu.dma_semaphore, #tpu.memory_space<semaphore_mem>>)
      %dma_wait3A = arith.constant 0 : i32
      %dma_wait3A_79 = tpu.memref_slice %arg10[%add3A_63, %dma_wait3A] : memref<10240x128xf32, #tpu.memory_space<vmem_shared>> -> memref<128x128xf32, #tpu.memory_space<vmem_shared>>
      %dma_wait3A_80 = arith.constant 0 : i32
      %dma_wait3A_81 = tpu.memref_slice %arg10[%add3A_63, %dma_wait3A_80] : memref<10240x128xf32, #tpu.memory_space<vmem_shared>> -> memref<128x128xf32, #tpu.memory_space<vmem_shared>>
      tpu.wait_dma2 semaphore(%run_scoped3A : memref<!tpu.dma_semaphore, #tpu.memory_space<semaphore_mem>>) src(%dma_wait3A_81 : memref<128x128xf32, #tpu.memory_space<vmem_shared>>) dst(%arg8 : memref<128x128xf32, #tpu.memory_space<vmem>>)
      tpu.yield
    }) : () -> ()
    %mul3A_64 = arith.constant 10240 : i32
    %mul3A_65 = arith.muli %arg0, %mul3A_64 : i32
    %add3A_66 = arith.addi %mul3A_65, %mul3A_0 : i32
    %add3A_67 = arith.constant 384 : i32
    %add3A_68 = arith.addi %add3A_66, %add3A_67 : i32
    "tpu.region"() ({
      %run_scoped3A = tpu.sem_alloc : memref<!tpu.dma_semaphore, #tpu.memory_space<semaphore_mem>>
      %dma_start3A = arith.constant 0 : i32
      %dma_start3A_76 = tpu.memref_slice %arg5[%add3A_68, %dma_start3A] : memref<20480x128xf32, #tpu.memory_space<hbm>> -> memref<128x128xf32, #tpu.memory_space<hbm>>
      %dma_start3A_77 = arith.constant 0 : i32
      %dma_start3A_78 = tpu.memref_slice %arg5[%add3A_68, %dma_start3A_77] : memref<20480x128xf32, #tpu.memory_space<hbm>> -> memref<128x128xf32, #tpu.memory_space<hbm>>
      tpu.enqueue_dma source(%arg8 : memref<128x128xf32, #tpu.memory_space<vmem>>) target(%dma_start3A_78 : memref<128x128xf32, #tpu.memory_space<hbm>>) target_semaphore(%run_scoped3A : memref<!tpu.dma_semaphore, #tpu.memory_space<semaphore_mem>>)
      %dma_wait3A = arith.constant 0 : i32
      %dma_wait3A_79 = tpu.memref_slice %arg5[%add3A_68, %dma_wait3A] : memref<20480x128xf32, #tpu.memory_space<hbm>> -> memref<128x128xf32, #tpu.memory_space<hbm>>
      %dma_wait3A_80 = arith.constant 0 : i32
      %dma_wait3A_81 = tpu.memref_slice %arg5[%add3A_68, %dma_wait3A_80] : memref<20480x128xf32, #tpu.memory_space<hbm>> -> memref<128x128xf32, #tpu.memory_space<hbm>>
      tpu.wait_dma2 semaphore(%run_scoped3A : memref<!tpu.dma_semaphore, #tpu.memory_space<semaphore_mem>>) src(%arg8 : memref<128x128xf32, #tpu.memory_space<vmem>>) dst(%dma_wait3A_81 : memref<128x128xf32, #tpu.memory_space<hbm>>)
      tpu.yield
    }) : () -> ()
    %add3A_69 = arith.constant 512 : i32
    %add3A_70 = arith.addi %mul3A_0, %add3A_69 : i32
    "tpu.region"() ({
      %run_scoped3A = tpu.sem_alloc : memref<!tpu.dma_semaphore, #tpu.memory_space<semaphore_mem>>
      %dma_start3A = arith.constant 0 : i32
      %dma_start3A_76 = tpu.memref_slice %arg10[%add3A_70, %dma_start3A] : memref<10240x128xf32, #tpu.memory_space<vmem_shared>> -> memref<128x128xf32, #tpu.memory_space<vmem_shared>>
      %dma_start3A_77 = arith.constant 0 : i32
      %dma_start3A_78 = tpu.memref_slice %arg10[%add3A_70, %dma_start3A_77] : memref<10240x128xf32, #tpu.memory_space<vmem_shared>> -> memref<128x128xf32, #tpu.memory_space<vmem_shared>>
      tpu.enqueue_dma source(%dma_start3A_78 : memref<128x128xf32, #tpu.memory_space<vmem_shared>>) target(%arg8 : memref<128x128xf32, #tpu.memory_space<vmem>>) target_semaphore(%run_scoped3A : memref<!tpu.dma_semaphore, #tpu.memory_space<semaphore_mem>>)
      %dma_wait3A = arith.constant 0 : i32
      %dma_wait3A_79 = tpu.memref_slice %arg10[%add3A_70, %dma_wait3A] : memref<10240x128xf32, #tpu.memory_space<vmem_shared>> -> memref<128x128xf32, #tpu.memory_space<vmem_shared>>
      %dma_wait3A_80 = arith.constant 0 : i32
      %dma_wait3A_81 = tpu.memref_slice %arg10[%add3A_70, %dma_wait3A_80] : memref<10240x128xf32, #tpu.memory_space<vmem_shared>> -> memref<128x128xf32, #tpu.memory_space<vmem_shared>>
      tpu.wait_dma2 semaphore(%run_scoped3A : memref<!tpu.dma_semaphore, #tpu.memory_space<semaphore_mem>>) src(%dma_wait3A_81 : memref<128x128xf32, #tpu.memory_space<vmem_shared>>) dst(%arg8 : memref<128x128xf32, #tpu.memory_space<vmem>>)
      tpu.yield
    }) : () -> ()
    %mul3A_71 = arith.constant 10240 : i32
    %mul3A_72 = arith.muli %arg0, %mul3A_71 : i32
    %add3A_73 = arith.addi %mul3A_72, %mul3A_0 : i32
    %add3A_74 = arith.constant 512 : i32
    %add3A_75 = arith.addi %add3A_73, %add3A_74 : i32
    "tpu.region"() ({
      %run_scoped3A = tpu.sem_alloc : memref<!tpu.dma_semaphore, #tpu.memory_space<semaphore_mem>>
      %dma_start3A = arith.constant 0 : i32
      %dma_start3A_76 = tpu.memref_slice %arg5[%add3A_75, %dma_start3A] : memref<20480x128xf32, #tpu.memory_space<hbm>> -> memref<128x128xf32, #tpu.memory_space<hbm>>
      %dma_start3A_77 = arith.constant 0 : i32
      %dma_start3A_78 = tpu.memref_slice %arg5[%add3A_75, %dma_start3A_77] : memref<20480x128xf32, #tpu.memory_space<hbm>> -> memref<128x128xf32, #tpu.memory_space<hbm>>
      tpu.enqueue_dma source(%arg8 : memref<128x128xf32, #tpu.memory_space<vmem>>) target(%dma_start3A_78 : memref<128x128xf32, #tpu.memory_space<hbm>>) target_semaphore(%run_scoped3A : memref<!tpu.dma_semaphore, #tpu.memory_space<semaphore_mem>>)
      %dma_wait3A = arith.constant 0 : i32
      %dma_wait3A_79 = tpu.memref_slice %arg5[%add3A_75, %dma_wait3A] : memref<20480x128xf32, #tpu.memory_space<hbm>> -> memref<128x128xf32, #tpu.memory_space<hbm>>
      %dma_wait3A_80 = arith.constant 0 : i32
      %dma_wait3A_81 = tpu.memref_slice %arg5[%add3A_75, %dma_wait3A_80] : memref<20480x128xf32, #tpu.memory_space<hbm>> -> memref<128x128xf32, #tpu.memory_space<hbm>>
      tpu.wait_dma2 semaphore(%run_scoped3A : memref<!tpu.dma_semaphore, #tpu.memory_space<semaphore_mem>>) src(%arg8 : memref<128x128xf32, #tpu.memory_space<vmem>>) dst(%dma_wait3A_81 : memref<128x128xf32, #tpu.memory_space<hbm>>)
      tpu.yield
    }) : () -> ()
    return
  }
}

module attributes {stable_mosaic.version = 14 : i64} {
  func.func @body(%arg0: memref<2x10240xf32, #tpu.memory_space<vmem>>, %arg1: memref<1x10240xf32, #tpu.memory_space<vmem>>) attributes {dimension_semantics = [], scalar_prefetch = 0 : i64, scratch_operands = 0 : i64, tpu.core_type = #tpu.core_type<tc>} {
    %get3A = arith.constant 0 : index
    %get3A_0 = arith.constant 0 : index
    %get3A_1 = vector.load %arg0[%get3A, %get3A_0] : memref<2x10240xf32, #tpu.memory_space<vmem>>, vector<2x10240xf32>
    %slice3A = vector.extract_strided_slice %get3A_1 {offsets = [0, 0], sizes = [1, 10240], strides = [1, 1]} : vector<2x10240xf32> to vector<1x10240xf32>
    %slice3A_2 = vector.extract_strided_slice %get3A_1 {offsets = [1, 0], sizes = [1, 10240], strides = [1, 1]} : vector<2x10240xf32> to vector<1x10240xf32>
    %add3A = arith.addf %slice3A, %slice3A_2 : vector<1x10240xf32>
    %add3A_3 = arith.constant 1.000000e+00 : f32
    %add3A_4 = vector.broadcast %add3A_3 : f32 to vector<1x10240xf32>
    %add3A_5 = arith.addf %add3A, %add3A_4 : vector<1x10240xf32>
    %rsqrt3A = math.rsqrt %add3A_5 : vector<1x10240xf32>
    %swap3A = arith.constant 0 : index
    %swap3A_6 = arith.constant 0 : index
    %swap3A_7 = vector.load %arg1[%swap3A, %swap3A_6] : memref<1x10240xf32, #tpu.memory_space<vmem>>, vector<1x10240xf32>
    tpu.vector_store %arg1[%swap3A, %swap3A_6], %rsqrt3A {strides = array<i32>} : memref<1x10240xf32, #tpu.memory_space<vmem>>, vector<1x10240xf32>,
    return
  }
}

module attributes {stable_mosaic.version = 14 : i64} {
  func.func @body(%arg0: i32, %arg1: i32, %arg2: memref<1000x256xf32, #tpu.memory_space<vmem>>, %arg3: memref<256x128xf32, #tpu.memory_space<vmem>>, %arg4: memref<1000x1xf32, #tpu.memory_space<vmem>>, %arg5: memref<1x1000x128xf32, #tpu.memory_space<vmem>>) attributes {dimension_semantics = [#tpu.dimension_semantics<arbitrary>, #tpu.dimension_semantics<arbitrary>], iteration_bounds = array<i64: 10, 2>, scalar_prefetch = 0 : i64, scratch_operands = 0 : i64, tpu.core_type = #tpu.core_type<tc>, window_params = [{transform_indices = @transform_0, window_bounds = array<i64: 1000, 256>}, {transform_indices = @transform_1, window_bounds = array<i64: 256, 128>}, {transform_indices = @transform_2, window_bounds = array<i64: 1000, 1>}, {transform_indices = @transform_3, window_bounds = array<i64: 1, 1000, 128>}]} {
    %get3A = arith.constant 0 : index
    %get3A_0 = arith.constant 0 : index
    %get3A_1 = vector.load %arg2[%get3A, %get3A_0] : memref<1000x256xf32, #tpu.memory_space<vmem>>, vector<1000x256xf32>
    %get3A_2 = arith.constant 0 : index
    %get3A_3 = arith.constant 0 : index
    %get3A_4 = vector.load %arg3[%get3A_2, %get3A_3] : memref<256x128xf32, #tpu.memory_space<vmem>>, vector<256x128xf32>
    %dot_general3A = arith.constant dense<0.000000e+00> : vector<1000x128xf32>
    %dot_general3A_5 = tpu.matmul %get3A_1, %get3A_4, %dot_general3A {dimension_numbers = #tpu.dot_dimension_numbers<[1], [0], [0], [1], [0, 0, 1, 1], [], []>, transpose_lhs_hint = false} : vector<1000x256xf32>, vector<256x128xf32>, vector<1000x128xf32> -> vector<1000x128xf32>
    %get3A_6 = arith.constant 0 : index
    %get3A_7 = arith.constant 0 : index
    %get3A_8 = vector.load %arg4[%get3A_6, %get3A_7] : memref<1000x1xf32, #tpu.memory_space<vmem>>, vector<1000x1xf32>
    %mul3A = vector.broadcast %get3A_8 : vector<1000x1xf32> to vector<1000x128xf32>
    %mul3A_9 = arith.mulf %dot_general3A_5, %mul3A : vector<1000x128xf32>
    %broadcast_in_dim3A = vector.shape_cast %mul3A_9 : vector<1000x128xf32> to vector<1x1000x128xf32>
    %swap3A = arith.constant 0 : index
    %swap3A_10 = arith.constant 0 : index
    %swap3A_11 = arith.constant 0 : index
    %swap3A_12 = vector.load %arg5[%swap3A, %swap3A_10, %swap3A_11] : memref<1x1000x128xf32, #tpu.memory_space<vmem>>, vector<1x1000x128xf32>
    tpu.vector_store %arg5[%swap3A, %swap3A_10, %swap3A_11], %broadcast_in_dim3A {strides = array<i32>} : memref<1x1000x128xf32, #tpu.memory_space<vmem>>, vector<1x1000x128xf32>,
    return
  }
  func.func @transform_0(%arg0: i32, %arg1: i32) -> (i32, i32) {
    %c0_i32 = arith.constant 0 : i32
    %c0_i32_0 = arith.constant 0 : i32
    return %arg0, %c0_i32 : i32, i32
  }
  func.func @transform_1(%arg0: i32, %arg1: i32) -> (i32, i32) {
    %c0_i32 = arith.constant 0 : i32
    %c0_i32_0 = arith.constant 0 : i32
    return %c0_i32, %arg1 : i32, i32
  }
  func.func @transform_2(%arg0: i32, %arg1: i32) -> (i32, i32) {
    %c0_i32 = arith.constant 0 : i32
    %c0_i32_0 = arith.constant 0 : i32
    return %arg0, %c0_i32 : i32, i32
  }
  func.func @transform_3(%arg0: i32, %arg1: i32) -> (i32, i32, i32) {
    %c0_i32 = arith.constant 0 : i32
    %c0_i32_0 = arith.constant 0 : i32
    return %arg1, %arg0, %c0_i32 : i32, i32, i32
  }
}

module attributes {stable_mosaic.version = 14 : i64} {
  func.func @body(%arg0: i32, %arg1: i32, %arg2: memref<1x1000x128xf32, #tpu.memory_space<vmem>>, %arg3: memref<1x1000x128xf32, #tpu.memory_space<vmem>>, %arg4: memref<1000x1xf32, #tpu.memory_space<vmem>>, %arg5: memref<1x256xf32, #tpu.memory_space<vmem>>, %arg6: memref<256x128xf32, #tpu.memory_space<vmem>>, %arg7: memref<1000x256xf32, #tpu.memory_space<vmem>>, %arg8: memref<1x1000x128xf32, #tpu.memory_space<vmem>>) attributes {dimension_semantics = [#tpu.dimension_semantics<arbitrary>, #tpu.dimension_semantics<arbitrary>], iteration_bounds = array<i64: 10, 2>, scalar_prefetch = 0 : i64, scratch_operands = 0 : i64, tpu.core_type = #tpu.core_type<tc>, window_params = [{transform_indices = @transform_0, window_bounds = array<i64: 1, 1000, 128>}, {transform_indices = @transform_1, window_bounds = array<i64: 1, 1000, 128>}, {transform_indices = @transform_2, window_bounds = array<i64: 1000, 1>}, {pipeline_mode = #tpu.pipeline_mode<synchronous>, transform_indices = @transform_3, window_bounds = array<i64: 1, 256>}, {transform_indices = @transform_4, window_bounds = array<i64: 256, 128>}, {transform_indices = @transform_5, window_bounds = array<i64: 1000, 256>}, {transform_indices = @transform_6, window_bounds = array<i64: 1, 1000, 128>}]} {
    %get3A = arith.constant 0 : index
    %get3A_0 = arith.constant 0 : index
    %get3A_1 = arith.constant 0 : index
    %get3A_2 = vector.load %arg2[%get3A, %get3A_0, %get3A_1] : memref<1x1000x128xf32, #tpu.memory_space<vmem>>, vector<1x1000x128xf32>
    %get3A_3 = vector.shape_cast %get3A_2 : vector<1x1000x128xf32> to vector<1000x128xf32>
    %get3A_4 = arith.constant 0 : index
    %get3A_5 = arith.constant 0 : index
    %get3A_6 = arith.constant 0 : index
    %get3A_7 = vector.load %arg3[%get3A_4, %get3A_5, %get3A_6] : memref<1x1000x128xf32, #tpu.memory_space<vmem>>, vector<1x1000x128xf32>
    %get3A_8 = vector.shape_cast %get3A_7 : vector<1x1000x128xf32> to vector<1000x128xf32>
    %concatenate3A = tpu.concatenate %get3A_3, %get3A_8 in 1 : vector<1000x128xf32>, vector<1000x128xf32> -> vector<1000x256xf32>
    %get3A_9 = arith.constant 0 : index
    %get3A_10 = arith.constant 0 : index
    %get3A_11 = vector.load %arg4[%get3A_9, %get3A_10] : memref<1000x1xf32, #tpu.memory_space<vmem>>, vector<1000x1xf32>
    %mul3A = vector.broadcast %get3A_11 : vector<1000x1xf32> to vector<1000x256xf32>
    %mul3A_12 = arith.mulf %concatenate3A, %mul3A : vector<1000x256xf32>
    %get3A_13 = arith.constant 0 : index
    %get3A_14 = arith.constant 0 : index
    %get3A_15 = vector.load %arg5[%get3A_13, %get3A_14] : memref<1x256xf32, #tpu.memory_space<vmem>>, vector<1x256xf32>
    %add3A = vector.broadcast %get3A_15 : vector<1x256xf32> to vector<1000x256xf32>
    %add3A_16 = arith.addf %mul3A_12, %add3A : vector<1000x256xf32>
    %swap3A = arith.constant 0 : index
    %swap3A_17 = arith.constant 0 : index
    %swap3A_18 = vector.load %arg7[%swap3A, %swap3A_17] : memref<1000x256xf32, #tpu.memory_space<vmem>>, vector<1000x256xf32>
    tpu.vector_store %arg7[%swap3A, %swap3A_17], %add3A_16 {strides = array<i32>} : memref<1000x256xf32, #tpu.memory_space<vmem>>, vector<1000x256xf32>,
    %get3A_19 = arith.constant 0 : index
    %get3A_20 = arith.constant 0 : index
    %get3A_21 = vector.load %arg6[%get3A_19, %get3A_20] : memref<256x128xf32, #tpu.memory_space<vmem>>, vector<256x128xf32>
    %dot_general3A = arith.constant dense<0.000000e+00> : vector<1000x128xf32>
    %dot_general3A_22 = tpu.matmul %add3A_16, %get3A_21, %dot_general3A {dimension_numbers = #tpu.dot_dimension_numbers<[1], [0], [0], [1], [0, 0, 1, 1], [], []>, transpose_lhs_hint = false} : vector<1000x256xf32>, vector<256x128xf32>, vector<1000x128xf32> -> vector<1000x128xf32>
    %get3A_23 = arith.constant 0 : index
    %get3A_24 = arith.constant 0 : index
    %get3A_25 = vector.load %arg4[%get3A_23, %get3A_24] : memref<1000x1xf32, #tpu.memory_space<vmem>>, vector<1000x1xf32>
    %mul3A_26 = vector.broadcast %get3A_25 : vector<1000x1xf32> to vector<1000x128xf32>
    %mul3A_27 = arith.mulf %dot_general3A_22, %mul3A_26 : vector<1000x128xf32>
    %broadcast_in_dim3A = vector.shape_cast %mul3A_27 : vector<1000x128xf32> to vector<1x1000x128xf32>
    %swap3A_28 = arith.constant 0 : index
    %swap3A_29 = arith.constant 0 : index
    %swap3A_30 = arith.constant 0 : index
    %swap3A_31 = vector.load %arg8[%swap3A_28, %swap3A_29, %swap3A_30] : memref<1x1000x128xf32, #tpu.memory_space<vmem>>, vector<1x1000x128xf32>
    tpu.vector_store %arg8[%swap3A_28, %swap3A_29, %swap3A_30], %broadcast_in_dim3A {strides = array<i32>} : memref<1x1000x128xf32, #tpu.memory_space<vmem>>, vector<1x1000x128xf32>,
    return
  }
  func.func @transform_0(%arg0: i32, %arg1: i32) -> (i32, i32, i32) {
    %c0_i32 = arith.constant 0 : i32
    %c0_i32_0 = arith.constant 0 : i32
    %c0_i32_1 = arith.constant 0 : i32
    return %c0_i32, %arg0, %c0_i32_0 : i32, i32, i32
  }
  func.func @transform_1(%arg0: i32, %arg1: i32) -> (i32, i32, i32) {
    %c1_i32 = arith.constant 1 : i32
    %c0_i32 = arith.constant 0 : i32
    %c0_i32_0 = arith.constant 0 : i32
    return %c1_i32, %arg0, %c0_i32 : i32, i32, i32
  }
  func.func @transform_2(%arg0: i32, %arg1: i32) -> (i32, i32) {
    %c0_i32 = arith.constant 0 : i32
    %c0_i32_0 = arith.constant 0 : i32
    return %arg0, %c0_i32 : i32, i32
  }
  func.func @transform_3(%arg0: i32, %arg1: i32) -> (i32, i32) {
    %c0_i32 = arith.constant 0 : i32
    %c0_i32_0 = arith.constant 0 : i32
    %c0_i32_1 = arith.constant 0 : i32
    return %c0_i32, %c0_i32_0 : i32, i32
  }
  func.func @transform_4(%arg0: i32, %arg1: i32) -> (i32, i32) {
    %c0_i32 = arith.constant 0 : i32
    %c0_i32_0 = arith.constant 0 : i32
    return %c0_i32, %arg1 : i32, i32
  }
  func.func @transform_5(%arg0: i32, %arg1: i32) -> (i32, i32) {
    %c0_i32 = arith.constant 0 : i32
    %c0_i32_0 = arith.constant 0 : i32
    return %arg0, %c0_i32 : i32, i32
  }
  func.func @transform_6(%arg0: i32, %arg1: i32) -> (i32, i32, i32) {
    %c0_i32 = arith.constant 0 : i32
    %c0_i32_0 = arith.constant 0 : i32
    return %arg1, %arg0, %c0_i32 : i32, i32, i32
  }
}

module attributes {stable_mosaic.version = 14 : i64} {
  func.func @body(%arg0: i32, %arg1: memref<1x1000x128xf32, #tpu.memory_space<vmem>>, %arg2: memref<1x1000x128xf32, #tpu.memory_space<vmem>>, %arg3: memref<1000x1xf32, #tpu.memory_space<vmem>>, %arg4: memref<1x256xf32, #tpu.memory_space<vmem>>, %arg5: memref<2x256xf32, #tpu.memory_space<vmem>>) attributes {dimension_semantics = [#tpu.dimension_semantics<arbitrary>], iteration_bounds = array<i64: 10>, scalar_prefetch = 0 : i64, scratch_operands = 0 : i64, tpu.core_type = #tpu.core_type<tc>, window_params = [{transform_indices = @transform_0, window_bounds = array<i64: 1, 1000, 128>}, {transform_indices = @transform_1, window_bounds = array<i64: 1, 1000, 128>}, {transform_indices = @transform_2, window_bounds = array<i64: 1000, 1>}, {pipeline_mode = #tpu.pipeline_mode<synchronous>, transform_indices = @transform_3, window_bounds = array<i64: 1, 256>}, {pipeline_mode = #tpu.pipeline_mode<synchronous>, transform_indices = @transform_4, window_bounds = array<i64: 2, 256>}]} {
    %get3A = arith.constant 0 : index
    %get3A_0 = arith.constant 0 : index
    %get3A_1 = arith.constant 0 : index
    %get3A_2 = vector.load %arg1[%get3A, %get3A_0, %get3A_1] : memref<1x1000x128xf32, #tpu.memory_space<vmem>>, vector<1x1000x128xf32>
    %get3A_3 = vector.shape_cast %get3A_2 : vector<1x1000x128xf32> to vector<1000x128xf32>
    %get3A_4 = arith.constant 0 : index
    %get3A_5 = arith.constant 0 : index
    %get3A_6 = arith.constant 0 : index
    %get3A_7 = vector.load %arg2[%get3A_4, %get3A_5, %get3A_6] : memref<1x1000x128xf32, #tpu.memory_space<vmem>>, vector<1x1000x128xf32>
    %get3A_8 = vector.shape_cast %get3A_7 : vector<1x1000x128xf32> to vector<1000x128xf32>
    %concatenate3A = tpu.concatenate %get3A_3, %get3A_8 in 1 : vector<1000x128xf32>, vector<1000x128xf32> -> vector<1000x256xf32>
    %get3A_9 = arith.constant 0 : index
    %get3A_10 = arith.constant 0 : index
    %get3A_11 = vector.load %arg3[%get3A_9, %get3A_10] : memref<1000x1xf32, #tpu.memory_space<vmem>>, vector<1000x1xf32>
    %mul3A = vector.broadcast %get3A_11 : vector<1000x1xf32> to vector<1000x256xf32>
    %mul3A_12 = arith.mulf %concatenate3A, %mul3A : vector<1000x256xf32>
    %get3A_13 = arith.constant 0 : index
    %get3A_14 = arith.constant 0 : index
    %get3A_15 = vector.load %arg4[%get3A_13, %get3A_14] : memref<1x256xf32, #tpu.memory_space<vmem>>, vector<1x256xf32>
    %add3A = vector.broadcast %get3A_15 : vector<1x256xf32> to vector<1000x256xf32>
    %add3A_16 = arith.addf %mul3A_12, %add3A : vector<1000x256xf32>
    %reduce_sum3A = arith.constant dense<0.000000e+00> : vector<256xf32>
    %reduce_sum3A_17 = vector.multi_reduction <add>, %add3A_16, %reduce_sum3A [0] : vector<1000x256xf32> to vector<256xf32>
    %broadcast_in_dim3A = vector.shape_cast %reduce_sum3A_17 : vector<256xf32> to vector<1x256xf32>
    %mul3A_18 = arith.mulf %add3A_16, %add3A_16 : vector<1000x256xf32>
    %reduce_sum3A_19 = arith.constant dense<0.000000e+00> : vector<256xf32>
    %reduce_sum3A_20 = vector.multi_reduction <add>, %mul3A_18, %reduce_sum3A_19 [0] : vector<1000x256xf32> to vector<256xf32>
    %broadcast_in_dim3A_21 = vector.shape_cast %reduce_sum3A_20 : vector<256xf32> to vector<1x256xf32>
    %eq3A = arith.constant 0 : i32
    %eq3A_22 = arith.cmpi eq, %arg0, %eq3A : i32
    %convert_element_type3A = arith.extui %eq3A_22 : i1 to i32
    %cond3A = arith.constant 0 : i32
    %cond3A_23 = arith.cmpi ne, %convert_element_type3A, %cond3A : i32
    scf.if %cond3A_23 {
      %broadcast_in_dim3A_31 = arith.constant 0.000000e+00 : f32
      %broadcast_in_dim3A_32 = vector.broadcast %broadcast_in_dim3A_31 : f32 to vector<2x256xf32>
      %swap3A_33 = arith.constant 0 : index
      %swap3A_34 = arith.constant 0 : index
      %swap3A_35 = vector.load %arg5[%swap3A_33, %swap3A_34] : memref<2x256xf32, #tpu.memory_space<vmem>>, vector<2x256xf32>
      tpu.vector_store %arg5[%swap3A_33, %swap3A_34], %broadcast_in_dim3A_32 {strides = array<i32>} : memref<2x256xf32, #tpu.memory_space<vmem>>, vector<2x256xf32>,
    } else {
    }
    %get3A_24 = arith.constant 0 : index
    %get3A_25 = arith.constant 0 : index
    %get3A_26 = vector.load %arg5[%get3A_24, %get3A_25] : memref<2x256xf32, #tpu.memory_space<vmem>>, vector<2x256xf32>
    %concatenate3A_27 = tpu.concatenate %broadcast_in_dim3A, %broadcast_in_dim3A_21 in 0 : vector<1x256xf32>, vector<1x256xf32> -> vector<2x256xf32>
    %add3A_28 = arith.addf %get3A_26, %concatenate3A_27 : vector<2x256xf32>
    %swap3A = arith.constant 0 : index
    %swap3A_29 = arith.constant 0 : index
    %swap3A_30 = vector.load %arg5[%swap3A, %swap3A_29] : memref<2x256xf32, #tpu.memory_space<vmem>>, vector<2x256xf32>
    tpu.vector_store %arg5[%swap3A, %swap3A_29], %add3A_28 {strides = array<i32>} : memref<2x256xf32, #tpu.memory_space<vmem>>, vector<2x256xf32>,
    return
  }
  func.func @transform_0(%arg0: i32) -> (i32, i32, i32) {
    %c0_i32 = arith.constant 0 : i32
    %c0_i32_0 = arith.constant 0 : i32
    %c0_i32_1 = arith.constant 0 : i32
    return %c0_i32, %arg0, %c0_i32_0 : i32, i32, i32
  }
  func.func @transform_1(%arg0: i32) -> (i32, i32, i32) {
    %c1_i32 = arith.constant 1 : i32
    %c0_i32 = arith.constant 0 : i32
    %c0_i32_0 = arith.constant 0 : i32
    return %c1_i32, %arg0, %c0_i32 : i32, i32, i32
  }
  func.func @transform_2(%arg0: i32) -> (i32, i32) {
    %c0_i32 = arith.constant 0 : i32
    %c0_i32_0 = arith.constant 0 : i32
    return %arg0, %c0_i32 : i32, i32
  }
  func.func @transform_3(%arg0: i32) -> (i32, i32) {
    %c0_i32 = arith.constant 0 : i32
    %c0_i32_0 = arith.constant 0 : i32
    %c0_i32_1 = arith.constant 0 : i32
    return %c0_i32, %c0_i32_0 : i32, i32
  }
  func.func @transform_4(%arg0: i32) -> (i32, i32) {
    %c0_i32 = arith.constant 0 : i32
    %c0_i32_0 = arith.constant 0 : i32
    %c0_i32_1 = arith.constant 0 : i32
    return %c0_i32, %c0_i32_0 : i32, i32
  }
}

module attributes {stable_mosaic.version = 14 : i64} {
  func.func @body(%arg0: i32, %arg1: i32, %arg2: memref<1x1000x128xf32, #tpu.memory_space<vmem>>, %arg3: memref<1x1000x128xf32, #tpu.memory_space<vmem>>, %arg4: memref<1000x1xf32, #tpu.memory_space<vmem>>, %arg5: memref<1x256xf32, #tpu.memory_space<vmem>>, %arg6: memref<1x256xf32, #tpu.memory_space<vmem>>, %arg7: memref<1x256xf32, #tpu.memory_space<vmem>>, %arg8: memref<2x256xf32, #tpu.memory_space<vmem>>, %arg9: memref<1000x256xf32, #tpu.memory_space<vmem>>, %arg10: memref<256x128xf32, #tpu.memory_space<vmem>>, %arg11: memref<1000x256xf32, #tpu.memory_space<vmem>>, %arg12: memref<1x1000x128xf32, #tpu.memory_space<vmem>>) attributes {dimension_semantics = [#tpu.dimension_semantics<arbitrary>, #tpu.dimension_semantics<arbitrary>], iteration_bounds = array<i64: 10, 2>, scalar_prefetch = 0 : i64, scratch_operands = 0 : i64, tpu.core_type = #tpu.core_type<tc>, window_params = [{transform_indices = @transform_0, window_bounds = array<i64: 1, 1000, 128>}, {transform_indices = @transform_1, window_bounds = array<i64: 1, 1000, 128>}, {transform_indices = @transform_2, window_bounds = array<i64: 1000, 1>}, {pipeline_mode = #tpu.pipeline_mode<synchronous>, transform_indices = @transform_3, window_bounds = array<i64: 1, 256>}, {pipeline_mode = #tpu.pipeline_mode<synchronous>, transform_indices = @transform_4, window_bounds = array<i64: 1, 256>}, {pipeline_mode = #tpu.pipeline_mode<synchronous>, transform_indices = @transform_5, window_bounds = array<i64: 1, 256>}, {pipeline_mode = #tpu.pipeline_mode<synchronous>, transform_indices = @transform_6, window_bounds = array<i64: 2, 256>}, {transform_indices = @transform_7, window_bounds = array<i64: 1000, 256>}, {transform_indices = @transform_8, window_bounds = array<i64: 256, 128>}, {transform_indices = @transform_9, window_bounds = array<i64: 1000, 256>}, {transform_indices = @transform_10, window_bounds = array<i64: 1, 1000, 128>}]} {
    %get3A = arith.constant 0 : index
    %get3A_0 = arith.constant 0 : index
    %get3A_1 = arith.constant 0 : index
    %get3A_2 = vector.load %arg2[%get3A, %get3A_0, %get3A_1] : memref<1x1000x128xf32, #tpu.memory_space<vmem>>, vector<1x1000x128xf32>
    %get3A_3 = vector.shape_cast %get3A_2 : vector<1x1000x128xf32> to vector<1000x128xf32>
    %get3A_4 = arith.constant 0 : index
    %get3A_5 = arith.constant 0 : index
    %get3A_6 = arith.constant 0 : index
    %get3A_7 = vector.load %arg3[%get3A_4, %get3A_5, %get3A_6] : memref<1x1000x128xf32, #tpu.memory_space<vmem>>, vector<1x1000x128xf32>
    %get3A_8 = vector.shape_cast %get3A_7 : vector<1x1000x128xf32> to vector<1000x128xf32>
    %get3A_9 = arith.constant 0 : index
    %get3A_10 = arith.constant 0 : index
    %get3A_11 = vector.load %arg4[%get3A_9, %get3A_10] : memref<1000x1xf32, #tpu.memory_space<vmem>>, vector<1000x1xf32>
    %get3A_12 = arith.constant 0 : index
    %get3A_13 = arith.constant 0 : index
    %get3A_14 = vector.load %arg5[%get3A_12, %get3A_13] : memref<1x256xf32, #tpu.memory_space<vmem>>, vector<1x256xf32>
    %get3A_15 = arith.constant 0 : index
    %get3A_16 = arith.constant 0 : index
    %get3A_17 = vector.load %arg6[%get3A_15, %get3A_16] : memref<1x256xf32, #tpu.memory_space<vmem>>, vector<1x256xf32>
    %get3A_18 = arith.constant 0 : index
    %get3A_19 = arith.constant 0 : index
    %get3A_20 = vector.load %arg7[%get3A_18, %get3A_19] : memref<1x256xf32, #tpu.memory_space<vmem>>, vector<1x256xf32>
    %get3A_21 = arith.constant 0 : index
    %get3A_22 = arith.constant 0 : index
    %get3A_23 = vector.load %arg8[%get3A_21, %get3A_22] : memref<2x256xf32, #tpu.memory_space<vmem>>, vector<2x256xf32>
    %get3A_24 = arith.constant 0 : index
    %get3A_25 = arith.constant 0 : index
    %get3A_26 = vector.load %arg9[%get3A_24, %get3A_25] : memref<1000x256xf32, #tpu.memory_space<vmem>>, vector<1000x256xf32>
    %concatenate3A = tpu.concatenate %get3A_3, %get3A_8 in 1 : vector<1000x128xf32>, vector<1000x128xf32> -> vector<1000x256xf32>
    %mul3A = vector.broadcast %get3A_11 : vector<1000x1xf32> to vector<1000x256xf32>
    %mul3A_27 = arith.mulf %concatenate3A, %mul3A : vector<1000x256xf32>
    %add3A = vector.broadcast %get3A_14 : vector<1x256xf32> to vector<1000x256xf32>
    %add3A_28 = arith.addf %mul3A_27, %add3A : vector<1000x256xf32>
    %slice3A = vector.extract_strided_slice %get3A_23 {offsets = [0, 0], sizes = [1, 256], strides = [1, 1]} : vector<2x256xf32> to vector<1x256xf32>
    %mul3A_29 = arith.constant 9.99999974E-5 : f32
    %mul3A_30 = vector.broadcast %mul3A_29 : f32 to vector<1x256xf32>
    %mul3A_31 = arith.mulf %slice3A, %mul3A_30 : vector<1x256xf32>
    %slice3A_32 = vector.extract_strided_slice %get3A_23 {offsets = [1, 0], sizes = [1, 256], strides = [1, 1]} : vector<2x256xf32> to vector<1x256xf32>
    %mul3A_33 = arith.constant 9.99999974E-5 : f32
    %mul3A_34 = vector.broadcast %mul3A_33 : f32 to vector<1x256xf32>
    %mul3A_35 = arith.mulf %slice3A_32, %mul3A_34 : vector<1x256xf32>
    %mul3A_36 = arith.mulf %mul3A_31, %mul3A_31 : vector<1x256xf32>
    %sub3A = arith.subf %mul3A_35, %mul3A_36 : vector<1x256xf32>
    %sub3A_37 = vector.broadcast %mul3A_31 : vector<1x256xf32> to vector<1000x256xf32>
    %sub3A_38 = arith.subf %add3A_28, %sub3A_37 : vector<1000x256xf32>
    %add3A_39 = arith.constant 9.99999974E-6 : f32
    %add3A_40 = vector.broadcast %add3A_39 : f32 to vector<1x256xf32>
    %add3A_41 = arith.addf %sub3A, %add3A_40 : vector<1x256xf32>
    %rsqrt3A = math.rsqrt %add3A_41 : vector<1x256xf32>
    %mul3A_42 = vector.broadcast %rsqrt3A : vector<1x256xf32> to vector<1000x256xf32>
    %mul3A_43 = arith.mulf %sub3A_38, %mul3A_42 : vector<1000x256xf32>
    %mul3A_44 = vector.broadcast %get3A_17 : vector<1x256xf32> to vector<1000x256xf32>
    %mul3A_45 = arith.mulf %mul3A_43, %mul3A_44 : vector<1000x256xf32>
    %add3A_46 = vector.broadcast %get3A_20 : vector<1x256xf32> to vector<1000x256xf32>
    %add3A_47 = arith.addf %mul3A_45, %add3A_46 : vector<1000x256xf32>
    %neg3A = arith.constant 0.000000e+00 : f32
    %neg3A_48 = vector.broadcast %neg3A : f32 to vector<1000x256xf32>
    %neg3A_49 = arith.subf %neg3A_48, %add3A_47 : vector<1000x256xf32>
    %exp3A = math.exp %neg3A_49 : vector<1000x256xf32>
    %add3A_50 = arith.constant 1.000000e+00 : f32
    %add3A_51 = vector.broadcast %add3A_50 : f32 to vector<1000x256xf32>
    %add3A_52 = arith.addf %add3A_51, %exp3A : vector<1000x256xf32>
    %div3A = arith.constant 1.000000e+00 : f32
    %div3A_53 = vector.broadcast %div3A : f32 to vector<1000x256xf32>
    %div3A_54 = arith.divf %div3A_53, %add3A_52 : vector<1000x256xf32>
    %mul3A_55 = arith.mulf %add3A_47, %div3A_54 : vector<1000x256xf32>
    %add3A_56 = arith.addf %get3A_26, %mul3A_55 : vector<1000x256xf32>
    %swap3A = arith.constant 0 : index
    %swap3A_57 = arith.constant 0 : index
    %swap3A_58 = vector.load %arg11[%swap3A, %swap3A_57] : memref<1000x256xf32, #tpu.memory_space<vmem>>, vector<1000x256xf32>
    tpu.vector_store %arg11[%swap3A, %swap3A_57], %add3A_56 {strides = array<i32>} : memref<1000x256xf32, #tpu.memory_space<vmem>>, vector<1000x256xf32>,
    %get3A_59 = arith.constant 0 : index
    %get3A_60 = arith.constant 0 : index
    %get3A_61 = vector.load %arg10[%get3A_59, %get3A_60] : memref<256x128xf32, #tpu.memory_space<vmem>>, vector<256x128xf32>
    %dot_general3A = arith.constant dense<0.000000e+00> : vector<1000x128xf32>
    %dot_general3A_62 = tpu.matmul %add3A_56, %get3A_61, %dot_general3A {dimension_numbers = #tpu.dot_dimension_numbers<[1], [0], [0], [1], [0, 0, 1, 1], [], []>, transpose_lhs_hint = false} : vector<1000x256xf32>, vector<256x128xf32>, vector<1000x128xf32> -> vector<1000x128xf32>
    %get3A_63 = arith.constant 0 : index
    %get3A_64 = arith.constant 0 : index
    %get3A_65 = vector.load %arg4[%get3A_63, %get3A_64] : memref<1000x1xf32, #tpu.memory_space<vmem>>, vector<1000x1xf32>
    %mul3A_66 = vector.broadcast %get3A_65 : vector<1000x1xf32> to vector<1000x128xf32>
    %mul3A_67 = arith.mulf %dot_general3A_62, %mul3A_66 : vector<1000x128xf32>
    %broadcast_in_dim3A = vector.shape_cast %mul3A_67 : vector<1000x128xf32> to vector<1x1000x128xf32>
    %swap3A_68 = arith.constant 0 : index
    %swap3A_69 = arith.constant 0 : index
    %swap3A_70 = arith.constant 0 : index
    %swap3A_71 = vector.load %arg12[%swap3A_68, %swap3A_69, %swap3A_70] : memref<1x1000x128xf32, #tpu.memory_space<vmem>>, vector<1x1000x128xf32>
    tpu.vector_store %arg12[%swap3A_68, %swap3A_69, %swap3A_70], %broadcast_in_dim3A {strides = array<i32>} : memref<1x1000x128xf32, #tpu.memory_space<vmem>>, vector<1x1000x128xf32>,
    return
  }
  func.func @transform_0(%arg0: i32, %arg1: i32) -> (i32, i32, i32) {
    %c0_i32 = arith.constant 0 : i32
    %c0_i32_0 = arith.constant 0 : i32
    %c0_i32_1 = arith.constant 0 : i32
    return %c0_i32, %arg0, %c0_i32_0 : i32, i32, i32
  }
  func.func @transform_1(%arg0: i32, %arg1: i32) -> (i32, i32, i32) {
    %c1_i32 = arith.constant 1 : i32
    %c0_i32 = arith.constant 0 : i32
    %c0_i32_0 = arith.constant 0 : i32
    return %c1_i32, %arg0, %c0_i32 : i32, i32, i32
  }
  func.func @transform_2(%arg0: i32, %arg1: i32) -> (i32, i32) {
    %c0_i32 = arith.constant 0 : i32
    %c0_i32_0 = arith.constant 0 : i32
    return %arg0, %c0_i32 : i32, i32
  }
  func.func @transform_3(%arg0: i32, %arg1: i32) -> (i32, i32) {
    %c0_i32 = arith.constant 0 : i32
    %c0_i32_0 = arith.constant 0 : i32
    %c0_i32_1 = arith.constant 0 : i32
    return %c0_i32, %c0_i32_0 : i32, i32
  }
  func.func @transform_4(%arg0: i32, %arg1: i32) -> (i32, i32) {
    %c0_i32 = arith.constant 0 : i32
    %c0_i32_0 = arith.constant 0 : i32
    %c0_i32_1 = arith.constant 0 : i32
    return %c0_i32, %c0_i32_0 : i32, i32
  }
  func.func @transform_5(%arg0: i32, %arg1: i32) -> (i32, i32) {
    %c0_i32 = arith.constant 0 : i32
    %c0_i32_0 = arith.constant 0 : i32
    %c0_i32_1 = arith.constant 0 : i32
    return %c0_i32, %c0_i32_0 : i32, i32
  }
  func.func @transform_6(%arg0: i32, %arg1: i32) -> (i32, i32) {
    %c0_i32 = arith.constant 0 : i32
    %c0_i32_0 = arith.constant 0 : i32
    %c0_i32_1 = arith.constant 0 : i32
    return %c0_i32, %c0_i32_0 : i32, i32
  }
  func.func @transform_7(%arg0: i32, %arg1: i32) -> (i32, i32) {
    %c0_i32 = arith.constant 0 : i32
    %c0_i32_0 = arith.constant 0 : i32
    return %arg0, %c0_i32 : i32, i32
  }
  func.func @transform_8(%arg0: i32, %arg1: i32) -> (i32, i32) {
    %c0_i32 = arith.constant 0 : i32
    %c0_i32_0 = arith.constant 0 : i32
    return %c0_i32, %arg1 : i32, i32
  }
  func.func @transform_9(%arg0: i32, %arg1: i32) -> (i32, i32) {
    %c0_i32 = arith.constant 0 : i32
    %c0_i32_0 = arith.constant 0 : i32
    return %arg0, %c0_i32 : i32, i32
  }
  func.func @transform_10(%arg0: i32, %arg1: i32) -> (i32, i32, i32) {
    %c0_i32 = arith.constant 0 : i32
    %c0_i32_0 = arith.constant 0 : i32
    return %arg1, %arg0, %c0_i32 : i32, i32, i32
  }
}

module attributes {stable_mosaic.version = 14 : i64} {
  func.func @body(%arg0: i32, %arg1: memref<1x1000x128xf32, #tpu.memory_space<vmem>>, %arg2: memref<1x1000x128xf32, #tpu.memory_space<vmem>>, %arg3: memref<1000x1xf32, #tpu.memory_space<vmem>>, %arg4: memref<1x256xf32, #tpu.memory_space<vmem>>, %arg5: memref<1x256xf32, #tpu.memory_space<vmem>>, %arg6: memref<1x256xf32, #tpu.memory_space<vmem>>, %arg7: memref<2x256xf32, #tpu.memory_space<vmem>>, %arg8: memref<1000x256xf32, #tpu.memory_space<vmem>>, %arg9: memref<256x128xf32, #tpu.memory_space<vmem>>, %arg10: memref<1x128xf32, #tpu.memory_space<vmem>>, %arg11: memref<1000x128xf32, #tpu.memory_space<vmem>>) attributes {dimension_semantics = [#tpu.dimension_semantics<arbitrary>], iteration_bounds = array<i64: 10>, scalar_prefetch = 0 : i64, scratch_operands = 0 : i64, tpu.core_type = #tpu.core_type<tc>, window_params = [{transform_indices = @transform_0, window_bounds = array<i64: 1, 1000, 128>}, {transform_indices = @transform_1, window_bounds = array<i64: 1, 1000, 128>}, {transform_indices = @transform_2, window_bounds = array<i64: 1000, 1>}, {pipeline_mode = #tpu.pipeline_mode<synchronous>, transform_indices = @transform_3, window_bounds = array<i64: 1, 256>}, {pipeline_mode = #tpu.pipeline_mode<synchronous>, transform_indices = @transform_4, window_bounds = array<i64: 1, 256>}, {pipeline_mode = #tpu.pipeline_mode<synchronous>, transform_indices = @transform_5, window_bounds = array<i64: 1, 256>}, {pipeline_mode = #tpu.pipeline_mode<synchronous>, transform_indices = @transform_6, window_bounds = array<i64: 2, 256>}, {transform_indices = @transform_7, window_bounds = array<i64: 1000, 256>}, {pipeline_mode = #tpu.pipeline_mode<synchronous>, transform_indices = @transform_8, window_bounds = array<i64: 256, 128>}, {pipeline_mode = #tpu.pipeline_mode<synchronous>, transform_indices = @transform_9, window_bounds = array<i64: 1, 128>}, {transform_indices = @transform_10, window_bounds = array<i64: 1000, 128>}]} {
    %get3A = arith.constant 0 : index
    %get3A_0 = arith.constant 0 : index
    %get3A_1 = arith.constant 0 : index
    %get3A_2 = vector.load %arg1[%get3A, %get3A_0, %get3A_1] : memref<1x1000x128xf32, #tpu.memory_space<vmem>>, vector<1x1000x128xf32>
    %get3A_3 = vector.shape_cast %get3A_2 : vector<1x1000x128xf32> to vector<1000x128xf32>
    %get3A_4 = arith.constant 0 : index
    %get3A_5 = arith.constant 0 : index
    %get3A_6 = arith.constant 0 : index
    %get3A_7 = vector.load %arg2[%get3A_4, %get3A_5, %get3A_6] : memref<1x1000x128xf32, #tpu.memory_space<vmem>>, vector<1x1000x128xf32>
    %get3A_8 = vector.shape_cast %get3A_7 : vector<1x1000x128xf32> to vector<1000x128xf32>
    %get3A_9 = arith.constant 0 : index
    %get3A_10 = arith.constant 0 : index
    %get3A_11 = vector.load %arg3[%get3A_9, %get3A_10] : memref<1000x1xf32, #tpu.memory_space<vmem>>, vector<1000x1xf32>
    %get3A_12 = arith.constant 0 : index
    %get3A_13 = arith.constant 0 : index
    %get3A_14 = vector.load %arg4[%get3A_12, %get3A_13] : memref<1x256xf32, #tpu.memory_space<vmem>>, vector<1x256xf32>
    %get3A_15 = arith.constant 0 : index
    %get3A_16 = arith.constant 0 : index
    %get3A_17 = vector.load %arg5[%get3A_15, %get3A_16] : memref<1x256xf32, #tpu.memory_space<vmem>>, vector<1x256xf32>
    %get3A_18 = arith.constant 0 : index
    %get3A_19 = arith.constant 0 : index
    %get3A_20 = vector.load %arg6[%get3A_18, %get3A_19] : memref<1x256xf32, #tpu.memory_space<vmem>>, vector<1x256xf32>
    %get3A_21 = arith.constant 0 : index
    %get3A_22 = arith.constant 0 : index
    %get3A_23 = vector.load %arg7[%get3A_21, %get3A_22] : memref<2x256xf32, #tpu.memory_space<vmem>>, vector<2x256xf32>
    %get3A_24 = arith.constant 0 : index
    %get3A_25 = arith.constant 0 : index
    %get3A_26 = vector.load %arg8[%get3A_24, %get3A_25] : memref<1000x256xf32, #tpu.memory_space<vmem>>, vector<1000x256xf32>
    %concatenate3A = tpu.concatenate %get3A_3, %get3A_8 in 1 : vector<1000x128xf32>, vector<1000x128xf32> -> vector<1000x256xf32>
    %mul3A = vector.broadcast %get3A_11 : vector<1000x1xf32> to vector<1000x256xf32>
    %mul3A_27 = arith.mulf %concatenate3A, %mul3A : vector<1000x256xf32>
    %add3A = vector.broadcast %get3A_14 : vector<1x256xf32> to vector<1000x256xf32>
    %add3A_28 = arith.addf %mul3A_27, %add3A : vector<1000x256xf32>
    %slice3A = vector.extract_strided_slice %get3A_23 {offsets = [0, 0], sizes = [1, 256], strides = [1, 1]} : vector<2x256xf32> to vector<1x256xf32>
    %mul3A_29 = arith.constant 9.99999974E-5 : f32
    %mul3A_30 = vector.broadcast %mul3A_29 : f32 to vector<1x256xf32>
    %mul3A_31 = arith.mulf %slice3A, %mul3A_30 : vector<1x256xf32>
    %slice3A_32 = vector.extract_strided_slice %get3A_23 {offsets = [1, 0], sizes = [1, 256], strides = [1, 1]} : vector<2x256xf32> to vector<1x256xf32>
    %mul3A_33 = arith.constant 9.99999974E-5 : f32
    %mul3A_34 = vector.broadcast %mul3A_33 : f32 to vector<1x256xf32>
    %mul3A_35 = arith.mulf %slice3A_32, %mul3A_34 : vector<1x256xf32>
    %mul3A_36 = arith.mulf %mul3A_31, %mul3A_31 : vector<1x256xf32>
    %sub3A = arith.subf %mul3A_35, %mul3A_36 : vector<1x256xf32>
    %sub3A_37 = vector.broadcast %mul3A_31 : vector<1x256xf32> to vector<1000x256xf32>
    %sub3A_38 = arith.subf %add3A_28, %sub3A_37 : vector<1000x256xf32>
    %add3A_39 = arith.constant 9.99999974E-6 : f32
    %add3A_40 = vector.broadcast %add3A_39 : f32 to vector<1x256xf32>
    %add3A_41 = arith.addf %sub3A, %add3A_40 : vector<1x256xf32>
    %rsqrt3A = math.rsqrt %add3A_41 : vector<1x256xf32>
    %mul3A_42 = vector.broadcast %rsqrt3A : vector<1x256xf32> to vector<1000x256xf32>
    %mul3A_43 = arith.mulf %sub3A_38, %mul3A_42 : vector<1000x256xf32>
    %mul3A_44 = vector.broadcast %get3A_17 : vector<1x256xf32> to vector<1000x256xf32>
    %mul3A_45 = arith.mulf %mul3A_43, %mul3A_44 : vector<1000x256xf32>
    %add3A_46 = vector.broadcast %get3A_20 : vector<1x256xf32> to vector<1000x256xf32>
    %add3A_47 = arith.addf %mul3A_45, %add3A_46 : vector<1000x256xf32>
    %neg3A = arith.constant 0.000000e+00 : f32
    %neg3A_48 = vector.broadcast %neg3A : f32 to vector<1000x256xf32>
    %neg3A_49 = arith.subf %neg3A_48, %add3A_47 : vector<1000x256xf32>
    %exp3A = math.exp %neg3A_49 : vector<1000x256xf32>
    %add3A_50 = arith.constant 1.000000e+00 : f32
    %add3A_51 = vector.broadcast %add3A_50 : f32 to vector<1000x256xf32>
    %add3A_52 = arith.addf %add3A_51, %exp3A : vector<1000x256xf32>
    %div3A = arith.constant 1.000000e+00 : f32
    %div3A_53 = vector.broadcast %div3A : f32 to vector<1000x256xf32>
    %div3A_54 = arith.divf %div3A_53, %add3A_52 : vector<1000x256xf32>
    %mul3A_55 = arith.mulf %add3A_47, %div3A_54 : vector<1000x256xf32>
    %add3A_56 = arith.addf %get3A_26, %mul3A_55 : vector<1000x256xf32>
    %get3A_57 = arith.constant 0 : index
    %get3A_58 = arith.constant 0 : index
    %get3A_59 = vector.load %arg9[%get3A_57, %get3A_58] : memref<256x128xf32, #tpu.memory_space<vmem>>, vector<256x128xf32>
    %dot_general3A = arith.constant dense<0.000000e+00> : vector<1000x128xf32>
    %dot_general3A_60 = tpu.matmul %add3A_56, %get3A_59, %dot_general3A {dimension_numbers = #tpu.dot_dimension_numbers<[1], [0], [0], [1], [0, 0, 1, 1], [], []>, transpose_lhs_hint = false} : vector<1000x256xf32>, vector<256x128xf32>, vector<1000x128xf32> -> vector<1000x128xf32>
    %get3A_61 = arith.constant 0 : index
    %get3A_62 = arith.constant 0 : index
    %get3A_63 = vector.load %arg10[%get3A_61, %get3A_62] : memref<1x128xf32, #tpu.memory_space<vmem>>, vector<1x128xf32>
    %add3A_64 = vector.broadcast %get3A_63 : vector<1x128xf32> to vector<1000x128xf32>
    %add3A_65 = arith.addf %dot_general3A_60, %add3A_64 : vector<1000x128xf32>
    %swap3A = arith.constant 0 : index
    %swap3A_66 = arith.constant 0 : index
    %swap3A_67 = vector.load %arg11[%swap3A, %swap3A_66] : memref<1000x128xf32, #tpu.memory_space<vmem>>, vector<1000x128xf32>
    tpu.vector_store %arg11[%swap3A, %swap3A_66], %add3A_65 {strides = array<i32>} : memref<1000x128xf32, #tpu.memory_space<vmem>>, vector<1000x128xf32>,
    return
  }
  func.func @transform_0(%arg0: i32) -> (i32, i32, i32) {
    %c0_i32 = arith.constant 0 : i32
    %c0_i32_0 = arith.constant 0 : i32
    %c0_i32_1 = arith.constant 0 : i32
    return %c0_i32, %arg0, %c0_i32_0 : i32, i32, i32
  }
  func.func @transform_1(%arg0: i32) -> (i32, i32, i32) {
    %c1_i32 = arith.constant 1 : i32
    %c0_i32 = arith.constant 0 : i32
    %c0_i32_0 = arith.constant 0 : i32
    return %c1_i32, %arg0, %c0_i32 : i32, i32, i32
  }
  func.func @transform_2(%arg0: i32) -> (i32, i32) {
    %c0_i32 = arith.constant 0 : i32
    %c0_i32_0 = arith.constant 0 : i32
    return %arg0, %c0_i32 : i32, i32
  }
  func.func @transform_3(%arg0: i32) -> (i32, i32) {
    %c0_i32 = arith.constant 0 : i32
    %c0_i32_0 = arith.constant 0 : i32
    %c0_i32_1 = arith.constant 0 : i32
    return %c0_i32, %c0_i32_0 : i32, i32
  }
  func.func @transform_4(%arg0: i32) -> (i32, i32) {
    %c0_i32 = arith.constant 0 : i32
    %c0_i32_0 = arith.constant 0 : i32
    %c0_i32_1 = arith.constant 0 : i32
    return %c0_i32, %c0_i32_0 : i32, i32
  }
  func.func @transform_5(%arg0: i32) -> (i32, i32) {
    %c0_i32 = arith.constant 0 : i32
    %c0_i32_0 = arith.constant 0 : i32
    %c0_i32_1 = arith.constant 0 : i32
    return %c0_i32, %c0_i32_0 : i32, i32
  }
  func.func @transform_6(%arg0: i32) -> (i32, i32) {
    %c0_i32 = arith.constant 0 : i32
    %c0_i32_0 = arith.constant 0 : i32
    %c0_i32_1 = arith.constant 0 : i32
    return %c0_i32, %c0_i32_0 : i32, i32
  }
  func.func @transform_7(%arg0: i32) -> (i32, i32) {
    %c0_i32 = arith.constant 0 : i32
    %c0_i32_0 = arith.constant 0 : i32
    return %arg0, %c0_i32 : i32, i32
  }
  func.func @transform_8(%arg0: i32) -> (i32, i32) {
    %c0_i32 = arith.constant 0 : i32
    %c0_i32_0 = arith.constant 0 : i32
    %c0_i32_1 = arith.constant 0 : i32
    return %c0_i32, %c0_i32_0 : i32, i32
  }
  func.func @transform_9(%arg0: i32) -> (i32, i32) {
    %c0_i32 = arith.constant 0 : i32
    %c0_i32_0 = arith.constant 0 : i32
    %c0_i32_1 = arith.constant 0 : i32
    return %c0_i32, %c0_i32_0 : i32, i32
  }
  func.func @transform_10(%arg0: i32) -> (i32, i32) {
    %c0_i32 = arith.constant 0 : i32
    %c0_i32_0 = arith.constant 0 : i32
    return %arg0, %c0_i32 : i32, i32
  }
}

</mosaic_0001>

<sc_bundles>
// kernel: kernel.16.cloned.1.call-start
scs
__scs_entry_jumppad:
0x0: {  	(pc) =	sbr.rel $0x88, $3  }
0x1: {  	(tag) =	ssettag $0x0;
	lr =	simm.s32 $0x1  }
0x2: {  	[smem:$0x3F97] =	sst lr;
	_ =	strace $0xD0000000  }
0x3: {  	_ = 	snop  }
0x4: {  	_ = 	snop  }
0x5: {  	_ = 	snop  }
0x6: {  	_ = 	snop  }
0x7: {  	_ = 	snop  }
__scs_overlays_trampoline_lowered:
0x8: {  	[smem:$0x3FA6] =	sst s0  }
0x9: {  	[smem:$0x3FA7] =	sst s1  }
0xa: {  	[smem:$0x3FA8] =	sst s2  }
0xb: {  	[smem:$0x3FA9] =	sst s3  }
0xc: {  	[smem:$0x3FAA] =	sst s4  }
0xd: {  	[smem:$0x3FAB] =	sst s5  }
0xe: {  	[smem:$0x3FAC] =	sst s6  }
0xf: {  	[smem:$0x3FAD] =	sst s7  }
0x10: {  	[smem:$0x3FAE] =	sst s8  }
0x11: {  	[smem:$0x3FAF] =	sst s9;
	s0 =	simm.s32 @!p0 $0x0  }
0x12: {  	s1 =	sld [smem:$0x3F95];
	s0 =	simm.s32 @p0 $0x1  }
0x13: {  	[smem:$0x3FB0] =	sst s0;
	s0 =	simm.s32 @!p1 $0x0  }
0x14: {  	s2 =	sld [smem:$0x3F94];
	s0 =	simm.s32 @p1 $0x1  }
0x15: {  	[smem:$0x3FB1] =	sst s0;
	s0 =	simm.s32 @!p2 $0x0  }
0x16: {  	s3 =	sld [smem:$0x3FDB];
	s0 =	simm.s32 @p2 $0x1  }
0x17: {  	s4 =	simm.s32 $0x1BF5;
	[smem:$0x3FB3] =	sst s0  }
0x18: {  	s0 =	sld [smem:$0x3F96];
	_ =	swait.ge [sflag:s4], $0x0  }
0x19: {  	s7 =	sld [smem:$0x3F97]  }
0x1a: {  	s8 =	sadd.s32 $0xFFFFE003, lr  }
0x1b: {  	s9 =	sadd.s32 $0xFFFFFEF7, lr;
	s5 =	simm.s32 $0xFFFFFFFF;
	p2 =	slt.u32 s8, $0xFFFFF086  }
0x1c: {  	p1 =	slt.u32 s9, $0xF7A;
	s5 =	simm.s32 @!p2 $0x0  }
0x1d: {  	s5 =	simm.s32 @p1 $0x1;
	p0 =	seq.s32 s7, s2  }
0x1e: {  	s7 =	smul.u32 @!p0 $0xF7A, s2;
	p2 =	seq.s32 @!p0 s5, $0x0  }
0x1f: {  	s9 =	smul.u32 $0xF7A, s1;
	s8 =	simm.s32 @!p0 $0x1BF5;
	p2 =	por !p2, p0  }
0x20: {  	[sflag:s8] =	ssyncset.s32 @!p0 $0xFFFFF086;
	s6 =	sadd.s32 @!p0 s3, s7;
	s7 =	simm.s32 @!p0 $0x108  }
0x21: {  	s3 =	sadd.s32 s3, s9;
	s6 =	sadd.s32 @!p0 $0x88, s6;
	s7 =	simm.s32 @p2 $0x1082  }
0x22: {  	[simem:s7], [sflag:s8] =	dma.local @!p0 [hbm:s6], $0xF7A  }
0x23: {  	s9 =	sor.u32 $0xD0000000, s2;
	s6 =	simm.s32 $0x108;
	_ =	swait.ge @!p0 [sflag:s8], $0x0  }
0x24: {  	s3 =	sadd.s32 $0x88, s3;
	s6 =	simm.s32 @!p1 $0x1082;
	[sflag:s4] =	ssyncset.s32 $0xFFFFF086  }
0x25: {  	[simem:s6], [sflag:s4] =	dma.local [hbm:s3], $0xF7A  }
0x26: {  	[smem:$0x3F97] =	sst s1;
	(tag) =	ssettag s2;
	_ =	strace s9  }
0x27: {  	s1 =	sld [smem:$0x3FA7]  }
0x28: {  	s2 =	sld [smem:$0x3FA8]  }
0x29: {  	s4 =	sld [smem:$0x3FAA]  }
0x2a: {  	p0 =	seq.s32 s5, $0x0;
	s5 =	sld [smem:$0x3FAB]  }
0x2b: {  	s6 =	sld [smem:$0x3FAC]  }
0x2c: {  	s7 =	sld [smem:$0x3FAD]  }
0x2d: {  	s3 =	simm.s32 $0x108;
	s8 =	sld [smem:$0x3FAE]  }
0x2e: {  	s3 =	simm.s32 @!p0 $0x1082;
	s9 =	sld [smem:$0x3FAF]  }
0x2f: {  	lr =	sadd.s32 s0, s3;
	s0 =	sld [smem:$0x3FA6]  }
0x30: {  	s3 =	sld [smem:$0x3FA9]  }
0x31: {  	[smem:$0x3FB2] =	sst s10  }
0x32: {  	s10 =	sld [smem:$0x3FB0];
	_ =	sdelay $0x3  }
0x33: {  	p0 =	seq.s32 s10, $0x1;
	s10 =	sld [smem:$0x3FB2];
	_ =	sdelay $0x3  }
0x34: {  	[smem:$0x3FB2] =	sst s10  }
0x35: {  	s10 =	sld [smem:$0x3FB1];
	_ =	sdelay $0x3  }
0x36: {  	p1 =	seq.s32 s10, $0x1;
	s10 =	sld [smem:$0x3FB2];
	_ =	sdelay $0x3  }
0x37: {  	[smem:$0x3FB2] =	sst s10  }
0x38: {  	s10 =	sld [smem:$0x3FB3]  }
0x39: {  	_ = 	snop;
	(pc) =	sbr.ind lr, $3  }
0x3a: {  	_ = 	snop  }
0x3b: {  	_ = 	snop  }
0x3c: {  	p2 =	seq.s32 s10, $0x1;
	s10 =	sld [smem:$0x3FB2]  }
0x3d: {  	_ =	shalt  }
0x3e: {  	_ =	shalt  }
0x3f: {  	_ =	shalt  }
0x40: {  	_ =	shalt  }
0x41: {  	_ =	shalt  }
0x42: {  	_ =	shalt  }
0x43: {  	_ =	shalt  }
0x44: {  	_ =	shalt  }
0x45: {  	_ =	shalt  }
0x46: {  	_ =	shalt  }
0x47: {  	_ =	shalt  }
0x48: {  	_ =	shalt  }
0x49: {  	_ =	shalt  }
0x4a: {  	_ =	shalt  }
0x4b: {  	_ =	shalt  }
0x4c: {  	_ =	shalt  }
0x4d: {  	_ =	shalt  }
0x4e: {  	_ =	shalt  }
0x4f: {  	_ =	shalt  }
0x50: {  	_ =	shalt  }
0x51: {  	_ =	shalt  }
0x52: {  	_ =	shalt  }
0x53: {  	_ =	shalt  }
0x54: {  	_ =	shalt  }
0x55: {  	_ =	shalt  }
0x56: {  	_ =	shalt  }
0x57: {  	_ =	shalt  }
0x58: {  	_ =	shalt  }
0x59: {  	_ =	shalt  }
0x5a: {  	_ =	shalt  }
0x5b: {  	_ =	shalt  }
0x5c: {  	_ =	shalt  }
0x5d: {  	_ =	shalt  }
0x5e: {  	_ =	shalt  }
0x5f: {  	_ =	shalt  }
0x60: {  	_ =	shalt  }
0x61: {  	_ =	shalt  }
0x62: {  	_ =	shalt  }
0x63: {  	_ =	shalt  }
0x64: {  	_ =	shalt  }
0x65: {  	_ =	shalt  }
0x66: {  	_ =	shalt  }
0x67: {  	_ =	shalt  }
0x68: {  	_ =	shalt  }
0x69: {  	_ =	shalt  }
0x6a: {  	_ =	shalt  }
0x6b: {  	_ =	shalt  }
0x6c: {  	_ =	shalt  }
0x6d: {  	_ =	shalt  }
0x6e: {  	_ =	shalt  }
0x6f: {  	_ =	shalt  }
0x70: {  	_ =	shalt  }
0x71: {  	_ =	shalt  }
0x72: {  	_ =	shalt  }
0x73: {  	_ =	shalt  }
0x74: {  	_ =	shalt  }
0x75: {  	_ =	shalt  }
0x76: {  	_ =	shalt  }
0x77: {  	_ =	shalt  }
0x78: {  	_ =	shalt  }
0x79: {  	_ =	shalt  }
0x7a: {  	_ =	shalt  }
0x7b: {  	_ =	shalt  }
0x7c: {  	_ =	shalt  }
0x7d: {  	_ =	shalt  }
0x7e: {  	_ =	shalt  }
0x7f: {  	_ =	shalt  }
0x80: {  	_ =	shalt  }
0x81: {  	_ =	shalt  }
0x82: {  	_ =	shalt  }
0x83: {  	_ =	shalt  }
0x84: {  	_ =	shalt  }
0x85: {  	_ =	shalt  }
0x86: {  	_ =	shalt  }
0x87: {  	_ =	shalt  }
.Lfunc_end0:
.L_simem_size_0:
called_computation_lowered:
.L_overlay_start_0:
0x88: {  	s2 =	sld [smem:$0x3FD9]  }
0x89: {  	s3 =	sld [smem:$0x3FFE];
	_ =	sdelay $0x1  }
0x8a: {  	s1 =	srdreg.scid  }
0x8b: {  	s0 =	sand.u32 $0x1, s1  }
0x8c: {  	s16 =	sshll.u32 s0, $0xA;
	s2 =	sadd.s32 s3, s2  }
0x8d: {  	s2 =	sadd.s32 s2, s16  }
0x8e: {  	[smem:$0x3FBE] =	sst s2  }
0x8f: {  	_ = 	snop  }
0x90: {  	(tm) =	ssettm $0x1  }
0x91: {  	s17 =	sld [smem:$0x3FFB];
	_ =	sdelay $0x3  }
0x92: {  	_ =	strace s17  }
0x93: {  	s2 =	sld [smem:$0x3FFC];
	_ =	sdelay $0x3  }
0x94: {  	_ =	strace s2  }
0x95: {  	s2 =	sld [smem:$0x3FFD];
	_ =	sdelay $0x3  }
0x96: {  	_ =	strace s2  }
0x97: {  	_ =	strace $0x8FFFFFFF  }
0x98: {  	s18 =	sld [smem:$0x3FDB];
	_ =	sdelay $0x1  }
0x99: {  	s19 =	simm.s32 $_scs_section_size  }
0x9a: {  	s4 =	simm.s32 $_size__tile_overlayer_lowered;
	s5 =	simm.s32 $_tile_overlayer_lowered  }
0x9b: {  	s22 =	simm.s32 $0x1BFF;
	s21 =	sshll.u32 s5, $0x1;
	s2 =	sadd.s32 s19, s18  }
0x9c: {  	s6 =	simm.s32 $0x0;
	s20 =	sshll.u32 s4, $0x1;
	s4 =	sadd.s32 s21, s2  }
0x9d: {  	[timem:s6], [sflag:s22] =	dma.local [hbm:s4], s20  }
0x9e: {  	_ =	swait.ge [sflag:s22], s20  }
0x9f: {  	s3 =	ssub.s32 $0x0, s20;
	[sflag:s22] =	ssyncset.done $0x0  }
0xa0: {  	[sflag:s22] =	ssyncadd.s32 s3;
	_ =	sdelay $0x1  }
0xa1: {  	s23 =	simm.s32 $0x1B8B  }
0xa2: {  	_ =	swait.ge [sflag:s23], $0x1  }
0xa3: {  	[sflag:s23] =	ssyncset.done $0x0  }
0xa4: {  	s25 =	simm.s32 $0x1B8E;
	s24 =	sld [smem:$0x3FFE];
	[sflag:s23] =	ssyncadd.s32 $0xFFFFFFFF  }
0xa5: {  	s26 =	simm.s32 $execute0_lowered;
	[smem:$0x3FD2] =	sst s25  }
0xa6: {  	s4 =	sshll.u32 s26, $0x1;
	_ =	strace $0x80000046;
	[dreg:$0x1] =	wrdreg $0xFFFFFFFF  }
0xa7: {  	s28 =	simm.s32 $_size_execute0_lowered;
	s2 =	sadd.s32 s2, s4;
	[dreg:$0x0] =	wrdreg $0x0  }
0xa8: {  	s4 =	sshll.u32 s28, $0x1;
	[dreg:$0x2] =	wrdreg s2  }
0xa9: {  	[dreg:$0x3] =	wrdreg s4  }
0xaa: {  	[dreg:$0x4] =	wrdreg $0xC0  }
0xab: {  	_ =	task [dreg:s6], $0x5FFFF  }
0xac: {  	[dreg:$0x1] =	wrdreg $0xFFFFFFFF  }
0xad: {  	[dreg:$0x0] =	wrdreg $0x60  }
0xae: {  	[dreg:$0x2] =	wrdreg s24  }
0xaf: {  	[dreg:$0x3] =	wrdreg $0x17000  }
0xb0: {  	[dreg:$0x4] =	wrdreg $0x9  }
0xb1: {  	_ =	task.clear_ibuf [dreg:s6], $0x5FFFF;
	_ =	strace $0x90000046  }
0xb2: {  	s29 =	simm.s32 $0x9;
	_ =	strace $0x80000048  }
0xb3: {  	_ =	swait.ge [sflag:s29], $0x1  }
0xb4: {  	[sflag:s29] =	ssyncadd.s32 $0xFFFFFFFF  }
0xb5: {  	_ =	strace $0x90000048  }
0xb6: {  	_ =	sfence  }
0xb7: {  	s30 =	sld [smem:$0x0];
	_ =	sdelay $0x2  }
0xb8: {  	s31 =	sshll.u32 s1, $0xD;
	s1 =	sshrl.u32 s1, $0x2  }
0xb9: {  	s3 =	sand.u32 $0x4000, s31;
	s1 =	sadd.s32 s1, s30  }
0xba: {  	s0 =	sor.u32 s3, s0;
	s1 =	sshll.u32 s1, $0x11  }
0xbb: {  	s0 =	sor.u32 s1, s0  }
0xbc: {  	s0 =	sadd.s32 $0x8F2B, s0  }
0xbd: {  	[sflag:s0] =	ssyncadd.remote.s32 $0x1  }
0xbe: {  	_ =	sfence.sel $0xFFFF  }
0xbf: {  	[dreg:$0x0] =	wrdreg $0xFFFFFFFF;
	(pc) =	sbr.abs _section_cstart, $3  }
0xc0: {  	[dreg:$0x1] =	wrdreg $0xFFFFFFFF  }
0xc1: {  	_ =	task.clear_ibuf [dreg:s6], $0x2FFFF;
	_ =	strace $0x9FFFFFFF  }
0xc2: {  	(tm) =	ssettm $0x7FFFFFFF  }
0xc3: {  	_ =	shalt  }
tec
execute0_lowered:
.L_overlay_start_1:
0x0: {  	(tag) =	ssettag $0x1  }
0x1: {  	s4 =	rddreg [dreg:$0x0]  }
0x2: {  	s1 =	rddreg [dreg:$0x1];
	s3 =	srdreg.scid  }
0x3: {  	s0 =	rddreg [dreg:$0x2];
	s5 =	sand.u32 $0x1, s3  }
0x4: {  	s2 =	simm.s32 $0x0;
	s3 =	stileid.u32;
	s6 =	smul.u32 $0x2800, s5  }
0x5: {  	s13 =	simm.s32 $0x0;
	[smem:$0x7FF] =	sst s2;
	s7 =	smul.u32 $0x280, s3  }
0x6: {  	s8 =	sshll.u32 s5, $0x4;
	s5 =	ssub.s32 $0x2, s5;
	s9 =	smul.u32 $0xA00, s3  }
0x7: {  	_ =	strace $0x80000047;
	s12 =	smul.u32 $0xA0, s3;
	s29 =	sshrl.u32 s5, $0x1  }
0x8: {  	s8 =	sadd.s32 s8, s4;
	s6 =	sadd.s32 s6, s4;
	s10 =	ssub.s32 s5, s29  }
0x9: {  	s31 =	sshrl.u32 s9, $0x2;
	s11 =	sadd.s32 $0x8800, s8;
	s8 =	simm.s32 $0x1480  }
0xa: {  	s9 =	simm.s32 $0x80;
	s30 =	sadd.s32 s7, s6;
	s5 =	sadd.s32 s31, s1  }
0xb: {  	s6 =	smax.u32 s10, $0x1;
	s7 =	simm.s32 $0x1;
	s10 =	simm.s32 $0x1400  }
0xc: {  	v0 =	vimm.f32 $1.000000000e+00;
	v1 =	vimm.f32 $0.0e+00;
	s11 =	sadd.s32 s12, s11;
	s12 =	simm.s32 $0x100;
	s4 =	sadd.s32 $0x3800, s30  }
.LBB2_1:
0xd: {  	[tilespmem:$0x1400] =	vst v0  }
0xe: {  	[tilespmem:$0x1410] =	vst v0  }
0xf: {  	[tilespmem:$0x1420] =	vst v0  }
0x10: {  	[tilespmem:$0x1430] =	vst v0  }
0x11: {  	[tilespmem:$0x1440] =	vst v0  }
0x12: {  	[tilespmem:$0x1450] =	vst v0  }
0x13: {  	[tilespmem:$0x1460] =	vst v0  }
0x14: {  	[tilespmem:$0x1470] =	vst v0  }
0x15: {  	[tilespmem:$0x1480] =	vst v1  }
0x16: {  	[tilespmem:$0x1490] =	vst v1  }
0x17: {  	[tilespmem:$0x14A0] =	vst v1  }
0x18: {  	[tilespmem:$0x14B0] =	vst v1  }
0x19: {  	[tilespmem:$0x14C0] =	vst v1  }
0x1a: {  	[tilespmem:$0x14D0] =	vst v1  }
0x1b: {  	[tilespmem:$0x14E0] =	vst v1  }
0x1c: {  	[tilespmem:$0x14F0] =	vst v1  }
0x1d: {  	[tilespmem:$0x1500] =	vst v1  }
0x1e: {  	[tilespmem:$0x1510] =	vst v1  }
0x1f: {  	[tilespmem:$0x1520] =	vst v1  }
0x20: {  	[tilespmem:$0x1530] =	vst v1  }
0x21: {  	[tilespmem:$0x1540] =	vst v1  }
0x22: {  	[tilespmem:$0x1550] =	vst v1  }
0x23: {  	[tilespmem:$0x1560] =	vst v1  }
0x24: {  	[tilespmem:$0x1570] =	vst v1  }
0x25: {  	[tilespmem:$0x1580] =	vst v1  }
0x26: {  	[tilespmem:$0x1590] =	vst v1  }
0x27: {  	[tilespmem:$0x15A0] =	vst v1  }
0x28: {  	[tilespmem:$0x15B0] =	vst v1  }
0x29: {  	[tilespmem:$0x15C0] =	vst v1  }
0x2a: {  	[tilespmem:$0x15D0] =	vst v1  }
0x2b: {  	[tilespmem:$0x15E0] =	vst v1  }
0x2c: {  	[tilespmem:$0x15F0] =	vst v1  }
0x2d: {  	[tilespmem:$0x1600] =	vst v1  }
0x2e: {  	[tilespmem:$0x1610] =	vst v1  }
0x2f: {  	[tilespmem:$0x1620] =	vst v1  }
0x30: {  	[tilespmem:$0x1630] =	vst v1  }
0x31: {  	[tilespmem:$0x1640] =	vst v1  }
0x32: {  	[tilespmem:$0x1650] =	vst v1  }
0x33: {  	[tilespmem:$0x1660] =	vst v1  }
0x34: {  	[tilespmem:$0x1670] =	vst v1  }
0x35: {  	[tilespmem:$0x1680] =	vst v1  }
0x36: {  	[tilespmem:$0x1690] =	vst v1  }
0x37: {  	[tilespmem:$0x16A0] =	vst v1  }
0x38: {  	[tilespmem:$0x16B0] =	vst v1  }
0x39: {  	[tilespmem:$0x16C0] =	vst v1  }
0x3a: {  	[tilespmem:$0x16D0] =	vst v1  }
0x3b: {  	[tilespmem:$0x16E0] =	vst v1  }
0x3c: {  	[tilespmem:$0x16F0] =	vst v1  }
0x3d: {  	[tilespmem:s2], [sflag:$0x1] =	stream.linear.gather [hbm4b:s4+s2], $0x1400, $0x38;
	[tilespmem:$0x1980] =	vst v63  }
0x3e: {  	_ =	swait.ge [sflag:s7], $0x1400  }
0x3f: {  	[sflag:s7] =	ssyncset.done $0x0  }
0x40: {  	[sflag:s7] =	ssyncadd.s32 $0xFFFFEC00  }
0x41: {  	[spmem:s5] =	stream.linear.scatter [tilespmem:s8], [sflag:$0x1], $0x280, $0x38;
	[tilespmem:$0x1980] =	vst v63  }
0x42: {  	_ =	swait.ge [sflag:s7], $0x280  }
0x43: {  	[sflag:s7] =	ssyncset.done $0x0  }
0x44: {  	[sflag:s7] =	ssyncadd.s32 $0xFFFFFD80  }
0x45: {  	s14 =	simm.s32 $0x0;
	[bflag:$0x0] =	sbarrier.arrive $0xFFFF  }
0x46: {  	[spmem:s1] =	stream.indirect.scatter.add.f32 [tilespmem:s10], [sflag:$0x1], $0x1, s14, s9, $0xb8;
	[tilespmem:$0x1980] =	vst v63  }
0x47: {  	_ =	swait.ge [sflag:s7], $0x80  }
0x48: {  	s14 =	simm.s32 $0x200;
	[sflag:s7] =	ssyncset.done $0x0  }
.LBB2_2:
0x49: {  	s15 =	sshra.s32 s14, $0x2;
	[sflag:s7] =	ssyncadd.s32 $0xFFFFFF80;
	p0 =	sne.s32 s14, $0x4E00  }
0x4a: {  	[spmem:s1] =	stream.indirect.scatter.add.f32 [tilespmem:s10], [sflag:$0x1], $0x1, s15, s9, $0xb8;
	[tilespmem:$0x1980] =	vst v63  }
.Ltmp0:
0x4b: {  	_ = 	snop;
	(pc) =	sbr.rel @p0 .LBB2_2-.Ltmp0, $4  }
0x4c: {  	_ = 	snop  }
0x4d: {  	s14 =	sadd.s32 $0x200, s14  }
0x4e: {  	_ =	swait.ge [sflag:s7], $0x80  }
0x4f: {  	[sflag:s7] =	ssyncset.done $0x0  }
0x50: {  	[sflag:s7] =	ssyncadd.s32 $0xFFFFFF80  }
0x51: {  	[bflag:$0x0] =	sbarrier.arrive $0xFFFF  }
0x52: {  	[tilespmem:s8], [sflag:$0x1] =	stream.linear.gather [spmem:s5], $0x280, $0x38;
	[tilespmem:$0x1980] =	vst v63  }
0x53: {  	s13 =	sadd.s32 $0x1, s13;
	_ =	swait.ge [sflag:s7], $0x280  }
0x54: {  	p0 =	sne.s32 s13, s6;
	[sflag:s7] =	ssyncset.done $0x0  }
.Ltmp1:
0x55: {  	[sflag:s7] =	ssyncadd.s32 $0xFFFFFD80;
	(pc) =	sbr.rel @p0 .LBB2_1-.Ltmp1, $4  }
0x56: {  	[hbm4b:s11+s9] =	stream.strided.scatter [tilespmem:s8], [sflag:$0x1], $0x280, s12, s9, $0x38;
	[tilespmem:$0x1980] =	vst v63  }
0x57: {  	_ =	swait.ge [sflag:s7], $0x280  }
0x58: {  	[sflag:s7] =	ssyncset.done $0x0  }
0x59: {  	[sflag:s7] =	ssyncadd.s32 $0xFFFFFD80  }
0x5a: {  	_ =	sfence.sel $0x180000  }
0x5b: {  	[bflag:$0x0] =	sbarrier.arrive $0xFFFF  }
0x5c: {  	p0 =	sne.s32 s3, $0x0;
	_ =	strace $0x90000047  }
0x5d: {  	s0 =	sadd.s32 @!p0 $0x100000, s0;
	[bflag:$0x2] =	sbarrier.arrive $0xFFFF  }
0x5e: {  	[sflag:s0] =	ssyncadd.tile.s32 @!p0 $0x1;
	_ =	shalt  }
.Lfunc_end2:
_tile_overlayer_lowered:
.L_overlay_start_2:
0x5f: {  	(tag) =	ssettag $0x2  }
0x60: {  	s0 =	rddreg [dreg:$0x0];
	s2 =	stileid.u32  }
0x61: {  	s1 =	rddreg [dreg:$0x1];
	p0 =	sne.s32 s2, $0x0  }
0x62: {  	s3 =	rddreg [dreg:$0x2];
	[bflag:$0x3] =	sbarrier.arrive $0xFFFF;
	s2 =	simm.s32 @!p0 $0x1C01  }
0x63: {  	[timem:s3], [sflag:s2] =	dma.local @!p0 [hbm:s0], s1  }
0x64: {  	s0 =	simm.s32 @!p0 $0x1  }
0x65: {  	_ =	swait.ge @!p0 [sflag:s0], s1  }
0x66: {  	s1 =	ssub.s32 @!p0 $0x0, s1;
	[sflag:s0] =	ssyncset.done @!p0 $0x0  }
0x67: {  	[sflag:s0] =	ssyncadd.s32 @!p0 s1  }
0x68: {  	[bflag:$0x3] =	sbarrier.arrive $0xFFFF  }
0x69: {  	_ =	shalt  }

// kernel: kernel.19.cloned.1.call-start
scs
__scs_entry_jumppad:
0x0: {  	(pc) =	sbr.rel $0x88, $3  }
0x1: {  	(tag) =	ssettag $0x0;
	lr =	simm.s32 $0x1  }
0x2: {  	[smem:$0x3F97] =	sst lr;
	_ =	strace $0xD0000000  }
0x3: {  	_ = 	snop  }
0x4: {  	_ = 	snop  }
0x5: {  	_ = 	snop  }
0x6: {  	_ = 	snop  }
0x7: {  	_ = 	snop  }
__scs_overlays_trampoline_lowered:
0x8: {  	[smem:$0x3FA6] =	sst s0  }
0x9: {  	[smem:$0x3FA7] =	sst s1  }
0xa: {  	[smem:$0x3FA8] =	sst s2  }
0xb: {  	[smem:$0x3FA9] =	sst s3  }
0xc: {  	[smem:$0x3FAA] =	sst s4  }
0xd: {  	[smem:$0x3FAB] =	sst s5  }
0xe: {  	[smem:$0x3FAC] =	sst s6  }
0xf: {  	[smem:$0x3FAD] =	sst s7  }
0x10: {  	[smem:$0x3FAE] =	sst s8  }
0x11: {  	[smem:$0x3FAF] =	sst s9;
	s0 =	simm.s32 @!p0 $0x0  }
0x12: {  	s1 =	sld [smem:$0x3F95];
	s0 =	simm.s32 @p0 $0x1  }
0x13: {  	[smem:$0x3FB0] =	sst s0;
	s0 =	simm.s32 @!p1 $0x0  }
0x14: {  	s2 =	sld [smem:$0x3F94];
	s0 =	simm.s32 @p1 $0x1  }
0x15: {  	[smem:$0x3FB1] =	sst s0;
	s0 =	simm.s32 @!p2 $0x0  }
0x16: {  	s3 =	sld [smem:$0x3FDB];
	s0 =	simm.s32 @p2 $0x1  }
0x17: {  	s4 =	simm.s32 $0x1BF5;
	[smem:$0x3FB3] =	sst s0  }
0x18: {  	s0 =	sld [smem:$0x3F96];
	_ =	swait.ge [sflag:s4], $0x0  }
0x19: {  	s7 =	sld [smem:$0x3F97]  }
0x1a: {  	s8 =	sadd.s32 $0xFFFFE003, lr  }
0x1b: {  	s9 =	sadd.s32 $0xFFFFFEF7, lr;
	s5 =	simm.s32 $0xFFFFFFFF;
	p2 =	slt.u32 s8, $0xFFFFF086  }
0x1c: {  	p1 =	slt.u32 s9, $0xF7A;
	s5 =	simm.s32 @!p2 $0x0  }
0x1d: {  	s5 =	simm.s32 @p1 $0x1;
	p0 =	seq.s32 s7, s2  }
0x1e: {  	s7 =	smul.u32 @!p0 $0xF7A, s2;
	p2 =	seq.s32 @!p0 s5, $0x0  }
0x1f: {  	s9 =	smul.u32 $0xF7A, s1;
	s8 =	simm.s32 @!p0 $0x1BF5;
	p2 =	por !p2, p0  }
0x20: {  	[sflag:s8] =	ssyncset.s32 @!p0 $0xFFFFF086;
	s6 =	sadd.s32 @!p0 s3, s7;
	s7 =	simm.s32 @!p0 $0x108  }
0x21: {  	s3 =	sadd.s32 s3, s9;
	s6 =	sadd.s32 @!p0 $0x88, s6;
	s7 =	simm.s32 @p2 $0x1082  }
0x22: {  	[simem:s7], [sflag:s8] =	dma.local @!p0 [hbm:s6], $0xF7A  }
0x23: {  	s9 =	sor.u32 $0xD0000000, s2;
	s6 =	simm.s32 $0x108;
	_ =	swait.ge @!p0 [sflag:s8], $0x0  }
0x24: {  	s3 =	sadd.s32 $0x88, s3;
	s6 =	simm.s32 @!p1 $0x1082;
	[sflag:s4] =	ssyncset.s32 $0xFFFFF086  }
0x25: {  	[simem:s6], [sflag:s4] =	dma.local [hbm:s3], $0xF7A  }
0x26: {  	[smem:$0x3F97] =	sst s1;
	(tag) =	ssettag s2;
	_ =	strace s9  }
0x27: {  	s1 =	sld [smem:$0x3FA7]  }
0x28: {  	s2 =	sld [smem:$0x3FA8]  }
0x29: {  	s4 =	sld [smem:$0x3FAA]  }
0x2a: {  	p0 =	seq.s32 s5, $0x0;
	s5 =	sld [smem:$0x3FAB]  }
0x2b: {  	s6 =	sld [smem:$0x3FAC]  }
0x2c: {  	s7 =	sld [smem:$0x3FAD]  }
0x2d: {  	s3 =	simm.s32 $0x108;
	s8 =	sld [smem:$0x3FAE]  }
0x2e: {  	s3 =	simm.s32 @!p0 $0x1082;
	s9 =	sld [smem:$0x3FAF]  }
0x2f: {  	lr =	sadd.s32 s0, s3;
	s0 =	sld [smem:$0x3FA6]  }
0x30: {  	s3 =	sld [smem:$0x3FA9]  }
0x31: {  	[smem:$0x3FB2] =	sst s10  }
0x32: {  	s10 =	sld [smem:$0x3FB0];
	_ =	sdelay $0x3  }
0x33: {  	p0 =	seq.s32 s10, $0x1;
	s10 =	sld [smem:$0x3FB2];
	_ =	sdelay $0x3  }
0x34: {  	[smem:$0x3FB2] =	sst s10  }
0x35: {  	s10 =	sld [smem:$0x3FB1];
	_ =	sdelay $0x3  }
0x36: {  	p1 =	seq.s32 s10, $0x1;
	s10 =	sld [smem:$0x3FB2];
	_ =	sdelay $0x3  }
0x37: {  	[smem:$0x3FB2] =	sst s10  }
0x38: {  	s10 =	sld [smem:$0x3FB3]  }
0x39: {  	_ = 	snop;
	(pc) =	sbr.ind lr, $3  }
0x3a: {  	_ = 	snop  }
0x3b: {  	_ = 	snop  }
0x3c: {  	p2 =	seq.s32 s10, $0x1;
	s10 =	sld [smem:$0x3FB2]  }
0x3d: {  	_ =	shalt  }
0x3e: {  	_ =	shalt  }
0x3f: {  	_ =	shalt  }
0x40: {  	_ =	shalt  }
0x41: {  	_ =	shalt  }
0x42: {  	_ =	shalt  }
0x43: {  	_ =	shalt  }
0x44: {  	_ =	shalt  }
0x45: {  	_ =	shalt  }
0x46: {  	_ =	shalt  }
0x47: {  	_ =	shalt  }
0x48: {  	_ =	shalt  }
0x49: {  	_ =	shalt  }
0x4a: {  	_ =	shalt  }
0x4b: {  	_ =	shalt  }
0x4c: {  	_ =	shalt  }
0x4d: {  	_ =	shalt  }
0x4e: {  	_ =	shalt  }
0x4f: {  	_ =	shalt  }
0x50: {  	_ =	shalt  }
0x51: {  	_ =	shalt  }
0x52: {  	_ =	shalt  }
0x53: {  	_ =	shalt  }
0x54: {  	_ =	shalt  }
0x55: {  	_ =	shalt  }
0x56: {  	_ =	shalt  }
0x57: {  	_ =	shalt  }
0x58: {  	_ =	shalt  }
0x59: {  	_ =	shalt  }
0x5a: {  	_ =	shalt  }
0x5b: {  	_ =	shalt  }
0x5c: {  	_ =	shalt  }
0x5d: {  	_ =	shalt  }
0x5e: {  	_ =	shalt  }
0x5f: {  	_ =	shalt  }
0x60: {  	_ =	shalt  }
0x61: {  	_ =	shalt  }
0x62: {  	_ =	shalt  }
0x63: {  	_ =	shalt  }
0x64: {  	_ =	shalt  }
0x65: {  	_ =	shalt  }
0x66: {  	_ =	shalt  }
0x67: {  	_ =	shalt  }
0x68: {  	_ =	shalt  }
0x69: {  	_ =	shalt  }
0x6a: {  	_ =	shalt  }
0x6b: {  	_ =	shalt  }
0x6c: {  	_ =	shalt  }
0x6d: {  	_ =	shalt  }
0x6e: {  	_ =	shalt  }
0x6f: {  	_ =	shalt  }
0x70: {  	_ =	shalt  }
0x71: {  	_ =	shalt  }
0x72: {  	_ =	shalt  }
0x73: {  	_ =	shalt  }
0x74: {  	_ =	shalt  }
0x75: {  	_ =	shalt  }
0x76: {  	_ =	shalt  }
0x77: {  	_ =	shalt  }
0x78: {  	_ =	shalt  }
0x79: {  	_ =	shalt  }
0x7a: {  	_ =	shalt  }
0x7b: {  	_ =	shalt  }
0x7c: {  	_ =	shalt  }
0x7d: {  	_ =	shalt  }
0x7e: {  	_ =	shalt  }
0x7f: {  	_ =	shalt  }
0x80: {  	_ =	shalt  }
0x81: {  	_ =	shalt  }
0x82: {  	_ =	shalt  }
0x83: {  	_ =	shalt  }
0x84: {  	_ =	shalt  }
0x85: {  	_ =	shalt  }
0x86: {  	_ =	shalt  }
0x87: {  	_ =	shalt  }
.Lfunc_end0:
.L_simem_size_0:
called_computation.1_lowered:
.L_overlay_start_0:
0x88: {  	s2 =	sld [smem:$0x3FD9]  }
0x89: {  	s3 =	sld [smem:$0x3FFE];
	_ =	sdelay $0x1  }
0x8a: {  	s1 =	srdreg.scid  }
0x8b: {  	s0 =	sand.u32 $0x1, s1  }
0x8c: {  	s17 =	sshll.u32 s0, $0xA;
	s2 =	sadd.s32 s3, s2  }
0x8d: {  	s2 =	sadd.s32 s2, s17  }
0x8e: {  	[smem:$0x3FBE] =	sst s2  }
0x8f: {  	_ = 	snop  }
0x90: {  	s2 =	sld [smem:$0x3FD0];
	(tm) =	ssettm $0x1  }
0x91: {  	s18 =	sld [smem:$0x3FFB];
	_ =	sdelay $0x3  }
0x92: {  	_ =	strace s18  }
0x93: {  	s3 =	sld [smem:$0x3FFC];
	_ =	sdelay $0x3  }
0x94: {  	_ =	strace s3  }
0x95: {  	s3 =	sld [smem:$0x3FFD];
	_ =	sdelay $0x3  }
0x96: {  	_ =	strace s3  }
0x97: {  	_ =	strace $0x8FFFFFFF  }
0x98: {  	s19 =	sld [smem:$0x3FDB];
	_ =	sdelay $0x1  }
0x99: {  	s4 =	simm.s32 $_scs_section_size  }
0x9a: {  	s5 =	simm.s32 $_size__tile_overlayer_lowered;
	s6 =	simm.s32 $_tile_overlayer_lowered  }
0x9b: {  	s22 =	simm.s32 $0x1BFF;
	s21 =	sshll.u32 s6, $0x1;
	s3 =	sadd.s32 s4, s19  }
0x9c: {  	s7 =	simm.s32 $0x0;
	s20 =	sshll.u32 s5, $0x1;
	s5 =	sadd.s32 s21, s3  }
0x9d: {  	[timem:s7], [sflag:s22] =	dma.local [hbm:s5], s20  }
0x9e: {  	_ =	swait.ge [sflag:s22], s20  }
0x9f: {  	s4 =	ssub.s32 $0x0, s20;
	[sflag:s22] =	ssyncset.done $0x0  }
0xa0: {  	[sflag:s22] =	ssyncadd.s32 s4;
	_ =	sdelay $0x1  }
0xa1: {  	s23 =	simm.s32 $0x1B8B  }
0xa2: {  	_ =	swait.ge [sflag:s23], $0x1  }
0xa3: {  	[sflag:s23] =	ssyncset.done $0x0  }
0xa4: {  	s25 =	simm.s32 $0x1B8E;
	s24 =	sld [smem:$0x3FFE];
	[sflag:s23] =	ssyncadd.s32 $0xFFFFFFFF  }
0xa5: {  	s26 =	simm.s32 $execute0_lowered;
	[smem:$0x3FD2] =	sst s25  }
0xa6: {  	s5 =	sshll.u32 s26, $0x1;
	_ =	strace $0x80000049;
	[dreg:$0x1] =	wrdreg $0xFFFFFFFF  }
0xa7: {  	s28 =	simm.s32 $_size_execute0_lowered;
	s3 =	sadd.s32 s3, s5;
	[dreg:$0x0] =	wrdreg $0x0  }
0xa8: {  	s5 =	sshll.u32 s28, $0x1;
	[dreg:$0x2] =	wrdreg s3  }
0xa9: {  	[dreg:$0x3] =	wrdreg s5  }
0xaa: {  	[dreg:$0x4] =	wrdreg $0xC0  }
0xab: {  	_ =	task [dreg:s7], $0x5FFFF  }
0xac: {  	[dreg:$0x1] =	wrdreg $0xFFFFFFFF  }
0xad: {  	[dreg:$0x0] =	wrdreg $0x60  }
0xae: {  	[dreg:$0x2] =	wrdreg s24  }
0xaf: {  	[dreg:$0x3] =	wrdreg s2  }
0xb0: {  	[dreg:$0x4] =	wrdreg $0xA8000  }
0xb1: {  	[dreg:$0x5] =	wrdreg $0x9  }
0xb2: {  	_ =	task.clear_ibuf [dreg:s7], $0x6FFFF;
	_ =	strace $0x90000049  }
0xb3: {  	s29 =	simm.s32 $0x9;
	_ =	strace $0x8000004B  }
0xb4: {  	_ =	swait.ge [sflag:s29], $0x1  }
0xb5: {  	[sflag:s29] =	ssyncadd.s32 $0xFFFFFFFF  }
0xb6: {  	_ =	strace $0x9000004B  }
0xb7: {  	_ =	sfence  }
0xb8: {  	s30 =	sld [smem:$0x0];
	_ =	sdelay $0x2  }
0xb9: {  	s31 =	sshll.u32 s1, $0xD;
	s1 =	sshrl.u32 s1, $0x2  }
0xba: {  	s3 =	sand.u32 $0x4000, s31;
	s1 =	sadd.s32 s1, s30  }
0xbb: {  	s0 =	sor.u32 s3, s0;
	s1 =	sshll.u32 s1, $0x11  }
0xbc: {  	s0 =	sor.u32 s1, s0  }
0xbd: {  	s0 =	sadd.s32 $0x8F2B, s0  }
0xbe: {  	[sflag:s0] =	ssyncadd.remote.s32 $0x1  }
0xbf: {  	_ =	sfence.sel $0xFFFF  }
0xc0: {  	[dreg:$0x0] =	wrdreg $0xFFFFFFFF;
	(pc) =	sbr.abs _section_cstart, $3  }
0xc1: {  	[dreg:$0x1] =	wrdreg $0xFFFFFFFF  }
0xc2: {  	_ =	task.clear_ibuf [dreg:s7], $0x2FFFF;
	_ =	strace $0x9FFFFFFF  }
0xc3: {  	(tm) =	ssettm $0x7FFFFFFF  }
tec
execute0_lowered:
.L_overlay_start_1:
0x0: {  	(tag) =	ssettag $0x1  }
0x1: {  	s0 =	rddreg [dreg:$0x0]  }
0x2: {  	s1 =	rddreg [dreg:$0x1]  }
0x3: {  	s2 =	rddreg [dreg:$0x2];
	s9 =	stileid.u32;
	s3 =	simm.s32 $0x0  }
0x4: {  	s4 =	srdreg.scid;
	s23 =	simm.s32 $0x3;
	s28 =	simm.s32 $0x6800  }
0x5: {  	s29 =	simm.s32 $0x1;
	s30 =	simm.s32 $0x2;
	s24 =	smul.u32 $0x500, s9  }
0x6: {  	s31 =	simm.s32 $0x0;
	[smem:$0x7FF] =	sst s3;
	s5 =	smul.u32 $0x280, s9  }
0x7: {  	s11 =	sand.u32 $0x1, s4;
	s4 =	sadd.s32 $0x8800, s0;
	s25 =	smul.u32 $0x50000, s9  }
0x8: {  	_ =	strace $0x8000004A;
	s6 =	smul.u32 $0x2800, s11;
	s7 =	ssub.s32 $0x2, s11  }
0x9: {  	s22 =	smul.u32 $0x5000, s11;
	s15 =	sadd.s32 s24, s0;
	s8 =	sshrl.u32 s7, $0x1  }
0xa: {  	s0 =	sadd.s32 $0x58800, s0;
	s5 =	sadd.s32 s5, s6;
	s21 =	ssub.s32 s7, s8  }
0xb: {  	s6 =	sshrl.u32 s25, $0x2;
	s1 =	sadd.s32 s1, s22;
	s15 =	sadd.s32 $0x3800, s15  }
0xc: {  	s22 =	simm.s32 $0x2800;
	s25 =	simm.s32 $0x1400;
	s16 =	sshll.u32 s5, $0x4  }
0xd: {  	s6 =	sadd.s32 s6, s2;
	s21 =	smax.u32 s21, $0x1;
	s24 =	sadd.s32 s24, s1  }
0xe: {  	s5 =	sadd.s32 s4, s16;
	s17 =	sadd.s32 $0x800, s16;
	s18 =	sadd.s32 $0x1000, s16  }
0xf: {  	s8 =	sadd.s32 $0x4000, s6;
	s10 =	sadd.s32 $0x8000, s6;
	s19 =	sadd.s32 $0x1800, s16  }
0x10: {  	s20 =	sadd.s32 $0x2000, s16;
	s12 =	sadd.s32 $0xC000, s6;
	s14 =	sadd.s32 $0x10000, s6  }
0x11: {  	s16 =	sadd.s32 s0, s16;
	[dreg:$0x4] =	wrdreg s5;
	s26 =	sadd.s32 s4, s17  }
0x12: {  	s9 =	sadd.s32 s4, s18;
	s11 =	sadd.s32 s4, s19;
	s13 =	sadd.s32 s4, s20  }
0x13: {  	s17 =	sadd.s32 s0, s17;
	s18 =	sadd.s32 s0, s18;
	s19 =	sadd.s32 s0, s19  }
0x14: {  	s20 =	sadd.s32 s0, s20;
	[dreg:$0x5] =	wrdreg s26;
	s26 =	simm.s32 $0x80  }
.LBB2_1:
0x15: {  	s0 =	rddreg [dreg:$0x4]  }
0x16: {  	[tilespmem:s22], [sflag:$0x3] =	stream.linear.gather [hbm4b:s0+s3], $0x4000, $0x38;
	[tilespmem:$0x1E800] =	vst v63  }
0x17: {  	_ =	swait.ge [sflag:s23], $0x4000  }
0x18: {  	[sflag:s23] =	ssyncset.done $0x0  }
0x19: {  	[sflag:s23] =	ssyncadd.s32 $0xFFFFC000  }
0x1a: {  	[spmem:s6] =	stream.linear.scatter [tilespmem:s22], [sflag:$0x3], $0x4000, $0x38;
	[tilespmem:$0x1E800] =	vst v63  }
0x1b: {  	_ =	swait.ge [sflag:s23], $0x4000  }
0x1c: {  	[sflag:s23] =	ssyncset.done $0x0  }
0x1d: {  	s5 =	rddreg [dreg:$0x5];
	[sflag:s23] =	ssyncadd.s32 $0xFFFFC000  }
0x1e: {  	[tilespmem:s22], [sflag:$0x3] =	stream.linear.gather [hbm4b:s5+s3], $0x4000, $0x38;
	[tilespmem:$0x1E800] =	vst v63  }
0x1f: {  	_ =	swait.ge [sflag:s23], $0x4000  }
0x20: {  	[sflag:s23] =	ssyncset.done $0x0  }
0x21: {  	[sflag:s23] =	ssyncadd.s32 $0xFFFFC000  }
0x22: {  	[spmem:s8] =	stream.linear.scatter [tilespmem:s22], [sflag:$0x3], $0x4000, $0x38;
	[tilespmem:$0x1E800] =	vst v63  }
0x23: {  	_ =	swait.ge [sflag:s23], $0x4000  }
0x24: {  	[sflag:s23] =	ssyncset.done $0x0  }
0x25: {  	[sflag:s23] =	ssyncadd.s32 $0xFFFFC000  }
0x26: {  	[tilespmem:s22], [sflag:$0x3] =	stream.linear.gather [hbm4b:s9+s3], $0x4000, $0x38;
	[tilespmem:$0x1E800] =	vst v63  }
0x27: {  	_ =	swait.ge [sflag:s23], $0x4000  }
0x28: {  	[sflag:s23] =	ssyncset.done $0x0  }
0x29: {  	[sflag:s23] =	ssyncadd.s32 $0xFFFFC000  }
0x2a: {  	[spmem:s10] =	stream.linear.scatter [tilespmem:s22], [sflag:$0x3], $0x4000, $0x38;
	[tilespmem:$0x1E800] =	vst v63  }
0x2b: {  	_ =	swait.ge [sflag:s23], $0x4000  }
0x2c: {  	[sflag:s23] =	ssyncset.done $0x0  }
0x2d: {  	[sflag:s23] =	ssyncadd.s32 $0xFFFFC000  }
0x2e: {  	[tilespmem:s22], [sflag:$0x3] =	stream.linear.gather [hbm4b:s11+s3], $0x4000, $0x38;
	[tilespmem:$0x1E800] =	vst v63  }
0x2f: {  	_ =	swait.ge [sflag:s23], $0x4000  }
0x30: {  	[sflag:s23] =	ssyncset.done $0x0  }
0x31: {  	[sflag:s23] =	ssyncadd.s32 $0xFFFFC000  }
0x32: {  	[spmem:s12] =	stream.linear.scatter [tilespmem:s22], [sflag:$0x3], $0x4000, $0x38;
	[tilespmem:$0x1E800] =	vst v63  }
0x33: {  	_ =	swait.ge [sflag:s23], $0x4000  }
0x34: {  	[sflag:s23] =	ssyncset.done $0x0  }
0x35: {  	[sflag:s23] =	ssyncadd.s32 $0xFFFFC000  }
0x36: {  	[tilespmem:s22], [sflag:$0x3] =	stream.linear.gather [hbm4b:s13+s3], $0x4000, $0x38;
	[tilespmem:$0x1E800] =	vst v63  }
0x37: {  	_ =	swait.ge [sflag:s23], $0x4000  }
0x38: {  	[sflag:s23] =	ssyncset.done $0x0  }
0x39: {  	[sflag:s23] =	ssyncadd.s32 $0xFFFFC000  }
0x3a: {  	[spmem:s14] =	stream.linear.scatter [tilespmem:s22], [sflag:$0x3], $0x4000, $0x38;
	[tilespmem:$0x1E800] =	vst v63  }
0x3b: {  	_ =	swait.ge [sflag:s23], $0x4000  }
0x3c: {  	[sflag:s23] =	ssyncset.done $0x0  }
0x3d: {  	[sflag:s23] =	ssyncadd.s32 $0xFFFFC000  }
0x3e: {  	[bflag:$0x0] =	sbarrier.arrive $0xFFFF  }
0x3f: {  	[tilespmem:s3], [sflag:$0x3] =	stream.linear.gather [hbm4b:s24+s3], $0x1400, $0x38;
	[tilespmem:$0x1E800] =	vst v63  }
0x40: {  	_ =	swait.ge [sflag:s23], $0x1400  }
0x41: {  	[sflag:s23] =	ssyncset.done $0x0  }
0x42: {  	[sflag:s23] =	ssyncadd.s32 $0xFFFFEC00  }
0x43: {  	[tilespmem:s25], [sflag:$0x3] =	stream.linear.gather [hbm4b:s15+s3], $0x1400, $0x38;
	[tilespmem:$0x1E800] =	vst v63  }
0x44: {  	_ =	swait.ge [sflag:s23], $0x1400  }
0x45: {  	[sflag:s23] =	ssyncset.done $0x0  }
0x46: {  	s7 =	simm.s32 $0x0;
	[sflag:s23] =	ssyncadd.s32 $0xFFFFEC00  }
0x47: {  	[tilespmem:s22], [sflag:$0x1] =	stream.indirect.gather [hbm4b:s4+s26], $0x80, s7, s26, $0xb8;
	[tilespmem:$0x1E800] =	vst v63  }
0x48: {  	s1 =	simm.s32 $0x80  }
0x49: {  	[tilespmem:s28], [sflag:$0x2] =	stream.indirect.gather [hbm4b:s4+s26], $0x80, s1, s26, $0xb8;
	[tilespmem:$0x1E800] =	vst v63  }
0x4a: {  	_ =	swait.ge [sflag:s29], $0x4000  }
0x4b: {  	[sflag:s29] =	ssyncset.done $0x0  }
0x4c: {  	s5 =	simm.s32 $0x1400;
	[sflag:s29] =	ssyncadd.s32 $0xFFFFC000  }
0x4d: {  	[spmem:s2] =	stream.indirect.scatter.add.f32 [tilespmem:s22], [sflag:$0x3], $0x80, s5, s26, $0xb8;
	[tilespmem:$0x1E800] =	vst v63  }
0x4e: {  	_ =	swait.ge [sflag:s23], $0x4000  }
0x4f: {  	[sflag:s23] =	ssyncset.done $0x0  }
0x50: {  	[sflag:s23] =	ssyncadd.s32 $0xFFFFC000  }
0x51: {  	_ =	swait.ge [sflag:s30], $0x4000  }
0x52: {  	[sflag:s30] =	ssyncset.done $0x0  }
0x53: {  	s7 =	simm.s32 $0x1480;
	[sflag:s30] =	ssyncadd.s32 $0xFFFFC000  }
0x54: {  	[spmem:s2] =	stream.indirect.scatter.add.f32 [tilespmem:s28], [sflag:$0x3], $0x80, s7, s26, $0xb8;
	[tilespmem:$0x1E800] =	vst v63  }
0x55: {  	_ =	swait.ge [sflag:s23], $0x4000  }
0x56: {  	s0 =	simm.s32 $0x400;
	s1 =	simm.s32 $0x800;
	[sflag:s23] =	ssyncset.done $0x0  }
.LBB2_2:
0x57: {  	s5 =	sshra.s32 s0, $0x2  }
0x58: {  	[sflag:s23] =	ssyncadd.s32 $0xFFFFC000;
	s0 =	smov.u32 s1;
	s7 =	sadd.s32 $0x400, s1  }
0x59: {  	[tilespmem:s22], [sflag:$0x1] =	stream.indirect.gather [hbm4b:s4+s26], $0x80, s5, s26, $0xb8;
	[tilespmem:$0x1E800] =	vst v63  }
0x5a: {  	p0 =	sne.s32 s1, $0x4C00;
	s1 =	sadd.s32 $0x80, s5  }
0x5b: {  	[tilespmem:s28], [sflag:$0x2] =	stream.indirect.gather [hbm4b:s4+s26], $0x80, s1, s26, $0xb8;
	[tilespmem:$0x1E800] =	vst v63  }
0x5c: {  	_ =	swait.ge [sflag:s29], $0x4000  }
0x5d: {  	[sflag:s29] =	ssyncset.done $0x0  }
0x5e: {  	s1 =	sadd.s32 $0x1400, s5;
	[sflag:s29] =	ssyncadd.s32 $0xFFFFC000  }
0x5f: {  	[spmem:s2] =	stream.indirect.scatter.add.f32 [tilespmem:s22], [sflag:$0x3], $0x80, s1, s26, $0xb8;
	[tilespmem:$0x1E800] =	vst v63  }
0x60: {  	_ =	swait.ge [sflag:s23], $0x4000  }
0x61: {  	[sflag:s23] =	ssyncset.done $0x0  }
0x62: {  	[sflag:s23] =	ssyncadd.s32 $0xFFFFC000  }
0x63: {  	_ =	swait.ge [sflag:s30], $0x4000  }
.Ltmp0:
0x64: {  	[sflag:s30] =	ssyncset.done $0x0;
	(pc) =	sbr.rel @p0 .LBB2_2-.Ltmp0, $4  }
0x65: {  	s1 =	sadd.s32 $0x1480, s5;
	[sflag:s30] =	ssyncadd.s32 $0xFFFFC000  }
0x66: {  	[spmem:s2] =	stream.indirect.scatter.add.f32 [tilespmem:s28], [sflag:$0x3], $0x80, s1, s26, $0xb8;
	[tilespmem:$0x1E800] =	vst v63  }
0x67: {  	_ =	swait.ge [sflag:s23], $0x4000  }
0x68: {  	s1 =	smov.u32 s7;
	[sflag:s23] =	ssyncset.done $0x0  }
0x69: {  	s0 =	sshra.s32 s0, $0x2;
	[sflag:s23] =	ssyncadd.s32 $0xFFFFC000  }
0x6a: {  	[tilespmem:s22], [sflag:$0x1] =	stream.indirect.gather [hbm4b:s4+s26], $0x80, s0, s26, $0xb8;
	[tilespmem:$0x1E800] =	vst v63  }
0x6b: {  	s1 =	sadd.s32 $0x80, s0  }
0x6c: {  	[tilespmem:s28], [sflag:$0x2] =	stream.indirect.gather [hbm4b:s4+s26], $0x80, s1, s26, $0xb8;
	[tilespmem:$0x1E800] =	vst v63  }
0x6d: {  	_ =	swait.ge [sflag:s29], $0x4000  }
0x6e: {  	[sflag:s29] =	ssyncset.done $0x0  }
0x6f: {  	s7 =	sadd.s32 $0x1400, s0;
	[sflag:s29] =	ssyncadd.s32 $0xFFFFC000  }
0x70: {  	[spmem:s2] =	stream.indirect.scatter.add.f32 [tilespmem:s22], [sflag:$0x3], $0x80, s7, s26, $0xb8;
	[tilespmem:$0x1E800] =	vst v63  }
0x71: {  	_ =	swait.ge [sflag:s23], $0x4000  }
0x72: {  	[sflag:s23] =	ssyncset.done $0x0  }
0x73: {  	[sflag:s23] =	ssyncadd.s32 $0xFFFFC000  }
0x74: {  	_ =	swait.ge [sflag:s30], $0x4000  }
0x75: {  	[sflag:s30] =	ssyncset.done $0x0  }
0x76: {  	s0 =	sadd.s32 $0x1480, s0;
	[sflag:s30] =	ssyncadd.s32 $0xFFFFC000  }
0x77: {  	[spmem:s2] =	stream.indirect.scatter.add.f32 [tilespmem:s28], [sflag:$0x3], $0x80, s0, s26, $0xb8;
	[tilespmem:$0x1E800] =	vst v63  }
0x78: {  	_ =	swait.ge [sflag:s23], $0x4000  }
0x79: {  	[sflag:s23] =	ssyncset.done $0x0  }
0x7a: {  	s5 =	sadd.s32 $0x280, s24;
	s7 =	simm.s32 $0x0;
	[sflag:s23] =	ssyncadd.s32 $0xFFFFC000  }
0x7b: {  	[tilespmem:s7], [sflag:$0x3] =	stream.linear.gather [hbm4b:s5+s7], $0x1400, $0x38;
	[tilespmem:$0x1E800] =	vst v63  }
0x7c: {  	_ =	swait.ge [sflag:s23], $0x1400  }
0x7d: {  	[sflag:s23] =	ssyncset.done $0x0  }
0x7e: {  	s5 =	sadd.s32 $0x280, s15;
	[sflag:s23] =	ssyncadd.s32 $0xFFFFEC00  }
0x7f: {  	[tilespmem:s25], [sflag:$0x3] =	stream.linear.gather [hbm4b:s5+s7], $0x1400, $0x38;
	[tilespmem:$0x1E800] =	vst v63  }
0x80: {  	_ =	swait.ge [sflag:s23], $0x1400  }
0x81: {  	[sflag:s23] =	ssyncset.done $0x0  }
0x82: {  	s7 =	simm.s32 $0x0;
	[sflag:s23] =	ssyncadd.s32 $0xFFFFEC00  }
0x83: {  	[tilespmem:s22], [sflag:$0x1] =	stream.indirect.gather [hbm4b:s4+s26], $0x80, s7, s26, $0xb8;
	[tilespmem:$0x1E800] =	vst v63  }
0x84: {  	s1 =	simm.s32 $0x80  }
0x85: {  	[tilespmem:s28], [sflag:$0x2] =	stream.indirect.gather [hbm4b:s4+s26], $0x80, s1, s26, $0xb8;
	[tilespmem:$0x1E800] =	vst v63  }
0x86: {  	_ =	swait.ge [sflag:s29], $0x4000  }
0x87: {  	[sflag:s29] =	ssyncset.done $0x0  }
0x88: {  	s5 =	simm.s32 $0x1400;
	[sflag:s29] =	ssyncadd.s32 $0xFFFFC000  }
0x89: {  	[spmem:s2] =	stream.indirect.scatter.add.f32 [tilespmem:s22], [sflag:$0x3], $0x80, s5, s26, $0xb8;
	[tilespmem:$0x1E800] =	vst v63  }
0x8a: {  	_ =	swait.ge [sflag:s23], $0x4000  }
0x8b: {  	[sflag:s23] =	ssyncset.done $0x0  }
0x8c: {  	[sflag:s23] =	ssyncadd.s32 $0xFFFFC000  }
0x8d: {  	_ =	swait.ge [sflag:s30], $0x4000  }
0x8e: {  	[sflag:s30] =	ssyncset.done $0x0  }
0x8f: {  	s7 =	simm.s32 $0x1480;
	[sflag:s30] =	ssyncadd.s32 $0xFFFFC000  }
0x90: {  	[spmem:s2] =	stream.indirect.scatter.add.f32 [tilespmem:s28], [sflag:$0x3], $0x80, s7, s26, $0xb8;
	[tilespmem:$0x1E800] =	vst v63  }
0x91: {  	_ =	swait.ge [sflag:s23], $0x4000  }
0x92: {  	s0 =	simm.s32 $0x400;
	s1 =	simm.s32 $0x800;
	[sflag:s23] =	ssyncset.done $0x0  }
.LBB2_4:
0x93: {  	s5 =	sshra.s32 s0, $0x2  }
0x94: {  	[sflag:s23] =	ssyncadd.s32 $0xFFFFC000;
	s0 =	smov.u32 s1;
	s7 =	sadd.s32 $0x400, s1  }
0x95: {  	[tilespmem:s22], [sflag:$0x1] =	stream.indirect.gather [hbm4b:s4+s26], $0x80, s5, s26, $0xb8;
	[tilespmem:$0x1E800] =	vst v63  }
0x96: {  	p0 =	sne.s32 s1, $0x4C00;
	s1 =	sadd.s32 $0x80, s5  }
0x97: {  	[tilespmem:s28], [sflag:$0x2] =	stream.indirect.gather [hbm4b:s4+s26], $0x80, s1, s26, $0xb8;
	[tilespmem:$0x1E800] =	vst v63  }
0x98: {  	_ =	swait.ge [sflag:s29], $0x4000  }
0x99: {  	[sflag:s29] =	ssyncset.done $0x0  }
0x9a: {  	s1 =	sadd.s32 $0x1400, s5;
	[sflag:s29] =	ssyncadd.s32 $0xFFFFC000  }
0x9b: {  	[spmem:s2] =	stream.indirect.scatter.add.f32 [tilespmem:s22], [sflag:$0x3], $0x80, s1, s26, $0xb8;
	[tilespmem:$0x1E800] =	vst v63  }
0x9c: {  	_ =	swait.ge [sflag:s23], $0x4000  }
0x9d: {  	[sflag:s23] =	ssyncset.done $0x0  }
0x9e: {  	[sflag:s23] =	ssyncadd.s32 $0xFFFFC000  }
0x9f: {  	_ =	swait.ge [sflag:s30], $0x4000  }
.Ltmp1:
0xa0: {  	[sflag:s30] =	ssyncset.done $0x0;
	(pc) =	sbr.rel @p0 .LBB2_4-.Ltmp1, $4  }
0xa1: {  	s1 =	sadd.s32 $0x1480, s5;
	[sflag:s30] =	ssyncadd.s32 $0xFFFFC000  }
0xa2: {  	[spmem:s2] =	stream.indirect.scatter.add.f32 [tilespmem:s28], [sflag:$0x3], $0x80, s1, s26, $0xb8;
	[tilespmem:$0x1E800] =	vst v63  }
0xa3: {  	_ =	swait.ge [sflag:s23], $0x4000  }
0xa4: {  	s1 =	smov.u32 s7;
	[sflag:s23] =	ssyncset.done $0x0  }
0xa5: {  	s0 =	sshra.s32 s0, $0x2;
	[sflag:s23] =	ssyncadd.s32 $0xFFFFC000  }
0xa6: {  	[tilespmem:s22], [sflag:$0x1] =	stream.indirect.gather [hbm4b:s4+s26], $0x80, s0, s26, $0xb8;
	[tilespmem:$0x1E800] =	vst v63  }
0xa7: {  	s1 =	sadd.s32 $0x80, s0  }
0xa8: {  	[tilespmem:s28], [sflag:$0x2] =	stream.indirect.gather [hbm4b:s4+s26], $0x80, s1, s26, $0xb8;
	[tilespmem:$0x1E800] =	vst v63  }
0xa9: {  	_ =	swait.ge [sflag:s29], $0x4000  }
0xaa: {  	[sflag:s29] =	ssyncset.done $0x0  }
0xab: {  	s7 =	sadd.s32 $0x1400, s0;
	[sflag:s29] =	ssyncadd.s32 $0xFFFFC000  }
0xac: {  	[spmem:s2] =	stream.indirect.scatter.add.f32 [tilespmem:s22], [sflag:$0x3], $0x80, s7, s26, $0xb8;
	[tilespmem:$0x1E800] =	vst v63  }
0xad: {  	_ =	swait.ge [sflag:s23], $0x4000  }
0xae: {  	[sflag:s23] =	ssyncset.done $0x0  }
0xaf: {  	[sflag:s23] =	ssyncadd.s32 $0xFFFFC000  }
0xb0: {  	_ =	swait.ge [sflag:s30], $0x4000  }
0xb1: {  	[sflag:s30] =	ssyncset.done $0x0  }
0xb2: {  	s0 =	sadd.s32 $0x1480, s0;
	[sflag:s30] =	ssyncadd.s32 $0xFFFFC000  }
0xb3: {  	[spmem:s2] =	stream.indirect.scatter.add.f32 [tilespmem:s28], [sflag:$0x3], $0x80, s0, s26, $0xb8;
	[tilespmem:$0x1E800] =	vst v63  }
0xb4: {  	_ =	swait.ge [sflag:s23], $0x4000  }
0xb5: {  	[sflag:s23] =	ssyncset.done $0x0  }
0xb6: {  	[sflag:s23] =	ssyncadd.s32 $0xFFFFC000  }
0xb7: {  	[bflag:$0x0] =	sbarrier.arrive $0xFFFF  }
0xb8: {  	[tilespmem:s22], [sflag:$0x3] =	stream.linear.gather [spmem:s6], $0x4000, $0x38;
	[tilespmem:$0x1E800] =	vst v63  }
0xb9: {  	_ =	swait.ge [sflag:s23], $0x4000  }
0xba: {  	[sflag:s23] =	ssyncset.done $0x0  }
0xbb: {  	[sflag:s23] =	ssyncadd.s32 $0xFFFFC000  }
0xbc: {  	[hbm4b:s16+s3] =	stream.linear.scatter [tilespmem:s22], [sflag:$0x3], $0x4000, $0x38;
	[tilespmem:$0x1E800] =	vst v63  }
0xbd: {  	_ =	swait.ge [sflag:s23], $0x4000  }
0xbe: {  	[sflag:s23] =	ssyncset.done $0x0  }
0xbf: {  	[sflag:s23] =	ssyncadd.s32 $0xFFFFC000  }
0xc0: {  	[tilespmem:s22], [sflag:$0x3] =	stream.linear.gather [spmem:s8], $0x4000, $0x38;
	[tilespmem:$0x1E800] =	vst v63  }
0xc1: {  	_ =	swait.ge [sflag:s23], $0x4000  }
0xc2: {  	[sflag:s23] =	ssyncset.done $0x0  }
0xc3: {  	[sflag:s23] =	ssyncadd.s32 $0xFFFFC000  }
0xc4: {  	[hbm4b:s17+s3] =	stream.linear.scatter [tilespmem:s22], [sflag:$0x3], $0x4000, $0x38;
	[tilespmem:$0x1E800] =	vst v63  }
0xc5: {  	_ =	swait.ge [sflag:s23], $0x4000  }
0xc6: {  	[sflag:s23] =	ssyncset.done $0x0  }
0xc7: {  	[sflag:s23] =	ssyncadd.s32 $0xFFFFC000  }
0xc8: {  	[tilespmem:s22], [sflag:$0x3] =	stream.linear.gather [spmem:s10], $0x4000, $0x38;
	[tilespmem:$0x1E800] =	vst v63  }
0xc9: {  	_ =	swait.ge [sflag:s23], $0x4000  }
0xca: {  	[sflag:s23] =	ssyncset.done $0x0  }
0xcb: {  	[sflag:s23] =	ssyncadd.s32 $0xFFFFC000  }
0xcc: {  	[hbm4b:s18+s3] =	stream.linear.scatter [tilespmem:s22], [sflag:$0x3], $0x4000, $0x38;
	[tilespmem:$0x1E800] =	vst v63  }
0xcd: {  	_ =	swait.ge [sflag:s23], $0x4000  }
0xce: {  	[sflag:s23] =	ssyncset.done $0x0  }
0xcf: {  	[sflag:s23] =	ssyncadd.s32 $0xFFFFC000  }
0xd0: {  	[tilespmem:s22], [sflag:$0x3] =	stream.linear.gather [spmem:s12], $0x4000, $0x38;
	[tilespmem:$0x1E800] =	vst v63  }
0xd1: {  	_ =	swait.ge [sflag:s23], $0x4000  }
0xd2: {  	[sflag:s23] =	ssyncset.done $0x0  }
0xd3: {  	[sflag:s23] =	ssyncadd.s32 $0xFFFFC000  }
0xd4: {  	[hbm4b:s19+s3] =	stream.linear.scatter [tilespmem:s22], [sflag:$0x3], $0x4000, $0x38;
	[tilespmem:$0x1E800] =	vst v63  }
0xd5: {  	_ =	swait.ge [sflag:s23], $0x4000  }
0xd6: {  	[sflag:s23] =	ssyncset.done $0x0  }
0xd7: {  	[sflag:s23] =	ssyncadd.s32 $0xFFFFC000  }
0xd8: {  	[tilespmem:s22], [sflag:$0x3] =	stream.linear.gather [spmem:s14], $0x4000, $0x38;
	[tilespmem:$0x1E800] =	vst v63  }
0xd9: {  	s31 =	sadd.s32 $0x1, s31;
	_ =	swait.ge [sflag:s23], $0x4000  }
0xda: {  	p0 =	sne.s32 s31, s21;
	[sflag:s23] =	ssyncset.done $0x0  }
.Ltmp2:
0xdb: {  	[sflag:s23] =	ssyncadd.s32 $0xFFFFC000;
	(pc) =	sbr.rel @p0 .LBB2_1-.Ltmp2, $4  }
0xdc: {  	[hbm4b:s20+s3] =	stream.linear.scatter [tilespmem:s22], [sflag:$0x3], $0x4000, $0x38;
	[tilespmem:$0x1E800] =	vst v63  }
0xdd: {  	_ =	swait.ge [sflag:s23], $0x4000  }
0xde: {  	[sflag:s23] =	ssyncset.done $0x0  }
0xdf: {  	[sflag:s23] =	ssyncadd.s32 $0xFFFFC000  }
0xe0: {  	_ =	sfence.sel $0x180000  }
0xe1: {  	[bflag:$0x0] =	sbarrier.arrive $0xFFFF  }
0xe2: {  	_ =	strace $0x9000004A  }
0xe3: {  	s0 =	stileid.u32;
	[bflag:$0x2] =	sbarrier.arrive $0xFFFF  }
0xe4: {  	p0 =	sne.s32 s0, $0x0;
	s0 =	rddreg [dreg:$0x3]  }
0xe5: {  	s0 =	sadd.s32 @!p0 $0x100000, s0  }
0xe6: {  	[sflag:s0] =	ssyncadd.tile.s32 @!p0 $0x1;
	_ =	shalt  }
.Lfunc_end2:
_tile_overlayer_lowered:
.L_overlay_start_2:
0xe7: {  	(tag) =	ssettag $0x2  }
0xe8: {  	s0 =	rddreg [dreg:$0x0];
	s2 =	stileid.u32  }
0xe9: {  	s1 =	rddreg [dreg:$0x1];
	p0 =	sne.s32 s2, $0x0  }
0xea: {  	s3 =	rddreg [dreg:$0x2];
	[bflag:$0x3] =	sbarrier.arrive $0xFFFF;
	s2 =	simm.s32 @!p0 $0x1C03  }
0xeb: {  	[timem:s3], [sflag:s2] =	dma.local @!p0 [hbm:s0], s1  }
0xec: {  	s0 =	simm.s32 @!p0 $0x3  }
0xed: {  	_ =	swait.ge @!p0 [sflag:s0], s1  }
0xee: {  	s1 =	ssub.s32 @!p0 $0x0, s1;
	[sflag:s0] =	ssyncset.done @!p0 $0x0  }
0xef: {  	[sflag:s0] =	ssyncadd.s32 @!p0 s1  }
0xf0: {  	[bflag:$0x3] =	sbarrier.arrive $0xFFFF  }
0xf1: {  	_ =	shalt  }

// kernel: kernel.22.cloned.1.call-start
scs
__scs_entry_jumppad:
0x0: {  	(pc) =	sbr.rel $0x88, $3  }
0x1: {  	(tag) =	ssettag $0x0;
	lr =	simm.s32 $0x1  }
0x2: {  	[smem:$0x3F97] =	sst lr;
	_ =	strace $0xD0000000  }
0x3: {  	_ = 	snop  }
0x4: {  	_ = 	snop  }
0x5: {  	_ = 	snop  }
0x6: {  	_ = 	snop  }
0x7: {  	_ = 	snop  }
__scs_overlays_trampoline_lowered:
0x8: {  	[smem:$0x3FA6] =	sst s0  }
0x9: {  	[smem:$0x3FA7] =	sst s1  }
0xa: {  	[smem:$0x3FA8] =	sst s2  }
0xb: {  	[smem:$0x3FA9] =	sst s3  }
0xc: {  	[smem:$0x3FAA] =	sst s4  }
0xd: {  	[smem:$0x3FAB] =	sst s5  }
0xe: {  	[smem:$0x3FAC] =	sst s6  }
0xf: {  	[smem:$0x3FAD] =	sst s7  }
0x10: {  	[smem:$0x3FAE] =	sst s8  }
0x11: {  	[smem:$0x3FAF] =	sst s9;
	s0 =	simm.s32 @!p0 $0x0  }
0x12: {  	s1 =	sld [smem:$0x3F95];
	s0 =	simm.s32 @p0 $0x1  }
0x13: {  	[smem:$0x3FB0] =	sst s0;
	s0 =	simm.s32 @!p1 $0x0  }
0x14: {  	s2 =	sld [smem:$0x3F94];
	s0 =	simm.s32 @p1 $0x1  }
0x15: {  	[smem:$0x3FB1] =	sst s0;
	s0 =	simm.s32 @!p2 $0x0  }
0x16: {  	s3 =	sld [smem:$0x3FDB];
	s0 =	simm.s32 @p2 $0x1  }
0x17: {  	s4 =	simm.s32 $0x1BF5;
	[smem:$0x3FB3] =	sst s0  }
0x18: {  	s0 =	sld [smem:$0x3F96];
	_ =	swait.ge [sflag:s4], $0x0  }
0x19: {  	s7 =	sld [smem:$0x3F97]  }
0x1a: {  	s8 =	sadd.s32 $0xFFFFE003, lr  }
0x1b: {  	s9 =	sadd.s32 $0xFFFFFEF7, lr;
	s5 =	simm.s32 $0xFFFFFFFF;
	p2 =	slt.u32 s8, $0xFFFFF086  }
0x1c: {  	p1 =	slt.u32 s9, $0xF7A;
	s5 =	simm.s32 @!p2 $0x0  }
0x1d: {  	s5 =	simm.s32 @p1 $0x1;
	p0 =	seq.s32 s7, s2  }
0x1e: {  	s7 =	smul.u32 @!p0 $0xF7A, s2;
	p2 =	seq.s32 @!p0 s5, $0x0  }
0x1f: {  	s9 =	smul.u32 $0xF7A, s1;
	s8 =	simm.s32 @!p0 $0x1BF5;
	p2 =	por !p2, p0  }
0x20: {  	[sflag:s8] =	ssyncset.s32 @!p0 $0xFFFFF086;
	s6 =	sadd.s32 @!p0 s3, s7;
	s7 =	simm.s32 @!p0 $0x108  }
0x21: {  	s3 =	sadd.s32 s3, s9;
	s6 =	sadd.s32 @!p0 $0x88, s6;
	s7 =	simm.s32 @p2 $0x1082  }
0x22: {  	[simem:s7], [sflag:s8] =	dma.local @!p0 [hbm:s6], $0xF7A  }
0x23: {  	s9 =	sor.u32 $0xD0000000, s2;
	s6 =	simm.s32 $0x108;
	_ =	swait.ge @!p0 [sflag:s8], $0x0  }
0x24: {  	s3 =	sadd.s32 $0x88, s3;
	s6 =	simm.s32 @!p1 $0x1082;
	[sflag:s4] =	ssyncset.s32 $0xFFFFF086  }
0x25: {  	[simem:s6], [sflag:s4] =	dma.local [hbm:s3], $0xF7A  }
0x26: {  	[smem:$0x3F97] =	sst s1;
	(tag) =	ssettag s2;
	_ =	strace s9  }
0x27: {  	s1 =	sld [smem:$0x3FA7]  }
0x28: {  	s2 =	sld [smem:$0x3FA8]  }
0x29: {  	s4 =	sld [smem:$0x3FAA]  }
0x2a: {  	p0 =	seq.s32 s5, $0x0;
	s5 =	sld [smem:$0x3FAB]  }
0x2b: {  	s6 =	sld [smem:$0x3FAC]  }
0x2c: {  	s7 =	sld [smem:$0x3FAD]  }
0x2d: {  	s3 =	simm.s32 $0x108;
	s8 =	sld [smem:$0x3FAE]  }
0x2e: {  	s3 =	simm.s32 @!p0 $0x1082;
	s9 =	sld [smem:$0x3FAF]  }
0x2f: {  	lr =	sadd.s32 s0, s3;
	s0 =	sld [smem:$0x3FA6]  }
0x30: {  	s3 =	sld [smem:$0x3FA9]  }
0x31: {  	[smem:$0x3FB2] =	sst s10  }
0x32: {  	s10 =	sld [smem:$0x3FB0];
	_ =	sdelay $0x3  }
0x33: {  	p0 =	seq.s32 s10, $0x1;
	s10 =	sld [smem:$0x3FB2];
	_ =	sdelay $0x3  }
0x34: {  	[smem:$0x3FB2] =	sst s10  }
0x35: {  	s10 =	sld [smem:$0x3FB1];
	_ =	sdelay $0x3  }
0x36: {  	p1 =	seq.s32 s10, $0x1;
	s10 =	sld [smem:$0x3FB2];
	_ =	sdelay $0x3  }
0x37: {  	[smem:$0x3FB2] =	sst s10  }
0x38: {  	s10 =	sld [smem:$0x3FB3]  }
0x39: {  	_ = 	snop;
	(pc) =	sbr.ind lr, $3  }
0x3a: {  	_ = 	snop  }
0x3b: {  	_ = 	snop  }
0x3c: {  	p2 =	seq.s32 s10, $0x1;
	s10 =	sld [smem:$0x3FB2]  }
0x3d: {  	_ =	shalt  }
0x3e: {  	_ =	shalt  }
0x3f: {  	_ =	shalt  }
0x40: {  	_ =	shalt  }
0x41: {  	_ =	shalt  }
0x42: {  	_ =	shalt  }
0x43: {  	_ =	shalt  }
0x44: {  	_ =	shalt  }
0x45: {  	_ =	shalt  }
0x46: {  	_ =	shalt  }
0x47: {  	_ =	shalt  }
0x48: {  	_ =	shalt  }
0x49: {  	_ =	shalt  }
0x4a: {  	_ =	shalt  }
0x4b: {  	_ =	shalt  }
0x4c: {  	_ =	shalt  }
0x4d: {  	_ =	shalt  }
0x4e: {  	_ =	shalt  }
0x4f: {  	_ =	shalt  }
0x50: {  	_ =	shalt  }
0x51: {  	_ =	shalt  }
0x52: {  	_ =	shalt  }
0x53: {  	_ =	shalt  }
0x54: {  	_ =	shalt  }
0x55: {  	_ =	shalt  }
0x56: {  	_ =	shalt  }
0x57: {  	_ =	shalt  }
0x58: {  	_ =	shalt  }
0x59: {  	_ =	shalt  }
0x5a: {  	_ =	shalt  }
0x5b: {  	_ =	shalt  }
0x5c: {  	_ =	shalt  }
0x5d: {  	_ =	shalt  }
0x5e: {  	_ =	shalt  }
0x5f: {  	_ =	shalt  }
0x60: {  	_ =	shalt  }
0x61: {  	_ =	shalt  }
0x62: {  	_ =	shalt  }
0x63: {  	_ =	shalt  }
0x64: {  	_ =	shalt  }
0x65: {  	_ =	shalt  }
0x66: {  	_ =	shalt  }
0x67: {  	_ =	shalt  }
0x68: {  	_ =	shalt  }
0x69: {  	_ =	shalt  }
0x6a: {  	_ =	shalt  }
0x6b: {  	_ =	shalt  }
0x6c: {  	_ =	shalt  }
0x6d: {  	_ =	shalt  }
0x6e: {  	_ =	shalt  }
0x6f: {  	_ =	shalt  }
0x70: {  	_ =	shalt  }
0x71: {  	_ =	shalt  }
0x72: {  	_ =	shalt  }
0x73: {  	_ =	shalt  }
0x74: {  	_ =	shalt  }
0x75: {  	_ =	shalt  }
0x76: {  	_ =	shalt  }
0x77: {  	_ =	shalt  }
0x78: {  	_ =	shalt  }
0x79: {  	_ =	shalt  }
0x7a: {  	_ =	shalt  }
0x7b: {  	_ =	shalt  }
0x7c: {  	_ =	shalt  }
0x7d: {  	_ =	shalt  }
0x7e: {  	_ =	shalt  }
0x7f: {  	_ =	shalt  }
0x80: {  	_ =	shalt  }
0x81: {  	_ =	shalt  }
0x82: {  	_ =	shalt  }
0x83: {  	_ =	shalt  }
0x84: {  	_ =	shalt  }
0x85: {  	_ =	shalt  }
0x86: {  	_ =	shalt  }
0x87: {  	_ =	shalt  }
.Lfunc_end0:
.L_simem_size_0:
called_computation.2_lowered:
.L_overlay_start_0:
0x88: {  	s2 =	sld [smem:$0x3FD9]  }
0x89: {  	s3 =	sld [smem:$0x3FFE];
	_ =	sdelay $0x1  }
0x8a: {  	s1 =	srdreg.scid  }
0x8b: {  	s0 =	sand.u32 $0x1, s1  }
0x8c: {  	s17 =	sshll.u32 s0, $0xA;
	s2 =	sadd.s32 s3, s2  }
0x8d: {  	s2 =	sadd.s32 s2, s17  }
0x8e: {  	[smem:$0x3FBE] =	sst s2  }
0x8f: {  	_ = 	snop  }
0x90: {  	s2 =	sld [smem:$0x3FD0];
	(tm) =	ssettm $0x1  }
0x91: {  	s18 =	sld [smem:$0x3FFB];
	_ =	sdelay $0x3  }
0x92: {  	_ =	strace s18  }
0x93: {  	s3 =	sld [smem:$0x3FFC];
	_ =	sdelay $0x3  }
0x94: {  	_ =	strace s3  }
0x95: {  	s3 =	sld [smem:$0x3FFD];
	_ =	sdelay $0x3  }
0x96: {  	_ =	strace s3  }
0x97: {  	_ =	strace $0x8FFFFFFF  }
0x98: {  	s19 =	sld [smem:$0x3FDB];
	_ =	sdelay $0x1  }
0x99: {  	s4 =	simm.s32 $_scs_section_size  }
0x9a: {  	s5 =	simm.s32 $_size__tile_overlayer_lowered;
	s6 =	simm.s32 $_tile_overlayer_lowered  }
0x9b: {  	s22 =	simm.s32 $0x1BFF;
	s21 =	sshll.u32 s6, $0x1;
	s3 =	sadd.s32 s4, s19  }
0x9c: {  	s7 =	simm.s32 $0x0;
	s20 =	sshll.u32 s5, $0x1;
	s5 =	sadd.s32 s21, s3  }
0x9d: {  	[timem:s7], [sflag:s22] =	dma.local [hbm:s5], s20  }
0x9e: {  	_ =	swait.ge [sflag:s22], s20  }
0x9f: {  	s4 =	ssub.s32 $0x0, s20;
	[sflag:s22] =	ssyncset.done $0x0  }
0xa0: {  	[sflag:s22] =	ssyncadd.s32 s4;
	_ =	sdelay $0x1  }
0xa1: {  	s23 =	simm.s32 $0x1B8B  }
0xa2: {  	_ =	swait.ge [sflag:s23], $0x1  }
0xa3: {  	[sflag:s23] =	ssyncset.done $0x0  }
0xa4: {  	s25 =	simm.s32 $0x1B8E;
	s24 =	sld [smem:$0x3FFE];
	[sflag:s23] =	ssyncadd.s32 $0xFFFFFFFF  }
0xa5: {  	s26 =	simm.s32 $execute0_lowered;
	[smem:$0x3FD2] =	sst s25  }
0xa6: {  	s5 =	sshll.u32 s26, $0x1;
	_ =	strace $0x8000004C;
	[dreg:$0x1] =	wrdreg $0xFFFFFFFF  }
0xa7: {  	s28 =	simm.s32 $_size_execute0_lowered;
	s3 =	sadd.s32 s3, s5;
	[dreg:$0x0] =	wrdreg $0x0  }
0xa8: {  	s5 =	sshll.u32 s28, $0x1;
	[dreg:$0x2] =	wrdreg s3  }
0xa9: {  	[dreg:$0x3] =	wrdreg s5  }
0xaa: {  	[dreg:$0x4] =	wrdreg $0xC0  }
0xab: {  	_ =	task [dreg:s7], $0x5FFFF  }
0xac: {  	[dreg:$0x1] =	wrdreg $0xFFFFFFFF  }
0xad: {  	[dreg:$0x0] =	wrdreg $0x60  }
0xae: {  	[dreg:$0x2] =	wrdreg s24  }
0xaf: {  	[dreg:$0x3] =	wrdreg s2  }
0xb0: {  	[dreg:$0x4] =	wrdreg $0xA8000  }
0xb1: {  	[dreg:$0x5] =	wrdreg $0x9  }
0xb2: {  	_ =	task.clear_ibuf [dreg:s7], $0x6FFFF;
	_ =	strace $0x9000004C  }
0xb3: {  	s29 =	simm.s32 $0x9;
	_ =	strace $0x8000004E  }
0xb4: {  	_ =	swait.ge [sflag:s29], $0x1  }
0xb5: {  	[sflag:s29] =	ssyncadd.s32 $0xFFFFFFFF  }
0xb6: {  	_ =	strace $0x9000004E  }
0xb7: {  	_ =	sfence  }
0xb8: {  	s30 =	sld [smem:$0x0];
	_ =	sdelay $0x2  }
0xb9: {  	s31 =	sshll.u32 s1, $0xD;
	s1 =	sshrl.u32 s1, $0x2  }
0xba: {  	s3 =	sand.u32 $0x4000, s31;
	s1 =	sadd.s32 s1, s30  }
0xbb: {  	s0 =	sor.u32 s3, s0;
	s1 =	sshll.u32 s1, $0x11  }
0xbc: {  	s0 =	sor.u32 s1, s0  }
0xbd: {  	s0 =	sadd.s32 $0x8F2B, s0  }
0xbe: {  	[sflag:s0] =	ssyncadd.remote.s32 $0x1  }
0xbf: {  	_ =	sfence.sel $0xFFFF  }
0xc0: {  	[dreg:$0x0] =	wrdreg $0xFFFFFFFF;
	(pc) =	sbr.abs _section_cstart, $3  }
0xc1: {  	[dreg:$0x1] =	wrdreg $0xFFFFFFFF  }
0xc2: {  	_ =	task.clear_ibuf [dreg:s7], $0x2FFFF;
	_ =	strace $0x9FFFFFFF  }
0xc3: {  	(tm) =	ssettm $0x7FFFFFFF  }
tec
execute0_lowered:
.L_overlay_start_1:
0x0: {  	(tag) =	ssettag $0x1  }
0x1: {  	s0 =	rddreg [dreg:$0x0]  }
0x2: {  	s1 =	rddreg [dreg:$0x1]  }
0x3: {  	s2 =	rddreg [dreg:$0x2];
	s9 =	stileid.u32;
	s3 =	simm.s32 $0x0  }
0x4: {  	s4 =	srdreg.scid;
	s23 =	simm.s32 $0x3;
	s28 =	simm.s32 $0x6800  }
0x5: {  	s29 =	simm.s32 $0x1;
	s30 =	simm.s32 $0x2;
	s24 =	smul.u32 $0x500, s9  }
0x6: {  	s31 =	simm.s32 $0x0;
	[smem:$0x7FF] =	sst s3;
	s5 =	smul.u32 $0x280, s9  }
0x7: {  	s11 =	sand.u32 $0x1, s4;
	s4 =	sadd.s32 $0x8800, s0;
	s25 =	smul.u32 $0x50000, s9  }
0x8: {  	_ =	strace $0x8000004D;
	s6 =	smul.u32 $0x2800, s11;
	s7 =	ssub.s32 $0x2, s11  }
0x9: {  	s22 =	smul.u32 $0x5000, s11;
	s15 =	sadd.s32 s24, s0;
	s8 =	sshrl.u32 s7, $0x1  }
0xa: {  	s0 =	sadd.s32 $0xA6A00, s0;
	s5 =	sadd.s32 s5, s6;
	s21 =	ssub.s32 s7, s8  }
0xb: {  	s6 =	sshrl.u32 s25, $0x2;
	s1 =	sadd.s32 s1, s22;
	s15 =	sadd.s32 $0x3800, s15  }
0xc: {  	s22 =	simm.s32 $0x2800;
	s25 =	simm.s32 $0x1400;
	s16 =	sshll.u32 s5, $0x4  }
0xd: {  	s6 =	sadd.s32 s6, s2;
	s21 =	smax.u32 s21, $0x1;
	s24 =	sadd.s32 s24, s1  }
0xe: {  	s5 =	sadd.s32 s4, s16;
	s17 =	sadd.s32 $0x800, s16;
	s18 =	sadd.s32 $0x1000, s16  }
0xf: {  	s8 =	sadd.s32 $0x4000, s6;
	s10 =	sadd.s32 $0x8000, s6;
	s19 =	sadd.s32 $0x1800, s16  }
0x10: {  	s20 =	sadd.s32 $0x2000, s16;
	s12 =	sadd.s32 $0xC000, s6;
	s14 =	sadd.s32 $0x10000, s6  }
0x11: {  	s16 =	sadd.s32 s0, s16;
	[dreg:$0x4] =	wrdreg s5;
	s26 =	sadd.s32 s4, s17  }
0x12: {  	s9 =	sadd.s32 s4, s18;
	s11 =	sadd.s32 s4, s19;
	s13 =	sadd.s32 s4, s20  }
0x13: {  	s17 =	sadd.s32 s0, s17;
	s18 =	sadd.s32 s0, s18;
	s19 =	sadd.s32 s0, s19  }
0x14: {  	s20 =	sadd.s32 s0, s20;
	[dreg:$0x5] =	wrdreg s26;
	s26 =	simm.s32 $0x80  }
.LBB2_1:
0x15: {  	s0 =	rddreg [dreg:$0x4]  }
0x16: {  	[tilespmem:s22], [sflag:$0x3] =	stream.linear.gather [hbm4b:s0+s3], $0x4000, $0x38;
	[tilespmem:$0x1E800] =	vst v63  }
0x17: {  	_ =	swait.ge [sflag:s23], $0x4000  }
0x18: {  	[sflag:s23] =	ssyncset.done $0x0  }
0x19: {  	[sflag:s23] =	ssyncadd.s32 $0xFFFFC000  }
0x1a: {  	[spmem:s6] =	stream.linear.scatter [tilespmem:s22], [sflag:$0x3], $0x4000, $0x38;
	[tilespmem:$0x1E800] =	vst v63  }
0x1b: {  	_ =	swait.ge [sflag:s23], $0x4000  }
0x1c: {  	[sflag:s23] =	ssyncset.done $0x0  }
0x1d: {  	s5 =	rddreg [dreg:$0x5];
	[sflag:s23] =	ssyncadd.s32 $0xFFFFC000  }
0x1e: {  	[tilespmem:s22], [sflag:$0x3] =	stream.linear.gather [hbm4b:s5+s3], $0x4000, $0x38;
	[tilespmem:$0x1E800] =	vst v63  }
0x1f: {  	_ =	swait.ge [sflag:s23], $0x4000  }
0x20: {  	[sflag:s23] =	ssyncset.done $0x0  }
0x21: {  	[sflag:s23] =	ssyncadd.s32 $0xFFFFC000  }
0x22: {  	[spmem:s8] =	stream.linear.scatter [tilespmem:s22], [sflag:$0x3], $0x4000, $0x38;
	[tilespmem:$0x1E800] =	vst v63  }
0x23: {  	_ =	swait.ge [sflag:s23], $0x4000  }
0x24: {  	[sflag:s23] =	ssyncset.done $0x0  }
0x25: {  	[sflag:s23] =	ssyncadd.s32 $0xFFFFC000  }
0x26: {  	[tilespmem:s22], [sflag:$0x3] =	stream.linear.gather [hbm4b:s9+s3], $0x4000, $0x38;
	[tilespmem:$0x1E800] =	vst v63  }
0x27: {  	_ =	swait.ge [sflag:s23], $0x4000  }
0x28: {  	[sflag:s23] =	ssyncset.done $0x0  }
0x29: {  	[sflag:s23] =	ssyncadd.s32 $0xFFFFC000  }
0x2a: {  	[spmem:s10] =	stream.linear.scatter [tilespmem:s22], [sflag:$0x3], $0x4000, $0x38;
	[tilespmem:$0x1E800] =	vst v63  }
0x2b: {  	_ =	swait.ge [sflag:s23], $0x4000  }
0x2c: {  	[sflag:s23] =	ssyncset.done $0x0  }
0x2d: {  	[sflag:s23] =	ssyncadd.s32 $0xFFFFC000  }
0x2e: {  	[tilespmem:s22], [sflag:$0x3] =	stream.linear.gather [hbm4b:s11+s3], $0x4000, $0x38;
	[tilespmem:$0x1E800] =	vst v63  }
0x2f: {  	_ =	swait.ge [sflag:s23], $0x4000  }
0x30: {  	[sflag:s23] =	ssyncset.done $0x0  }
0x31: {  	[sflag:s23] =	ssyncadd.s32 $0xFFFFC000  }
0x32: {  	[spmem:s12] =	stream.linear.scatter [tilespmem:s22], [sflag:$0x3], $0x4000, $0x38;
	[tilespmem:$0x1E800] =	vst v63  }
0x33: {  	_ =	swait.ge [sflag:s23], $0x4000  }
0x34: {  	[sflag:s23] =	ssyncset.done $0x0  }
0x35: {  	[sflag:s23] =	ssyncadd.s32 $0xFFFFC000  }
0x36: {  	[tilespmem:s22], [sflag:$0x3] =	stream.linear.gather [hbm4b:s13+s3], $0x4000, $0x38;
	[tilespmem:$0x1E800] =	vst v63  }
0x37: {  	_ =	swait.ge [sflag:s23], $0x4000  }
0x38: {  	[sflag:s23] =	ssyncset.done $0x0  }
0x39: {  	[sflag:s23] =	ssyncadd.s32 $0xFFFFC000  }
0x3a: {  	[spmem:s14] =	stream.linear.scatter [tilespmem:s22], [sflag:$0x3], $0x4000, $0x38;
	[tilespmem:$0x1E800] =	vst v63  }
0x3b: {  	_ =	swait.ge [sflag:s23], $0x4000  }
0x3c: {  	[sflag:s23] =	ssyncset.done $0x0  }
0x3d: {  	[sflag:s23] =	ssyncadd.s32 $0xFFFFC000  }
0x3e: {  	[bflag:$0x0] =	sbarrier.arrive $0xFFFF  }
0x3f: {  	[tilespmem:s3], [sflag:$0x3] =	stream.linear.gather [hbm4b:s24+s3], $0x1400, $0x38;
	[tilespmem:$0x1E800] =	vst v63  }
0x40: {  	_ =	swait.ge [sflag:s23], $0x1400  }
0x41: {  	[sflag:s23] =	ssyncset.done $0x0  }
0x42: {  	[sflag:s23] =	ssyncadd.s32 $0xFFFFEC00  }
0x43: {  	[tilespmem:s25], [sflag:$0x3] =	stream.linear.gather [hbm4b:s15+s3], $0x1400, $0x38;
	[tilespmem:$0x1E800] =	vst v63  }
0x44: {  	_ =	swait.ge [sflag:s23], $0x1400  }
0x45: {  	[sflag:s23] =	ssyncset.done $0x0  }
0x46: {  	s7 =	simm.s32 $0x0;
	[sflag:s23] =	ssyncadd.s32 $0xFFFFEC00  }
0x47: {  	[tilespmem:s22], [sflag:$0x1] =	stream.indirect.gather [hbm4b:s4+s26], $0x80, s7, s26, $0xb8;
	[tilespmem:$0x1E800] =	vst v63  }
0x48: {  	s1 =	simm.s32 $0x80  }
0x49: {  	[tilespmem:s28], [sflag:$0x2] =	stream.indirect.gather [hbm4b:s4+s26], $0x80, s1, s26, $0xb8;
	[tilespmem:$0x1E800] =	vst v63  }
0x4a: {  	_ =	swait.ge [sflag:s29], $0x4000  }
0x4b: {  	[sflag:s29] =	ssyncset.done $0x0  }
0x4c: {  	s5 =	simm.s32 $0x1400;
	[sflag:s29] =	ssyncadd.s32 $0xFFFFC000  }
0x4d: {  	[spmem:s2] =	stream.indirect.scatter.add.f32 [tilespmem:s22], [sflag:$0x3], $0x80, s5, s26, $0xb8;
	[tilespmem:$0x1E800] =	vst v63  }
0x4e: {  	_ =	swait.ge [sflag:s23], $0x4000  }
0x4f: {  	[sflag:s23] =	ssyncset.done $0x0  }
0x50: {  	[sflag:s23] =	ssyncadd.s32 $0xFFFFC000  }
0x51: {  	_ =	swait.ge [sflag:s30], $0x4000  }
0x52: {  	[sflag:s30] =	ssyncset.done $0x0  }
0x53: {  	s7 =	simm.s32 $0x1480;
	[sflag:s30] =	ssyncadd.s32 $0xFFFFC000  }
0x54: {  	[spmem:s2] =	stream.indirect.scatter.add.f32 [tilespmem:s28], [sflag:$0x3], $0x80, s7, s26, $0xb8;
	[tilespmem:$0x1E800] =	vst v63  }
0x55: {  	_ =	swait.ge [sflag:s23], $0x4000  }
0x56: {  	s0 =	simm.s32 $0x400;
	s1 =	simm.s32 $0x800;
	[sflag:s23] =	ssyncset.done $0x0  }
.LBB2_2:
0x57: {  	s5 =	sshra.s32 s0, $0x2  }
0x58: {  	[sflag:s23] =	ssyncadd.s32 $0xFFFFC000;
	s0 =	smov.u32 s1;
	s7 =	sadd.s32 $0x400, s1  }
0x59: {  	[tilespmem:s22], [sflag:$0x1] =	stream.indirect.gather [hbm4b:s4+s26], $0x80, s5, s26, $0xb8;
	[tilespmem:$0x1E800] =	vst v63  }
0x5a: {  	p0 =	sne.s32 s1, $0x4C00;
	s1 =	sadd.s32 $0x80, s5  }
0x5b: {  	[tilespmem:s28], [sflag:$0x2] =	stream.indirect.gather [hbm4b:s4+s26], $0x80, s1, s26, $0xb8;
	[tilespmem:$0x1E800] =	vst v63  }
0x5c: {  	_ =	swait.ge [sflag:s29], $0x4000  }
0x5d: {  	[sflag:s29] =	ssyncset.done $0x0  }
0x5e: {  	s1 =	sadd.s32 $0x1400, s5;
	[sflag:s29] =	ssyncadd.s32 $0xFFFFC000  }
0x5f: {  	[spmem:s2] =	stream.indirect.scatter.add.f32 [tilespmem:s22], [sflag:$0x3], $0x80, s1, s26, $0xb8;
	[tilespmem:$0x1E800] =	vst v63  }
0x60: {  	_ =	swait.ge [sflag:s23], $0x4000  }
0x61: {  	[sflag:s23] =	ssyncset.done $0x0  }
0x62: {  	[sflag:s23] =	ssyncadd.s32 $0xFFFFC000  }
0x63: {  	_ =	swait.ge [sflag:s30], $0x4000  }
.Ltmp0:
0x64: {  	[sflag:s30] =	ssyncset.done $0x0;
	(pc) =	sbr.rel @p0 .LBB2_2-.Ltmp0, $4  }
0x65: {  	s1 =	sadd.s32 $0x1480, s5;
	[sflag:s30] =	ssyncadd.s32 $0xFFFFC000  }
0x66: {  	[spmem:s2] =	stream.indirect.scatter.add.f32 [tilespmem:s28], [sflag:$0x3], $0x80, s1, s26, $0xb8;
	[tilespmem:$0x1E800] =	vst v63  }
0x67: {  	_ =	swait.ge [sflag:s23], $0x4000  }
0x68: {  	s1 =	smov.u32 s7;
	[sflag:s23] =	ssyncset.done $0x0  }
0x69: {  	s0 =	sshra.s32 s0, $0x2;
	[sflag:s23] =	ssyncadd.s32 $0xFFFFC000  }
0x6a: {  	[tilespmem:s22], [sflag:$0x1] =	stream.indirect.gather [hbm4b:s4+s26], $0x80, s0, s26, $0xb8;
	[tilespmem:$0x1E800] =	vst v63  }
0x6b: {  	s1 =	sadd.s32 $0x80, s0  }
0x6c: {  	[tilespmem:s28], [sflag:$0x2] =	stream.indirect.gather [hbm4b:s4+s26], $0x80, s1, s26, $0xb8;
	[tilespmem:$0x1E800] =	vst v63  }
0x6d: {  	_ =	swait.ge [sflag:s29], $0x4000  }
0x6e: {  	[sflag:s29] =	ssyncset.done $0x0  }
0x6f: {  	s7 =	sadd.s32 $0x1400, s0;
	[sflag:s29] =	ssyncadd.s32 $0xFFFFC000  }
0x70: {  	[spmem:s2] =	stream.indirect.scatter.add.f32 [tilespmem:s22], [sflag:$0x3], $0x80, s7, s26, $0xb8;
	[tilespmem:$0x1E800] =	vst v63  }
0x71: {  	_ =	swait.ge [sflag:s23], $0x4000  }
0x72: {  	[sflag:s23] =	ssyncset.done $0x0  }
0x73: {  	[sflag:s23] =	ssyncadd.s32 $0xFFFFC000  }
0x74: {  	_ =	swait.ge [sflag:s30], $0x4000  }
0x75: {  	[sflag:s30] =	ssyncset.done $0x0  }
0x76: {  	s0 =	sadd.s32 $0x1480, s0;
	[sflag:s30] =	ssyncadd.s32 $0xFFFFC000  }
0x77: {  	[spmem:s2] =	stream.indirect.scatter.add.f32 [tilespmem:s28], [sflag:$0x3], $0x80, s0, s26, $0xb8;
	[tilespmem:$0x1E800] =	vst v63  }
0x78: {  	_ =	swait.ge [sflag:s23], $0x4000  }
0x79: {  	[sflag:s23] =	ssyncset.done $0x0  }
0x7a: {  	s5 =	sadd.s32 $0x280, s24;
	s7 =	simm.s32 $0x0;
	[sflag:s23] =	ssyncadd.s32 $0xFFFFC000  }
0x7b: {  	[tilespmem:s7], [sflag:$0x3] =	stream.linear.gather [hbm4b:s5+s7], $0x1400, $0x38;
	[tilespmem:$0x1E800] =	vst v63  }
0x7c: {  	_ =	swait.ge [sflag:s23], $0x1400  }
0x7d: {  	[sflag:s23] =	ssyncset.done $0x0  }
0x7e: {  	s5 =	sadd.s32 $0x280, s15;
	[sflag:s23] =	ssyncadd.s32 $0xFFFFEC00  }
0x7f: {  	[tilespmem:s25], [sflag:$0x3] =	stream.linear.gather [hbm4b:s5+s7], $0x1400, $0x38;
	[tilespmem:$0x1E800] =	vst v63  }
0x80: {  	_ =	swait.ge [sflag:s23], $0x1400  }
0x81: {  	[sflag:s23] =	ssyncset.done $0x0  }
0x82: {  	s7 =	simm.s32 $0x0;
	[sflag:s23] =	ssyncadd.s32 $0xFFFFEC00  }
0x83: {  	[tilespmem:s22], [sflag:$0x1] =	stream.indirect.gather [hbm4b:s4+s26], $0x80, s7, s26, $0xb8;
	[tilespmem:$0x1E800] =	vst v63  }
0x84: {  	s1 =	simm.s32 $0x80  }
0x85: {  	[tilespmem:s28], [sflag:$0x2] =	stream.indirect.gather [hbm4b:s4+s26], $0x80, s1, s26, $0xb8;
	[tilespmem:$0x1E800] =	vst v63  }
0x86: {  	_ =	swait.ge [sflag:s29], $0x4000  }
0x87: {  	[sflag:s29] =	ssyncset.done $0x0  }
0x88: {  	s5 =	simm.s32 $0x1400;
	[sflag:s29] =	ssyncadd.s32 $0xFFFFC000  }
0x89: {  	[spmem:s2] =	stream.indirect.scatter.add.f32 [tilespmem:s22], [sflag:$0x3], $0x80, s5, s26, $0xb8;
	[tilespmem:$0x1E800] =	vst v63  }
0x8a: {  	_ =	swait.ge [sflag:s23], $0x4000  }
0x8b: {  	[sflag:s23] =	ssyncset.done $0x0  }
0x8c: {  	[sflag:s23] =	ssyncadd.s32 $0xFFFFC000  }
0x8d: {  	_ =	swait.ge [sflag:s30], $0x4000  }
0x8e: {  	[sflag:s30] =	ssyncset.done $0x0  }
0x8f: {  	s7 =	simm.s32 $0x1480;
	[sflag:s30] =	ssyncadd.s32 $0xFFFFC000  }
0x90: {  	[spmem:s2] =	stream.indirect.scatter.add.f32 [tilespmem:s28], [sflag:$0x3], $0x80, s7, s26, $0xb8;
	[tilespmem:$0x1E800] =	vst v63  }
0x91: {  	_ =	swait.ge [sflag:s23], $0x4000  }
0x92: {  	s0 =	simm.s32 $0x400;
	s1 =	simm.s32 $0x800;
	[sflag:s23] =	ssyncset.done $0x0  }
.LBB2_4:
0x93: {  	s5 =	sshra.s32 s0, $0x2  }
0x94: {  	[sflag:s23] =	ssyncadd.s32 $0xFFFFC000;
	s0 =	smov.u32 s1;
	s7 =	sadd.s32 $0x400, s1  }
0x95: {  	[tilespmem:s22], [sflag:$0x1] =	stream.indirect.gather [hbm4b:s4+s26], $0x80, s5, s26, $0xb8;
	[tilespmem:$0x1E800] =	vst v63  }
0x96: {  	p0 =	sne.s32 s1, $0x4C00;
	s1 =	sadd.s32 $0x80, s5  }
0x97: {  	[tilespmem:s28], [sflag:$0x2] =	stream.indirect.gather [hbm4b:s4+s26], $0x80, s1, s26, $0xb8;
	[tilespmem:$0x1E800] =	vst v63  }
0x98: {  	_ =	swait.ge [sflag:s29], $0x4000  }
0x99: {  	[sflag:s29] =	ssyncset.done $0x0  }
0x9a: {  	s1 =	sadd.s32 $0x1400, s5;
	[sflag:s29] =	ssyncadd.s32 $0xFFFFC000  }
0x9b: {  	[spmem:s2] =	stream.indirect.scatter.add.f32 [tilespmem:s22], [sflag:$0x3], $0x80, s1, s26, $0xb8;
	[tilespmem:$0x1E800] =	vst v63  }
0x9c: {  	_ =	swait.ge [sflag:s23], $0x4000  }
0x9d: {  	[sflag:s23] =	ssyncset.done $0x0  }
0x9e: {  	[sflag:s23] =	ssyncadd.s32 $0xFFFFC000  }
0x9f: {  	_ =	swait.ge [sflag:s30], $0x4000  }
.Ltmp1:
0xa0: {  	[sflag:s30] =	ssyncset.done $0x0;
	(pc) =	sbr.rel @p0 .LBB2_4-.Ltmp1, $4  }
0xa1: {  	s1 =	sadd.s32 $0x1480, s5;
	[sflag:s30] =	ssyncadd.s32 $0xFFFFC000  }
0xa2: {  	[spmem:s2] =	stream.indirect.scatter.add.f32 [tilespmem:s28], [sflag:$0x3], $0x80, s1, s26, $0xb8;
	[tilespmem:$0x1E800] =	vst v63  }
0xa3: {  	_ =	swait.ge [sflag:s23], $0x4000  }
0xa4: {  	s1 =	smov.u32 s7;
	[sflag:s23] =	ssyncset.done $0x0  }
0xa5: {  	s0 =	sshra.s32 s0, $0x2;
	[sflag:s23] =	ssyncadd.s32 $0xFFFFC000  }
0xa6: {  	[tilespmem:s22], [sflag:$0x1] =	stream.indirect.gather [hbm4b:s4+s26], $0x80, s0, s26, $0xb8;
	[tilespmem:$0x1E800] =	vst v63  }
0xa7: {  	s1 =	sadd.s32 $0x80, s0  }
0xa8: {  	[tilespmem:s28], [sflag:$0x2] =	stream.indirect.gather [hbm4b:s4+s26], $0x80, s1, s26, $0xb8;
	[tilespmem:$0x1E800] =	vst v63  }
0xa9: {  	_ =	swait.ge [sflag:s29], $0x4000  }
0xaa: {  	[sflag:s29] =	ssyncset.done $0x0  }
0xab: {  	s7 =	sadd.s32 $0x1400, s0;
	[sflag:s29] =	ssyncadd.s32 $0xFFFFC000  }
0xac: {  	[spmem:s2] =	stream.indirect.scatter.add.f32 [tilespmem:s22], [sflag:$0x3], $0x80, s7, s26, $0xb8;
	[tilespmem:$0x1E800] =	vst v63  }
0xad: {  	_ =	swait.ge [sflag:s23], $0x4000  }
0xae: {  	[sflag:s23] =	ssyncset.done $0x0  }
0xaf: {  	[sflag:s23] =	ssyncadd.s32 $0xFFFFC000  }
0xb0: {  	_ =	swait.ge [sflag:s30], $0x4000  }
0xb1: {  	[sflag:s30] =	ssyncset.done $0x0  }
0xb2: {  	s0 =	sadd.s32 $0x1480, s0;
	[sflag:s30] =	ssyncadd.s32 $0xFFFFC000  }
0xb3: {  	[spmem:s2] =	stream.indirect.scatter.add.f32 [tilespmem:s28], [sflag:$0x3], $0x80, s0, s26, $0xb8;
	[tilespmem:$0x1E800] =	vst v63  }
0xb4: {  	_ =	swait.ge [sflag:s23], $0x4000  }
0xb5: {  	[sflag:s23] =	ssyncset.done $0x0  }
0xb6: {  	[sflag:s23] =	ssyncadd.s32 $0xFFFFC000  }
0xb7: {  	[bflag:$0x0] =	sbarrier.arrive $0xFFFF  }
0xb8: {  	[tilespmem:s22], [sflag:$0x3] =	stream.linear.gather [spmem:s6], $0x4000, $0x38;
	[tilespmem:$0x1E800] =	vst v63  }
0xb9: {  	_ =	swait.ge [sflag:s23], $0x4000  }
0xba: {  	[sflag:s23] =	ssyncset.done $0x0  }
0xbb: {  	[sflag:s23] =	ssyncadd.s32 $0xFFFFC000  }
0xbc: {  	[hbm4b:s16+s3] =	stream.linear.scatter [tilespmem:s22], [sflag:$0x3], $0x4000, $0x38;
	[tilespmem:$0x1E800] =	vst v63  }
0xbd: {  	_ =	swait.ge [sflag:s23], $0x4000  }
0xbe: {  	[sflag:s23] =	ssyncset.done $0x0  }
0xbf: {  	[sflag:s23] =	ssyncadd.s32 $0xFFFFC000  }
0xc0: {  	[tilespmem:s22], [sflag:$0x3] =	stream.linear.gather [spmem:s8], $0x4000, $0x38;
	[tilespmem:$0x1E800] =	vst v63  }
0xc1: {  	_ =	swait.ge [sflag:s23], $0x4000  }
0xc2: {  	[sflag:s23] =	ssyncset.done $0x0  }
0xc3: {  	[sflag:s23] =	ssyncadd.s32 $0xFFFFC000  }
0xc4: {  	[hbm4b:s17+s3] =	stream.linear.scatter [tilespmem:s22], [sflag:$0x3], $0x4000, $0x38;
	[tilespmem:$0x1E800] =	vst v63  }
0xc5: {  	_ =	swait.ge [sflag:s23], $0x4000  }
0xc6: {  	[sflag:s23] =	ssyncset.done $0x0  }
0xc7: {  	[sflag:s23] =	ssyncadd.s32 $0xFFFFC000  }
0xc8: {  	[tilespmem:s22], [sflag:$0x3] =	stream.linear.gather [spmem:s10], $0x4000, $0x38;
	[tilespmem:$0x1E800] =	vst v63  }
0xc9: {  	_ =	swait.ge [sflag:s23], $0x4000  }
0xca: {  	[sflag:s23] =	ssyncset.done $0x0  }
0xcb: {  	[sflag:s23] =	ssyncadd.s32 $0xFFFFC000  }
0xcc: {  	[hbm4b:s18+s3] =	stream.linear.scatter [tilespmem:s22], [sflag:$0x3], $0x4000, $0x38;
	[tilespmem:$0x1E800] =	vst v63  }
0xcd: {  	_ =	swait.ge [sflag:s23], $0x4000  }
0xce: {  	[sflag:s23] =	ssyncset.done $0x0  }
0xcf: {  	[sflag:s23] =	ssyncadd.s32 $0xFFFFC000  }
0xd0: {  	[tilespmem:s22], [sflag:$0x3] =	stream.linear.gather [spmem:s12], $0x4000, $0x38;
	[tilespmem:$0x1E800] =	vst v63  }
0xd1: {  	_ =	swait.ge [sflag:s23], $0x4000  }
0xd2: {  	[sflag:s23] =	ssyncset.done $0x0  }
0xd3: {  	[sflag:s23] =	ssyncadd.s32 $0xFFFFC000  }
0xd4: {  	[hbm4b:s19+s3] =	stream.linear.scatter [tilespmem:s22], [sflag:$0x3], $0x4000, $0x38;
	[tilespmem:$0x1E800] =	vst v63  }
0xd5: {  	_ =	swait.ge [sflag:s23], $0x4000  }
0xd6: {  	[sflag:s23] =	ssyncset.done $0x0  }
0xd7: {  	[sflag:s23] =	ssyncadd.s32 $0xFFFFC000  }
0xd8: {  	[tilespmem:s22], [sflag:$0x3] =	stream.linear.gather [spmem:s14], $0x4000, $0x38;
	[tilespmem:$0x1E800] =	vst v63  }
0xd9: {  	s31 =	sadd.s32 $0x1, s31;
	_ =	swait.ge [sflag:s23], $0x4000  }
0xda: {  	p0 =	sne.s32 s31, s21;
	[sflag:s23] =	ssyncset.done $0x0  }
.Ltmp2:
0xdb: {  	[sflag:s23] =	ssyncadd.s32 $0xFFFFC000;
	(pc) =	sbr.rel @p0 .LBB2_1-.Ltmp2, $4  }
0xdc: {  	[hbm4b:s20+s3] =	stream.linear.scatter [tilespmem:s22], [sflag:$0x3], $0x4000, $0x38;
	[tilespmem:$0x1E800] =	vst v63  }
0xdd: {  	_ =	swait.ge [sflag:s23], $0x4000  }
0xde: {  	[sflag:s23] =	ssyncset.done $0x0  }
0xdf: {  	[sflag:s23] =	ssyncadd.s32 $0xFFFFC000  }
0xe0: {  	_ =	sfence.sel $0x180000  }
0xe1: {  	[bflag:$0x0] =	sbarrier.arrive $0xFFFF  }
0xe2: {  	_ =	strace $0x9000004D  }
0xe3: {  	s0 =	stileid.u32;
	[bflag:$0x2] =	sbarrier.arrive $0xFFFF  }
0xe4: {  	p0 =	sne.s32 s0, $0x0;
	s0 =	rddreg [dreg:$0x3]  }
0xe5: {  	s0 =	sadd.s32 @!p0 $0x100000, s0  }
0xe6: {  	[sflag:s0] =	ssyncadd.tile.s32 @!p0 $0x1;
	_ =	shalt  }
.Lfunc_end2:
_tile_overlayer_lowered:
.L_overlay_start_2:
0xe7: {  	(tag) =	ssettag $0x2  }
0xe8: {  	s0 =	rddreg [dreg:$0x0];
	s2 =	stileid.u32  }
0xe9: {  	s1 =	rddreg [dreg:$0x1];
	p0 =	sne.s32 s2, $0x0  }
0xea: {  	s3 =	rddreg [dreg:$0x2];
	[bflag:$0x3] =	sbarrier.arrive $0xFFFF;
	s2 =	simm.s32 @!p0 $0x1C03  }
0xeb: {  	[timem:s3], [sflag:s2] =	dma.local @!p0 [hbm:s0], s1  }
0xec: {  	s0 =	simm.s32 @!p0 $0x3  }
0xed: {  	_ =	swait.ge @!p0 [sflag:s0], s1  }
0xee: {  	s1 =	ssub.s32 @!p0 $0x0, s1;
	[sflag:s0] =	ssyncset.done @!p0 $0x0  }
0xef: {  	[sflag:s0] =	ssyncadd.s32 @!p0 s1  }
0xf0: {  	[bflag:$0x3] =	sbarrier.arrive $0xFFFF  }
0xf1: {  	_ =	shalt  }

// kernel: kernel.25.cloned.1.call-start
scs
__scs_entry_jumppad:
0x0: {  	(pc) =	sbr.rel $0x88, $3  }
0x1: {  	(tag) =	ssettag $0x0;
	lr =	simm.s32 $0x1  }
0x2: {  	[smem:$0x3F97] =	sst lr;
	_ =	strace $0xD0000000  }
0x3: {  	_ = 	snop  }
0x4: {  	_ = 	snop  }
0x5: {  	_ = 	snop  }
0x6: {  	_ = 	snop  }
0x7: {  	_ = 	snop  }
__scs_overlays_trampoline_lowered:
0x8: {  	[smem:$0x3FA6] =	sst s0  }
0x9: {  	[smem:$0x3FA7] =	sst s1  }
0xa: {  	[smem:$0x3FA8] =	sst s2  }
0xb: {  	[smem:$0x3FA9] =	sst s3  }
0xc: {  	[smem:$0x3FAA] =	sst s4  }
0xd: {  	[smem:$0x3FAB] =	sst s5  }
0xe: {  	[smem:$0x3FAC] =	sst s6  }
0xf: {  	[smem:$0x3FAD] =	sst s7  }
0x10: {  	[smem:$0x3FAE] =	sst s8  }
0x11: {  	[smem:$0x3FAF] =	sst s9;
	s0 =	simm.s32 @!p0 $0x0  }
0x12: {  	s1 =	sld [smem:$0x3F95];
	s0 =	simm.s32 @p0 $0x1  }
0x13: {  	[smem:$0x3FB0] =	sst s0;
	s0 =	simm.s32 @!p1 $0x0  }
0x14: {  	s2 =	sld [smem:$0x3F94];
	s0 =	simm.s32 @p1 $0x1  }
0x15: {  	[smem:$0x3FB1] =	sst s0;
	s0 =	simm.s32 @!p2 $0x0  }
0x16: {  	s3 =	sld [smem:$0x3FDB];
	s0 =	simm.s32 @p2 $0x1  }
0x17: {  	s4 =	simm.s32 $0x1BF5;
	[smem:$0x3FB3] =	sst s0  }
0x18: {  	s0 =	sld [smem:$0x3F96];
	_ =	swait.ge [sflag:s4], $0x0  }
0x19: {  	s7 =	sld [smem:$0x3F97]  }
0x1a: {  	s8 =	sadd.s32 $0xFFFFE003, lr  }
0x1b: {  	s9 =	sadd.s32 $0xFFFFFEF7, lr;
	s5 =	simm.s32 $0xFFFFFFFF;
	p2 =	slt.u32 s8, $0xFFFFF086  }
0x1c: {  	p1 =	slt.u32 s9, $0xF7A;
	s5 =	simm.s32 @!p2 $0x0  }
0x1d: {  	s5 =	simm.s32 @p1 $0x1;
	p0 =	seq.s32 s7, s2  }
0x1e: {  	s7 =	smul.u32 @!p0 $0xF7A, s2;
	p2 =	seq.s32 @!p0 s5, $0x0  }
0x1f: {  	s9 =	smul.u32 $0xF7A, s1;
	s8 =	simm.s32 @!p0 $0x1BF5;
	p2 =	por !p2, p0  }
0x20: {  	[sflag:s8] =	ssyncset.s32 @!p0 $0xFFFFF086;
	s6 =	sadd.s32 @!p0 s3, s7;
	s7 =	simm.s32 @!p0 $0x108  }
0x21: {  	s3 =	sadd.s32 s3, s9;
	s6 =	sadd.s32 @!p0 $0x88, s6;
	s7 =	simm.s32 @p2 $0x1082  }
0x22: {  	[simem:s7], [sflag:s8] =	dma.local @!p0 [hbm:s6], $0xF7A  }
0x23: {  	s9 =	sor.u32 $0xD0000000, s2;
	s6 =	simm.s32 $0x108;
	_ =	swait.ge @!p0 [sflag:s8], $0x0  }
0x24: {  	s3 =	sadd.s32 $0x88, s3;
	s6 =	simm.s32 @!p1 $0x1082;
	[sflag:s4] =	ssyncset.s32 $0xFFFFF086  }
0x25: {  	[simem:s6], [sflag:s4] =	dma.local [hbm:s3], $0xF7A  }
0x26: {  	[smem:$0x3F97] =	sst s1;
	(tag) =	ssettag s2;
	_ =	strace s9  }
0x27: {  	s1 =	sld [smem:$0x3FA7]  }
0x28: {  	s2 =	sld [smem:$0x3FA8]  }
0x29: {  	s4 =	sld [smem:$0x3FAA]  }
0x2a: {  	p0 =	seq.s32 s5, $0x0;
	s5 =	sld [smem:$0x3FAB]  }
0x2b: {  	s6 =	sld [smem:$0x3FAC]  }
0x2c: {  	s7 =	sld [smem:$0x3FAD]  }
0x2d: {  	s3 =	simm.s32 $0x108;
	s8 =	sld [smem:$0x3FAE]  }
0x2e: {  	s3 =	simm.s32 @!p0 $0x1082;
	s9 =	sld [smem:$0x3FAF]  }
0x2f: {  	lr =	sadd.s32 s0, s3;
	s0 =	sld [smem:$0x3FA6]  }
0x30: {  	s3 =	sld [smem:$0x3FA9]  }
0x31: {  	[smem:$0x3FB2] =	sst s10  }
0x32: {  	s10 =	sld [smem:$0x3FB0];
	_ =	sdelay $0x3  }
0x33: {  	p0 =	seq.s32 s10, $0x1;
	s10 =	sld [smem:$0x3FB2];
	_ =	sdelay $0x3  }
0x34: {  	[smem:$0x3FB2] =	sst s10  }
0x35: {  	s10 =	sld [smem:$0x3FB1];
	_ =	sdelay $0x3  }
0x36: {  	p1 =	seq.s32 s10, $0x1;
	s10 =	sld [smem:$0x3FB2];
	_ =	sdelay $0x3  }
0x37: {  	[smem:$0x3FB2] =	sst s10  }
0x38: {  	s10 =	sld [smem:$0x3FB3]  }
0x39: {  	_ = 	snop;
	(pc) =	sbr.ind lr, $3  }
0x3a: {  	_ = 	snop  }
0x3b: {  	_ = 	snop  }
0x3c: {  	p2 =	seq.s32 s10, $0x1;
	s10 =	sld [smem:$0x3FB2]  }
0x3d: {  	_ =	shalt  }
0x3e: {  	_ =	shalt  }
0x3f: {  	_ =	shalt  }
0x40: {  	_ =	shalt  }
0x41: {  	_ =	shalt  }
0x42: {  	_ =	shalt  }
0x43: {  	_ =	shalt  }
0x44: {  	_ =	shalt  }
0x45: {  	_ =	shalt  }
0x46: {  	_ =	shalt  }
0x47: {  	_ =	shalt  }
0x48: {  	_ =	shalt  }
0x49: {  	_ =	shalt  }
0x4a: {  	_ =	shalt  }
0x4b: {  	_ =	shalt  }
0x4c: {  	_ =	shalt  }
0x4d: {  	_ =	shalt  }
0x4e: {  	_ =	shalt  }
0x4f: {  	_ =	shalt  }
0x50: {  	_ =	shalt  }
0x51: {  	_ =	shalt  }
0x52: {  	_ =	shalt  }
0x53: {  	_ =	shalt  }
0x54: {  	_ =	shalt  }
0x55: {  	_ =	shalt  }
0x56: {  	_ =	shalt  }
0x57: {  	_ =	shalt  }
0x58: {  	_ =	shalt  }
0x59: {  	_ =	shalt  }
0x5a: {  	_ =	shalt  }
0x5b: {  	_ =	shalt  }
0x5c: {  	_ =	shalt  }
0x5d: {  	_ =	shalt  }
0x5e: {  	_ =	shalt  }
0x5f: {  	_ =	shalt  }
0x60: {  	_ =	shalt  }
0x61: {  	_ =	shalt  }
0x62: {  	_ =	shalt  }
0x63: {  	_ =	shalt  }
0x64: {  	_ =	shalt  }
0x65: {  	_ =	shalt  }
0x66: {  	_ =	shalt  }
0x67: {  	_ =	shalt  }
0x68: {  	_ =	shalt  }
0x69: {  	_ =	shalt  }
0x6a: {  	_ =	shalt  }
0x6b: {  	_ =	shalt  }
0x6c: {  	_ =	shalt  }
0x6d: {  	_ =	shalt  }
0x6e: {  	_ =	shalt  }
0x6f: {  	_ =	shalt  }
0x70: {  	_ =	shalt  }
0x71: {  	_ =	shalt  }
0x72: {  	_ =	shalt  }
0x73: {  	_ =	shalt  }
0x74: {  	_ =	shalt  }
0x75: {  	_ =	shalt  }
0x76: {  	_ =	shalt  }
0x77: {  	_ =	shalt  }
0x78: {  	_ =	shalt  }
0x79: {  	_ =	shalt  }
0x7a: {  	_ =	shalt  }
0x7b: {  	_ =	shalt  }
0x7c: {  	_ =	shalt  }
0x7d: {  	_ =	shalt  }
0x7e: {  	_ =	shalt  }
0x7f: {  	_ =	shalt  }
0x80: {  	_ =	shalt  }
0x81: {  	_ =	shalt  }
0x82: {  	_ =	shalt  }
0x83: {  	_ =	shalt  }
0x84: {  	_ =	shalt  }
0x85: {  	_ =	shalt  }
0x86: {  	_ =	shalt  }
0x87: {  	_ =	shalt  }
.Lfunc_end0:
.L_simem_size_0:
called_computation.3_lowered:
.L_overlay_start_0:
0x88: {  	s2 =	sld [smem:$0x3FD9]  }
0x89: {  	s3 =	sld [smem:$0x3FFE];
	_ =	sdelay $0x1  }
0x8a: {  	s1 =	srdreg.scid  }
0x8b: {  	s0 =	sand.u32 $0x1, s1  }
0x8c: {  	s17 =	sshll.u32 s0, $0xA;
	s2 =	sadd.s32 s3, s2  }
0x8d: {  	s2 =	sadd.s32 s2, s17  }
0x8e: {  	[smem:$0x3FBE] =	sst s2  }
0x8f: {  	_ = 	snop  }
0x90: {  	s2 =	sld [smem:$0x3FD0];
	(tm) =	ssettm $0x1  }
0x91: {  	s18 =	sld [smem:$0x3FFB];
	_ =	sdelay $0x3  }
0x92: {  	_ =	strace s18  }
0x93: {  	s3 =	sld [smem:$0x3FFC];
	_ =	sdelay $0x3  }
0x94: {  	_ =	strace s3  }
0x95: {  	s3 =	sld [smem:$0x3FFD];
	_ =	sdelay $0x3  }
0x96: {  	_ =	strace s3  }
0x97: {  	_ =	strace $0x8FFFFFFF  }
0x98: {  	s19 =	sld [smem:$0x3FDB];
	_ =	sdelay $0x1  }
0x99: {  	s4 =	simm.s32 $_scs_section_size  }
0x9a: {  	s5 =	simm.s32 $_size__tile_overlayer_lowered;
	s6 =	simm.s32 $_tile_overlayer_lowered  }
0x9b: {  	s22 =	simm.s32 $0x1BFF;
	s21 =	sshll.u32 s6, $0x1;
	s3 =	sadd.s32 s4, s19  }
0x9c: {  	s7 =	simm.s32 $0x0;
	s20 =	sshll.u32 s5, $0x1;
	s5 =	sadd.s32 s21, s3  }
0x9d: {  	[timem:s7], [sflag:s22] =	dma.local [hbm:s5], s20  }
0x9e: {  	_ =	swait.ge [sflag:s22], s20  }
0x9f: {  	s4 =	ssub.s32 $0x0, s20;
	[sflag:s22] =	ssyncset.done $0x0  }
0xa0: {  	[sflag:s22] =	ssyncadd.s32 s4;
	_ =	sdelay $0x1  }
0xa1: {  	s23 =	simm.s32 $0x1B8B  }
0xa2: {  	_ =	swait.ge [sflag:s23], $0x1  }
0xa3: {  	[sflag:s23] =	ssyncset.done $0x0  }
0xa4: {  	s25 =	simm.s32 $0x1B8E;
	s24 =	sld [smem:$0x3FFE];
	[sflag:s23] =	ssyncadd.s32 $0xFFFFFFFF  }
0xa5: {  	s26 =	simm.s32 $execute0_lowered;
	[smem:$0x3FD2] =	sst s25  }
0xa6: {  	s5 =	sshll.u32 s26, $0x1;
	_ =	strace $0x8000004F;
	[dreg:$0x1] =	wrdreg $0xFFFFFFFF  }
0xa7: {  	s28 =	simm.s32 $_size_execute0_lowered;
	s3 =	sadd.s32 s3, s5;
	[dreg:$0x0] =	wrdreg $0x0  }
0xa8: {  	s5 =	sshll.u32 s28, $0x1;
	[dreg:$0x2] =	wrdreg s3  }
0xa9: {  	[dreg:$0x3] =	wrdreg s5  }
0xaa: {  	[dreg:$0x4] =	wrdreg $0xC0  }
0xab: {  	_ =	task [dreg:s7], $0x5FFFF  }
0xac: {  	[dreg:$0x1] =	wrdreg $0xFFFFFFFF  }
0xad: {  	[dreg:$0x0] =	wrdreg $0x60  }
0xae: {  	[dreg:$0x2] =	wrdreg s24  }
0xaf: {  	[dreg:$0x3] =	wrdreg s2  }
0xb0: {  	[dreg:$0x4] =	wrdreg $0xA8000  }
0xb1: {  	[dreg:$0x5] =	wrdreg $0x9  }
0xb2: {  	_ =	task.clear_ibuf [dreg:s7], $0x6FFFF;
	_ =	strace $0x9000004F  }
0xb3: {  	s29 =	simm.s32 $0x9;
	_ =	strace $0x80000051  }
0xb4: {  	_ =	swait.ge [sflag:s29], $0x1  }
0xb5: {  	[sflag:s29] =	ssyncadd.s32 $0xFFFFFFFF  }
0xb6: {  	_ =	strace $0x90000051  }
0xb7: {  	_ =	sfence  }
0xb8: {  	s30 =	sld [smem:$0x0];
	_ =	sdelay $0x2  }
0xb9: {  	s31 =	sshll.u32 s1, $0xD;
	s1 =	sshrl.u32 s1, $0x2  }
0xba: {  	s3 =	sand.u32 $0x4000, s31;
	s1 =	sadd.s32 s1, s30  }
0xbb: {  	s0 =	sor.u32 s3, s0;
	s1 =	sshll.u32 s1, $0x11  }
0xbc: {  	s0 =	sor.u32 s1, s0  }
0xbd: {  	s0 =	sadd.s32 $0x8F2B, s0  }
0xbe: {  	[sflag:s0] =	ssyncadd.remote.s32 $0x1  }
0xbf: {  	_ =	sfence.sel $0xFFFF  }
0xc0: {  	[dreg:$0x0] =	wrdreg $0xFFFFFFFF;
	(pc) =	sbr.abs _section_cstart, $3  }
0xc1: {  	[dreg:$0x1] =	wrdreg $0xFFFFFFFF  }
0xc2: {  	_ =	task.clear_ibuf [dreg:s7], $0x2FFFF;
	_ =	strace $0x9FFFFFFF  }
0xc3: {  	(tm) =	ssettm $0x7FFFFFFF  }
tec
execute0_lowered:
.L_overlay_start_1:
0x0: {  	(tag) =	ssettag $0x1  }
0x1: {  	s0 =	rddreg [dreg:$0x0]  }
0x2: {  	s1 =	rddreg [dreg:$0x1]  }
0x3: {  	s2 =	rddreg [dreg:$0x2];
	s9 =	stileid.u32;
	s3 =	simm.s32 $0x0  }
0x4: {  	s4 =	srdreg.scid;
	s23 =	simm.s32 $0x3;
	s28 =	simm.s32 $0x6800  }
0x5: {  	s29 =	simm.s32 $0x1;
	s30 =	simm.s32 $0x2;
	s24 =	smul.u32 $0x500, s9  }
0x6: {  	s31 =	simm.s32 $0x0;
	[smem:$0x7FF] =	sst s3;
	s5 =	smul.u32 $0x280, s9  }
0x7: {  	s11 =	sand.u32 $0x1, s4;
	s4 =	sadd.s32 $0x8800, s0;
	s25 =	smul.u32 $0x50000, s9  }
0x8: {  	_ =	strace $0x80000050;
	s6 =	smul.u32 $0x2800, s11;
	s7 =	ssub.s32 $0x2, s11  }
0x9: {  	s22 =	smul.u32 $0x5000, s11;
	s15 =	sadd.s32 s24, s0;
	s8 =	sshrl.u32 s7, $0x1  }
0xa: {  	s0 =	sadd.s32 $0xA6A00, s0;
	s5 =	sadd.s32 s5, s6;
	s21 =	ssub.s32 s7, s8  }
0xb: {  	s6 =	sshrl.u32 s25, $0x2;
	s1 =	sadd.s32 s1, s22;
	s15 =	sadd.s32 $0x3800, s15  }
0xc: {  	s22 =	simm.s32 $0x2800;
	s25 =	simm.s32 $0x1400;
	s16 =	sshll.u32 s5, $0x4  }
0xd: {  	s6 =	sadd.s32 s6, s2;
	s21 =	smax.u32 s21, $0x1;
	s24 =	sadd.s32 s24, s1  }
0xe: {  	s5 =	sadd.s32 s4, s16;
	s17 =	sadd.s32 $0x800, s16;
	s18 =	sadd.s32 $0x1000, s16  }
0xf: {  	s8 =	sadd.s32 $0x4000, s6;
	s10 =	sadd.s32 $0x8000, s6;
	s19 =	sadd.s32 $0x1800, s16  }
0x10: {  	s20 =	sadd.s32 $0x2000, s16;
	s12 =	sadd.s32 $0xC000, s6;
	s14 =	sadd.s32 $0x10000, s6  }
0x11: {  	s16 =	sadd.s32 s0, s16;
	[dreg:$0x4] =	wrdreg s5;
	s26 =	sadd.s32 s4, s17  }
0x12: {  	s9 =	sadd.s32 s4, s18;
	s11 =	sadd.s32 s4, s19;
	s13 =	sadd.s32 s4, s20  }
0x13: {  	s17 =	sadd.s32 s0, s17;
	s18 =	sadd.s32 s0, s18;
	s19 =	sadd.s32 s0, s19  }
0x14: {  	s20 =	sadd.s32 s0, s20;
	[dreg:$0x5] =	wrdreg s26;
	s26 =	simm.s32 $0x80  }
.LBB2_1:
0x15: {  	s0 =	rddreg [dreg:$0x4]  }
0x16: {  	[tilespmem:s22], [sflag:$0x3] =	stream.linear.gather [hbm4b:s0+s3], $0x4000, $0x38;
	[tilespmem:$0x1E800] =	vst v63  }
0x17: {  	_ =	swait.ge [sflag:s23], $0x4000  }
0x18: {  	[sflag:s23] =	ssyncset.done $0x0  }
0x19: {  	[sflag:s23] =	ssyncadd.s32 $0xFFFFC000  }
0x1a: {  	[spmem:s6] =	stream.linear.scatter [tilespmem:s22], [sflag:$0x3], $0x4000, $0x38;
	[tilespmem:$0x1E800] =	vst v63  }
0x1b: {  	_ =	swait.ge [sflag:s23], $0x4000  }
0x1c: {  	[sflag:s23] =	ssyncset.done $0x0  }
0x1d: {  	s5 =	rddreg [dreg:$0x5];
	[sflag:s23] =	ssyncadd.s32 $0xFFFFC000  }
0x1e: {  	[tilespmem:s22], [sflag:$0x3] =	stream.linear.gather [hbm4b:s5+s3], $0x4000, $0x38;
	[tilespmem:$0x1E800] =	vst v63  }
0x1f: {  	_ =	swait.ge [sflag:s23], $0x4000  }
0x20: {  	[sflag:s23] =	ssyncset.done $0x0  }
0x21: {  	[sflag:s23] =	ssyncadd.s32 $0xFFFFC000  }
0x22: {  	[spmem:s8] =	stream.linear.scatter [tilespmem:s22], [sflag:$0x3], $0x4000, $0x38;
	[tilespmem:$0x1E800] =	vst v63  }
0x23: {  	_ =	swait.ge [sflag:s23], $0x4000  }
0x24: {  	[sflag:s23] =	ssyncset.done $0x0  }
0x25: {  	[sflag:s23] =	ssyncadd.s32 $0xFFFFC000  }
0x26: {  	[tilespmem:s22], [sflag:$0x3] =	stream.linear.gather [hbm4b:s9+s3], $0x4000, $0x38;
	[tilespmem:$0x1E800] =	vst v63  }
0x27: {  	_ =	swait.ge [sflag:s23], $0x4000  }
0x28: {  	[sflag:s23] =	ssyncset.done $0x0  }
0x29: {  	[sflag:s23] =	ssyncadd.s32 $0xFFFFC000  }
0x2a: {  	[spmem:s10] =	stream.linear.scatter [tilespmem:s22], [sflag:$0x3], $0x4000, $0x38;
	[tilespmem:$0x1E800] =	vst v63  }
0x2b: {  	_ =	swait.ge [sflag:s23], $0x4000  }
0x2c: {  	[sflag:s23] =	ssyncset.done $0x0  }
0x2d: {  	[sflag:s23] =	ssyncadd.s32 $0xFFFFC000  }
0x2e: {  	[tilespmem:s22], [sflag:$0x3] =	stream.linear.gather [hbm4b:s11+s3], $0x4000, $0x38;
	[tilespmem:$0x1E800] =	vst v63  }
0x2f: {  	_ =	swait.ge [sflag:s23], $0x4000  }
0x30: {  	[sflag:s23] =	ssyncset.done $0x0  }
0x31: {  	[sflag:s23] =	ssyncadd.s32 $0xFFFFC000  }
0x32: {  	[spmem:s12] =	stream.linear.scatter [tilespmem:s22], [sflag:$0x3], $0x4000, $0x38;
	[tilespmem:$0x1E800] =	vst v63  }
0x33: {  	_ =	swait.ge [sflag:s23], $0x4000  }
0x34: {  	[sflag:s23] =	ssyncset.done $0x0  }
0x35: {  	[sflag:s23] =	ssyncadd.s32 $0xFFFFC000  }
0x36: {  	[tilespmem:s22], [sflag:$0x3] =	stream.linear.gather [hbm4b:s13+s3], $0x4000, $0x38;
	[tilespmem:$0x1E800] =	vst v63  }
0x37: {  	_ =	swait.ge [sflag:s23], $0x4000  }
0x38: {  	[sflag:s23] =	ssyncset.done $0x0  }
0x39: {  	[sflag:s23] =	ssyncadd.s32 $0xFFFFC000  }
0x3a: {  	[spmem:s14] =	stream.linear.scatter [tilespmem:s22], [sflag:$0x3], $0x4000, $0x38;
	[tilespmem:$0x1E800] =	vst v63  }
0x3b: {  	_ =	swait.ge [sflag:s23], $0x4000  }
0x3c: {  	[sflag:s23] =	ssyncset.done $0x0  }
0x3d: {  	[sflag:s23] =	ssyncadd.s32 $0xFFFFC000  }
0x3e: {  	[bflag:$0x0] =	sbarrier.arrive $0xFFFF  }
0x3f: {  	[tilespmem:s3], [sflag:$0x3] =	stream.linear.gather [hbm4b:s24+s3], $0x1400, $0x38;
	[tilespmem:$0x1E800] =	vst v63  }
0x40: {  	_ =	swait.ge [sflag:s23], $0x1400  }
0x41: {  	[sflag:s23] =	ssyncset.done $0x0  }
0x42: {  	[sflag:s23] =	ssyncadd.s32 $0xFFFFEC00  }
0x43: {  	[tilespmem:s25], [sflag:$0x3] =	stream.linear.gather [hbm4b:s15+s3], $0x1400, $0x38;
	[tilespmem:$0x1E800] =	vst v63  }
0x44: {  	_ =	swait.ge [sflag:s23], $0x1400  }
0x45: {  	[sflag:s23] =	ssyncset.done $0x0  }
0x46: {  	s7 =	simm.s32 $0x0;
	[sflag:s23] =	ssyncadd.s32 $0xFFFFEC00  }
0x47: {  	[tilespmem:s22], [sflag:$0x1] =	stream.indirect.gather [hbm4b:s4+s26], $0x80, s7, s26, $0xb8;
	[tilespmem:$0x1E800] =	vst v63  }
0x48: {  	s1 =	simm.s32 $0x80  }
0x49: {  	[tilespmem:s28], [sflag:$0x2] =	stream.indirect.gather [hbm4b:s4+s26], $0x80, s1, s26, $0xb8;
	[tilespmem:$0x1E800] =	vst v63  }
0x4a: {  	_ =	swait.ge [sflag:s29], $0x4000  }
0x4b: {  	[sflag:s29] =	ssyncset.done $0x0  }
0x4c: {  	s5 =	simm.s32 $0x1400;
	[sflag:s29] =	ssyncadd.s32 $0xFFFFC000  }
0x4d: {  	[spmem:s2] =	stream.indirect.scatter.add.f32 [tilespmem:s22], [sflag:$0x3], $0x80, s5, s26, $0xb8;
	[tilespmem:$0x1E800] =	vst v63  }
0x4e: {  	_ =	swait.ge [sflag:s23], $0x4000  }
0x4f: {  	[sflag:s23] =	ssyncset.done $0x0  }
0x50: {  	[sflag:s23] =	ssyncadd.s32 $0xFFFFC000  }
0x51: {  	_ =	swait.ge [sflag:s30], $0x4000  }
0x52: {  	[sflag:s30] =	ssyncset.done $0x0  }
0x53: {  	s7 =	simm.s32 $0x1480;
	[sflag:s30] =	ssyncadd.s32 $0xFFFFC000  }
0x54: {  	[spmem:s2] =	stream.indirect.scatter.add.f32 [tilespmem:s28], [sflag:$0x3], $0x80, s7, s26, $0xb8;
	[tilespmem:$0x1E800] =	vst v63  }
0x55: {  	_ =	swait.ge [sflag:s23], $0x4000  }
0x56: {  	s0 =	simm.s32 $0x400;
	s1 =	simm.s32 $0x800;
	[sflag:s23] =	ssyncset.done $0x0  }
.LBB2_2:
0x57: {  	s5 =	sshra.s32 s0, $0x2  }
0x58: {  	[sflag:s23] =	ssyncadd.s32 $0xFFFFC000;
	s0 =	smov.u32 s1;
	s7 =	sadd.s32 $0x400, s1  }
0x59: {  	[tilespmem:s22], [sflag:$0x1] =	stream.indirect.gather [hbm4b:s4+s26], $0x80, s5, s26, $0xb8;
	[tilespmem:$0x1E800] =	vst v63  }
0x5a: {  	p0 =	sne.s32 s1, $0x4C00;
	s1 =	sadd.s32 $0x80, s5  }
0x5b: {  	[tilespmem:s28], [sflag:$0x2] =	stream.indirect.gather [hbm4b:s4+s26], $0x80, s1, s26, $0xb8;
	[tilespmem:$0x1E800] =	vst v63  }
0x5c: {  	_ =	swait.ge [sflag:s29], $0x4000  }
0x5d: {  	[sflag:s29] =	ssyncset.done $0x0  }
0x5e: {  	s1 =	sadd.s32 $0x1400, s5;
	[sflag:s29] =	ssyncadd.s32 $0xFFFFC000  }
0x5f: {  	[spmem:s2] =	stream.indirect.scatter.add.f32 [tilespmem:s22], [sflag:$0x3], $0x80, s1, s26, $0xb8;
	[tilespmem:$0x1E800] =	vst v63  }
0x60: {  	_ =	swait.ge [sflag:s23], $0x4000  }
0x61: {  	[sflag:s23] =	ssyncset.done $0x0  }
0x62: {  	[sflag:s23] =	ssyncadd.s32 $0xFFFFC000  }
0x63: {  	_ =	swait.ge [sflag:s30], $0x4000  }
.Ltmp0:
0x64: {  	[sflag:s30] =	ssyncset.done $0x0;
	(pc) =	sbr.rel @p0 .LBB2_2-.Ltmp0, $4  }
0x65: {  	s1 =	sadd.s32 $0x1480, s5;
	[sflag:s30] =	ssyncadd.s32 $0xFFFFC000  }
0x66: {  	[spmem:s2] =	stream.indirect.scatter.add.f32 [tilespmem:s28], [sflag:$0x3], $0x80, s1, s26, $0xb8;
	[tilespmem:$0x1E800] =	vst v63  }
0x67: {  	_ =	swait.ge [sflag:s23], $0x4000  }
0x68: {  	s1 =	smov.u32 s7;
	[sflag:s23] =	ssyncset.done $0x0  }
0x69: {  	s0 =	sshra.s32 s0, $0x2;
	[sflag:s23] =	ssyncadd.s32 $0xFFFFC000  }
0x6a: {  	[tilespmem:s22], [sflag:$0x1] =	stream.indirect.gather [hbm4b:s4+s26], $0x80, s0, s26, $0xb8;
	[tilespmem:$0x1E800] =	vst v63  }
0x6b: {  	s1 =	sadd.s32 $0x80, s0  }
0x6c: {  	[tilespmem:s28], [sflag:$0x2] =	stream.indirect.gather [hbm4b:s4+s26], $0x80, s1, s26, $0xb8;
	[tilespmem:$0x1E800] =	vst v63  }
0x6d: {  	_ =	swait.ge [sflag:s29], $0x4000  }
0x6e: {  	[sflag:s29] =	ssyncset.done $0x0  }
0x6f: {  	s7 =	sadd.s32 $0x1400, s0;
	[sflag:s29] =	ssyncadd.s32 $0xFFFFC000  }
0x70: {  	[spmem:s2] =	stream.indirect.scatter.add.f32 [tilespmem:s22], [sflag:$0x3], $0x80, s7, s26, $0xb8;
	[tilespmem:$0x1E800] =	vst v63  }
0x71: {  	_ =	swait.ge [sflag:s23], $0x4000  }
0x72: {  	[sflag:s23] =	ssyncset.done $0x0  }
0x73: {  	[sflag:s23] =	ssyncadd.s32 $0xFFFFC000  }
0x74: {  	_ =	swait.ge [sflag:s30], $0x4000  }
0x75: {  	[sflag:s30] =	ssyncset.done $0x0  }
0x76: {  	s0 =	sadd.s32 $0x1480, s0;
	[sflag:s30] =	ssyncadd.s32 $0xFFFFC000  }
0x77: {  	[spmem:s2] =	stream.indirect.scatter.add.f32 [tilespmem:s28], [sflag:$0x3], $0x80, s0, s26, $0xb8;
	[tilespmem:$0x1E800] =	vst v63  }
0x78: {  	_ =	swait.ge [sflag:s23], $0x4000  }
0x79: {  	[sflag:s23] =	ssyncset.done $0x0  }
0x7a: {  	s5 =	sadd.s32 $0x280, s24;
	s7 =	simm.s32 $0x0;
	[sflag:s23] =	ssyncadd.s32 $0xFFFFC000  }
0x7b: {  	[tilespmem:s7], [sflag:$0x3] =	stream.linear.gather [hbm4b:s5+s7], $0x1400, $0x38;
	[tilespmem:$0x1E800] =	vst v63  }
0x7c: {  	_ =	swait.ge [sflag:s23], $0x1400  }
0x7d: {  	[sflag:s23] =	ssyncset.done $0x0  }
0x7e: {  	s5 =	sadd.s32 $0x280, s15;
	[sflag:s23] =	ssyncadd.s32 $0xFFFFEC00  }
0x7f: {  	[tilespmem:s25], [sflag:$0x3] =	stream.linear.gather [hbm4b:s5+s7], $0x1400, $0x38;
	[tilespmem:$0x1E800] =	vst v63  }
0x80: {  	_ =	swait.ge [sflag:s23], $0x1400  }
0x81: {  	[sflag:s23] =	ssyncset.done $0x0  }
0x82: {  	s7 =	simm.s32 $0x0;
	[sflag:s23] =	ssyncadd.s32 $0xFFFFEC00  }
0x83: {  	[tilespmem:s22], [sflag:$0x1] =	stream.indirect.gather [hbm4b:s4+s26], $0x80, s7, s26, $0xb8;
	[tilespmem:$0x1E800] =	vst v63  }
0x84: {  	s1 =	simm.s32 $0x80  }
0x85: {  	[tilespmem:s28], [sflag:$0x2] =	stream.indirect.gather [hbm4b:s4+s26], $0x80, s1, s26, $0xb8;
	[tilespmem:$0x1E800] =	vst v63  }
0x86: {  	_ =	swait.ge [sflag:s29], $0x4000  }
0x87: {  	[sflag:s29] =	ssyncset.done $0x0  }
0x88: {  	s5 =	simm.s32 $0x1400;
	[sflag:s29] =	ssyncadd.s32 $0xFFFFC000  }
0x89: {  	[spmem:s2] =	stream.indirect.scatter.add.f32 [tilespmem:s22], [sflag:$0x3], $0x80, s5, s26, $0xb8;
	[tilespmem:$0x1E800] =	vst v63  }
0x8a: {  	_ =	swait.ge [sflag:s23], $0x4000  }
0x8b: {  	[sflag:s23] =	ssyncset.done $0x0  }
0x8c: {  	[sflag:s23] =	ssyncadd.s32 $0xFFFFC000  }
0x8d: {  	_ =	swait.ge [sflag:s30], $0x4000  }
0x8e: {  	[sflag:s30] =	ssyncset.done $0x0  }
0x8f: {  	s7 =	simm.s32 $0x1480;
	[sflag:s30] =	ssyncadd.s32 $0xFFFFC000  }
0x90: {  	[spmem:s2] =	stream.indirect.scatter.add.f32 [tilespmem:s28], [sflag:$0x3], $0x80, s7, s26, $0xb8;
	[tilespmem:$0x1E800] =	vst v63  }
0x91: {  	_ =	swait.ge [sflag:s23], $0x4000  }
0x92: {  	s0 =	simm.s32 $0x400;
	s1 =	simm.s32 $0x800;
	[sflag:s23] =	ssyncset.done $0x0  }
.LBB2_4:
0x93: {  	s5 =	sshra.s32 s0, $0x2  }
0x94: {  	[sflag:s23] =	ssyncadd.s32 $0xFFFFC000;
	s0 =	smov.u32 s1;
	s7 =	sadd.s32 $0x400, s1  }
0x95: {  	[tilespmem:s22], [sflag:$0x1] =	stream.indirect.gather [hbm4b:s4+s26], $0x80, s5, s26, $0xb8;
	[tilespmem:$0x1E800] =	vst v63  }
0x96: {  	p0 =	sne.s32 s1, $0x4C00;
	s1 =	sadd.s32 $0x80, s5  }
0x97: {  	[tilespmem:s28], [sflag:$0x2] =	stream.indirect.gather [hbm4b:s4+s26], $0x80, s1, s26, $0xb8;
	[tilespmem:$0x1E800] =	vst v63  }
0x98: {  	_ =	swait.ge [sflag:s29], $0x4000  }
0x99: {  	[sflag:s29] =	ssyncset.done $0x0  }
0x9a: {  	s1 =	sadd.s32 $0x1400, s5;
	[sflag:s29] =	ssyncadd.s32 $0xFFFFC000  }
0x9b: {  	[spmem:s2] =	stream.indirect.scatter.add.f32 [tilespmem:s22], [sflag:$0x3], $0x80, s1, s26, $0xb8;
	[tilespmem:$0x1E800] =	vst v63  }
0x9c: {  	_ =	swait.ge [sflag:s23], $0x4000  }
0x9d: {  	[sflag:s23] =	ssyncset.done $0x0  }
0x9e: {  	[sflag:s23] =	ssyncadd.s32 $0xFFFFC000  }
0x9f: {  	_ =	swait.ge [sflag:s30], $0x4000  }
.Ltmp1:
0xa0: {  	[sflag:s30] =	ssyncset.done $0x0;
	(pc) =	sbr.rel @p0 .LBB2_4-.Ltmp1, $4  }
0xa1: {  	s1 =	sadd.s32 $0x1480, s5;
	[sflag:s30] =	ssyncadd.s32 $0xFFFFC000  }
0xa2: {  	[spmem:s2] =	stream.indirect.scatter.add.f32 [tilespmem:s28], [sflag:$0x3], $0x80, s1, s26, $0xb8;
	[tilespmem:$0x1E800] =	vst v63  }
0xa3: {  	_ =	swait.ge [sflag:s23], $0x4000  }
0xa4: {  	s1 =	smov.u32 s7;
	[sflag:s23] =	ssyncset.done $0x0  }
0xa5: {  	s0 =	sshra.s32 s0, $0x2;
	[sflag:s23] =	ssyncadd.s32 $0xFFFFC000  }
0xa6: {  	[tilespmem:s22], [sflag:$0x1] =	stream.indirect.gather [hbm4b:s4+s26], $0x80, s0, s26, $0xb8;
	[tilespmem:$0x1E800] =	vst v63  }
0xa7: {  	s1 =	sadd.s32 $0x80, s0  }
0xa8: {  	[tilespmem:s28], [sflag:$0x2] =	stream.indirect.gather [hbm4b:s4+s26], $0x80, s1, s26, $0xb8;
	[tilespmem:$0x1E800] =	vst v63  }
0xa9: {  	_ =	swait.ge [sflag:s29], $0x4000  }
0xaa: {  	[sflag:s29] =	ssyncset.done $0x0  }
0xab: {  	s7 =	sadd.s32 $0x1400, s0;
	[sflag:s29] =	ssyncadd.s32 $0xFFFFC000  }
0xac: {  	[spmem:s2] =	stream.indirect.scatter.add.f32 [tilespmem:s22], [sflag:$0x3], $0x80, s7, s26, $0xb8;
	[tilespmem:$0x1E800] =	vst v63  }
0xad: {  	_ =	swait.ge [sflag:s23], $0x4000  }
0xae: {  	[sflag:s23] =	ssyncset.done $0x0  }
0xaf: {  	[sflag:s23] =	ssyncadd.s32 $0xFFFFC000  }
0xb0: {  	_ =	swait.ge [sflag:s30], $0x4000  }
0xb1: {  	[sflag:s30] =	ssyncset.done $0x0  }
0xb2: {  	s0 =	sadd.s32 $0x1480, s0;
	[sflag:s30] =	ssyncadd.s32 $0xFFFFC000  }
0xb3: {  	[spmem:s2] =	stream.indirect.scatter.add.f32 [tilespmem:s28], [sflag:$0x3], $0x80, s0, s26, $0xb8;
	[tilespmem:$0x1E800] =	vst v63  }
0xb4: {  	_ =	swait.ge [sflag:s23], $0x4000  }
0xb5: {  	[sflag:s23] =	ssyncset.done $0x0  }
0xb6: {  	[sflag:s23] =	ssyncadd.s32 $0xFFFFC000  }
0xb7: {  	[bflag:$0x0] =	sbarrier.arrive $0xFFFF  }
0xb8: {  	[tilespmem:s22], [sflag:$0x3] =	stream.linear.gather [spmem:s6], $0x4000, $0x38;
	[tilespmem:$0x1E800] =	vst v63  }
0xb9: {  	_ =	swait.ge [sflag:s23], $0x4000  }
0xba: {  	[sflag:s23] =	ssyncset.done $0x0  }
0xbb: {  	[sflag:s23] =	ssyncadd.s32 $0xFFFFC000  }
0xbc: {  	[hbm4b:s16+s3] =	stream.linear.scatter [tilespmem:s22], [sflag:$0x3], $0x4000, $0x38;
	[tilespmem:$0x1E800] =	vst v63  }
0xbd: {  	_ =	swait.ge [sflag:s23], $0x4000  }
0xbe: {  	[sflag:s23] =	ssyncset.done $0x0  }
0xbf: {  	[sflag:s23] =	ssyncadd.s32 $0xFFFFC000  }
0xc0: {  	[tilespmem:s22], [sflag:$0x3] =	stream.linear.gather [spmem:s8], $0x4000, $0x38;
	[tilespmem:$0x1E800] =	vst v63  }
0xc1: {  	_ =	swait.ge [sflag:s23], $0x4000  }
0xc2: {  	[sflag:s23] =	ssyncset.done $0x0  }
0xc3: {  	[sflag:s23] =	ssyncadd.s32 $0xFFFFC000  }
0xc4: {  	[hbm4b:s17+s3] =	stream.linear.scatter [tilespmem:s22], [sflag:$0x3], $0x4000, $0x38;
	[tilespmem:$0x1E800] =	vst v63  }
0xc5: {  	_ =	swait.ge [sflag:s23], $0x4000  }
0xc6: {  	[sflag:s23] =	ssyncset.done $0x0  }
0xc7: {  	[sflag:s23] =	ssyncadd.s32 $0xFFFFC000  }
0xc8: {  	[tilespmem:s22], [sflag:$0x3] =	stream.linear.gather [spmem:s10], $0x4000, $0x38;
	[tilespmem:$0x1E800] =	vst v63  }
0xc9: {  	_ =	swait.ge [sflag:s23], $0x4000  }
0xca: {  	[sflag:s23] =	ssyncset.done $0x0  }
0xcb: {  	[sflag:s23] =	ssyncadd.s32 $0xFFFFC000  }
0xcc: {  	[hbm4b:s18+s3] =	stream.linear.scatter [tilespmem:s22], [sflag:$0x3], $0x4000, $0x38;
	[tilespmem:$0x1E800] =	vst v63  }
0xcd: {  	_ =	swait.ge [sflag:s23], $0x4000  }
0xce: {  	[sflag:s23] =	ssyncset.done $0x0  }
0xcf: {  	[sflag:s23] =	ssyncadd.s32 $0xFFFFC000  }
0xd0: {  	[tilespmem:s22], [sflag:$0x3] =	stream.linear.gather [spmem:s12], $0x4000, $0x38;
	[tilespmem:$0x1E800] =	vst v63  }
0xd1: {  	_ =	swait.ge [sflag:s23], $0x4000  }
0xd2: {  	[sflag:s23] =	ssyncset.done $0x0  }
0xd3: {  	[sflag:s23] =	ssyncadd.s32 $0xFFFFC000  }
0xd4: {  	[hbm4b:s19+s3] =	stream.linear.scatter [tilespmem:s22], [sflag:$0x3], $0x4000, $0x38;
	[tilespmem:$0x1E800] =	vst v63  }
0xd5: {  	_ =	swait.ge [sflag:s23], $0x4000  }
0xd6: {  	[sflag:s23] =	ssyncset.done $0x0  }
0xd7: {  	[sflag:s23] =	ssyncadd.s32 $0xFFFFC000  }
0xd8: {  	[tilespmem:s22], [sflag:$0x3] =	stream.linear.gather [spmem:s14], $0x4000, $0x38;
	[tilespmem:$0x1E800] =	vst v63  }
0xd9: {  	s31 =	sadd.s32 $0x1, s31;
	_ =	swait.ge [sflag:s23], $0x4000  }
0xda: {  	p0 =	sne.s32 s31, s21;
	[sflag:s23] =	ssyncset.done $0x0  }
.Ltmp2:
0xdb: {  	[sflag:s23] =	ssyncadd.s32 $0xFFFFC000;
	(pc) =	sbr.rel @p0 .LBB2_1-.Ltmp2, $4  }
0xdc: {  	[hbm4b:s20+s3] =	stream.linear.scatter [tilespmem:s22], [sflag:$0x3], $0x4000, $0x38;
	[tilespmem:$0x1E800] =	vst v63  }
0xdd: {  	_ =	swait.ge [sflag:s23], $0x4000  }
0xde: {  	[sflag:s23] =	ssyncset.done $0x0  }
0xdf: {  	[sflag:s23] =	ssyncadd.s32 $0xFFFFC000  }
0xe0: {  	_ =	sfence.sel $0x180000  }
0xe1: {  	[bflag:$0x0] =	sbarrier.arrive $0xFFFF  }
0xe2: {  	_ =	strace $0x90000050  }
0xe3: {  	s0 =	stileid.u32;
	[bflag:$0x2] =	sbarrier.arrive $0xFFFF  }
0xe4: {  	p0 =	sne.s32 s0, $0x0;
	s0 =	rddreg [dreg:$0x3]  }
0xe5: {  	s0 =	sadd.s32 @!p0 $0x100000, s0  }
0xe6: {  	[sflag:s0] =	ssyncadd.tile.s32 @!p0 $0x1;
	_ =	shalt  }
.Lfunc_end2:
_tile_overlayer_lowered:
.L_overlay_start_2:
0xe7: {  	(tag) =	ssettag $0x2  }
0xe8: {  	s0 =	rddreg [dreg:$0x0];
	s2 =	stileid.u32  }
0xe9: {  	s1 =	rddreg [dreg:$0x1];
	p0 =	sne.s32 s2, $0x0  }
0xea: {  	s3 =	rddreg [dreg:$0x2];
	[bflag:$0x3] =	sbarrier.arrive $0xFFFF;
	s2 =	simm.s32 @!p0 $0x1C03  }
0xeb: {  	[timem:s3], [sflag:s2] =	dma.local @!p0 [hbm:s0], s1  }
0xec: {  	s0 =	simm.s32 @!p0 $0x3  }
0xed: {  	_ =	swait.ge @!p0 [sflag:s0], s1  }
0xee: {  	s1 =	ssub.s32 @!p0 $0x0, s1;
	[sflag:s0] =	ssyncset.done @!p0 $0x0  }
0xef: {  	[sflag:s0] =	ssyncadd.s32 @!p0 s1  }
0xf0: {  	[bflag:$0x3] =	sbarrier.arrive $0xFFFF  }
0xf1: {  	_ =	shalt  }

// kernel: kernel.28.cloned.1.call-start
scs
__scs_entry_jumppad:
0x0: {  	(pc) =	sbr.rel $0x88, $3  }
0x1: {  	(tag) =	ssettag $0x0;
	lr =	simm.s32 $0x1  }
0x2: {  	[smem:$0x3F97] =	sst lr;
	_ =	strace $0xD0000000  }
0x3: {  	_ = 	snop  }
0x4: {  	_ = 	snop  }
0x5: {  	_ = 	snop  }
0x6: {  	_ = 	snop  }
0x7: {  	_ = 	snop  }
__scs_overlays_trampoline_lowered:
0x8: {  	[smem:$0x3FA6] =	sst s0  }
0x9: {  	[smem:$0x3FA7] =	sst s1  }
0xa: {  	[smem:$0x3FA8] =	sst s2  }
0xb: {  	[smem:$0x3FA9] =	sst s3  }
0xc: {  	[smem:$0x3FAA] =	sst s4  }
0xd: {  	[smem:$0x3FAB] =	sst s5  }
0xe: {  	[smem:$0x3FAC] =	sst s6  }
0xf: {  	[smem:$0x3FAD] =	sst s7  }
0x10: {  	[smem:$0x3FAE] =	sst s8  }
0x11: {  	[smem:$0x3FAF] =	sst s9;
	s0 =	simm.s32 @!p0 $0x0  }
0x12: {  	s1 =	sld [smem:$0x3F95];
	s0 =	simm.s32 @p0 $0x1  }
0x13: {  	[smem:$0x3FB0] =	sst s0;
	s0 =	simm.s32 @!p1 $0x0  }
0x14: {  	s2 =	sld [smem:$0x3F94];
	s0 =	simm.s32 @p1 $0x1  }
0x15: {  	[smem:$0x3FB1] =	sst s0;
	s0 =	simm.s32 @!p2 $0x0  }
0x16: {  	s3 =	sld [smem:$0x3FDB];
	s0 =	simm.s32 @p2 $0x1  }
0x17: {  	s4 =	simm.s32 $0x1BF5;
	[smem:$0x3FB3] =	sst s0  }
0x18: {  	s0 =	sld [smem:$0x3F96];
	_ =	swait.ge [sflag:s4], $0x0  }
0x19: {  	s7 =	sld [smem:$0x3F97]  }
0x1a: {  	s8 =	sadd.s32 $0xFFFFE003, lr  }
0x1b: {  	s9 =	sadd.s32 $0xFFFFFEF7, lr;
	s5 =	simm.s32 $0xFFFFFFFF;
	p2 =	slt.u32 s8, $0xFFFFF086  }
0x1c: {  	p1 =	slt.u32 s9, $0xF7A;
	s5 =	simm.s32 @!p2 $0x0  }
0x1d: {  	s5 =	simm.s32 @p1 $0x1;
	p0 =	seq.s32 s7, s2  }
0x1e: {  	s7 =	smul.u32 @!p0 $0xF7A, s2;
	p2 =	seq.s32 @!p0 s5, $0x0  }
0x1f: {  	s9 =	smul.u32 $0xF7A, s1;
	s8 =	simm.s32 @!p0 $0x1BF5;
	p2 =	por !p2, p0  }
0x20: {  	[sflag:s8] =	ssyncset.s32 @!p0 $0xFFFFF086;
	s6 =	sadd.s32 @!p0 s3, s7;
	s7 =	simm.s32 @!p0 $0x108  }
0x21: {  	s3 =	sadd.s32 s3, s9;
	s6 =	sadd.s32 @!p0 $0x88, s6;
	s7 =	simm.s32 @p2 $0x1082  }
0x22: {  	[simem:s7], [sflag:s8] =	dma.local @!p0 [hbm:s6], $0xF7A  }
0x23: {  	s9 =	sor.u32 $0xD0000000, s2;
	s6 =	simm.s32 $0x108;
	_ =	swait.ge @!p0 [sflag:s8], $0x0  }
0x24: {  	s3 =	sadd.s32 $0x88, s3;
	s6 =	simm.s32 @!p1 $0x1082;
	[sflag:s4] =	ssyncset.s32 $0xFFFFF086  }
0x25: {  	[simem:s6], [sflag:s4] =	dma.local [hbm:s3], $0xF7A  }
0x26: {  	[smem:$0x3F97] =	sst s1;
	(tag) =	ssettag s2;
	_ =	strace s9  }
0x27: {  	s1 =	sld [smem:$0x3FA7]  }
0x28: {  	s2 =	sld [smem:$0x3FA8]  }
0x29: {  	s4 =	sld [smem:$0x3FAA]  }
0x2a: {  	p0 =	seq.s32 s5, $0x0;
	s5 =	sld [smem:$0x3FAB]  }
0x2b: {  	s6 =	sld [smem:$0x3FAC]  }
0x2c: {  	s7 =	sld [smem:$0x3FAD]  }
0x2d: {  	s3 =	simm.s32 $0x108;
	s8 =	sld [smem:$0x3FAE]  }
0x2e: {  	s3 =	simm.s32 @!p0 $0x1082;
	s9 =	sld [smem:$0x3FAF]  }
0x2f: {  	lr =	sadd.s32 s0, s3;
	s0 =	sld [smem:$0x3FA6]  }
0x30: {  	s3 =	sld [smem:$0x3FA9]  }
0x31: {  	[smem:$0x3FB2] =	sst s10  }
0x32: {  	s10 =	sld [smem:$0x3FB0];
	_ =	sdelay $0x3  }
0x33: {  	p0 =	seq.s32 s10, $0x1;
	s10 =	sld [smem:$0x3FB2];
	_ =	sdelay $0x3  }
0x34: {  	[smem:$0x3FB2] =	sst s10  }
0x35: {  	s10 =	sld [smem:$0x3FB1];
	_ =	sdelay $0x3  }
0x36: {  	p1 =	seq.s32 s10, $0x1;
	s10 =	sld [smem:$0x3FB2];
	_ =	sdelay $0x3  }
0x37: {  	[smem:$0x3FB2] =	sst s10  }
0x38: {  	s10 =	sld [smem:$0x3FB3]  }
0x39: {  	_ = 	snop;
	(pc) =	sbr.ind lr, $3  }
0x3a: {  	_ = 	snop  }
0x3b: {  	_ = 	snop  }
0x3c: {  	p2 =	seq.s32 s10, $0x1;
	s10 =	sld [smem:$0x3FB2]  }
0x3d: {  	_ =	shalt  }
0x3e: {  	_ =	shalt  }
0x3f: {  	_ =	shalt  }
0x40: {  	_ =	shalt  }
0x41: {  	_ =	shalt  }
0x42: {  	_ =	shalt  }
0x43: {  	_ =	shalt  }
0x44: {  	_ =	shalt  }
0x45: {  	_ =	shalt  }
0x46: {  	_ =	shalt  }
0x47: {  	_ =	shalt  }
0x48: {  	_ =	shalt  }
0x49: {  	_ =	shalt  }
0x4a: {  	_ =	shalt  }
0x4b: {  	_ =	shalt  }
0x4c: {  	_ =	shalt  }
0x4d: {  	_ =	shalt  }
0x4e: {  	_ =	shalt  }
0x4f: {  	_ =	shalt  }
0x50: {  	_ =	shalt  }
0x51: {  	_ =	shalt  }
0x52: {  	_ =	shalt  }
0x53: {  	_ =	shalt  }
0x54: {  	_ =	shalt  }
0x55: {  	_ =	shalt  }
0x56: {  	_ =	shalt  }
0x57: {  	_ =	shalt  }
0x58: {  	_ =	shalt  }
0x59: {  	_ =	shalt  }
0x5a: {  	_ =	shalt  }
0x5b: {  	_ =	shalt  }
0x5c: {  	_ =	shalt  }
0x5d: {  	_ =	shalt  }
0x5e: {  	_ =	shalt  }
0x5f: {  	_ =	shalt  }
0x60: {  	_ =	shalt  }
0x61: {  	_ =	shalt  }
0x62: {  	_ =	shalt  }
0x63: {  	_ =	shalt  }
0x64: {  	_ =	shalt  }
0x65: {  	_ =	shalt  }
0x66: {  	_ =	shalt  }
0x67: {  	_ =	shalt  }
0x68: {  	_ =	shalt  }
0x69: {  	_ =	shalt  }
0x6a: {  	_ =	shalt  }
0x6b: {  	_ =	shalt  }
0x6c: {  	_ =	shalt  }
0x6d: {  	_ =	shalt  }
0x6e: {  	_ =	shalt  }
0x6f: {  	_ =	shalt  }
0x70: {  	_ =	shalt  }
0x71: {  	_ =	shalt  }
0x72: {  	_ =	shalt  }
0x73: {  	_ =	shalt  }
0x74: {  	_ =	shalt  }
0x75: {  	_ =	shalt  }
0x76: {  	_ =	shalt  }
0x77: {  	_ =	shalt  }
0x78: {  	_ =	shalt  }
0x79: {  	_ =	shalt  }
0x7a: {  	_ =	shalt  }
0x7b: {  	_ =	shalt  }
0x7c: {  	_ =	shalt  }
0x7d: {  	_ =	shalt  }
0x7e: {  	_ =	shalt  }
0x7f: {  	_ =	shalt  }
0x80: {  	_ =	shalt  }
0x81: {  	_ =	shalt  }
0x82: {  	_ =	shalt  }
0x83: {  	_ =	shalt  }
0x84: {  	_ =	shalt  }
0x85: {  	_ =	shalt  }
0x86: {  	_ =	shalt  }
0x87: {  	_ =	shalt  }
.Lfunc_end0:
.L_simem_size_0:
called_computation.4_lowered:
.L_overlay_start_0:
0x88: {  	s2 =	sld [smem:$0x3FD9]  }
0x89: {  	s3 =	sld [smem:$0x3FFE];
	_ =	sdelay $0x1  }
0x8a: {  	s1 =	srdreg.scid  }
0x8b: {  	s0 =	sand.u32 $0x1, s1  }
0x8c: {  	s17 =	sshll.u32 s0, $0xA;
	s2 =	sadd.s32 s3, s2  }
0x8d: {  	s2 =	sadd.s32 s2, s17  }
0x8e: {  	[smem:$0x3FBE] =	sst s2  }
0x8f: {  	_ = 	snop  }
0x90: {  	s2 =	sld [smem:$0x3FD0];
	(tm) =	ssettm $0x1  }
0x91: {  	s18 =	sld [smem:$0x3FFB];
	_ =	sdelay $0x3  }
0x92: {  	_ =	strace s18  }
0x93: {  	s3 =	sld [smem:$0x3FFC];
	_ =	sdelay $0x3  }
0x94: {  	_ =	strace s3  }
0x95: {  	s3 =	sld [smem:$0x3FFD];
	_ =	sdelay $0x3  }
0x96: {  	_ =	strace s3  }
0x97: {  	_ =	strace $0x8FFFFFFF  }
0x98: {  	s19 =	sld [smem:$0x3FDB];
	_ =	sdelay $0x1  }
0x99: {  	s4 =	simm.s32 $_scs_section_size  }
0x9a: {  	s5 =	simm.s32 $_size__tile_overlayer_lowered;
	s6 =	simm.s32 $_tile_overlayer_lowered  }
0x9b: {  	s22 =	simm.s32 $0x1BFF;
	s21 =	sshll.u32 s6, $0x1;
	s3 =	sadd.s32 s4, s19  }
0x9c: {  	s7 =	simm.s32 $0x0;
	s20 =	sshll.u32 s5, $0x1;
	s5 =	sadd.s32 s21, s3  }
0x9d: {  	[timem:s7], [sflag:s22] =	dma.local [hbm:s5], s20  }
0x9e: {  	_ =	swait.ge [sflag:s22], s20  }
0x9f: {  	s4 =	ssub.s32 $0x0, s20;
	[sflag:s22] =	ssyncset.done $0x0  }
0xa0: {  	[sflag:s22] =	ssyncadd.s32 s4;
	_ =	sdelay $0x1  }
0xa1: {  	s23 =	simm.s32 $0x1B8B  }
0xa2: {  	_ =	swait.ge [sflag:s23], $0x1  }
0xa3: {  	[sflag:s23] =	ssyncset.done $0x0  }
0xa4: {  	s25 =	simm.s32 $0x1B8E;
	s24 =	sld [smem:$0x3FFE];
	[sflag:s23] =	ssyncadd.s32 $0xFFFFFFFF  }
0xa5: {  	s26 =	simm.s32 $execute0_lowered;
	[smem:$0x3FD2] =	sst s25  }
0xa6: {  	s5 =	sshll.u32 s26, $0x1;
	_ =	strace $0x80000052;
	[dreg:$0x1] =	wrdreg $0xFFFFFFFF  }
0xa7: {  	s28 =	simm.s32 $_size_execute0_lowered;
	s3 =	sadd.s32 s3, s5;
	[dreg:$0x0] =	wrdreg $0x0  }
0xa8: {  	s5 =	sshll.u32 s28, $0x1;
	[dreg:$0x2] =	wrdreg s3  }
0xa9: {  	[dreg:$0x3] =	wrdreg s5  }
0xaa: {  	[dreg:$0x4] =	wrdreg $0xC0  }
0xab: {  	_ =	task [dreg:s7], $0x5FFFF  }
0xac: {  	[dreg:$0x1] =	wrdreg $0xFFFFFFFF  }
0xad: {  	[dreg:$0x0] =	wrdreg $0x60  }
0xae: {  	[dreg:$0x2] =	wrdreg s24  }
0xaf: {  	[dreg:$0x3] =	wrdreg s2  }
0xb0: {  	[dreg:$0x4] =	wrdreg $0xA8000  }
0xb1: {  	[dreg:$0x5] =	wrdreg $0x9  }
0xb2: {  	_ =	task.clear_ibuf [dreg:s7], $0x6FFFF;
	_ =	strace $0x90000052  }
0xb3: {  	s29 =	simm.s32 $0x9;
	_ =	strace $0x80000054  }
0xb4: {  	_ =	swait.ge [sflag:s29], $0x1  }
0xb5: {  	[sflag:s29] =	ssyncadd.s32 $0xFFFFFFFF  }
0xb6: {  	_ =	strace $0x90000054  }
0xb7: {  	_ =	sfence  }
0xb8: {  	s30 =	sld [smem:$0x0];
	_ =	sdelay $0x2  }
0xb9: {  	s31 =	sshll.u32 s1, $0xD;
	s1 =	sshrl.u32 s1, $0x2  }
0xba: {  	s3 =	sand.u32 $0x4000, s31;
	s1 =	sadd.s32 s1, s30  }
0xbb: {  	s0 =	sor.u32 s3, s0;
	s1 =	sshll.u32 s1, $0x11  }
0xbc: {  	s0 =	sor.u32 s1, s0  }
0xbd: {  	s0 =	sadd.s32 $0x8F2B, s0  }
0xbe: {  	[sflag:s0] =	ssyncadd.remote.s32 $0x1  }
0xbf: {  	_ =	sfence.sel $0xFFFF  }
0xc0: {  	[dreg:$0x0] =	wrdreg $0xFFFFFFFF;
	(pc) =	sbr.abs _section_cstart, $3  }
0xc1: {  	[dreg:$0x1] =	wrdreg $0xFFFFFFFF  }
0xc2: {  	_ =	task.clear_ibuf [dreg:s7], $0x2FFFF;
	_ =	strace $0x9FFFFFFF  }
0xc3: {  	(tm) =	ssettm $0x7FFFFFFF  }
tec
execute0_lowered:
.L_overlay_start_1:
0x0: {  	(tag) =	ssettag $0x1  }
0x1: {  	s0 =	rddreg [dreg:$0x0]  }
0x2: {  	s1 =	rddreg [dreg:$0x1]  }
0x3: {  	s2 =	rddreg [dreg:$0x2];
	s9 =	stileid.u32;
	s3 =	simm.s32 $0x0  }
0x4: {  	s4 =	srdreg.scid;
	s23 =	simm.s32 $0x3;
	s28 =	simm.s32 $0x6800  }
0x5: {  	s29 =	simm.s32 $0x1;
	s30 =	simm.s32 $0x2;
	s24 =	smul.u32 $0x500, s9  }
0x6: {  	s31 =	simm.s32 $0x0;
	[smem:$0x7FF] =	sst s3;
	s5 =	smul.u32 $0x280, s9  }
0x7: {  	s11 =	sand.u32 $0x1, s4;
	s4 =	sadd.s32 $0x8800, s0;
	s25 =	smul.u32 $0x50000, s9  }
0x8: {  	_ =	strace $0x80000053;
	s6 =	smul.u32 $0x2800, s11;
	s7 =	ssub.s32 $0x2, s11  }
0x9: {  	s22 =	smul.u32 $0x5000, s11;
	s15 =	sadd.s32 s24, s0;
	s8 =	sshrl.u32 s7, $0x1  }
0xa: {  	s0 =	sadd.s32 $0x58800, s0;
	s5 =	sadd.s32 s5, s6;
	s21 =	ssub.s32 s7, s8  }
0xb: {  	s6 =	sshrl.u32 s25, $0x2;
	s1 =	sadd.s32 s1, s22;
	s15 =	sadd.s32 $0x3800, s15  }
0xc: {  	s22 =	simm.s32 $0x2800;
	s25 =	simm.s32 $0x1400;
	s16 =	sshll.u32 s5, $0x4  }
0xd: {  	s6 =	sadd.s32 s6, s2;
	s21 =	smax.u32 s21, $0x1;
	s24 =	sadd.s32 s24, s1  }
0xe: {  	s5 =	sadd.s32 s4, s16;
	s17 =	sadd.s32 $0x800, s16;
	s18 =	sadd.s32 $0x1000, s16  }
0xf: {  	s8 =	sadd.s32 $0x4000, s6;
	s10 =	sadd.s32 $0x8000, s6;
	s19 =	sadd.s32 $0x1800, s16  }
0x10: {  	s20 =	sadd.s32 $0x2000, s16;
	s12 =	sadd.s32 $0xC000, s6;
	s14 =	sadd.s32 $0x10000, s6  }
0x11: {  	s16 =	sadd.s32 s0, s16;
	[dreg:$0x4] =	wrdreg s5;
	s26 =	sadd.s32 s4, s17  }
0x12: {  	s9 =	sadd.s32 s4, s18;
	s11 =	sadd.s32 s4, s19;
	s13 =	sadd.s32 s4, s20  }
0x13: {  	s17 =	sadd.s32 s0, s17;
	s18 =	sadd.s32 s0, s18;
	s19 =	sadd.s32 s0, s19  }
0x14: {  	s20 =	sadd.s32 s0, s20;
	[dreg:$0x5] =	wrdreg s26;
	s26 =	simm.s32 $0x80  }
.LBB2_1:
0x15: {  	s0 =	rddreg [dreg:$0x4]  }
0x16: {  	[tilespmem:s22], [sflag:$0x3] =	stream.linear.gather [hbm4b:s0+s3], $0x4000, $0x38;
	[tilespmem:$0x1E800] =	vst v63  }
0x17: {  	_ =	swait.ge [sflag:s23], $0x4000  }
0x18: {  	[sflag:s23] =	ssyncset.done $0x0  }
0x19: {  	[sflag:s23] =	ssyncadd.s32 $0xFFFFC000  }
0x1a: {  	[spmem:s6] =	stream.linear.scatter [tilespmem:s22], [sflag:$0x3], $0x4000, $0x38;
	[tilespmem:$0x1E800] =	vst v63  }
0x1b: {  	_ =	swait.ge [sflag:s23], $0x4000  }
0x1c: {  	[sflag:s23] =	ssyncset.done $0x0  }
0x1d: {  	s5 =	rddreg [dreg:$0x5];
	[sflag:s23] =	ssyncadd.s32 $0xFFFFC000  }
0x1e: {  	[tilespmem:s22], [sflag:$0x3] =	stream.linear.gather [hbm4b:s5+s3], $0x4000, $0x38;
	[tilespmem:$0x1E800] =	vst v63  }
0x1f: {  	_ =	swait.ge [sflag:s23], $0x4000  }
0x20: {  	[sflag:s23] =	ssyncset.done $0x0  }
0x21: {  	[sflag:s23] =	ssyncadd.s32 $0xFFFFC000  }
0x22: {  	[spmem:s8] =	stream.linear.scatter [tilespmem:s22], [sflag:$0x3], $0x4000, $0x38;
	[tilespmem:$0x1E800] =	vst v63  }
0x23: {  	_ =	swait.ge [sflag:s23], $0x4000  }
0x24: {  	[sflag:s23] =	ssyncset.done $0x0  }
0x25: {  	[sflag:s23] =	ssyncadd.s32 $0xFFFFC000  }
0x26: {  	[tilespmem:s22], [sflag:$0x3] =	stream.linear.gather [hbm4b:s9+s3], $0x4000, $0x38;
	[tilespmem:$0x1E800] =	vst v63  }
0x27: {  	_ =	swait.ge [sflag:s23], $0x4000  }
0x28: {  	[sflag:s23] =	ssyncset.done $0x0  }
0x29: {  	[sflag:s23] =	ssyncadd.s32 $0xFFFFC000  }
0x2a: {  	[spmem:s10] =	stream.linear.scatter [tilespmem:s22], [sflag:$0x3], $0x4000, $0x38;
	[tilespmem:$0x1E800] =	vst v63  }
0x2b: {  	_ =	swait.ge [sflag:s23], $0x4000  }
0x2c: {  	[sflag:s23] =	ssyncset.done $0x0  }
0x2d: {  	[sflag:s23] =	ssyncadd.s32 $0xFFFFC000  }
0x2e: {  	[tilespmem:s22], [sflag:$0x3] =	stream.linear.gather [hbm4b:s11+s3], $0x4000, $0x38;
	[tilespmem:$0x1E800] =	vst v63  }
0x2f: {  	_ =	swait.ge [sflag:s23], $0x4000  }
0x30: {  	[sflag:s23] =	ssyncset.done $0x0  }
0x31: {  	[sflag:s23] =	ssyncadd.s32 $0xFFFFC000  }
0x32: {  	[spmem:s12] =	stream.linear.scatter [tilespmem:s22], [sflag:$0x3], $0x4000, $0x38;
	[tilespmem:$0x1E800] =	vst v63  }
0x33: {  	_ =	swait.ge [sflag:s23], $0x4000  }
0x34: {  	[sflag:s23] =	ssyncset.done $0x0  }
0x35: {  	[sflag:s23] =	ssyncadd.s32 $0xFFFFC000  }
0x36: {  	[tilespmem:s22], [sflag:$0x3] =	stream.linear.gather [hbm4b:s13+s3], $0x4000, $0x38;
	[tilespmem:$0x1E800] =	vst v63  }
0x37: {  	_ =	swait.ge [sflag:s23], $0x4000  }
0x38: {  	[sflag:s23] =	ssyncset.done $0x0  }
0x39: {  	[sflag:s23] =	ssyncadd.s32 $0xFFFFC000  }
0x3a: {  	[spmem:s14] =	stream.linear.scatter [tilespmem:s22], [sflag:$0x3], $0x4000, $0x38;
	[tilespmem:$0x1E800] =	vst v63  }
0x3b: {  	_ =	swait.ge [sflag:s23], $0x4000  }
0x3c: {  	[sflag:s23] =	ssyncset.done $0x0  }
0x3d: {  	[sflag:s23] =	ssyncadd.s32 $0xFFFFC000  }
0x3e: {  	[bflag:$0x0] =	sbarrier.arrive $0xFFFF  }
0x3f: {  	[tilespmem:s3], [sflag:$0x3] =	stream.linear.gather [hbm4b:s24+s3], $0x1400, $0x38;
	[tilespmem:$0x1E800] =	vst v63  }
0x40: {  	_ =	swait.ge [sflag:s23], $0x1400  }
0x41: {  	[sflag:s23] =	ssyncset.done $0x0  }
0x42: {  	[sflag:s23] =	ssyncadd.s32 $0xFFFFEC00  }
0x43: {  	[tilespmem:s25], [sflag:$0x3] =	stream.linear.gather [hbm4b:s15+s3], $0x1400, $0x38;
	[tilespmem:$0x1E800] =	vst v63  }
0x44: {  	_ =	swait.ge [sflag:s23], $0x1400  }
0x45: {  	[sflag:s23] =	ssyncset.done $0x0  }
0x46: {  	s7 =	simm.s32 $0x0;
	[sflag:s23] =	ssyncadd.s32 $0xFFFFEC00  }
0x47: {  	[tilespmem:s22], [sflag:$0x1] =	stream.indirect.gather [hbm4b:s4+s26], $0x80, s7, s26, $0xb8;
	[tilespmem:$0x1E800] =	vst v63  }
0x48: {  	s1 =	simm.s32 $0x80  }
0x49: {  	[tilespmem:s28], [sflag:$0x2] =	stream.indirect.gather [hbm4b:s4+s26], $0x80, s1, s26, $0xb8;
	[tilespmem:$0x1E800] =	vst v63  }
0x4a: {  	_ =	swait.ge [sflag:s29], $0x4000  }
0x4b: {  	[sflag:s29] =	ssyncset.done $0x0  }
0x4c: {  	s5 =	simm.s32 $0x1400;
	[sflag:s29] =	ssyncadd.s32 $0xFFFFC000  }
0x4d: {  	[spmem:s2] =	stream.indirect.scatter.add.f32 [tilespmem:s22], [sflag:$0x3], $0x80, s5, s26, $0xb8;
	[tilespmem:$0x1E800] =	vst v63  }
0x4e: {  	_ =	swait.ge [sflag:s23], $0x4000  }
0x4f: {  	[sflag:s23] =	ssyncset.done $0x0  }
0x50: {  	[sflag:s23] =	ssyncadd.s32 $0xFFFFC000  }
0x51: {  	_ =	swait.ge [sflag:s30], $0x4000  }
0x52: {  	[sflag:s30] =	ssyncset.done $0x0  }
0x53: {  	s7 =	simm.s32 $0x1480;
	[sflag:s30] =	ssyncadd.s32 $0xFFFFC000  }
0x54: {  	[spmem:s2] =	stream.indirect.scatter.add.f32 [tilespmem:s28], [sflag:$0x3], $0x80, s7, s26, $0xb8;
	[tilespmem:$0x1E800] =	vst v63  }
0x55: {  	_ =	swait.ge [sflag:s23], $0x4000  }
0x56: {  	s0 =	simm.s32 $0x400;
	s1 =	simm.s32 $0x800;
	[sflag:s23] =	ssyncset.done $0x0  }
.LBB2_2:
0x57: {  	s5 =	sshra.s32 s0, $0x2  }
0x58: {  	[sflag:s23] =	ssyncadd.s32 $0xFFFFC000;
	s0 =	smov.u32 s1;
	s7 =	sadd.s32 $0x400, s1  }
0x59: {  	[tilespmem:s22], [sflag:$0x1] =	stream.indirect.gather [hbm4b:s4+s26], $0x80, s5, s26, $0xb8;
	[tilespmem:$0x1E800] =	vst v63  }
0x5a: {  	p0 =	sne.s32 s1, $0x4C00;
	s1 =	sadd.s32 $0x80, s5  }
0x5b: {  	[tilespmem:s28], [sflag:$0x2] =	stream.indirect.gather [hbm4b:s4+s26], $0x80, s1, s26, $0xb8;
	[tilespmem:$0x1E800] =	vst v63  }
0x5c: {  	_ =	swait.ge [sflag:s29], $0x4000  }
0x5d: {  	[sflag:s29] =	ssyncset.done $0x0  }
0x5e: {  	s1 =	sadd.s32 $0x1400, s5;
	[sflag:s29] =	ssyncadd.s32 $0xFFFFC000  }
0x5f: {  	[spmem:s2] =	stream.indirect.scatter.add.f32 [tilespmem:s22], [sflag:$0x3], $0x80, s1, s26, $0xb8;
	[tilespmem:$0x1E800] =	vst v63  }
0x60: {  	_ =	swait.ge [sflag:s23], $0x4000  }
0x61: {  	[sflag:s23] =	ssyncset.done $0x0  }
0x62: {  	[sflag:s23] =	ssyncadd.s32 $0xFFFFC000  }
0x63: {  	_ =	swait.ge [sflag:s30], $0x4000  }
.Ltmp0:
0x64: {  	[sflag:s30] =	ssyncset.done $0x0;
	(pc) =	sbr.rel @p0 .LBB2_2-.Ltmp0, $4  }
0x65: {  	s1 =	sadd.s32 $0x1480, s5;
	[sflag:s30] =	ssyncadd.s32 $0xFFFFC000  }
0x66: {  	[spmem:s2] =	stream.indirect.scatter.add.f32 [tilespmem:s28], [sflag:$0x3], $0x80, s1, s26, $0xb8;
	[tilespmem:$0x1E800] =	vst v63  }
0x67: {  	_ =	swait.ge [sflag:s23], $0x4000  }
0x68: {  	s1 =	smov.u32 s7;
	[sflag:s23] =	ssyncset.done $0x0  }
0x69: {  	s0 =	sshra.s32 s0, $0x2;
	[sflag:s23] =	ssyncadd.s32 $0xFFFFC000  }
0x6a: {  	[tilespmem:s22], [sflag:$0x1] =	stream.indirect.gather [hbm4b:s4+s26], $0x80, s0, s26, $0xb8;
	[tilespmem:$0x1E800] =	vst v63  }
0x6b: {  	s1 =	sadd.s32 $0x80, s0  }
0x6c: {  	[tilespmem:s28], [sflag:$0x2] =	stream.indirect.gather [hbm4b:s4+s26], $0x80, s1, s26, $0xb8;
	[tilespmem:$0x1E800] =	vst v63  }
0x6d: {  	_ =	swait.ge [sflag:s29], $0x4000  }
0x6e: {  	[sflag:s29] =	ssyncset.done $0x0  }
0x6f: {  	s7 =	sadd.s32 $0x1400, s0;
	[sflag:s29] =	ssyncadd.s32 $0xFFFFC000  }
0x70: {  	[spmem:s2] =	stream.indirect.scatter.add.f32 [tilespmem:s22], [sflag:$0x3], $0x80, s7, s26, $0xb8;
	[tilespmem:$0x1E800] =	vst v63  }
0x71: {  	_ =	swait.ge [sflag:s23], $0x4000  }
0x72: {  	[sflag:s23] =	ssyncset.done $0x0  }
0x73: {  	[sflag:s23] =	ssyncadd.s32 $0xFFFFC000  }
0x74: {  	_ =	swait.ge [sflag:s30], $0x4000  }
0x75: {  	[sflag:s30] =	ssyncset.done $0x0  }
0x76: {  	s0 =	sadd.s32 $0x1480, s0;
	[sflag:s30] =	ssyncadd.s32 $0xFFFFC000  }
0x77: {  	[spmem:s2] =	stream.indirect.scatter.add.f32 [tilespmem:s28], [sflag:$0x3], $0x80, s0, s26, $0xb8;
	[tilespmem:$0x1E800] =	vst v63  }
0x78: {  	_ =	swait.ge [sflag:s23], $0x4000  }
0x79: {  	[sflag:s23] =	ssyncset.done $0x0  }
0x7a: {  	s5 =	sadd.s32 $0x280, s24;
	s7 =	simm.s32 $0x0;
	[sflag:s23] =	ssyncadd.s32 $0xFFFFC000  }
0x7b: {  	[tilespmem:s7], [sflag:$0x3] =	stream.linear.gather [hbm4b:s5+s7], $0x1400, $0x38;
	[tilespmem:$0x1E800] =	vst v63  }
0x7c: {  	_ =	swait.ge [sflag:s23], $0x1400  }
0x7d: {  	[sflag:s23] =	ssyncset.done $0x0  }
0x7e: {  	s5 =	sadd.s32 $0x280, s15;
	[sflag:s23] =	ssyncadd.s32 $0xFFFFEC00  }
0x7f: {  	[tilespmem:s25], [sflag:$0x3] =	stream.linear.gather [hbm4b:s5+s7], $0x1400, $0x38;
	[tilespmem:$0x1E800] =	vst v63  }
0x80: {  	_ =	swait.ge [sflag:s23], $0x1400  }
0x81: {  	[sflag:s23] =	ssyncset.done $0x0  }
0x82: {  	s7 =	simm.s32 $0x0;
	[sflag:s23] =	ssyncadd.s32 $0xFFFFEC00  }
0x83: {  	[tilespmem:s22], [sflag:$0x1] =	stream.indirect.gather [hbm4b:s4+s26], $0x80, s7, s26, $0xb8;
	[tilespmem:$0x1E800] =	vst v63  }
0x84: {  	s1 =	simm.s32 $0x80  }
0x85: {  	[tilespmem:s28], [sflag:$0x2] =	stream.indirect.gather [hbm4b:s4+s26], $0x80, s1, s26, $0xb8;
	[tilespmem:$0x1E800] =	vst v63  }
0x86: {  	_ =	swait.ge [sflag:s29], $0x4000  }
0x87: {  	[sflag:s29] =	ssyncset.done $0x0  }
0x88: {  	s5 =	simm.s32 $0x1400;
	[sflag:s29] =	ssyncadd.s32 $0xFFFFC000  }
0x89: {  	[spmem:s2] =	stream.indirect.scatter.add.f32 [tilespmem:s22], [sflag:$0x3], $0x80, s5, s26, $0xb8;
	[tilespmem:$0x1E800] =	vst v63  }
0x8a: {  	_ =	swait.ge [sflag:s23], $0x4000  }
0x8b: {  	[sflag:s23] =	ssyncset.done $0x0  }
0x8c: {  	[sflag:s23] =	ssyncadd.s32 $0xFFFFC000  }
0x8d: {  	_ =	swait.ge [sflag:s30], $0x4000  }
0x8e: {  	[sflag:s30] =	ssyncset.done $0x0  }
0x8f: {  	s7 =	simm.s32 $0x1480;
	[sflag:s30] =	ssyncadd.s32 $0xFFFFC000  }
0x90: {  	[spmem:s2] =	stream.indirect.scatter.add.f32 [tilespmem:s28], [sflag:$0x3], $0x80, s7, s26, $0xb8;
	[tilespmem:$0x1E800] =	vst v63  }
0x91: {  	_ =	swait.ge [sflag:s23], $0x4000  }
0x92: {  	s0 =	simm.s32 $0x400;
	s1 =	simm.s32 $0x800;
	[sflag:s23] =	ssyncset.done $0x0  }
.LBB2_4:
0x93: {  	s5 =	sshra.s32 s0, $0x2  }
0x94: {  	[sflag:s23] =	ssyncadd.s32 $0xFFFFC000;
	s0 =	smov.u32 s1;
	s7 =	sadd.s32 $0x400, s1  }
0x95: {  	[tilespmem:s22], [sflag:$0x1] =	stream.indirect.gather [hbm4b:s4+s26], $0x80, s5, s26, $0xb8;
	[tilespmem:$0x1E800] =	vst v63  }
0x96: {  	p0 =	sne.s32 s1, $0x4C00;
	s1 =	sadd.s32 $0x80, s5  }
0x97: {  	[tilespmem:s28], [sflag:$0x2] =	stream.indirect.gather [hbm4b:s4+s26], $0x80, s1, s26, $0xb8;
	[tilespmem:$0x1E800] =	vst v63  }
0x98: {  	_ =	swait.ge [sflag:s29], $0x4000  }
0x99: {  	[sflag:s29] =	ssyncset.done $0x0  }
0x9a: {  	s1 =	sadd.s32 $0x1400, s5;
	[sflag:s29] =	ssyncadd.s32 $0xFFFFC000  }
0x9b: {  	[spmem:s2] =	stream.indirect.scatter.add.f32 [tilespmem:s22], [sflag:$0x3], $0x80, s1, s26, $0xb8;
	[tilespmem:$0x1E800] =	vst v63  }
0x9c: {  	_ =	swait.ge [sflag:s23], $0x4000  }
0x9d: {  	[sflag:s23] =	ssyncset.done $0x0  }
0x9e: {  	[sflag:s23] =	ssyncadd.s32 $0xFFFFC000  }
0x9f: {  	_ =	swait.ge [sflag:s30], $0x4000  }
.Ltmp1:
0xa0: {  	[sflag:s30] =	ssyncset.done $0x0;
	(pc) =	sbr.rel @p0 .LBB2_4-.Ltmp1, $4  }
0xa1: {  	s1 =	sadd.s32 $0x1480, s5;
	[sflag:s30] =	ssyncadd.s32 $0xFFFFC000  }
0xa2: {  	[spmem:s2] =	stream.indirect.scatter.add.f32 [tilespmem:s28], [sflag:$0x3], $0x80, s1, s26, $0xb8;
	[tilespmem:$0x1E800] =	vst v63  }
0xa3: {  	_ =	swait.ge [sflag:s23], $0x4000  }
0xa4: {  	s1 =	smov.u32 s7;
	[sflag:s23] =	ssyncset.done $0x0  }
0xa5: {  	s0 =	sshra.s32 s0, $0x2;
	[sflag:s23] =	ssyncadd.s32 $0xFFFFC000  }
0xa6: {  	[tilespmem:s22], [sflag:$0x1] =	stream.indirect.gather [hbm4b:s4+s26], $0x80, s0, s26, $0xb8;
	[tilespmem:$0x1E800] =	vst v63  }
0xa7: {  	s1 =	sadd.s32 $0x80, s0  }
0xa8: {  	[tilespmem:s28], [sflag:$0x2] =	stream.indirect.gather [hbm4b:s4+s26], $0x80, s1, s26, $0xb8;
	[tilespmem:$0x1E800] =	vst v63  }
0xa9: {  	_ =	swait.ge [sflag:s29], $0x4000  }
0xaa: {  	[sflag:s29] =	ssyncset.done $0x0  }
0xab: {  	s7 =	sadd.s32 $0x1400, s0;
	[sflag:s29] =	ssyncadd.s32 $0xFFFFC000  }
0xac: {  	[spmem:s2] =	stream.indirect.scatter.add.f32 [tilespmem:s22], [sflag:$0x3], $0x80, s7, s26, $0xb8;
	[tilespmem:$0x1E800] =	vst v63  }
0xad: {  	_ =	swait.ge [sflag:s23], $0x4000  }
0xae: {  	[sflag:s23] =	ssyncset.done $0x0  }
0xaf: {  	[sflag:s23] =	ssyncadd.s32 $0xFFFFC000  }
0xb0: {  	_ =	swait.ge [sflag:s30], $0x4000  }
0xb1: {  	[sflag:s30] =	ssyncset.done $0x0  }
0xb2: {  	s0 =	sadd.s32 $0x1480, s0;
	[sflag:s30] =	ssyncadd.s32 $0xFFFFC000  }
0xb3: {  	[spmem:s2] =	stream.indirect.scatter.add.f32 [tilespmem:s28], [sflag:$0x3], $0x80, s0, s26, $0xb8;
	[tilespmem:$0x1E800] =	vst v63  }
0xb4: {  	_ =	swait.ge [sflag:s23], $0x4000  }
0xb5: {  	[sflag:s23] =	ssyncset.done $0x0  }
0xb6: {  	[sflag:s23] =	ssyncadd.s32 $0xFFFFC000  }
0xb7: {  	[bflag:$0x0] =	sbarrier.arrive $0xFFFF  }
0xb8: {  	[tilespmem:s22], [sflag:$0x3] =	stream.linear.gather [spmem:s6], $0x4000, $0x38;
	[tilespmem:$0x1E800] =	vst v63  }
0xb9: {  	_ =	swait.ge [sflag:s23], $0x4000  }
0xba: {  	[sflag:s23] =	ssyncset.done $0x0  }
0xbb: {  	[sflag:s23] =	ssyncadd.s32 $0xFFFFC000  }
0xbc: {  	[hbm4b:s16+s3] =	stream.linear.scatter [tilespmem:s22], [sflag:$0x3], $0x4000, $0x38;
	[tilespmem:$0x1E800] =	vst v63  }
0xbd: {  	_ =	swait.ge [sflag:s23], $0x4000  }
0xbe: {  	[sflag:s23] =	ssyncset.done $0x0  }
0xbf: {  	[sflag:s23] =	ssyncadd.s32 $0xFFFFC000  }
0xc0: {  	[tilespmem:s22], [sflag:$0x3] =	stream.linear.gather [spmem:s8], $0x4000, $0x38;
	[tilespmem:$0x1E800] =	vst v63  }
0xc1: {  	_ =	swait.ge [sflag:s23], $0x4000  }
0xc2: {  	[sflag:s23] =	ssyncset.done $0x0  }
0xc3: {  	[sflag:s23] =	ssyncadd.s32 $0xFFFFC000  }
0xc4: {  	[hbm4b:s17+s3] =	stream.linear.scatter [tilespmem:s22], [sflag:$0x3], $0x4000, $0x38;
	[tilespmem:$0x1E800] =	vst v63  }
0xc5: {  	_ =	swait.ge [sflag:s23], $0x4000  }
0xc6: {  	[sflag:s23] =	ssyncset.done $0x0  }
0xc7: {  	[sflag:s23] =	ssyncadd.s32 $0xFFFFC000  }
0xc8: {  	[tilespmem:s22], [sflag:$0x3] =	stream.linear.gather [spmem:s10], $0x4000, $0x38;
	[tilespmem:$0x1E800] =	vst v63  }
0xc9: {  	_ =	swait.ge [sflag:s23], $0x4000  }
0xca: {  	[sflag:s23] =	ssyncset.done $0x0  }
0xcb: {  	[sflag:s23] =	ssyncadd.s32 $0xFFFFC000  }
0xcc: {  	[hbm4b:s18+s3] =	stream.linear.scatter [tilespmem:s22], [sflag:$0x3], $0x4000, $0x38;
	[tilespmem:$0x1E800] =	vst v63  }
0xcd: {  	_ =	swait.ge [sflag:s23], $0x4000  }
0xce: {  	[sflag:s23] =	ssyncset.done $0x0  }
0xcf: {  	[sflag:s23] =	ssyncadd.s32 $0xFFFFC000  }
0xd0: {  	[tilespmem:s22], [sflag:$0x3] =	stream.linear.gather [spmem:s12], $0x4000, $0x38;
	[tilespmem:$0x1E800] =	vst v63  }
0xd1: {  	_ =	swait.ge [sflag:s23], $0x4000  }
0xd2: {  	[sflag:s23] =	ssyncset.done $0x0  }
0xd3: {  	[sflag:s23] =	ssyncadd.s32 $0xFFFFC000  }
0xd4: {  	[hbm4b:s19+s3] =	stream.linear.scatter [tilespmem:s22], [sflag:$0x3], $0x4000, $0x38;
	[tilespmem:$0x1E800] =	vst v63  }
0xd5: {  	_ =	swait.ge [sflag:s23], $0x4000  }
0xd6: {  	[sflag:s23] =	ssyncset.done $0x0  }
0xd7: {  	[sflag:s23] =	ssyncadd.s32 $0xFFFFC000  }
0xd8: {  	[tilespmem:s22], [sflag:$0x3] =	stream.linear.gather [spmem:s14], $0x4000, $0x38;
	[tilespmem:$0x1E800] =	vst v63  }
0xd9: {  	s31 =	sadd.s32 $0x1, s31;
	_ =	swait.ge [sflag:s23], $0x4000  }
0xda: {  	p0 =	sne.s32 s31, s21;
	[sflag:s23] =	ssyncset.done $0x0  }
.Ltmp2:
0xdb: {  	[sflag:s23] =	ssyncadd.s32 $0xFFFFC000;
	(pc) =	sbr.rel @p0 .LBB2_1-.Ltmp2, $4  }
0xdc: {  	[hbm4b:s20+s3] =	stream.linear.scatter [tilespmem:s22], [sflag:$0x3], $0x4000, $0x38;
	[tilespmem:$0x1E800] =	vst v63  }
0xdd: {  	_ =	swait.ge [sflag:s23], $0x4000  }
0xde: {  	[sflag:s23] =	ssyncset.done $0x0  }
0xdf: {  	[sflag:s23] =	ssyncadd.s32 $0xFFFFC000  }
0xe0: {  	_ =	sfence.sel $0x180000  }
0xe1: {  	[bflag:$0x0] =	sbarrier.arrive $0xFFFF  }
0xe2: {  	_ =	strace $0x90000053  }
0xe3: {  	s0 =	stileid.u32;
	[bflag:$0x2] =	sbarrier.arrive $0xFFFF  }
0xe4: {  	p0 =	sne.s32 s0, $0x0;
	s0 =	rddreg [dreg:$0x3]  }
0xe5: {  	s0 =	sadd.s32 @!p0 $0x100000, s0  }
0xe6: {  	[sflag:s0] =	ssyncadd.tile.s32 @!p0 $0x1;
	_ =	shalt  }
.Lfunc_end2:
_tile_overlayer_lowered:
.L_overlay_start_2:
0xe7: {  	(tag) =	ssettag $0x2  }
0xe8: {  	s0 =	rddreg [dreg:$0x0];
	s2 =	stileid.u32  }
0xe9: {  	s1 =	rddreg [dreg:$0x1];
	p0 =	sne.s32 s2, $0x0  }
0xea: {  	s3 =	rddreg [dreg:$0x2];
	[bflag:$0x3] =	sbarrier.arrive $0xFFFF;
	s2 =	simm.s32 @!p0 $0x1C03  }
0xeb: {  	[timem:s3], [sflag:s2] =	dma.local @!p0 [hbm:s0], s1  }
0xec: {  	s0 =	simm.s32 @!p0 $0x3  }
0xed: {  	_ =	swait.ge @!p0 [sflag:s0], s1  }
0xee: {  	s1 =	ssub.s32 @!p0 $0x0, s1;
	[sflag:s0] =	ssyncset.done @!p0 $0x0  }
0xef: {  	[sflag:s0] =	ssyncadd.s32 @!p0 s1  }
0xf0: {  	[bflag:$0x3] =	sbarrier.arrive $0xFFFF  }
0xf1: {  	_ =	shalt  }

</sc_bundles>
